<compile_context>
chip_gen: v7x
topology: tpu7x:2x2x1
jax: 0.10.2.dev20260603
libtpu: 0.0.44.dev20260713+nightly
codegen_flags: <defaults>
</compile_context>

<pallas_src>
import functools

import jax
import jax.numpy as jnp
from jax import lax
from jax.experimental import pallas as pl
from jax.experimental.pallas import tpu as pltpu
from jax.experimental.pallas import tpu_sc as plsc

N = 10000
E = 320000
D = 128
EPS = 1e-5

NC = 2
NS = 16
NW = NC * NS
SUB = 128
EPW_SUB = 79
HALF0 = 40
HALF1 = EPW_SUB - HALF0
E_PAD = NW * SUB * EPW_SUB
PAD_W = EPW_SUB * SUB - E // NW
ZROWS = 640
N_ACC = ZROWS * NS

_mesh = plsc.VectorSubcoreMesh(core_axis_name="c", subcore_axis_name="s")




def _deg_body(dstm, out, dstv, ones_v, zero_v, acc):
    c = lax.axis_index("c")
    s = lax.axis_index("s")
    wid = s * NC + c

    for k in range(SUB // 16):
        ones_v[pl.ds(16 * k, 16)] = jnp.full((16,), 1.0, jnp.float32)
        zero_v[pl.ds(16 * k, 16)] = jnp.zeros((16,), jnp.float32)

    for t in range(ZROWS // SUB):
        pltpu.sync_copy(zero_v, acc.at[pl.ds(s * ZROWS + t * SUB, SUB)])

    pltpu.sync_copy(dstm.at[wid], dstv)
    plsc.subcore_barrier()

    def step(i, carry):
        pltpu.sync_copy(ones_v, acc.at[dstv.at[i]], add=True)
        return carry

    lax.fori_loop(0, EPW_SUB, step, 0)
    plsc.subcore_barrier()

    pltpu.sync_copy(acc.at[pl.ds(s * ZROWS, ZROWS)],
                    out.at[pl.ds(c * N_ACC + s * ZROWS, ZROWS)])


@functools.partial(
    pl.kernel,
    out_type=jax.ShapeDtypeStruct((NC * N_ACC,), jnp.float32),
    mesh=_mesh,
    scratch_types=[
        pltpu.VMEM((EPW_SUB, SUB), jnp.int32),
        pltpu.VMEM((SUB,), jnp.float32),
        pltpu.VMEM((SUB,), jnp.float32),
        pltpu.VMEM_SHARED((N_ACC,), jnp.float32),
    ],
)
def _deg_call(dstm, out, dstv, ones_v, zero_v, acc):
    _deg_body(dstm, out, dstv, ones_v, zero_v, acc)


def _agg_body(h, srcm, dstm, out, srcv, dstv, buf0, buf1, zbuf, acc,
              sem0, sem1):
    c = lax.axis_index("c")
    s = lax.axis_index("s")
    wid = s * NC + c

    pltpu.sync_copy(srcm.at[wid, pl.ds(0, HALF0)], srcv)
    pltpu.sync_copy(dstm.at[wid, pl.ds(0, HALF0)], dstv)
    pltpu.async_copy(h.at[srcv.at[0]], buf0, sem0)
    pltpu.async_copy(h.at[srcv.at[1]], buf1, sem1)

    def zrow(r, carry):
        for k in range(D // 16):
            zbuf[r, pl.ds(16 * k, 16)] = jnp.zeros((16,), jnp.float32)
        return carry

    lax.fori_loop(0, 32, zrow, 0)
    for t in range(ZROWS // 32):
        pltpu.sync_copy(zbuf, acc.at[pl.ds(s * ZROWS + t * 32, 32)])
    plsc.subcore_barrier()

    def make_pair(rows):
        def pair(j, carry):
            i0 = 2 * j
            i1 = i0 + 1
            pltpu.make_async_copy(h.at[srcv.at[i0]], buf0, sem0).wait()
            pltpu.sync_copy(buf0, acc.at[dstv.at[i0]], add=True)

            @pl.when(i0 + 2 < rows)
            def _():
                pltpu.async_copy(h.at[srcv.at[i0 + 2]], buf0, sem0)

            pltpu.make_async_copy(h.at[srcv.at[i1]], buf1, sem1).wait()
            pltpu.sync_copy(buf1, acc.at[dstv.at[i1]], add=True)

            @pl.when(i1 + 2 < rows)
            def _():
                pltpu.async_copy(h.at[srcv.at[i1 + 2]], buf1, sem1)

            return carry
        return pair

    lax.fori_loop(0, HALF0 // 2, make_pair(HALF0), 0)

    pltpu.sync_copy(srcm.at[wid, pl.ds(HALF0, HALF1)],
                    srcv.at[pl.ds(0, HALF1)])
    pltpu.sync_copy(dstm.at[wid, pl.ds(HALF0, HALF1)],
                    dstv.at[pl.ds(0, HALF1)])
    pltpu.async_copy(h.at[srcv.at[0]], buf0, sem0)
    pltpu.async_copy(h.at[srcv.at[1]], buf1, sem1)
    lax.fori_loop(0, HALF1 // 2, make_pair(HALF1), 0)
    pltpu.make_async_copy(h.at[srcv.at[HALF1 - 1]], buf0, sem0).wait()
    pltpu.sync_copy(buf0, acc.at[dstv.at[HALF1 - 1]], add=True)
    plsc.subcore_barrier()

    pltpu.sync_copy(acc.at[pl.ds(s * ZROWS, ZROWS)],
                    out.at[c, pl.ds(s * ZROWS, ZROWS)])


@functools.partial(
    pl.kernel,
    out_type=jax.ShapeDtypeStruct((NC, N_ACC, D), jnp.float32),
    mesh=_mesh,
    scratch_types=[
        pltpu.VMEM((HALF0, SUB), jnp.int32),
        pltpu.VMEM((HALF0, SUB), jnp.int32),
        pltpu.VMEM((SUB, D), jnp.float32),
        pltpu.VMEM((SUB, D), jnp.float32),
        pltpu.VMEM((32, D), jnp.float32),
        pltpu.VMEM_SHARED((N_ACC, D), jnp.float32),
        pltpu.SemaphoreType.DMA,
        pltpu.SemaphoreType.DMA,
    ],
)
def _agg_call(h, srcm, dstm, out, srcv, dstv, buf0, buf1, zbuf, acc,
              sem0, sem1):
    _agg_body(h, srcm, dstm, out, srcv, dstv, buf0, buf1, zbuf, acc,
              sem0, sem1)



_BN = 1000
_GRID = N // _BN


def _mm_body(x_ref, w_ref, out_ref):
    out_ref[...] = jnp.dot(x_ref[...], w_ref[...],
                           preferred_element_type=jnp.float32)


def _tc_mm(x, w):
    return pl.pallas_call(
        _mm_body,
        grid=(_GRID,),
        in_specs=[
            pl.BlockSpec((_BN, D), lambda i: (i, 0)),
            pl.BlockSpec((D, D), lambda i: (0, 0)),
        ],
        out_specs=pl.BlockSpec((_BN, D), lambda i: (i, 0)),
        out_shape=jax.ShapeDtypeStruct((N, D), jnp.float32),
    )(x, w)


def _scale_body(h_ref, d0_ref, d1_ref, hp_ref, dinv_ref):
    deg = d0_ref[...] + d1_ref[...] + 1.0
    dinv = lax.rsqrt(deg)
    hp_ref[...] = h_ref[...] * dinv
    dinv_ref[...] = dinv


def _tc_scale(h, d0, d1):
    return pl.pallas_call(
        _scale_body,
        grid=(_GRID,),
        in_specs=[
            pl.BlockSpec((_BN, D), lambda i: (i, 0)),
            pl.BlockSpec((_BN, 1), lambda i: (i, 0)),
            pl.BlockSpec((_BN, 1), lambda i: (i, 0)),
        ],
        out_specs=[
            pl.BlockSpec((_BN, D), lambda i: (i, 0)),
            pl.BlockSpec((_BN, 1), lambda i: (i, 0)),
        ],
        out_shape=[
            jax.ShapeDtypeStruct((N, D), jnp.float32),
            jax.ShapeDtypeStruct((N, 1), jnp.float32),
        ],
    )(h, d0, d1)


def _mid_body(agg_ref, hp_ref, dinv_ref, a_ref, cc_ref, w_ref, out_ref):
    tot = agg_ref[0] + agg_ref[1] + hp_ref[...]
    z = tot * dinv_ref[...] * a_ref[...] + cc_ref[...]
    h = jnp.maximum(z, 0.0)
    out_ref[...] = jnp.dot(h, w_ref[...],
                           preferred_element_type=jnp.float32) * dinv_ref[...]


def _tc_mid(agg, hp, dinv, a, cc, w):
    return pl.pallas_call(
        _mid_body,
        grid=(_GRID,),
        in_specs=[
            pl.BlockSpec((NC, _BN, D), lambda i: (0, i, 0)),
            pl.BlockSpec((_BN, D), lambda i: (i, 0)),
            pl.BlockSpec((_BN, 1), lambda i: (i, 0)),
            pl.BlockSpec((1, D), lambda i: (0, 0)),
            pl.BlockSpec((1, D), lambda i: (0, 0)),
            pl.BlockSpec((D, D), lambda i: (0, 0)),
        ],
        out_specs=pl.BlockSpec((_BN, D), lambda i: (i, 0)),
        out_shape=jax.ShapeDtypeStruct((N, D), jnp.float32),
    )(agg, hp, dinv, a, cc, w)


def _epi_body(agg_ref, hp_ref, dinv_ref, b_ref, out_ref):
    tot = agg_ref[0] + agg_ref[1] + hp_ref[...]
    out_ref[...] = tot * dinv_ref[...] + b_ref[...]


def _tc_epilogue(agg, hp, dinv, b):
    return pl.pallas_call(
        _epi_body,
        grid=(_GRID,),
        in_specs=[
            pl.BlockSpec((NC, _BN, D), lambda i: (0, i, 0)),
            pl.BlockSpec((_BN, D), lambda i: (i, 0)),
            pl.BlockSpec((_BN, 1), lambda i: (i, 0)),
            pl.BlockSpec((1, D), lambda i: (0, 0)),
        ],
        out_specs=pl.BlockSpec((_BN, D), lambda i: (i, 0)),
        out_shape=jax.ShapeDtypeStruct((N, D), jnp.float32),
    )(agg, hp, dinv, b)




def kernel(x, edge_index, W1, b1, g1, be1, W2, b2, g2, be2, W3, b3):
    src = edge_index[0].astype(jnp.int32).reshape(NW, E // NW)
    dst = edge_index[1].astype(jnp.int32).reshape(NW, E // NW)
    pid = jnp.arange(PAD_W, dtype=jnp.int32)
    widv = jnp.arange(NW, dtype=jnp.int32).reshape(NW, 1)
    src_pad = (widv * 311 + pid) % N
    dst_pad = N + (widv * 13 + pid) % (N_ACC - N)
    srcm = jnp.concatenate([src, src_pad], axis=1).reshape(NW, EPW_SUB, SUB)
    dstm = jnp.concatenate([dst, dst_pad], axis=1).reshape(NW, EPW_SUB, SUB)

    h1_raw = _tc_mm(x, W1)
    deg_parts = _deg_call(dstm).reshape(NC, N_ACC)
    d0 = deg_parts[0, :N].reshape(N, 1)
    d1 = deg_parts[1, :N].reshape(N, 1)

    inv_sd = 1.0 / jnp.sqrt(1.0 + EPS)
    a1 = (g1 * inv_sd).reshape(1, D)
    c1 = (b1 * inv_sd * g1 + be1).reshape(1, D)
    a2 = (g2 * inv_sd).reshape(1, D)
    c2 = (b2 * inv_sd * g2 + be2).reshape(1, D)

    hp1, dinv = _tc_scale(h1_raw, d0, d1)
    agg1 = _agg_call(hp1, srcm, dstm)
    hp2 = _tc_mid(agg1, hp1, dinv, a1, c1, W2)
    agg2 = _agg_call(hp2, srcm, dstm)
    hp3 = _tc_mid(agg2, hp2, dinv, a2, c2, W3)
    agg3 = _agg_call(hp3, srcm, dstm)
    return _tc_epilogue(agg3, hp3, dinv, b3.reshape(1, D))

# --- scband reference (transcript-rebuilt; emitter-appended) ---
"""Pipeline reference for scband-gcn-28192165331202 (READ-ONLY COPY).

The authoritative reference and input builder live on the scoring server;
editing this copy changes nothing except your own understanding.
"""

import jax, jax.numpy as jnp
import numpy as np

N = 10000
E = 320000
D = 128
EPS = 1e-5


def setup_inputs(seed: int = 0):
    key = jax.random.key(seed)
    ks = jax.random.split(key, 16)
    x = jax.random.normal(ks[0], (N, D), dtype=jnp.float32)
    edge_index = jax.random.randint(ks[1], (2, E), 0, N, dtype=jnp.int32)
    s = 1.0 / np.sqrt(D)
    W1 = jax.random.uniform(ks[2], (D, D), jnp.float32, -s, s)
    b1 = jnp.zeros((D,), jnp.float32)
    g1 = jnp.ones((D,), jnp.float32)
    be1 = jnp.zeros((D,), jnp.float32)
    W2 = jax.random.uniform(ks[3], (D, D), jnp.float32, -s, s)
    b2 = jnp.zeros((D,), jnp.float32)
    g2 = jnp.ones((D,), jnp.float32)
    be2 = jnp.zeros((D,), jnp.float32)
    W3 = jax.random.uniform(ks[4], (D, D), jnp.float32, -s, s)
    b3 = jnp.zeros((D,), jnp.float32)
    return {"x": x, "edge_index": edge_index, "W1": W1, "b1": b1, "g1": g1, "be1": be1,
            "W2": W2, "b2": b2, "g2": g2, "be2": be2, "W3": W3, "b3": b3}


def gcn_conv(x, src, dst, W, b):
    # PyG GCNConv: linear transform, symmetric normalization with self-loops, scatter-add, bias
    n = x.shape[0]
    deg = jnp.zeros((n,), jnp.float32).at[dst].add(1.0)
    dinv = deg ** -0.5
    dinv = jnp.where(jnp.isinf(dinv), 0.0, dinv)
    norm = dinv[src] * dinv[dst]
    h = x @ W
    msg = h[src] * norm[:, None]
    out = jnp.zeros_like(h).at[dst].add(msg)
    return out + b


def batch_norm_eval(x, gamma, beta):
    # eval-mode BatchNorm1d with fresh running stats (mean=0, var=1)
    return (x - 0.0) / jnp.sqrt(1.0 + EPS) * gamma + beta


def reference(x, edge_index, W1, b1, g1, be1, W2, b2, g2, be2, W3, b3):
    n = x.shape[0]
    loops = jnp.arange(n, dtype=edge_index.dtype)
    src = jnp.concatenate([edge_index[0], loops])
    dst = jnp.concatenate([edge_index[1], loops])
    h = gcn_conv(x, src, dst, W1, b1)
    h = batch_norm_eval(h, g1, be1)
    h = jax.nn.relu(h)
    # dropout inactive in eval mode
    h = gcn_conv(h, src, dst, W2, b2)
    h = batch_norm_eval(h, g2, be2)
    h = jax.nn.relu(h)
    out = gcn_conv(h, src, dst, W3, b3)
    return out

if __name__ == "__main__":
    import jax
    _d = setup_inputs()
    print(jax.jit(kernel)(*tuple(_d.values())))

</pallas_src>

<mosaic_0001>
#map = affine_map<(d0, d1) -> (0, 0)>
#map1 = affine_map<(d0, d1) -> (0, 0, 0)>
module attributes {stable_mosaic.version = 14 : i64} {
  func.func @_agg_call(%arg0: i32, %arg1: i32, %arg2: memref<10000x128xf32, #tpu.memory_space<hbm>>, %arg3: memref<32x79x128xi32, #tpu.memory_space<hbm>>, %arg4: memref<32x79x128xi32, #tpu.memory_space<hbm>>, %arg5: memref<2x10240x128xf32, #tpu.memory_space<hbm>>, %arg6: memref<40x128xi32, #tpu.memory_space<vmem>>, %arg7: memref<40x128xi32, #tpu.memory_space<vmem>>, %arg8: memref<128x128xf32, #tpu.memory_space<vmem>>, %arg9: memref<128x128xf32, #tpu.memory_space<vmem>>, %arg10: memref<32x128xf32, #tpu.memory_space<vmem>>, %arg11: memref<10240x128xf32, #tpu.memory_space<vmem_shared>>, %arg12: memref<!tpu.dma_semaphore, #tpu.memory_space<semaphore_mem>>, %arg13: memref<!tpu.dma_semaphore, #tpu.memory_space<semaphore_mem>>) attributes {dimension_semantics = [#tpu.dimension_semantics<core_parallel>, #tpu.dimension_semantics<subcore_parallel>], iteration_bounds = array<i64: 2, 16>, scalar_prefetch = 0 : i64, scratch_operands = 8 : i64, tpu.core_type = #tpu.core_type<sc_vector_subcore>, window_params = [{transform_indices = #map}, {transform_indices = #map1}, {transform_indices = #map1}, {transform_indices = #map1}]} {
    %mul3A = arith.constant 2 : i32
    %mul3A_0 = arith.muli %arg1, %mul3A : i32
    %add3A = arith.addi %mul3A_0, %arg0 : i32
    "tpu.region"() ({
      %run_scoped3A_136 = tpu.sem_alloc : memref<!tpu.dma_semaphore, #tpu.memory_space<semaphore_mem>>
      %dma_start3A_137 = arith.constant 0 : i32
      %dma_start3A_138 = arith.constant 0 : i32
      %dma_start3A_139 = tpu.memref_slice %arg3[%add3A, %dma_start3A_137, %dma_start3A_138] : memref<32x79x128xi32, #tpu.memory_space<hbm>> -> memref<1x40x128xi32, #tpu.memory_space<hbm>>
      %dma_start3A_140 = tpu.memref_squeeze %dma_start3A_139 : memref<1x40x128xi32, #tpu.memory_space<hbm>> -> memref<40x128xi32, #tpu.memory_space<hbm>>
      %dma_start3A_141 = arith.constant 0 : i32
      %dma_start3A_142 = arith.constant 0 : i32
      %dma_start3A_143 = tpu.memref_slice %arg3[%add3A, %dma_start3A_141, %dma_start3A_142] : memref<32x79x128xi32, #tpu.memory_space<hbm>> -> memref<1x40x128xi32, #tpu.memory_space<hbm>>
      %dma_start3A_144 = tpu.memref_squeeze %dma_start3A_143 : memref<1x40x128xi32, #tpu.memory_space<hbm>> -> memref<40x128xi32, #tpu.memory_space<hbm>>
      tpu.enqueue_dma source(%dma_start3A_144 : memref<40x128xi32, #tpu.memory_space<hbm>>) target(%arg6 : memref<40x128xi32, #tpu.memory_space<vmem>>) target_semaphore(%run_scoped3A_136 : memref<!tpu.dma_semaphore, #tpu.memory_space<semaphore_mem>>)
      %dma_wait3A_145 = arith.constant 0 : i32
      %dma_wait3A_146 = arith.constant 0 : i32
      %dma_wait3A_147 = tpu.memref_slice %arg3[%add3A, %dma_wait3A_145, %dma_wait3A_146] : memref<32x79x128xi32, #tpu.memory_space<hbm>> -> memref<1x40x128xi32, #tpu.memory_space<hbm>>
      %dma_wait3A_148 = tpu.memref_squeeze %dma_wait3A_147 : memref<1x40x128xi32, #tpu.memory_space<hbm>> -> memref<40x128xi32, #tpu.memory_space<hbm>>
      %dma_wait3A_149 = arith.constant 0 : i32
      %dma_wait3A_150 = arith.constant 0 : i32
      %dma_wait3A_151 = tpu.memref_slice %arg3[%add3A, %dma_wait3A_149, %dma_wait3A_150] : memref<32x79x128xi32, #tpu.memory_space<hbm>> -> memref<1x40x128xi32, #tpu.memory_space<hbm>>
      %dma_wait3A_152 = tpu.memref_squeeze %dma_wait3A_151 : memref<1x40x128xi32, #tpu.memory_space<hbm>> -> memref<40x128xi32, #tpu.memory_space<hbm>>
      tpu.wait_dma2 semaphore(%run_scoped3A_136 : memref<!tpu.dma_semaphore, #tpu.memory_space<semaphore_mem>>) src(%dma_wait3A_152 : memref<40x128xi32, #tpu.memory_space<hbm>>) dst(%arg6 : memref<40x128xi32, #tpu.memory_space<vmem>>)
      tpu.yield
    }) : () -> ()
    "tpu.region"() ({
      %run_scoped3A_136 = tpu.sem_alloc : memref<!tpu.dma_semaphore, #tpu.memory_space<semaphore_mem>>
      %dma_start3A_137 = arith.constant 0 : i32
      %dma_start3A_138 = arith.constant 0 : i32
      %dma_start3A_139 = tpu.memref_slice %arg4[%add3A, %dma_start3A_137, %dma_start3A_138] : memref<32x79x128xi32, #tpu.memory_space<hbm>> -> memref<1x40x128xi32, #tpu.memory_space<hbm>>
      %dma_start3A_140 = tpu.memref_squeeze %dma_start3A_139 : memref<1x40x128xi32, #tpu.memory_space<hbm>> -> memref<40x128xi32, #tpu.memory_space<hbm>>
      %dma_start3A_141 = arith.constant 0 : i32
      %dma_start3A_142 = arith.constant 0 : i32
      %dma_start3A_143 = tpu.memref_slice %arg4[%add3A, %dma_start3A_141, %dma_start3A_142] : memref<32x79x128xi32, #tpu.memory_space<hbm>> -> memref<1x40x128xi32, #tpu.memory_space<hbm>>
      %dma_start3A_144 = tpu.memref_squeeze %dma_start3A_143 : memref<1x40x128xi32, #tpu.memory_space<hbm>> -> memref<40x128xi32, #tpu.memory_space<hbm>>
      tpu.enqueue_dma source(%dma_start3A_144 : memref<40x128xi32, #tpu.memory_space<hbm>>) target(%arg7 : memref<40x128xi32, #tpu.memory_space<vmem>>) target_semaphore(%run_scoped3A_136 : memref<!tpu.dma_semaphore, #tpu.memory_space<semaphore_mem>>)
      %dma_wait3A_145 = arith.constant 0 : i32
      %dma_wait3A_146 = arith.constant 0 : i32
      %dma_wait3A_147 = tpu.memref_slice %arg4[%add3A, %dma_wait3A_145, %dma_wait3A_146] : memref<32x79x128xi32, #tpu.memory_space<hbm>> -> memref<1x40x128xi32, #tpu.memory_space<hbm>>
      %dma_wait3A_148 = tpu.memref_squeeze %dma_wait3A_147 : memref<1x40x128xi32, #tpu.memory_space<hbm>> -> memref<40x128xi32, #tpu.memory_space<hbm>>
      %dma_wait3A_149 = arith.constant 0 : i32
      %dma_wait3A_150 = arith.constant 0 : i32
      %dma_wait3A_151 = tpu.memref_slice %arg4[%add3A, %dma_wait3A_149, %dma_wait3A_150] : memref<32x79x128xi32, #tpu.memory_space<hbm>> -> memref<1x40x128xi32, #tpu.memory_space<hbm>>
      %dma_wait3A_152 = tpu.memref_squeeze %dma_wait3A_151 : memref<1x40x128xi32, #tpu.memory_space<hbm>> -> memref<40x128xi32, #tpu.memory_space<hbm>>
      tpu.wait_dma2 semaphore(%run_scoped3A_136 : memref<!tpu.dma_semaphore, #tpu.memory_space<semaphore_mem>>) src(%dma_wait3A_152 : memref<40x128xi32, #tpu.memory_space<hbm>>) dst(%arg7 : memref<40x128xi32, #tpu.memory_space<vmem>>)
      tpu.yield
    }) : () -> ()
    %dma_start3A = arith.constant 0 : i32
    %dma_start3A_1 = arith.constant 0 : i32
    %dma_start3A_2 = tpu.memref_slice %arg6[%dma_start3A, %dma_start3A_1] : memref<40x128xi32, #tpu.memory_space<vmem>> -> memref<1x128xi32, #tpu.memory_space<vmem>>
    %dma_start3A_3 = tpu.memref_squeeze %dma_start3A_2 : memref<1x128xi32, #tpu.memory_space<vmem>> -> memref<128xi32, #tpu.memory_space<vmem>>
    %dma_start3A_4 = arith.constant 0 : i32
    %dma_start3A_5 = arith.constant 0 : i32
    %dma_start3A_6 = tpu.memref_slice %arg2[%dma_start3A_4, %dma_start3A_5] : memref<10000x128xf32, #tpu.memory_space<hbm>> -> memref<10000x128xf32, #tpu.memory_space<hbm>>
    tpu.enqueue_indirect_dma source(%dma_start3A_6 : memref<10000x128xf32, #tpu.memory_space<hbm>>) target(%arg8 : memref<128x128xf32, #tpu.memory_space<vmem>>) offsets(%dma_start3A_3 : memref<128xi32, #tpu.memory_space<vmem>>) semaphore(%arg12 : memref<!tpu.dma_semaphore, #tpu.memory_space<semaphore_mem>>)
    %dma_start3A_7 = arith.constant 1 : i32
    %dma_start3A_8 = arith.constant 0 : i32
    %dma_start3A_9 = tpu.memref_slice %arg6[%dma_start3A_7, %dma_start3A_8] : memref<40x128xi32, #tpu.memory_space<vmem>> -> memref<1x128xi32, #tpu.memory_space<vmem>>
    %dma_start3A_10 = tpu.memref_squeeze %dma_start3A_9 : memref<1x128xi32, #tpu.memory_space<vmem>> -> memref<128xi32, #tpu.memory_space<vmem>>
    %dma_start3A_11 = arith.constant 0 : i32
    %dma_start3A_12 = arith.constant 0 : i32
    %dma_start3A_13 = tpu.memref_slice %arg2[%dma_start3A_11, %dma_start3A_12] : memref<10000x128xf32, #tpu.memory_space<hbm>> -> memref<10000x128xf32, #tpu.memory_space<hbm>>
    tpu.enqueue_indirect_dma source(%dma_start3A_13 : memref<10000x128xf32, #tpu.memory_space<hbm>>) target(%arg9 : memref<128x128xf32, #tpu.memory_space<vmem>>) offsets(%dma_start3A_10 : memref<128xi32, #tpu.memory_space<vmem>>) semaphore(%arg13 : memref<!tpu.dma_semaphore, #tpu.memory_space<semaphore_mem>>)
    %scan3A = arith.constant 0 : i32
    %scan3A_14 = arith.constant 0 : i32
    %scan3A_15 = arith.constant 32 : i32
    %scan3A_16 = arith.addi %scan3A_14, %scan3A_15 : i32
    %scan3A_17 = arith.constant 1 : i32
    scf.for %scan3A_136 = %scan3A_14 to %scan3A_16 step %scan3A_17  : i32 {
      %broadcast_in_dim3A = arith.constant 0.000000e+00 : f32
      %broadcast_in_dim3A_137 = vector.broadcast %broadcast_in_dim3A : f32 to vector<16xf32>
      %swap3A = arith.index_cast %scan3A_136 : i32 to index
      %swap3A_138 = arith.constant 0 : index
      %swap3A_139 = tpu.vector_load %arg10[%swap3A, %swap3A_138] {strides = array<i32>} : memref<32x128xf32, #tpu.memory_space<vmem>>, vector<1x16xf32>,
      %swap3A_140 = vector.shape_cast %swap3A_139 : vector<1x16xf32> to vector<16xf32>
      %swap3A_141 = vector.shape_cast %broadcast_in_dim3A_137 : vector<16xf32> to vector<1x16xf32>
      tpu.vector_store %arg10[%swap3A, %swap3A_138], %swap3A_141 {strides = array<i32>} : memref<32x128xf32, #tpu.memory_space<vmem>>, vector<1x16xf32>,
      %broadcast_in_dim3A_142 = arith.constant 0.000000e+00 : f32
      %broadcast_in_dim3A_143 = vector.broadcast %broadcast_in_dim3A_142 : f32 to vector<16xf32>
      %swap3A_144 = arith.index_cast %scan3A_136 : i32 to index
      %swap3A_145 = arith.constant 16 : index
      %swap3A_146 = tpu.vector_load %arg10[%swap3A_144, %swap3A_145] {strides = array<i32>} : memref<32x128xf32, #tpu.memory_space<vmem>>, vector<1x16xf32>,
      %swap3A_147 = vector.shape_cast %swap3A_146 : vector<1x16xf32> to vector<16xf32>
      %swap3A_148 = vector.shape_cast %broadcast_in_dim3A_143 : vector<16xf32> to vector<1x16xf32>
      tpu.vector_store %arg10[%swap3A_144, %swap3A_145], %swap3A_148 {strides = array<i32>} : memref<32x128xf32, #tpu.memory_space<vmem>>, vector<1x16xf32>,
      %broadcast_in_dim3A_149 = arith.constant 0.000000e+00 : f32
      %broadcast_in_dim3A_150 = vector.broadcast %broadcast_in_dim3A_149 : f32 to vector<16xf32>
      %swap3A_151 = arith.index_cast %scan3A_136 : i32 to index
      %swap3A_152 = arith.constant 32 : index
      %swap3A_153 = tpu.vector_load %arg10[%swap3A_151, %swap3A_152] {strides = array<i32>} : memref<32x128xf32, #tpu.memory_space<vmem>>, vector<1x16xf32>,
      %swap3A_154 = vector.shape_cast %swap3A_153 : vector<1x16xf32> to vector<16xf32>
      %swap3A_155 = vector.shape_cast %broadcast_in_dim3A_150 : vector<16xf32> to vector<1x16xf32>
      tpu.vector_store %arg10[%swap3A_151, %swap3A_152], %swap3A_155 {strides = array<i32>} : memref<32x128xf32, #tpu.memory_space<vmem>>, vector<1x16xf32>,
      %broadcast_in_dim3A_156 = arith.constant 0.000000e+00 : f32
      %broadcast_in_dim3A_157 = vector.broadcast %broadcast_in_dim3A_156 : f32 to vector<16xf32>
      %swap3A_158 = arith.index_cast %scan3A_136 : i32 to index
      %swap3A_159 = arith.constant 48 : index
      %swap3A_160 = tpu.vector_load %arg10[%swap3A_158, %swap3A_159] {strides = array<i32>} : memref<32x128xf32, #tpu.memory_space<vmem>>, vector<1x16xf32>,
      %swap3A_161 = vector.shape_cast %swap3A_160 : vector<1x16xf32> to vector<16xf32>
      %swap3A_162 = vector.shape_cast %broadcast_in_dim3A_157 : vector<16xf32> to vector<1x16xf32>
      tpu.vector_store %arg10[%swap3A_158, %swap3A_159], %swap3A_162 {strides = array<i32>} : memref<32x128xf32, #tpu.memory_space<vmem>>, vector<1x16xf32>,
      %broadcast_in_dim3A_163 = arith.constant 0.000000e+00 : f32
      %broadcast_in_dim3A_164 = vector.broadcast %broadcast_in_dim3A_163 : f32 to vector<16xf32>
      %swap3A_165 = arith.index_cast %scan3A_136 : i32 to index
      %swap3A_166 = arith.constant 64 : index
      %swap3A_167 = tpu.vector_load %arg10[%swap3A_165, %swap3A_166] {strides = array<i32>} : memref<32x128xf32, #tpu.memory_space<vmem>>, vector<1x16xf32>,
      %swap3A_168 = vector.shape_cast %swap3A_167 : vector<1x16xf32> to vector<16xf32>
      %swap3A_169 = vector.shape_cast %broadcast_in_dim3A_164 : vector<16xf32> to vector<1x16xf32>
      tpu.vector_store %arg10[%swap3A_165, %swap3A_166], %swap3A_169 {strides = array<i32>} : memref<32x128xf32, #tpu.memory_space<vmem>>, vector<1x16xf32>,
      %broadcast_in_dim3A_170 = arith.constant 0.000000e+00 : f32
      %broadcast_in_dim3A_171 = vector.broadcast %broadcast_in_dim3A_170 : f32 to vector<16xf32>
      %swap3A_172 = arith.index_cast %scan3A_136 : i32 to index
      %swap3A_173 = arith.constant 80 : index
      %swap3A_174 = tpu.vector_load %arg10[%swap3A_172, %swap3A_173] {strides = array<i32>} : memref<32x128xf32, #tpu.memory_space<vmem>>, vector<1x16xf32>,
      %swap3A_175 = vector.shape_cast %swap3A_174 : vector<1x16xf32> to vector<16xf32>
      %swap3A_176 = vector.shape_cast %broadcast_in_dim3A_171 : vector<16xf32> to vector<1x16xf32>
      tpu.vector_store %arg10[%swap3A_172, %swap3A_173], %swap3A_176 {strides = array<i32>} : memref<32x128xf32, #tpu.memory_space<vmem>>, vector<1x16xf32>,
      %broadcast_in_dim3A_177 = arith.constant 0.000000e+00 : f32
      %broadcast_in_dim3A_178 = vector.broadcast %broadcast_in_dim3A_177 : f32 to vector<16xf32>
      %swap3A_179 = arith.index_cast %scan3A_136 : i32 to index
      %swap3A_180 = arith.constant 96 : index
      %swap3A_181 = tpu.vector_load %arg10[%swap3A_179, %swap3A_180] {strides = array<i32>} : memref<32x128xf32, #tpu.memory_space<vmem>>, vector<1x16xf32>,
      %swap3A_182 = vector.shape_cast %swap3A_181 : vector<1x16xf32> to vector<16xf32>
      %swap3A_183 = vector.shape_cast %broadcast_in_dim3A_178 : vector<16xf32> to vector<1x16xf32>
      tpu.vector_store %arg10[%swap3A_179, %swap3A_180], %swap3A_183 {strides = array<i32>} : memref<32x128xf32, #tpu.memory_space<vmem>>, vector<1x16xf32>,
      %broadcast_in_dim3A_184 = arith.constant 0.000000e+00 : f32
      %broadcast_in_dim3A_185 = vector.broadcast %broadcast_in_dim3A_184 : f32 to vector<16xf32>
      %swap3A_186 = arith.index_cast %scan3A_136 : i32 to index
      %swap3A_187 = arith.constant 112 : index
      %swap3A_188 = tpu.vector_load %arg10[%swap3A_186, %swap3A_187] {strides = array<i32>} : memref<32x128xf32, #tpu.memory_space<vmem>>, vector<1x16xf32>,
      %swap3A_189 = vector.shape_cast %swap3A_188 : vector<1x16xf32> to vector<16xf32>
      %swap3A_190 = vector.shape_cast %broadcast_in_dim3A_185 : vector<16xf32> to vector<1x16xf32>
      tpu.vector_store %arg10[%swap3A_186, %swap3A_187], %swap3A_190 {strides = array<i32>} : memref<32x128xf32, #tpu.memory_space<vmem>>, vector<1x16xf32>,
    }
    %scan3A_18 = arith.constant 32 : i32
    %mul3A_19 = arith.constant 640 : i32
    %mul3A_20 = arith.muli %arg1, %mul3A_19 : i32
    %add3A_21 = arith.constant 0 : i32
    %add3A_22 = arith.addi %mul3A_20, %add3A_21 : i32
    "tpu.region"() ({
      %run_scoped3A_136 = tpu.sem_alloc : memref<!tpu.dma_semaphore, #tpu.memory_space<semaphore_mem>>
      %dma_start3A_137 = arith.constant 0 : i32
      %dma_start3A_138 = tpu.memref_slice %arg11[%add3A_22, %dma_start3A_137] : memref<10240x128xf32, #tpu.memory_space<vmem_shared>> -> memref<32x128xf32, #tpu.memory_space<vmem_shared>>
      %dma_start3A_139 = arith.constant 0 : i32
      %dma_start3A_140 = tpu.memref_slice %arg11[%add3A_22, %dma_start3A_139] : memref<10240x128xf32, #tpu.memory_space<vmem_shared>> -> memref<32x128xf32, #tpu.memory_space<vmem_shared>>
      tpu.enqueue_dma source(%arg10 : memref<32x128xf32, #tpu.memory_space<vmem>>) target(%dma_start3A_140 : memref<32x128xf32, #tpu.memory_space<vmem_shared>>) target_semaphore(%run_scoped3A_136 : memref<!tpu.dma_semaphore, #tpu.memory_space<semaphore_mem>>)
      %dma_wait3A_141 = arith.constant 0 : i32
      %dma_wait3A_142 = tpu.memref_slice %arg11[%add3A_22, %dma_wait3A_141] : memref<10240x128xf32, #tpu.memory_space<vmem_shared>> -> memref<32x128xf32, #tpu.memory_space<vmem_shared>>
      %dma_wait3A_143 = arith.constant 0 : i32
      %dma_wait3A_144 = tpu.memref_slice %arg11[%add3A_22, %dma_wait3A_143] : memref<10240x128xf32, #tpu.memory_space<vmem_shared>> -> memref<32x128xf32, #tpu.memory_space<vmem_shared>>
      tpu.wait_dma2 semaphore(%run_scoped3A_136 : memref<!tpu.dma_semaphore, #tpu.memory_space<semaphore_mem>>) src(%arg10 : memref<32x128xf32, #tpu.memory_space<vmem>>) dst(%dma_wait3A_144 : memref<32x128xf32, #tpu.memory_space<vmem_shared>>)
      tpu.yield
    }) : () -> ()
    %mul3A_23 = arith.constant 640 : i32
    %mul3A_24 = arith.muli %arg1, %mul3A_23 : i32
    %add3A_25 = arith.constant 32 : i32
    %add3A_26 = arith.addi %mul3A_24, %add3A_25 : i32
    "tpu.region"() ({
      %run_scoped3A_136 = tpu.sem_alloc : memref<!tpu.dma_semaphore, #tpu.memory_space<semaphore_mem>>
      %dma_start3A_137 = arith.constant 0 : i32
      %dma_start3A_138 = tpu.memref_slice %arg11[%add3A_26, %dma_start3A_137] : memref<10240x128xf32, #tpu.memory_space<vmem_shared>> -> memref<32x128xf32, #tpu.memory_space<vmem_shared>>
      %dma_start3A_139 = arith.constant 0 : i32
      %dma_start3A_140 = tpu.memref_slice %arg11[%add3A_26, %dma_start3A_139] : memref<10240x128xf32, #tpu.memory_space<vmem_shared>> -> memref<32x128xf32, #tpu.memory_space<vmem_shared>>
      tpu.enqueue_dma source(%arg10 : memref<32x128xf32, #tpu.memory_space<vmem>>) target(%dma_start3A_140 : memref<32x128xf32, #tpu.memory_space<vmem_shared>>) target_semaphore(%run_scoped3A_136 : memref<!tpu.dma_semaphore, #tpu.memory_space<semaphore_mem>>)
      %dma_wait3A_141 = arith.constant 0 : i32
      %dma_wait3A_142 = tpu.memref_slice %arg11[%add3A_26, %dma_wait3A_141] : memref<10240x128xf32, #tpu.memory_space<vmem_shared>> -> memref<32x128xf32, #tpu.memory_space<vmem_shared>>
      %dma_wait3A_143 = arith.constant 0 : i32
      %dma_wait3A_144 = tpu.memref_slice %arg11[%add3A_26, %dma_wait3A_143] : memref<10240x128xf32, #tpu.memory_space<vmem_shared>> -> memref<32x128xf32, #tpu.memory_space<vmem_shared>>
      tpu.wait_dma2 semaphore(%run_scoped3A_136 : memref<!tpu.dma_semaphore, #tpu.memory_space<semaphore_mem>>) src(%arg10 : memref<32x128xf32, #tpu.memory_space<vmem>>) dst(%dma_wait3A_144 : memref<32x128xf32, #tpu.memory_space<vmem_shared>>)
      tpu.yield
    }) : () -> ()
    %mul3A_27 = arith.constant 640 : i32
    %mul3A_28 = arith.muli %arg1, %mul3A_27 : i32
    %add3A_29 = arith.constant 64 : i32
    %add3A_30 = arith.addi %mul3A_28, %add3A_29 : i32
    "tpu.region"() ({
      %run_scoped3A_136 = tpu.sem_alloc : memref<!tpu.dma_semaphore, #tpu.memory_space<semaphore_mem>>
      %dma_start3A_137 = arith.constant 0 : i32
      %dma_start3A_138 = tpu.memref_slice %arg11[%add3A_30, %dma_start3A_137] : memref<10240x128xf32, #tpu.memory_space<vmem_shared>> -> memref<32x128xf32, #tpu.memory_space<vmem_shared>>
      %dma_start3A_139 = arith.constant 0 : i32
      %dma_start3A_140 = tpu.memref_slice %arg11[%add3A_30, %dma_start3A_139] : memref<10240x128xf32, #tpu.memory_space<vmem_shared>> -> memref<32x128xf32, #tpu.memory_space<vmem_shared>>
      tpu.enqueue_dma source(%arg10 : memref<32x128xf32, #tpu.memory_space<vmem>>) target(%dma_start3A_140 : memref<32x128xf32, #tpu.memory_space<vmem_shared>>) target_semaphore(%run_scoped3A_136 : memref<!tpu.dma_semaphore, #tpu.memory_space<semaphore_mem>>)
      %dma_wait3A_141 = arith.constant 0 : i32
      %dma_wait3A_142 = tpu.memref_slice %arg11[%add3A_30, %dma_wait3A_141] : memref<10240x128xf32, #tpu.memory_space<vmem_shared>> -> memref<32x128xf32, #tpu.memory_space<vmem_shared>>
      %dma_wait3A_143 = arith.constant 0 : i32
      %dma_wait3A_144 = tpu.memref_slice %arg11[%add3A_30, %dma_wait3A_143] : memref<10240x128xf32, #tpu.memory_space<vmem_shared>> -> memref<32x128xf32, #tpu.memory_space<vmem_shared>>
      tpu.wait_dma2 semaphore(%run_scoped3A_136 : memref<!tpu.dma_semaphore, #tpu.memory_space<semaphore_mem>>) src(%arg10 : memref<32x128xf32, #tpu.memory_space<vmem>>) dst(%dma_wait3A_144 : memref<32x128xf32, #tpu.memory_space<vmem_shared>>)
      tpu.yield
    }) : () -> ()
    %mul3A_31 = arith.constant 640 : i32
    %mul3A_32 = arith.muli %arg1, %mul3A_31 : i32
    %add3A_33 = arith.constant 96 : i32
    %add3A_34 = arith.addi %mul3A_32, %add3A_33 : i32
    "tpu.region"() ({
      %run_scoped3A_136 = tpu.sem_alloc : memref<!tpu.dma_semaphore, #tpu.memory_space<semaphore_mem>>
      %dma_start3A_137 = arith.constant 0 : i32
      %dma_start3A_138 = tpu.memref_slice %arg11[%add3A_34, %dma_start3A_137] : memref<10240x128xf32, #tpu.memory_space<vmem_shared>> -> memref<32x128xf32, #tpu.memory_space<vmem_shared>>
      %dma_start3A_139 = arith.constant 0 : i32
      %dma_start3A_140 = tpu.memref_slice %arg11[%add3A_34, %dma_start3A_139] : memref<10240x128xf32, #tpu.memory_space<vmem_shared>> -> memref<32x128xf32, #tpu.memory_space<vmem_shared>>
      tpu.enqueue_dma source(%arg10 : memref<32x128xf32, #tpu.memory_space<vmem>>) target(%dma_start3A_140 : memref<32x128xf32, #tpu.memory_space<vmem_shared>>) target_semaphore(%run_scoped3A_136 : memref<!tpu.dma_semaphore, #tpu.memory_space<semaphore_mem>>)
      %dma_wait3A_141 = arith.constant 0 : i32
      %dma_wait3A_142 = tpu.memref_slice %arg11[%add3A_34, %dma_wait3A_141] : memref<10240x128xf32, #tpu.memory_space<vmem_shared>> -> memref<32x128xf32, #tpu.memory_space<vmem_shared>>
      %dma_wait3A_143 = arith.constant 0 : i32
      %dma_wait3A_144 = tpu.memref_slice %arg11[%add3A_34, %dma_wait3A_143] : memref<10240x128xf32, #tpu.memory_space<vmem_shared>> -> memref<32x128xf32, #tpu.memory_space<vmem_shared>>
      tpu.wait_dma2 semaphore(%run_scoped3A_136 : memref<!tpu.dma_semaphore, #tpu.memory_space<semaphore_mem>>) src(%arg10 : memref<32x128xf32, #tpu.memory_space<vmem>>) dst(%dma_wait3A_144 : memref<32x128xf32, #tpu.memory_space<vmem_shared>>)
      tpu.yield
    }) : () -> ()
    %mul3A_35 = arith.constant 640 : i32
    %mul3A_36 = arith.muli %arg1, %mul3A_35 : i32
    %add3A_37 = arith.constant 128 : i32
    %add3A_38 = arith.addi %mul3A_36, %add3A_37 : i32
    "tpu.region"() ({
      %run_scoped3A_136 = tpu.sem_alloc : memref<!tpu.dma_semaphore, #tpu.memory_space<semaphore_mem>>
      %dma_start3A_137 = arith.constant 0 : i32
      %dma_start3A_138 = tpu.memref_slice %arg11[%add3A_38, %dma_start3A_137] : memref<10240x128xf32, #tpu.memory_space<vmem_shared>> -> memref<32x128xf32, #tpu.memory_space<vmem_shared>>
      %dma_start3A_139 = arith.constant 0 : i32
      %dma_start3A_140 = tpu.memref_slice %arg11[%add3A_38, %dma_start3A_139] : memref<10240x128xf32, #tpu.memory_space<vmem_shared>> -> memref<32x128xf32, #tpu.memory_space<vmem_shared>>
      tpu.enqueue_dma source(%arg10 : memref<32x128xf32, #tpu.memory_space<vmem>>) target(%dma_start3A_140 : memref<32x128xf32, #tpu.memory_space<vmem_shared>>) target_semaphore(%run_scoped3A_136 : memref<!tpu.dma_semaphore, #tpu.memory_space<semaphore_mem>>)
      %dma_wait3A_141 = arith.constant 0 : i32
      %dma_wait3A_142 = tpu.memref_slice %arg11[%add3A_38, %dma_wait3A_141] : memref<10240x128xf32, #tpu.memory_space<vmem_shared>> -> memref<32x128xf32, #tpu.memory_space<vmem_shared>>
      %dma_wait3A_143 = arith.constant 0 : i32
      %dma_wait3A_144 = tpu.memref_slice %arg11[%add3A_38, %dma_wait3A_143] : memref<10240x128xf32, #tpu.memory_space<vmem_shared>> -> memref<32x128xf32, #tpu.memory_space<vmem_shared>>
      tpu.wait_dma2 semaphore(%run_scoped3A_136 : memref<!tpu.dma_semaphore, #tpu.memory_space<semaphore_mem>>) src(%arg10 : memref<32x128xf32, #tpu.memory_space<vmem>>) dst(%dma_wait3A_144 : memref<32x128xf32, #tpu.memory_space<vmem_shared>>)
      tpu.yield
    }) : () -> ()
    %mul3A_39 = arith.constant 640 : i32
    %mul3A_40 = arith.muli %arg1, %mul3A_39 : i32
    %add3A_41 = arith.constant 160 : i32
    %add3A_42 = arith.addi %mul3A_40, %add3A_41 : i32
    "tpu.region"() ({
      %run_scoped3A_136 = tpu.sem_alloc : memref<!tpu.dma_semaphore, #tpu.memory_space<semaphore_mem>>
      %dma_start3A_137 = arith.constant 0 : i32
      %dma_start3A_138 = tpu.memref_slice %arg11[%add3A_42, %dma_start3A_137] : memref<10240x128xf32, #tpu.memory_space<vmem_shared>> -> memref<32x128xf32, #tpu.memory_space<vmem_shared>>
      %dma_start3A_139 = arith.constant 0 : i32
      %dma_start3A_140 = tpu.memref_slice %arg11[%add3A_42, %dma_start3A_139] : memref<10240x128xf32, #tpu.memory_space<vmem_shared>> -> memref<32x128xf32, #tpu.memory_space<vmem_shared>>
      tpu.enqueue_dma source(%arg10 : memref<32x128xf32, #tpu.memory_space<vmem>>) target(%dma_start3A_140 : memref<32x128xf32, #tpu.memory_space<vmem_shared>>) target_semaphore(%run_scoped3A_136 : memref<!tpu.dma_semaphore, #tpu.memory_space<semaphore_mem>>)
      %dma_wait3A_141 = arith.constant 0 : i32
      %dma_wait3A_142 = tpu.memref_slice %arg11[%add3A_42, %dma_wait3A_141] : memref<10240x128xf32, #tpu.memory_space<vmem_shared>> -> memref<32x128xf32, #tpu.memory_space<vmem_shared>>
      %dma_wait3A_143 = arith.constant 0 : i32
      %dma_wait3A_144 = tpu.memref_slice %arg11[%add3A_42, %dma_wait3A_143] : memref<10240x128xf32, #tpu.memory_space<vmem_shared>> -> memref<32x128xf32, #tpu.memory_space<vmem_shared>>
      tpu.wait_dma2 semaphore(%run_scoped3A_136 : memref<!tpu.dma_semaphore, #tpu.memory_space<semaphore_mem>>) src(%arg10 : memref<32x128xf32, #tpu.memory_space<vmem>>) dst(%dma_wait3A_144 : memref<32x128xf32, #tpu.memory_space<vmem_shared>>)
      tpu.yield
    }) : () -> ()
    %mul3A_43 = arith.constant 640 : i32
    %mul3A_44 = arith.muli %arg1, %mul3A_43 : i32
    %add3A_45 = arith.constant 192 : i32
    %add3A_46 = arith.addi %mul3A_44, %add3A_45 : i32
    "tpu.region"() ({
      %run_scoped3A_136 = tpu.sem_alloc : memref<!tpu.dma_semaphore, #tpu.memory_space<semaphore_mem>>
      %dma_start3A_137 = arith.constant 0 : i32
      %dma_start3A_138 = tpu.memref_slice %arg11[%add3A_46, %dma_start3A_137] : memref<10240x128xf32, #tpu.memory_space<vmem_shared>> -> memref<32x128xf32, #tpu.memory_space<vmem_shared>>
      %dma_start3A_139 = arith.constant 0 : i32
      %dma_start3A_140 = tpu.memref_slice %arg11[%add3A_46, %dma_start3A_139] : memref<10240x128xf32, #tpu.memory_space<vmem_shared>> -> memref<32x128xf32, #tpu.memory_space<vmem_shared>>
      tpu.enqueue_dma source(%arg10 : memref<32x128xf32, #tpu.memory_space<vmem>>) target(%dma_start3A_140 : memref<32x128xf32, #tpu.memory_space<vmem_shared>>) target_semaphore(%run_scoped3A_136 : memref<!tpu.dma_semaphore, #tpu.memory_space<semaphore_mem>>)
      %dma_wait3A_141 = arith.constant 0 : i32
      %dma_wait3A_142 = tpu.memref_slice %arg11[%add3A_46, %dma_wait3A_141] : memref<10240x128xf32, #tpu.memory_space<vmem_shared>> -> memref<32x128xf32, #tpu.memory_space<vmem_shared>>
      %dma_wait3A_143 = arith.constant 0 : i32
      %dma_wait3A_144 = tpu.memref_slice %arg11[%add3A_46, %dma_wait3A_143] : memref<10240x128xf32, #tpu.memory_space<vmem_shared>> -> memref<32x128xf32, #tpu.memory_space<vmem_shared>>
      tpu.wait_dma2 semaphore(%run_scoped3A_136 : memref<!tpu.dma_semaphore, #tpu.memory_space<semaphore_mem>>) src(%arg10 : memref<32x128xf32, #tpu.memory_space<vmem>>) dst(%dma_wait3A_144 : memref<32x128xf32, #tpu.memory_space<vmem_shared>>)
      tpu.yield
    }) : () -> ()
    %mul3A_47 = arith.constant 640 : i32
    %mul3A_48 = arith.muli %arg1, %mul3A_47 : i32
    %add3A_49 = arith.constant 224 : i32
    %add3A_50 = arith.addi %mul3A_48, %add3A_49 : i32
    "tpu.region"() ({
      %run_scoped3A_136 = tpu.sem_alloc : memref<!tpu.dma_semaphore, #tpu.memory_space<semaphore_mem>>
      %dma_start3A_137 = arith.constant 0 : i32
      %dma_start3A_138 = tpu.memref_slice %arg11[%add3A_50, %dma_start3A_137] : memref<10240x128xf32, #tpu.memory_space<vmem_shared>> -> memref<32x128xf32, #tpu.memory_space<vmem_shared>>
      %dma_start3A_139 = arith.constant 0 : i32
      %dma_start3A_140 = tpu.memref_slice %arg11[%add3A_50, %dma_start3A_139] : memref<10240x128xf32, #tpu.memory_space<vmem_shared>> -> memref<32x128xf32, #tpu.memory_space<vmem_shared>>
      tpu.enqueue_dma source(%arg10 : memref<32x128xf32, #tpu.memory_space<vmem>>) target(%dma_start3A_140 : memref<32x128xf32, #tpu.memory_space<vmem_shared>>) target_semaphore(%run_scoped3A_136 : memref<!tpu.dma_semaphore, #tpu.memory_space<semaphore_mem>>)
      %dma_wait3A_141 = arith.constant 0 : i32
      %dma_wait3A_142 = tpu.memref_slice %arg11[%add3A_50, %dma_wait3A_141] : memref<10240x128xf32, #tpu.memory_space<vmem_shared>> -> memref<32x128xf32, #tpu.memory_space<vmem_shared>>
      %dma_wait3A_143 = arith.constant 0 : i32
      %dma_wait3A_144 = tpu.memref_slice %arg11[%add3A_50, %dma_wait3A_143] : memref<10240x128xf32, #tpu.memory_space<vmem_shared>> -> memref<32x128xf32, #tpu.memory_space<vmem_shared>>
      tpu.wait_dma2 semaphore(%run_scoped3A_136 : memref<!tpu.dma_semaphore, #tpu.memory_space<semaphore_mem>>) src(%arg10 : memref<32x128xf32, #tpu.memory_space<vmem>>) dst(%dma_wait3A_144 : memref<32x128xf32, #tpu.memory_space<vmem_shared>>)
      tpu.yield
    }) : () -> ()
    %mul3A_51 = arith.constant 640 : i32
    %mul3A_52 = arith.muli %arg1, %mul3A_51 : i32
    %add3A_53 = arith.constant 256 : i32
    %add3A_54 = arith.addi %mul3A_52, %add3A_53 : i32
    "tpu.region"() ({
      %run_scoped3A_136 = tpu.sem_alloc : memref<!tpu.dma_semaphore, #tpu.memory_space<semaphore_mem>>
      %dma_start3A_137 = arith.constant 0 : i32
      %dma_start3A_138 = tpu.memref_slice %arg11[%add3A_54, %dma_start3A_137] : memref<10240x128xf32, #tpu.memory_space<vmem_shared>> -> memref<32x128xf32, #tpu.memory_space<vmem_shared>>
      %dma_start3A_139 = arith.constant 0 : i32
      %dma_start3A_140 = tpu.memref_slice %arg11[%add3A_54, %dma_start3A_139] : memref<10240x128xf32, #tpu.memory_space<vmem_shared>> -> memref<32x128xf32, #tpu.memory_space<vmem_shared>>
      tpu.enqueue_dma source(%arg10 : memref<32x128xf32, #tpu.memory_space<vmem>>) target(%dma_start3A_140 : memref<32x128xf32, #tpu.memory_space<vmem_shared>>) target_semaphore(%run_scoped3A_136 : memref<!tpu.dma_semaphore, #tpu.memory_space<semaphore_mem>>)
      %dma_wait3A_141 = arith.constant 0 : i32
      %dma_wait3A_142 = tpu.memref_slice %arg11[%add3A_54, %dma_wait3A_141] : memref<10240x128xf32, #tpu.memory_space<vmem_shared>> -> memref<32x128xf32, #tpu.memory_space<vmem_shared>>
      %dma_wait3A_143 = arith.constant 0 : i32
      %dma_wait3A_144 = tpu.memref_slice %arg11[%add3A_54, %dma_wait3A_143] : memref<10240x128xf32, #tpu.memory_space<vmem_shared>> -> memref<32x128xf32, #tpu.memory_space<vmem_shared>>
      tpu.wait_dma2 semaphore(%run_scoped3A_136 : memref<!tpu.dma_semaphore, #tpu.memory_space<semaphore_mem>>) src(%arg10 : memref<32x128xf32, #tpu.memory_space<vmem>>) dst(%dma_wait3A_144 : memref<32x128xf32, #tpu.memory_space<vmem_shared>>)
      tpu.yield
    }) : () -> ()
    %mul3A_55 = arith.constant 640 : i32
    %mul3A_56 = arith.muli %arg1, %mul3A_55 : i32
    %add3A_57 = arith.constant 288 : i32
    %add3A_58 = arith.addi %mul3A_56, %add3A_57 : i32
    "tpu.region"() ({
      %run_scoped3A_136 = tpu.sem_alloc : memref<!tpu.dma_semaphore, #tpu.memory_space<semaphore_mem>>
      %dma_start3A_137 = arith.constant 0 : i32
      %dma_start3A_138 = tpu.memref_slice %arg11[%add3A_58, %dma_start3A_137] : memref<10240x128xf32, #tpu.memory_space<vmem_shared>> -> memref<32x128xf32, #tpu.memory_space<vmem_shared>>
      %dma_start3A_139 = arith.constant 0 : i32
      %dma_start3A_140 = tpu.memref_slice %arg11[%add3A_58, %dma_start3A_139] : memref<10240x128xf32, #tpu.memory_space<vmem_shared>> -> memref<32x128xf32, #tpu.memory_space<vmem_shared>>
      tpu.enqueue_dma source(%arg10 : memref<32x128xf32, #tpu.memory_space<vmem>>) target(%dma_start3A_140 : memref<32x128xf32, #tpu.memory_space<vmem_shared>>) target_semaphore(%run_scoped3A_136 : memref<!tpu.dma_semaphore, #tpu.memory_space<semaphore_mem>>)
      %dma_wait3A_141 = arith.constant 0 : i32
      %dma_wait3A_142 = tpu.memref_slice %arg11[%add3A_58, %dma_wait3A_141] : memref<10240x128xf32, #tpu.memory_space<vmem_shared>> -> memref<32x128xf32, #tpu.memory_space<vmem_shared>>
      %dma_wait3A_143 = arith.constant 0 : i32
      %dma_wait3A_144 = tpu.memref_slice %arg11[%add3A_58, %dma_wait3A_143] : memref<10240x128xf32, #tpu.memory_space<vmem_shared>> -> memref<32x128xf32, #tpu.memory_space<vmem_shared>>
      tpu.wait_dma2 semaphore(%run_scoped3A_136 : memref<!tpu.dma_semaphore, #tpu.memory_space<semaphore_mem>>) src(%arg10 : memref<32x128xf32, #tpu.memory_space<vmem>>) dst(%dma_wait3A_144 : memref<32x128xf32, #tpu.memory_space<vmem_shared>>)
      tpu.yield
    }) : () -> ()
    %mul3A_59 = arith.constant 640 : i32
    %mul3A_60 = arith.muli %arg1, %mul3A_59 : i32
    %add3A_61 = arith.constant 320 : i32
    %add3A_62 = arith.addi %mul3A_60, %add3A_61 : i32
    "tpu.region"() ({
      %run_scoped3A_136 = tpu.sem_alloc : memref<!tpu.dma_semaphore, #tpu.memory_space<semaphore_mem>>
      %dma_start3A_137 = arith.constant 0 : i32
      %dma_start3A_138 = tpu.memref_slice %arg11[%add3A_62, %dma_start3A_137] : memref<10240x128xf32, #tpu.memory_space<vmem_shared>> -> memref<32x128xf32, #tpu.memory_space<vmem_shared>>
      %dma_start3A_139 = arith.constant 0 : i32
      %dma_start3A_140 = tpu.memref_slice %arg11[%add3A_62, %dma_start3A_139] : memref<10240x128xf32, #tpu.memory_space<vmem_shared>> -> memref<32x128xf32, #tpu.memory_space<vmem_shared>>
      tpu.enqueue_dma source(%arg10 : memref<32x128xf32, #tpu.memory_space<vmem>>) target(%dma_start3A_140 : memref<32x128xf32, #tpu.memory_space<vmem_shared>>) target_semaphore(%run_scoped3A_136 : memref<!tpu.dma_semaphore, #tpu.memory_space<semaphore_mem>>)
      %dma_wait3A_141 = arith.constant 0 : i32
      %dma_wait3A_142 = tpu.memref_slice %arg11[%add3A_62, %dma_wait3A_141] : memref<10240x128xf32, #tpu.memory_space<vmem_shared>> -> memref<32x128xf32, #tpu.memory_space<vmem_shared>>
      %dma_wait3A_143 = arith.constant 0 : i32
      %dma_wait3A_144 = tpu.memref_slice %arg11[%add3A_62, %dma_wait3A_143] : memref<10240x128xf32, #tpu.memory_space<vmem_shared>> -> memref<32x128xf32, #tpu.memory_space<vmem_shared>>
      tpu.wait_dma2 semaphore(%run_scoped3A_136 : memref<!tpu.dma_semaphore, #tpu.memory_space<semaphore_mem>>) src(%arg10 : memref<32x128xf32, #tpu.memory_space<vmem>>) dst(%dma_wait3A_144 : memref<32x128xf32, #tpu.memory_space<vmem_shared>>)
      tpu.yield
    }) : () -> ()
    %mul3A_63 = arith.constant 640 : i32
    %mul3A_64 = arith.muli %arg1, %mul3A_63 : i32
    %add3A_65 = arith.constant 352 : i32
    %add3A_66 = arith.addi %mul3A_64, %add3A_65 : i32
    "tpu.region"() ({
      %run_scoped3A_136 = tpu.sem_alloc : memref<!tpu.dma_semaphore, #tpu.memory_space<semaphore_mem>>
      %dma_start3A_137 = arith.constant 0 : i32
      %dma_start3A_138 = tpu.memref_slice %arg11[%add3A_66, %dma_start3A_137] : memref<10240x128xf32, #tpu.memory_space<vmem_shared>> -> memref<32x128xf32, #tpu.memory_space<vmem_shared>>
      %dma_start3A_139 = arith.constant 0 : i32
      %dma_start3A_140 = tpu.memref_slice %arg11[%add3A_66, %dma_start3A_139] : memref<10240x128xf32, #tpu.memory_space<vmem_shared>> -> memref<32x128xf32, #tpu.memory_space<vmem_shared>>
      tpu.enqueue_dma source(%arg10 : memref<32x128xf32, #tpu.memory_space<vmem>>) target(%dma_start3A_140 : memref<32x128xf32, #tpu.memory_space<vmem_shared>>) target_semaphore(%run_scoped3A_136 : memref<!tpu.dma_semaphore, #tpu.memory_space<semaphore_mem>>)
      %dma_wait3A_141 = arith.constant 0 : i32
      %dma_wait3A_142 = tpu.memref_slice %arg11[%add3A_66, %dma_wait3A_141] : memref<10240x128xf32, #tpu.memory_space<vmem_shared>> -> memref<32x128xf32, #tpu.memory_space<vmem_shared>>
      %dma_wait3A_143 = arith.constant 0 : i32
      %dma_wait3A_144 = tpu.memref_slice %arg11[%add3A_66, %dma_wait3A_143] : memref<10240x128xf32, #tpu.memory_space<vmem_shared>> -> memref<32x128xf32, #tpu.memory_space<vmem_shared>>
      tpu.wait_dma2 semaphore(%run_scoped3A_136 : memref<!tpu.dma_semaphore, #tpu.memory_space<semaphore_mem>>) src(%arg10 : memref<32x128xf32, #tpu.memory_space<vmem>>) dst(%dma_wait3A_144 : memref<32x128xf32, #tpu.memory_space<vmem_shared>>)
      tpu.yield
    }) : () -> ()
    %mul3A_67 = arith.constant 640 : i32
    %mul3A_68 = arith.muli %arg1, %mul3A_67 : i32
    %add3A_69 = arith.constant 384 : i32
    %add3A_70 = arith.addi %mul3A_68, %add3A_69 : i32
    "tpu.region"() ({
      %run_scoped3A_136 = tpu.sem_alloc : memref<!tpu.dma_semaphore, #tpu.memory_space<semaphore_mem>>
      %dma_start3A_137 = arith.constant 0 : i32
      %dma_start3A_138 = tpu.memref_slice %arg11[%add3A_70, %dma_start3A_137] : memref<10240x128xf32, #tpu.memory_space<vmem_shared>> -> memref<32x128xf32, #tpu.memory_space<vmem_shared>>
      %dma_start3A_139 = arith.constant 0 : i32
      %dma_start3A_140 = tpu.memref_slice %arg11[%add3A_70, %dma_start3A_139] : memref<10240x128xf32, #tpu.memory_space<vmem_shared>> -> memref<32x128xf32, #tpu.memory_space<vmem_shared>>
      tpu.enqueue_dma source(%arg10 : memref<32x128xf32, #tpu.memory_space<vmem>>) target(%dma_start3A_140 : memref<32x128xf32, #tpu.memory_space<vmem_shared>>) target_semaphore(%run_scoped3A_136 : memref<!tpu.dma_semaphore, #tpu.memory_space<semaphore_mem>>)
      %dma_wait3A_141 = arith.constant 0 : i32
      %dma_wait3A_142 = tpu.memref_slice %arg11[%add3A_70, %dma_wait3A_141] : memref<10240x128xf32, #tpu.memory_space<vmem_shared>> -> memref<32x128xf32, #tpu.memory_space<vmem_shared>>
      %dma_wait3A_143 = arith.constant 0 : i32
      %dma_wait3A_144 = tpu.memref_slice %arg11[%add3A_70, %dma_wait3A_143] : memref<10240x128xf32, #tpu.memory_space<vmem_shared>> -> memref<32x128xf32, #tpu.memory_space<vmem_shared>>
      tpu.wait_dma2 semaphore(%run_scoped3A_136 : memref<!tpu.dma_semaphore, #tpu.memory_space<semaphore_mem>>) src(%arg10 : memref<32x128xf32, #tpu.memory_space<vmem>>) dst(%dma_wait3A_144 : memref<32x128xf32, #tpu.memory_space<vmem_shared>>)
      tpu.yield
    }) : () -> ()
    %mul3A_71 = arith.constant 640 : i32
    %mul3A_72 = arith.muli %arg1, %mul3A_71 : i32
    %add3A_73 = arith.constant 416 : i32
    %add3A_74 = arith.addi %mul3A_72, %add3A_73 : i32
    "tpu.region"() ({
      %run_scoped3A_136 = tpu.sem_alloc : memref<!tpu.dma_semaphore, #tpu.memory_space<semaphore_mem>>
      %dma_start3A_137 = arith.constant 0 : i32
      %dma_start3A_138 = tpu.memref_slice %arg11[%add3A_74, %dma_start3A_137] : memref<10240x128xf32, #tpu.memory_space<vmem_shared>> -> memref<32x128xf32, #tpu.memory_space<vmem_shared>>
      %dma_start3A_139 = arith.constant 0 : i32
      %dma_start3A_140 = tpu.memref_slice %arg11[%add3A_74, %dma_start3A_139] : memref<10240x128xf32, #tpu.memory_space<vmem_shared>> -> memref<32x128xf32, #tpu.memory_space<vmem_shared>>
      tpu.enqueue_dma source(%arg10 : memref<32x128xf32, #tpu.memory_space<vmem>>) target(%dma_start3A_140 : memref<32x128xf32, #tpu.memory_space<vmem_shared>>) target_semaphore(%run_scoped3A_136 : memref<!tpu.dma_semaphore, #tpu.memory_space<semaphore_mem>>)
      %dma_wait3A_141 = arith.constant 0 : i32
      %dma_wait3A_142 = tpu.memref_slice %arg11[%add3A_74, %dma_wait3A_141] : memref<10240x128xf32, #tpu.memory_space<vmem_shared>> -> memref<32x128xf32, #tpu.memory_space<vmem_shared>>
      %dma_wait3A_143 = arith.constant 0 : i32
      %dma_wait3A_144 = tpu.memref_slice %arg11[%add3A_74, %dma_wait3A_143] : memref<10240x128xf32, #tpu.memory_space<vmem_shared>> -> memref<32x128xf32, #tpu.memory_space<vmem_shared>>
      tpu.wait_dma2 semaphore(%run_scoped3A_136 : memref<!tpu.dma_semaphore, #tpu.memory_space<semaphore_mem>>) src(%arg10 : memref<32x128xf32, #tpu.memory_space<vmem>>) dst(%dma_wait3A_144 : memref<32x128xf32, #tpu.memory_space<vmem_shared>>)
      tpu.yield
    }) : () -> ()
    %mul3A_75 = arith.constant 640 : i32
    %mul3A_76 = arith.muli %arg1, %mul3A_75 : i32
    %add3A_77 = arith.constant 448 : i32
    %add3A_78 = arith.addi %mul3A_76, %add3A_77 : i32
    "tpu.region"() ({
      %run_scoped3A_136 = tpu.sem_alloc : memref<!tpu.dma_semaphore, #tpu.memory_space<semaphore_mem>>
      %dma_start3A_137 = arith.constant 0 : i32
      %dma_start3A_138 = tpu.memref_slice %arg11[%add3A_78, %dma_start3A_137] : memref<10240x128xf32, #tpu.memory_space<vmem_shared>> -> memref<32x128xf32, #tpu.memory_space<vmem_shared>>
      %dma_start3A_139 = arith.constant 0 : i32
      %dma_start3A_140 = tpu.memref_slice %arg11[%add3A_78, %dma_start3A_139] : memref<10240x128xf32, #tpu.memory_space<vmem_shared>> -> memref<32x128xf32, #tpu.memory_space<vmem_shared>>
      tpu.enqueue_dma source(%arg10 : memref<32x128xf32, #tpu.memory_space<vmem>>) target(%dma_start3A_140 : memref<32x128xf32, #tpu.memory_space<vmem_shared>>) target_semaphore(%run_scoped3A_136 : memref<!tpu.dma_semaphore, #tpu.memory_space<semaphore_mem>>)
      %dma_wait3A_141 = arith.constant 0 : i32
      %dma_wait3A_142 = tpu.memref_slice %arg11[%add3A_78, %dma_wait3A_141] : memref<10240x128xf32, #tpu.memory_space<vmem_shared>> -> memref<32x128xf32, #tpu.memory_space<vmem_shared>>
      %dma_wait3A_143 = arith.constant 0 : i32
      %dma_wait3A_144 = tpu.memref_slice %arg11[%add3A_78, %dma_wait3A_143] : memref<10240x128xf32, #tpu.memory_space<vmem_shared>> -> memref<32x128xf32, #tpu.memory_space<vmem_shared>>
      tpu.wait_dma2 semaphore(%run_scoped3A_136 : memref<!tpu.dma_semaphore, #tpu.memory_space<semaphore_mem>>) src(%arg10 : memref<32x128xf32, #tpu.memory_space<vmem>>) dst(%dma_wait3A_144 : memref<32x128xf32, #tpu.memory_space<vmem_shared>>)
      tpu.yield
    }) : () -> ()
    %mul3A_79 = arith.constant 640 : i32
    %mul3A_80 = arith.muli %arg1, %mul3A_79 : i32
    %add3A_81 = arith.constant 480 : i32
    %add3A_82 = arith.addi %mul3A_80, %add3A_81 : i32
    "tpu.region"() ({
      %run_scoped3A_136 = tpu.sem_alloc : memref<!tpu.dma_semaphore, #tpu.memory_space<semaphore_mem>>
      %dma_start3A_137 = arith.constant 0 : i32
      %dma_start3A_138 = tpu.memref_slice %arg11[%add3A_82, %dma_start3A_137] : memref<10240x128xf32, #tpu.memory_space<vmem_shared>> -> memref<32x128xf32, #tpu.memory_space<vmem_shared>>
      %dma_start3A_139 = arith.constant 0 : i32
      %dma_start3A_140 = tpu.memref_slice %arg11[%add3A_82, %dma_start3A_139] : memref<10240x128xf32, #tpu.memory_space<vmem_shared>> -> memref<32x128xf32, #tpu.memory_space<vmem_shared>>
      tpu.enqueue_dma source(%arg10 : memref<32x128xf32, #tpu.memory_space<vmem>>) target(%dma_start3A_140 : memref<32x128xf32, #tpu.memory_space<vmem_shared>>) target_semaphore(%run_scoped3A_136 : memref<!tpu.dma_semaphore, #tpu.memory_space<semaphore_mem>>)
      %dma_wait3A_141 = arith.constant 0 : i32
      %dma_wait3A_142 = tpu.memref_slice %arg11[%add3A_82, %dma_wait3A_141] : memref<10240x128xf32, #tpu.memory_space<vmem_shared>> -> memref<32x128xf32, #tpu.memory_space<vmem_shared>>
      %dma_wait3A_143 = arith.constant 0 : i32
      %dma_wait3A_144 = tpu.memref_slice %arg11[%add3A_82, %dma_wait3A_143] : memref<10240x128xf32, #tpu.memory_space<vmem_shared>> -> memref<32x128xf32, #tpu.memory_space<vmem_shared>>
      tpu.wait_dma2 semaphore(%run_scoped3A_136 : memref<!tpu.dma_semaphore, #tpu.memory_space<semaphore_mem>>) src(%arg10 : memref<32x128xf32, #tpu.memory_space<vmem>>) dst(%dma_wait3A_144 : memref<32x128xf32, #tpu.memory_space<vmem_shared>>)
      tpu.yield
    }) : () -> ()
    %mul3A_83 = arith.constant 640 : i32
    %mul3A_84 = arith.muli %arg1, %mul3A_83 : i32
    %add3A_85 = arith.constant 512 : i32
    %add3A_86 = arith.addi %mul3A_84, %add3A_85 : i32
    "tpu.region"() ({
      %run_scoped3A_136 = tpu.sem_alloc : memref<!tpu.dma_semaphore, #tpu.memory_space<semaphore_mem>>
      %dma_start3A_137 = arith.constant 0 : i32
      %dma_start3A_138 = tpu.memref_slice %arg11[%add3A_86, %dma_start3A_137] : memref<10240x128xf32, #tpu.memory_space<vmem_shared>> -> memref<32x128xf32, #tpu.memory_space<vmem_shared>>
      %dma_start3A_139 = arith.constant 0 : i32
      %dma_start3A_140 = tpu.memref_slice %arg11[%add3A_86, %dma_start3A_139] : memref<10240x128xf32, #tpu.memory_space<vmem_shared>> -> memref<32x128xf32, #tpu.memory_space<vmem_shared>>
      tpu.enqueue_dma source(%arg10 : memref<32x128xf32, #tpu.memory_space<vmem>>) target(%dma_start3A_140 : memref<32x128xf32, #tpu.memory_space<vmem_shared>>) target_semaphore(%run_scoped3A_136 : memref<!tpu.dma_semaphore, #tpu.memory_space<semaphore_mem>>)
      %dma_wait3A_141 = arith.constant 0 : i32
      %dma_wait3A_142 = tpu.memref_slice %arg11[%add3A_86, %dma_wait3A_141] : memref<10240x128xf32, #tpu.memory_space<vmem_shared>> -> memref<32x128xf32, #tpu.memory_space<vmem_shared>>
      %dma_wait3A_143 = arith.constant 0 : i32
      %dma_wait3A_144 = tpu.memref_slice %arg11[%add3A_86, %dma_wait3A_143] : memref<10240x128xf32, #tpu.memory_space<vmem_shared>> -> memref<32x128xf32, #tpu.memory_space<vmem_shared>>
      tpu.wait_dma2 semaphore(%run_scoped3A_136 : memref<!tpu.dma_semaphore, #tpu.memory_space<semaphore_mem>>) src(%arg10 : memref<32x128xf32, #tpu.memory_space<vmem>>) dst(%dma_wait3A_144 : memref<32x128xf32, #tpu.memory_space<vmem_shared>>)
      tpu.yield
    }) : () -> ()
    %mul3A_87 = arith.constant 640 : i32
    %mul3A_88 = arith.muli %arg1, %mul3A_87 : i32
    %add3A_89 = arith.constant 544 : i32
    %add3A_90 = arith.addi %mul3A_88, %add3A_89 : i32
    "tpu.region"() ({
      %run_scoped3A_136 = tpu.sem_alloc : memref<!tpu.dma_semaphore, #tpu.memory_space<semaphore_mem>>
      %dma_start3A_137 = arith.constant 0 : i32
      %dma_start3A_138 = tpu.memref_slice %arg11[%add3A_90, %dma_start3A_137] : memref<10240x128xf32, #tpu.memory_space<vmem_shared>> -> memref<32x128xf32, #tpu.memory_space<vmem_shared>>
      %dma_start3A_139 = arith.constant 0 : i32
      %dma_start3A_140 = tpu.memref_slice %arg11[%add3A_90, %dma_start3A_139] : memref<10240x128xf32, #tpu.memory_space<vmem_shared>> -> memref<32x128xf32, #tpu.memory_space<vmem_shared>>
      tpu.enqueue_dma source(%arg10 : memref<32x128xf32, #tpu.memory_space<vmem>>) target(%dma_start3A_140 : memref<32x128xf32, #tpu.memory_space<vmem_shared>>) target_semaphore(%run_scoped3A_136 : memref<!tpu.dma_semaphore, #tpu.memory_space<semaphore_mem>>)
      %dma_wait3A_141 = arith.constant 0 : i32
      %dma_wait3A_142 = tpu.memref_slice %arg11[%add3A_90, %dma_wait3A_141] : memref<10240x128xf32, #tpu.memory_space<vmem_shared>> -> memref<32x128xf32, #tpu.memory_space<vmem_shared>>
      %dma_wait3A_143 = arith.constant 0 : i32
      %dma_wait3A_144 = tpu.memref_slice %arg11[%add3A_90, %dma_wait3A_143] : memref<10240x128xf32, #tpu.memory_space<vmem_shared>> -> memref<32x128xf32, #tpu.memory_space<vmem_shared>>
      tpu.wait_dma2 semaphore(%run_scoped3A_136 : memref<!tpu.dma_semaphore, #tpu.memory_space<semaphore_mem>>) src(%arg10 : memref<32x128xf32, #tpu.memory_space<vmem>>) dst(%dma_wait3A_144 : memref<32x128xf32, #tpu.memory_space<vmem_shared>>)
      tpu.yield
    }) : () -> ()
    %mul3A_91 = arith.constant 640 : i32
    %mul3A_92 = arith.muli %arg1, %mul3A_91 : i32
    %add3A_93 = arith.constant 576 : i32
    %add3A_94 = arith.addi %mul3A_92, %add3A_93 : i32
    "tpu.region"() ({
      %run_scoped3A_136 = tpu.sem_alloc : memref<!tpu.dma_semaphore, #tpu.memory_space<semaphore_mem>>
      %dma_start3A_137 = arith.constant 0 : i32
      %dma_start3A_138 = tpu.memref_slice %arg11[%add3A_94, %dma_start3A_137] : memref<10240x128xf32, #tpu.memory_space<vmem_shared>> -> memref<32x128xf32, #tpu.memory_space<vmem_shared>>
      %dma_start3A_139 = arith.constant 0 : i32
      %dma_start3A_140 = tpu.memref_slice %arg11[%add3A_94, %dma_start3A_139] : memref<10240x128xf32, #tpu.memory_space<vmem_shared>> -> memref<32x128xf32, #tpu.memory_space<vmem_shared>>
      tpu.enqueue_dma source(%arg10 : memref<32x128xf32, #tpu.memory_space<vmem>>) target(%dma_start3A_140 : memref<32x128xf32, #tpu.memory_space<vmem_shared>>) target_semaphore(%run_scoped3A_136 : memref<!tpu.dma_semaphore, #tpu.memory_space<semaphore_mem>>)
      %dma_wait3A_141 = arith.constant 0 : i32
      %dma_wait3A_142 = tpu.memref_slice %arg11[%add3A_94, %dma_wait3A_141] : memref<10240x128xf32, #tpu.memory_space<vmem_shared>> -> memref<32x128xf32, #tpu.memory_space<vmem_shared>>
      %dma_wait3A_143 = arith.constant 0 : i32
      %dma_wait3A_144 = tpu.memref_slice %arg11[%add3A_94, %dma_wait3A_143] : memref<10240x128xf32, #tpu.memory_space<vmem_shared>> -> memref<32x128xf32, #tpu.memory_space<vmem_shared>>
      tpu.wait_dma2 semaphore(%run_scoped3A_136 : memref<!tpu.dma_semaphore, #tpu.memory_space<semaphore_mem>>) src(%arg10 : memref<32x128xf32, #tpu.memory_space<vmem>>) dst(%dma_wait3A_144 : memref<32x128xf32, #tpu.memory_space<vmem_shared>>)
      tpu.yield
    }) : () -> ()
    %mul3A_95 = arith.constant 640 : i32
    %mul3A_96 = arith.muli %arg1, %mul3A_95 : i32
    %add3A_97 = arith.constant 608 : i32
    %add3A_98 = arith.addi %mul3A_96, %add3A_97 : i32
    "tpu.region"() ({
      %run_scoped3A_136 = tpu.sem_alloc : memref<!tpu.dma_semaphore, #tpu.memory_space<semaphore_mem>>
      %dma_start3A_137 = arith.constant 0 : i32
      %dma_start3A_138 = tpu.memref_slice %arg11[%add3A_98, %dma_start3A_137] : memref<10240x128xf32, #tpu.memory_space<vmem_shared>> -> memref<32x128xf32, #tpu.memory_space<vmem_shared>>
      %dma_start3A_139 = arith.constant 0 : i32
      %dma_start3A_140 = tpu.memref_slice %arg11[%add3A_98, %dma_start3A_139] : memref<10240x128xf32, #tpu.memory_space<vmem_shared>> -> memref<32x128xf32, #tpu.memory_space<vmem_shared>>
      tpu.enqueue_dma source(%arg10 : memref<32x128xf32, #tpu.memory_space<vmem>>) target(%dma_start3A_140 : memref<32x128xf32, #tpu.memory_space<vmem_shared>>) target_semaphore(%run_scoped3A_136 : memref<!tpu.dma_semaphore, #tpu.memory_space<semaphore_mem>>)
      %dma_wait3A_141 = arith.constant 0 : i32
      %dma_wait3A_142 = tpu.memref_slice %arg11[%add3A_98, %dma_wait3A_141] : memref<10240x128xf32, #tpu.memory_space<vmem_shared>> -> memref<32x128xf32, #tpu.memory_space<vmem_shared>>
      %dma_wait3A_143 = arith.constant 0 : i32
      %dma_wait3A_144 = tpu.memref_slice %arg11[%add3A_98, %dma_wait3A_143] : memref<10240x128xf32, #tpu.memory_space<vmem_shared>> -> memref<32x128xf32, #tpu.memory_space<vmem_shared>>
      tpu.wait_dma2 semaphore(%run_scoped3A_136 : memref<!tpu.dma_semaphore, #tpu.memory_space<semaphore_mem>>) src(%arg10 : memref<32x128xf32, #tpu.memory_space<vmem>>) dst(%dma_wait3A_144 : memref<32x128xf32, #tpu.memory_space<vmem_shared>>)
      tpu.yield
    }) : () -> ()
    %barrier3A = arith.constant 0 : index
    tpu.barrier barrier_id(%barrier3A)
    %scan3A_99 = arith.constant 0 : i32
    %scan3A_100 = arith.constant 0 : i32
    %scan3A_101 = arith.constant 20 : i32
    %scan3A_102 = arith.addi %scan3A_100, %scan3A_101 : i32
    %scan3A_103 = arith.constant 1 : i32
    scf.for %scan3A_136 = %scan3A_100 to %scan3A_102 step %scan3A_103  : i32 {
      %mul3A_137 = arith.constant 2 : i32
      %mul3A_138 = arith.muli %mul3A_137, %scan3A_136 : i32
      %add3A_139 = arith.constant 1 : i32
      %add3A_140 = arith.addi %mul3A_138, %add3A_139 : i32
      %dma_wait3A_141 = arith.constant 0 : i32
      %dma_wait3A_142 = tpu.memref_slice %arg6[%mul3A_138, %dma_wait3A_141] : memref<40x128xi32, #tpu.memory_space<vmem>> -> memref<1x128xi32, #tpu.memory_space<vmem>>
      %dma_wait3A_143 = tpu.memref_squeeze %dma_wait3A_142 : memref<1x128xi32, #tpu.memory_space<vmem>> -> memref<128xi32, #tpu.memory_space<vmem>>
      %dma_wait3A_144 = arith.constant 0 : i32
      %dma_wait3A_145 = arith.constant 0 : i32
      %dma_wait3A_146 = tpu.memref_slice %arg2[%dma_wait3A_144, %dma_wait3A_145] : memref<10000x128xf32, #tpu.memory_space<hbm>> -> memref<10000x128xf32, #tpu.memory_space<hbm>>
      tpu.wait_indirect_dma semaphore(%arg12 : memref<!tpu.dma_semaphore, #tpu.memory_space<semaphore_mem>>) src(%dma_wait3A_146 : memref<10000x128xf32, #tpu.memory_space<hbm>>) dst(%arg8 : memref<128x128xf32, #tpu.memory_space<vmem>>)
      "tpu.region"() ({
        %run_scoped3A_164 = tpu.sem_alloc : memref<!tpu.dma_semaphore, #tpu.memory_space<semaphore_mem>>
        %dma_start3A_165 = arith.constant 0 : i32
        %dma_start3A_166 = tpu.memref_slice %arg7[%mul3A_138, %dma_start3A_165] : memref<40x128xi32, #tpu.memory_space<vmem>> -> memref<1x128xi32, #tpu.memory_space<vmem>>
        %dma_start3A_167 = tpu.memref_squeeze %dma_start3A_166 : memref<1x128xi32, #tpu.memory_space<vmem>> -> memref<128xi32, #tpu.memory_space<vmem>>
        %dma_start3A_168 = arith.constant 0 : i32
        %dma_start3A_169 = arith.constant 0 : i32
        %dma_start3A_170 = tpu.memref_slice %arg11[%dma_start3A_168, %dma_start3A_169] : memref<10240x128xf32, #tpu.memory_space<vmem_shared>> -> memref<10240x128xf32, #tpu.memory_space<vmem_shared>>
        tpu.enqueue_indirect_dma source(%arg8 : memref<128x128xf32, #tpu.memory_space<vmem>>) target(%dma_start3A_170 : memref<10240x128xf32, #tpu.memory_space<vmem_shared>>) offsets(%dma_start3A_167 : memref<128xi32, #tpu.memory_space<vmem>>) semaphore(%run_scoped3A_164 : memref<!tpu.dma_semaphore, #tpu.memory_space<semaphore_mem>>) {add = true}
        %dma_wait3A_171 = arith.constant 0 : i32
        %dma_wait3A_172 = tpu.memref_slice %arg7[%mul3A_138, %dma_wait3A_171] : memref<40x128xi32, #tpu.memory_space<vmem>> -> memref<1x128xi32, #tpu.memory_space<vmem>>
        %dma_wait3A_173 = tpu.memref_squeeze %dma_wait3A_172 : memref<1x128xi32, #tpu.memory_space<vmem>> -> memref<128xi32, #tpu.memory_space<vmem>>
        %dma_wait3A_174 = arith.constant 0 : i32
        %dma_wait3A_175 = arith.constant 0 : i32
        %dma_wait3A_176 = tpu.memref_slice %arg11[%dma_wait3A_174, %dma_wait3A_175] : memref<10240x128xf32, #tpu.memory_space<vmem_shared>> -> memref<10240x128xf32, #tpu.memory_space<vmem_shared>>
        tpu.wait_indirect_dma semaphore(%run_scoped3A_164 : memref<!tpu.dma_semaphore, #tpu.memory_space<semaphore_mem>>) src(%arg8 : memref<128x128xf32, #tpu.memory_space<vmem>>) dst(%dma_wait3A_176 : memref<10240x128xf32, #tpu.memory_space<vmem_shared>>)
        tpu.yield
      }) : () -> ()
      %add3A_147 = arith.constant 2 : i32
      %add3A_148 = arith.addi %mul3A_138, %add3A_147 : i32
      %lt3A = arith.constant 40 : i32
      %lt3A_149 = arith.cmpi slt, %add3A_148, %lt3A : i32
      %convert_element_type3A = arith.extui %lt3A_149 : i1 to i32
      %cond3A = arith.constant 0 : i32
      %cond3A_150 = arith.cmpi ne, %convert_element_type3A, %cond3A : i32
      scf.if %cond3A_150 {
        %add3A_164 = arith.constant 2 : i32
        %add3A_165 = arith.addi %mul3A_138, %add3A_164 : i32
        %dma_start3A_166 = arith.constant 0 : i32
        %dma_start3A_167 = tpu.memref_slice %arg6[%add3A_165, %dma_start3A_166] : memref<40x128xi32, #tpu.memory_space<vmem>> -> memref<1x128xi32, #tpu.memory_space<vmem>>
        %dma_start3A_168 = tpu.memref_squeeze %dma_start3A_167 : memref<1x128xi32, #tpu.memory_space<vmem>> -> memref<128xi32, #tpu.memory_space<vmem>>
        %dma_start3A_169 = arith.constant 0 : i32
        %dma_start3A_170 = arith.constant 0 : i32
        %dma_start3A_171 = tpu.memref_slice %arg2[%dma_start3A_169, %dma_start3A_170] : memref<10000x128xf32, #tpu.memory_space<hbm>> -> memref<10000x128xf32, #tpu.memory_space<hbm>>
        tpu.enqueue_indirect_dma source(%dma_start3A_171 : memref<10000x128xf32, #tpu.memory_space<hbm>>) target(%arg8 : memref<128x128xf32, #tpu.memory_space<vmem>>) offsets(%dma_start3A_168 : memref<128xi32, #tpu.memory_space<vmem>>) semaphore(%arg12 : memref<!tpu.dma_semaphore, #tpu.memory_space<semaphore_mem>>)
      } else {
      }
      %dma_wait3A_151 = arith.constant 0 : i32
      %dma_wait3A_152 = tpu.memref_slice %arg6[%add3A_140, %dma_wait3A_151] : memref<40x128xi32, #tpu.memory_space<vmem>> -> memref<1x128xi32, #tpu.memory_space<vmem>>
      %dma_wait3A_153 = tpu.memref_squeeze %dma_wait3A_152 : memref<1x128xi32, #tpu.memory_space<vmem>> -> memref<128xi32, #tpu.memory_space<vmem>>
      %dma_wait3A_154 = arith.constant 0 : i32
      %dma_wait3A_155 = arith.constant 0 : i32
      %dma_wait3A_156 = tpu.memref_slice %arg2[%dma_wait3A_154, %dma_wait3A_155] : memref<10000x128xf32, #tpu.memory_space<hbm>> -> memref<10000x128xf32, #tpu.memory_space<hbm>>
      tpu.wait_indirect_dma semaphore(%arg13 : memref<!tpu.dma_semaphore, #tpu.memory_space<semaphore_mem>>) src(%dma_wait3A_156 : memref<10000x128xf32, #tpu.memory_space<hbm>>) dst(%arg9 : memref<128x128xf32, #tpu.memory_space<vmem>>)
      "tpu.region"() ({
        %run_scoped3A_164 = tpu.sem_alloc : memref<!tpu.dma_semaphore, #tpu.memory_space<semaphore_mem>>
        %dma_start3A_165 = arith.constant 0 : i32
        %dma_start3A_166 = tpu.memref_slice %arg7[%add3A_140, %dma_start3A_165] : memref<40x128xi32, #tpu.memory_space<vmem>> -> memref<1x128xi32, #tpu.memory_space<vmem>>
        %dma_start3A_167 = tpu.memref_squeeze %dma_start3A_166 : memref<1x128xi32, #tpu.memory_space<vmem>> -> memref<128xi32, #tpu.memory_space<vmem>>
        %dma_start3A_168 = arith.constant 0 : i32
        %dma_start3A_169 = arith.constant 0 : i32
        %dma_start3A_170 = tpu.memref_slice %arg11[%dma_start3A_168, %dma_start3A_169] : memref<10240x128xf32, #tpu.memory_space<vmem_shared>> -> memref<10240x128xf32, #tpu.memory_space<vmem_shared>>
        tpu.enqueue_indirect_dma source(%arg9 : memref<128x128xf32, #tpu.memory_space<vmem>>) target(%dma_start3A_170 : memref<10240x128xf32, #tpu.memory_space<vmem_shared>>) offsets(%dma_start3A_167 : memref<128xi32, #tpu.memory_space<vmem>>) semaphore(%run_scoped3A_164 : memref<!tpu.dma_semaphore, #tpu.memory_space<semaphore_mem>>) {add = true}
        %dma_wait3A_171 = arith.constant 0 : i32
        %dma_wait3A_172 = tpu.memref_slice %arg7[%add3A_140, %dma_wait3A_171] : memref<40x128xi32, #tpu.memory_space<vmem>> -> memref<1x128xi32, #tpu.memory_space<vmem>>
        %dma_wait3A_173 = tpu.memref_squeeze %dma_wait3A_172 : memref<1x128xi32, #tpu.memory_space<vmem>> -> memref<128xi32, #tpu.memory_space<vmem>>
        %dma_wait3A_174 = arith.constant 0 : i32
        %dma_wait3A_175 = arith.constant 0 : i32
        %dma_wait3A_176 = tpu.memref_slice %arg11[%dma_wait3A_174, %dma_wait3A_175] : memref<10240x128xf32, #tpu.memory_space<vmem_shared>> -> memref<10240x128xf32, #tpu.memory_space<vmem_shared>>
        tpu.wait_indirect_dma semaphore(%run_scoped3A_164 : memref<!tpu.dma_semaphore, #tpu.memory_space<semaphore_mem>>) src(%arg9 : memref<128x128xf32, #tpu.memory_space<vmem>>) dst(%dma_wait3A_176 : memref<10240x128xf32, #tpu.memory_space<vmem_shared>>)
        tpu.yield
      }) : () -> ()
      %add3A_157 = arith.constant 2 : i32
      %add3A_158 = arith.addi %add3A_140, %add3A_157 : i32
      %lt3A_159 = arith.constant 40 : i32
      %lt3A_160 = arith.cmpi slt, %add3A_158, %lt3A_159 : i32
      %convert_element_type3A_161 = arith.extui %lt3A_160 : i1 to i32
      %cond3A_162 = arith.constant 0 : i32
      %cond3A_163 = arith.cmpi ne, %convert_element_type3A_161, %cond3A_162 : i32
      scf.if %cond3A_163 {
        %add3A_164 = arith.constant 2 : i32
        %add3A_165 = arith.addi %add3A_140, %add3A_164 : i32
        %dma_start3A_166 = arith.constant 0 : i32
        %dma_start3A_167 = tpu.memref_slice %arg6[%add3A_165, %dma_start3A_166] : memref<40x128xi32, #tpu.memory_space<vmem>> -> memref<1x128xi32, #tpu.memory_space<vmem>>
        %dma_start3A_168 = tpu.memref_squeeze %dma_start3A_167 : memref<1x128xi32, #tpu.memory_space<vmem>> -> memref<128xi32, #tpu.memory_space<vmem>>
        %dma_start3A_169 = arith.constant 0 : i32
        %dma_start3A_170 = arith.constant 0 : i32
        %dma_start3A_171 = tpu.memref_slice %arg2[%dma_start3A_169, %dma_start3A_170] : memref<10000x128xf32, #tpu.memory_space<hbm>> -> memref<10000x128xf32, #tpu.memory_space<hbm>>
        tpu.enqueue_indirect_dma source(%dma_start3A_171 : memref<10000x128xf32, #tpu.memory_space<hbm>>) target(%arg9 : memref<128x128xf32, #tpu.memory_space<vmem>>) offsets(%dma_start3A_168 : memref<128xi32, #tpu.memory_space<vmem>>) semaphore(%arg13 : memref<!tpu.dma_semaphore, #tpu.memory_space<semaphore_mem>>)
      } else {
      }
    }
    %scan3A_104 = arith.constant 20 : i32
    "tpu.region"() ({
      %run_scoped3A_136 = tpu.sem_alloc : memref<!tpu.dma_semaphore, #tpu.memory_space<semaphore_mem>>
      %dma_start3A_137 = arith.constant 0 : i32
      %dma_start3A_138 = arith.constant 0 : i32
      %dma_start3A_139 = tpu.memref_slice %arg6[%dma_start3A_137, %dma_start3A_138] : memref<40x128xi32, #tpu.memory_space<vmem>> -> memref<39x128xi32, #tpu.memory_space<vmem>>
      %dma_start3A_140 = arith.constant 40 : i32
      %dma_start3A_141 = arith.constant 0 : i32
      %dma_start3A_142 = tpu.memref_slice %arg3[%add3A, %dma_start3A_140, %dma_start3A_141] : memref<32x79x128xi32, #tpu.memory_space<hbm>> -> memref<1x39x128xi32, #tpu.memory_space<hbm>>
      %dma_start3A_143 = tpu.memref_squeeze %dma_start3A_142 : memref<1x39x128xi32, #tpu.memory_space<hbm>> -> memref<39x128xi32, #tpu.memory_space<hbm>>
      %dma_start3A_144 = arith.constant 0 : i32
      %dma_start3A_145 = arith.constant 0 : i32
      %dma_start3A_146 = tpu.memref_slice %arg6[%dma_start3A_144, %dma_start3A_145] : memref<40x128xi32, #tpu.memory_space<vmem>> -> memref<39x128xi32, #tpu.memory_space<vmem>>
      %dma_start3A_147 = arith.constant 40 : i32
      %dma_start3A_148 = arith.constant 0 : i32
      %dma_start3A_149 = tpu.memref_slice %arg3[%add3A, %dma_start3A_147, %dma_start3A_148] : memref<32x79x128xi32, #tpu.memory_space<hbm>> -> memref<1x39x128xi32, #tpu.memory_space<hbm>>
      %dma_start3A_150 = tpu.memref_squeeze %dma_start3A_149 : memref<1x39x128xi32, #tpu.memory_space<hbm>> -> memref<39x128xi32, #tpu.memory_space<hbm>>
      tpu.enqueue_dma source(%dma_start3A_150 : memref<39x128xi32, #tpu.memory_space<hbm>>) target(%dma_start3A_146 : memref<39x128xi32, #tpu.memory_space<vmem>>) target_semaphore(%run_scoped3A_136 : memref<!tpu.dma_semaphore, #tpu.memory_space<semaphore_mem>>)
      %dma_wait3A_151 = arith.constant 0 : i32
      %dma_wait3A_152 = arith.constant 0 : i32
      %dma_wait3A_153 = tpu.memref_slice %arg6[%dma_wait3A_151, %dma_wait3A_152] : memref<40x128xi32, #tpu.memory_space<vmem>> -> memref<39x128xi32, #tpu.memory_space<vmem>>
      %dma_wait3A_154 = arith.constant 40 : i32
      %dma_wait3A_155 = arith.constant 0 : i32
      %dma_wait3A_156 = tpu.memref_slice %arg3[%add3A, %dma_wait3A_154, %dma_wait3A_155] : memref<32x79x128xi32, #tpu.memory_space<hbm>> -> memref<1x39x128xi32, #tpu.memory_space<hbm>>
      %dma_wait3A_157 = tpu.memref_squeeze %dma_wait3A_156 : memref<1x39x128xi32, #tpu.memory_space<hbm>> -> memref<39x128xi32, #tpu.memory_space<hbm>>
      %dma_wait3A_158 = arith.constant 0 : i32
      %dma_wait3A_159 = arith.constant 0 : i32
      %dma_wait3A_160 = tpu.memref_slice %arg6[%dma_wait3A_158, %dma_wait3A_159] : memref<40x128xi32, #tpu.memory_space<vmem>> -> memref<39x128xi32, #tpu.memory_space<vmem>>
      %dma_wait3A_161 = arith.constant 40 : i32
      %dma_wait3A_162 = arith.constant 0 : i32
      %dma_wait3A_163 = tpu.memref_slice %arg3[%add3A, %dma_wait3A_161, %dma_wait3A_162] : memref<32x79x128xi32, #tpu.memory_space<hbm>> -> memref<1x39x128xi32, #tpu.memory_space<hbm>>
      %dma_wait3A_164 = tpu.memref_squeeze %dma_wait3A_163 : memref<1x39x128xi32, #tpu.memory_space<hbm>> -> memref<39x128xi32, #tpu.memory_space<hbm>>
      tpu.wait_dma2 semaphore(%run_scoped3A_136 : memref<!tpu.dma_semaphore, #tpu.memory_space<semaphore_mem>>) src(%dma_wait3A_164 : memref<39x128xi32, #tpu.memory_space<hbm>>) dst(%dma_wait3A_160 : memref<39x128xi32, #tpu.memory_space<vmem>>)
      tpu.yield
    }) : () -> ()
    "tpu.region"() ({
      %run_scoped3A_136 = tpu.sem_alloc : memref<!tpu.dma_semaphore, #tpu.memory_space<semaphore_mem>>
      %dma_start3A_137 = arith.constant 0 : i32
      %dma_start3A_138 = arith.constant 0 : i32
      %dma_start3A_139 = tpu.memref_slice %arg7[%dma_start3A_137, %dma_start3A_138] : memref<40x128xi32, #tpu.memory_space<vmem>> -> memref<39x128xi32, #tpu.memory_space<vmem>>
      %dma_start3A_140 = arith.constant 40 : i32
      %dma_start3A_141 = arith.constant 0 : i32
      %dma_start3A_142 = tpu.memref_slice %arg4[%add3A, %dma_start3A_140, %dma_start3A_141] : memref<32x79x128xi32, #tpu.memory_space<hbm>> -> memref<1x39x128xi32, #tpu.memory_space<hbm>>
      %dma_start3A_143 = tpu.memref_squeeze %dma_start3A_142 : memref<1x39x128xi32, #tpu.memory_space<hbm>> -> memref<39x128xi32, #tpu.memory_space<hbm>>
      %dma_start3A_144 = arith.constant 0 : i32
      %dma_start3A_145 = arith.constant 0 : i32
      %dma_start3A_146 = tpu.memref_slice %arg7[%dma_start3A_144, %dma_start3A_145] : memref<40x128xi32, #tpu.memory_space<vmem>> -> memref<39x128xi32, #tpu.memory_space<vmem>>
      %dma_start3A_147 = arith.constant 40 : i32
      %dma_start3A_148 = arith.constant 0 : i32
      %dma_start3A_149 = tpu.memref_slice %arg4[%add3A, %dma_start3A_147, %dma_start3A_148] : memref<32x79x128xi32, #tpu.memory_space<hbm>> -> memref<1x39x128xi32, #tpu.memory_space<hbm>>
      %dma_start3A_150 = tpu.memref_squeeze %dma_start3A_149 : memref<1x39x128xi32, #tpu.memory_space<hbm>> -> memref<39x128xi32, #tpu.memory_space<hbm>>
      tpu.enqueue_dma source(%dma_start3A_150 : memref<39x128xi32, #tpu.memory_space<hbm>>) target(%dma_start3A_146 : memref<39x128xi32, #tpu.memory_space<vmem>>) target_semaphore(%run_scoped3A_136 : memref<!tpu.dma_semaphore, #tpu.memory_space<semaphore_mem>>)
      %dma_wait3A_151 = arith.constant 0 : i32
      %dma_wait3A_152 = arith.constant 0 : i32
      %dma_wait3A_153 = tpu.memref_slice %arg7[%dma_wait3A_151, %dma_wait3A_152] : memref<40x128xi32, #tpu.memory_space<vmem>> -> memref<39x128xi32, #tpu.memory_space<vmem>>
      %dma_wait3A_154 = arith.constant 40 : i32
      %dma_wait3A_155 = arith.constant 0 : i32
      %dma_wait3A_156 = tpu.memref_slice %arg4[%add3A, %dma_wait3A_154, %dma_wait3A_155] : memref<32x79x128xi32, #tpu.memory_space<hbm>> -> memref<1x39x128xi32, #tpu.memory_space<hbm>>
      %dma_wait3A_157 = tpu.memref_squeeze %dma_wait3A_156 : memref<1x39x128xi32, #tpu.memory_space<hbm>> -> memref<39x128xi32, #tpu.memory_space<hbm>>
      %dma_wait3A_158 = arith.constant 0 : i32
      %dma_wait3A_159 = arith.constant 0 : i32
      %dma_wait3A_160 = tpu.memref_slice %arg7[%dma_wait3A_158, %dma_wait3A_159] : memref<40x128xi32, #tpu.memory_space<vmem>> -> memref<39x128xi32, #tpu.memory_space<vmem>>
      %dma_wait3A_161 = arith.constant 40 : i32
      %dma_wait3A_162 = arith.constant 0 : i32
      %dma_wait3A_163 = tpu.memref_slice %arg4[%add3A, %dma_wait3A_161, %dma_wait3A_162] : memref<32x79x128xi32, #tpu.memory_space<hbm>> -> memref<1x39x128xi32, #tpu.memory_space<hbm>>
      %dma_wait3A_164 = tpu.memref_squeeze %dma_wait3A_163 : memref<1x39x128xi32, #tpu.memory_space<hbm>> -> memref<39x128xi32, #tpu.memory_space<hbm>>
      tpu.wait_dma2 semaphore(%run_scoped3A_136 : memref<!tpu.dma_semaphore, #tpu.memory_space<semaphore_mem>>) src(%dma_wait3A_164 : memref<39x128xi32, #tpu.memory_space<hbm>>) dst(%dma_wait3A_160 : memref<39x128xi32, #tpu.memory_space<vmem>>)
      tpu.yield
    }) : () -> ()
    %dma_start3A_105 = arith.constant 0 : i32
    %dma_start3A_106 = arith.constant 0 : i32
    %dma_start3A_107 = tpu.memref_slice %arg6[%dma_start3A_105, %dma_start3A_106] : memref<40x128xi32, #tpu.memory_space<vmem>> -> memref<1x128xi32, #tpu.memory_space<vmem>>
    %dma_start3A_108 = tpu.memref_squeeze %dma_start3A_107 : memref<1x128xi32, #tpu.memory_space<vmem>> -> memref<128xi32, #tpu.memory_space<vmem>>
    %dma_start3A_109 = arith.constant 0 : i32
    %dma_start3A_110 = arith.constant 0 : i32
    %dma_start3A_111 = tpu.memref_slice %arg2[%dma_start3A_109, %dma_start3A_110] : memref<10000x128xf32, #tpu.memory_space<hbm>> -> memref<10000x128xf32, #tpu.memory_space<hbm>>
    tpu.enqueue_indirect_dma source(%dma_start3A_111 : memref<10000x128xf32, #tpu.memory_space<hbm>>) target(%arg8 : memref<128x128xf32, #tpu.memory_space<vmem>>) offsets(%dma_start3A_108 : memref<128xi32, #tpu.memory_space<vmem>>) semaphore(%arg12 : memref<!tpu.dma_semaphore, #tpu.memory_space<semaphore_mem>>)
    %dma_start3A_112 = arith.constant 1 : i32
    %dma_start3A_113 = arith.constant 0 : i32
    %dma_start3A_114 = tpu.memref_slice %arg6[%dma_start3A_112, %dma_start3A_113] : memref<40x128xi32, #tpu.memory_space<vmem>> -> memref<1x128xi32, #tpu.memory_space<vmem>>
    %dma_start3A_115 = tpu.memref_squeeze %dma_start3A_114 : memref<1x128xi32, #tpu.memory_space<vmem>> -> memref<128xi32, #tpu.memory_space<vmem>>
    %dma_start3A_116 = arith.constant 0 : i32
    %dma_start3A_117 = arith.constant 0 : i32
    %dma_start3A_118 = tpu.memref_slice %arg2[%dma_start3A_116, %dma_start3A_117] : memref<10000x128xf32, #tpu.memory_space<hbm>> -> memref<10000x128xf32, #tpu.memory_space<hbm>>
    tpu.enqueue_indirect_dma source(%dma_start3A_118 : memref<10000x128xf32, #tpu.memory_space<hbm>>) target(%arg9 : memref<128x128xf32, #tpu.memory_space<vmem>>) offsets(%dma_start3A_115 : memref<128xi32, #tpu.memory_space<vmem>>) semaphore(%arg13 : memref<!tpu.dma_semaphore, #tpu.memory_space<semaphore_mem>>)
    %scan3A_119 = arith.constant 0 : i32
    %scan3A_120 = arith.constant 0 : i32
    %scan3A_121 = arith.constant 19 : i32
    %scan3A_122 = arith.addi %scan3A_120, %scan3A_121 : i32
    %scan3A_123 = arith.constant 1 : i32
    scf.for %scan3A_136 = %scan3A_120 to %scan3A_122 step %scan3A_123  : i32 {
      %mul3A_137 = arith.constant 2 : i32
      %mul3A_138 = arith.muli %mul3A_137, %scan3A_136 : i32
      %add3A_139 = arith.constant 1 : i32
      %add3A_140 = arith.addi %mul3A_138, %add3A_139 : i32
      %dma_wait3A_141 = arith.constant 0 : i32
      %dma_wait3A_142 = tpu.memref_slice %arg6[%mul3A_138, %dma_wait3A_141] : memref<40x128xi32, #tpu.memory_space<vmem>> -> memref<1x128xi32, #tpu.memory_space<vmem>>
      %dma_wait3A_143 = tpu.memref_squeeze %dma_wait3A_142 : memref<1x128xi32, #tpu.memory_space<vmem>> -> memref<128xi32, #tpu.memory_space<vmem>>
      %dma_wait3A_144 = arith.constant 0 : i32
      %dma_wait3A_145 = arith.constant 0 : i32
      %dma_wait3A_146 = tpu.memref_slice %arg2[%dma_wait3A_144, %dma_wait3A_145] : memref<10000x128xf32, #tpu.memory_space<hbm>> -> memref<10000x128xf32, #tpu.memory_space<hbm>>
      tpu.wait_indirect_dma semaphore(%arg12 : memref<!tpu.dma_semaphore, #tpu.memory_space<semaphore_mem>>) src(%dma_wait3A_146 : memref<10000x128xf32, #tpu.memory_space<hbm>>) dst(%arg8 : memref<128x128xf32, #tpu.memory_space<vmem>>)
      "tpu.region"() ({
        %run_scoped3A_164 = tpu.sem_alloc : memref<!tpu.dma_semaphore, #tpu.memory_space<semaphore_mem>>
        %dma_start3A_165 = arith.constant 0 : i32
        %dma_start3A_166 = tpu.memref_slice %arg7[%mul3A_138, %dma_start3A_165] : memref<40x128xi32, #tpu.memory_space<vmem>> -> memref<1x128xi32, #tpu.memory_space<vmem>>
        %dma_start3A_167 = tpu.memref_squeeze %dma_start3A_166 : memref<1x128xi32, #tpu.memory_space<vmem>> -> memref<128xi32, #tpu.memory_space<vmem>>
        %dma_start3A_168 = arith.constant 0 : i32
        %dma_start3A_169 = arith.constant 0 : i32
        %dma_start3A_170 = tpu.memref_slice %arg11[%dma_start3A_168, %dma_start3A_169] : memref<10240x128xf32, #tpu.memory_space<vmem_shared>> -> memref<10240x128xf32, #tpu.memory_space<vmem_shared>>
        tpu.enqueue_indirect_dma source(%arg8 : memref<128x128xf32, #tpu.memory_space<vmem>>) target(%dma_start3A_170 : memref<10240x128xf32, #tpu.memory_space<vmem_shared>>) offsets(%dma_start3A_167 : memref<128xi32, #tpu.memory_space<vmem>>) semaphore(%run_scoped3A_164 : memref<!tpu.dma_semaphore, #tpu.memory_space<semaphore_mem>>) {add = true}
        %dma_wait3A_171 = arith.constant 0 : i32
        %dma_wait3A_172 = tpu.memref_slice %arg7[%mul3A_138, %dma_wait3A_171] : memref<40x128xi32, #tpu.memory_space<vmem>> -> memref<1x128xi32, #tpu.memory_space<vmem>>
        %dma_wait3A_173 = tpu.memref_squeeze %dma_wait3A_172 : memref<1x128xi32, #tpu.memory_space<vmem>> -> memref<128xi32, #tpu.memory_space<vmem>>
        %dma_wait3A_174 = arith.constant 0 : i32
        %dma_wait3A_175 = arith.constant 0 : i32
        %dma_wait3A_176 = tpu.memref_slice %arg11[%dma_wait3A_174, %dma_wait3A_175] : memref<10240x128xf32, #tpu.memory_space<vmem_shared>> -> memref<10240x128xf32, #tpu.memory_space<vmem_shared>>
        tpu.wait_indirect_dma semaphore(%run_scoped3A_164 : memref<!tpu.dma_semaphore, #tpu.memory_space<semaphore_mem>>) src(%arg8 : memref<128x128xf32, #tpu.memory_space<vmem>>) dst(%dma_wait3A_176 : memref<10240x128xf32, #tpu.memory_space<vmem_shared>>)
        tpu.yield
      }) : () -> ()
      %add3A_147 = arith.constant 2 : i32
      %add3A_148 = arith.addi %mul3A_138, %add3A_147 : i32
      %lt3A = arith.constant 39 : i32
      %lt3A_149 = arith.cmpi slt, %add3A_148, %lt3A : i32
      %convert_element_type3A = arith.extui %lt3A_149 : i1 to i32
      %cond3A = arith.constant 0 : i32
      %cond3A_150 = arith.cmpi ne, %convert_element_type3A, %cond3A : i32
      scf.if %cond3A_150 {
        %add3A_164 = arith.constant 2 : i32
        %add3A_165 = arith.addi %mul3A_138, %add3A_164 : i32
        %dma_start3A_166 = arith.constant 0 : i32
        %dma_start3A_167 = tpu.memref_slice %arg6[%add3A_165, %dma_start3A_166] : memref<40x128xi32, #tpu.memory_space<vmem>> -> memref<1x128xi32, #tpu.memory_space<vmem>>
        %dma_start3A_168 = tpu.memref_squeeze %dma_start3A_167 : memref<1x128xi32, #tpu.memory_space<vmem>> -> memref<128xi32, #tpu.memory_space<vmem>>
        %dma_start3A_169 = arith.constant 0 : i32
        %dma_start3A_170 = arith.constant 0 : i32
        %dma_start3A_171 = tpu.memref_slice %arg2[%dma_start3A_169, %dma_start3A_170] : memref<10000x128xf32, #tpu.memory_space<hbm>> -> memref<10000x128xf32, #tpu.memory_space<hbm>>
        tpu.enqueue_indirect_dma source(%dma_start3A_171 : memref<10000x128xf32, #tpu.memory_space<hbm>>) target(%arg8 : memref<128x128xf32, #tpu.memory_space<vmem>>) offsets(%dma_start3A_168 : memref<128xi32, #tpu.memory_space<vmem>>) semaphore(%arg12 : memref<!tpu.dma_semaphore, #tpu.memory_space<semaphore_mem>>)
      } else {
      }
      %dma_wait3A_151 = arith.constant 0 : i32
      %dma_wait3A_152 = tpu.memref_slice %arg6[%add3A_140, %dma_wait3A_151] : memref<40x128xi32, #tpu.memory_space<vmem>> -> memref<1x128xi32, #tpu.memory_space<vmem>>
      %dma_wait3A_153 = tpu.memref_squeeze %dma_wait3A_152 : memref<1x128xi32, #tpu.memory_space<vmem>> -> memref<128xi32, #tpu.memory_space<vmem>>
      %dma_wait3A_154 = arith.constant 0 : i32
      %dma_wait3A_155 = arith.constant 0 : i32
      %dma_wait3A_156 = tpu.memref_slice %arg2[%dma_wait3A_154, %dma_wait3A_155] : memref<10000x128xf32, #tpu.memory_space<hbm>> -> memref<10000x128xf32, #tpu.memory_space<hbm>>
      tpu.wait_indirect_dma semaphore(%arg13 : memref<!tpu.dma_semaphore, #tpu.memory_space<semaphore_mem>>) src(%dma_wait3A_156 : memref<10000x128xf32, #tpu.memory_space<hbm>>) dst(%arg9 : memref<128x128xf32, #tpu.memory_space<vmem>>)
      "tpu.region"() ({
        %run_scoped3A_164 = tpu.sem_alloc : memref<!tpu.dma_semaphore, #tpu.memory_space<semaphore_mem>>
        %dma_start3A_165 = arith.constant 0 : i32
        %dma_start3A_166 = tpu.memref_slice %arg7[%add3A_140, %dma_start3A_165] : memref<40x128xi32, #tpu.memory_space<vmem>> -> memref<1x128xi32, #tpu.memory_space<vmem>>
        %dma_start3A_167 = tpu.memref_squeeze %dma_start3A_166 : memref<1x128xi32, #tpu.memory_space<vmem>> -> memref<128xi32, #tpu.memory_space<vmem>>
        %dma_start3A_168 = arith.constant 0 : i32
        %dma_start3A_169 = arith.constant 0 : i32
        %dma_start3A_170 = tpu.memref_slice %arg11[%dma_start3A_168, %dma_start3A_169] : memref<10240x128xf32, #tpu.memory_space<vmem_shared>> -> memref<10240x128xf32, #tpu.memory_space<vmem_shared>>
        tpu.enqueue_indirect_dma source(%arg9 : memref<128x128xf32, #tpu.memory_space<vmem>>) target(%dma_start3A_170 : memref<10240x128xf32, #tpu.memory_space<vmem_shared>>) offsets(%dma_start3A_167 : memref<128xi32, #tpu.memory_space<vmem>>) semaphore(%run_scoped3A_164 : memref<!tpu.dma_semaphore, #tpu.memory_space<semaphore_mem>>) {add = true}
        %dma_wait3A_171 = arith.constant 0 : i32
        %dma_wait3A_172 = tpu.memref_slice %arg7[%add3A_140, %dma_wait3A_171] : memref<40x128xi32, #tpu.memory_space<vmem>> -> memref<1x128xi32, #tpu.memory_space<vmem>>
        %dma_wait3A_173 = tpu.memref_squeeze %dma_wait3A_172 : memref<1x128xi32, #tpu.memory_space<vmem>> -> memref<128xi32, #tpu.memory_space<vmem>>
        %dma_wait3A_174 = arith.constant 0 : i32
        %dma_wait3A_175 = arith.constant 0 : i32
        %dma_wait3A_176 = tpu.memref_slice %arg11[%dma_wait3A_174, %dma_wait3A_175] : memref<10240x128xf32, #tpu.memory_space<vmem_shared>> -> memref<10240x128xf32, #tpu.memory_space<vmem_shared>>
        tpu.wait_indirect_dma semaphore(%run_scoped3A_164 : memref<!tpu.dma_semaphore, #tpu.memory_space<semaphore_mem>>) src(%arg9 : memref<128x128xf32, #tpu.memory_space<vmem>>) dst(%dma_wait3A_176 : memref<10240x128xf32, #tpu.memory_space<vmem_shared>>)
        tpu.yield
      }) : () -> ()
      %add3A_157 = arith.constant 2 : i32
      %add3A_158 = arith.addi %add3A_140, %add3A_157 : i32
      %lt3A_159 = arith.constant 39 : i32
      %lt3A_160 = arith.cmpi slt, %add3A_158, %lt3A_159 : i32
      %convert_element_type3A_161 = arith.extui %lt3A_160 : i1 to i32
      %cond3A_162 = arith.constant 0 : i32
      %cond3A_163 = arith.cmpi ne, %convert_element_type3A_161, %cond3A_162 : i32
      scf.if %cond3A_163 {
        %add3A_164 = arith.constant 2 : i32
        %add3A_165 = arith.addi %add3A_140, %add3A_164 : i32
        %dma_start3A_166 = arith.constant 0 : i32
        %dma_start3A_167 = tpu.memref_slice %arg6[%add3A_165, %dma_start3A_166] : memref<40x128xi32, #tpu.memory_space<vmem>> -> memref<1x128xi32, #tpu.memory_space<vmem>>
        %dma_start3A_168 = tpu.memref_squeeze %dma_start3A_167 : memref<1x128xi32, #tpu.memory_space<vmem>> -> memref<128xi32, #tpu.memory_space<vmem>>
        %dma_start3A_169 = arith.constant 0 : i32
        %dma_start3A_170 = arith.constant 0 : i32
        %dma_start3A_171 = tpu.memref_slice %arg2[%dma_start3A_169, %dma_start3A_170] : memref<10000x128xf32, #tpu.memory_space<hbm>> -> memref<10000x128xf32, #tpu.memory_space<hbm>>
        tpu.enqueue_indirect_dma source(%dma_start3A_171 : memref<10000x128xf32, #tpu.memory_space<hbm>>) target(%arg9 : memref<128x128xf32, #tpu.memory_space<vmem>>) offsets(%dma_start3A_168 : memref<128xi32, #tpu.memory_space<vmem>>) semaphore(%arg13 : memref<!tpu.dma_semaphore, #tpu.memory_space<semaphore_mem>>)
      } else {
      }
    }
    %scan3A_124 = arith.constant 19 : i32
    %dma_wait3A = arith.constant 38 : i32
    %dma_wait3A_125 = arith.constant 0 : i32
    %dma_wait3A_126 = tpu.memref_slice %arg6[%dma_wait3A, %dma_wait3A_125] : memref<40x128xi32, #tpu.memory_space<vmem>> -> memref<1x128xi32, #tpu.memory_space<vmem>>
    %dma_wait3A_127 = tpu.memref_squeeze %dma_wait3A_126 : memref<1x128xi32, #tpu.memory_space<vmem>> -> memref<128xi32, #tpu.memory_space<vmem>>
    %dma_wait3A_128 = arith.constant 0 : i32
    %dma_wait3A_129 = arith.constant 0 : i32
    %dma_wait3A_130 = tpu.memref_slice %arg2[%dma_wait3A_128, %dma_wait3A_129] : memref<10000x128xf32, #tpu.memory_space<hbm>> -> memref<10000x128xf32, #tpu.memory_space<hbm>>
    tpu.wait_indirect_dma semaphore(%arg12 : memref<!tpu.dma_semaphore, #tpu.memory_space<semaphore_mem>>) src(%dma_wait3A_130 : memref<10000x128xf32, #tpu.memory_space<hbm>>) dst(%arg8 : memref<128x128xf32, #tpu.memory_space<vmem>>)
    %run_scoped3A = arith.constant 38 : i32
    "tpu.region"() ({
      %run_scoped3A_136 = tpu.sem_alloc : memref<!tpu.dma_semaphore, #tpu.memory_space<semaphore_mem>>
      %dma_start3A_137 = arith.constant 0 : i32
      %dma_start3A_138 = tpu.memref_slice %arg7[%run_scoped3A, %dma_start3A_137] : memref<40x128xi32, #tpu.memory_space<vmem>> -> memref<1x128xi32, #tpu.memory_space<vmem>>
      %dma_start3A_139 = tpu.memref_squeeze %dma_start3A_138 : memref<1x128xi32, #tpu.memory_space<vmem>> -> memref<128xi32, #tpu.memory_space<vmem>>
      %dma_start3A_140 = arith.constant 0 : i32
      %dma_start3A_141 = arith.constant 0 : i32
      %dma_start3A_142 = tpu.memref_slice %arg11[%dma_start3A_140, %dma_start3A_141] : memref<10240x128xf32, #tpu.memory_space<vmem_shared>> -> memref<10240x128xf32, #tpu.memory_space<vmem_shared>>
      tpu.enqueue_indirect_dma source(%arg8 : memref<128x128xf32, #tpu.memory_space<vmem>>) target(%dma_start3A_142 : memref<10240x128xf32, #tpu.memory_space<vmem_shared>>) offsets(%dma_start3A_139 : memref<128xi32, #tpu.memory_space<vmem>>) semaphore(%run_scoped3A_136 : memref<!tpu.dma_semaphore, #tpu.memory_space<semaphore_mem>>) {add = true}
      %dma_wait3A_143 = arith.constant 0 : i32
      %dma_wait3A_144 = tpu.memref_slice %arg7[%run_scoped3A, %dma_wait3A_143] : memref<40x128xi32, #tpu.memory_space<vmem>> -> memref<1x128xi32, #tpu.memory_space<vmem>>
      %dma_wait3A_145 = tpu.memref_squeeze %dma_wait3A_144 : memref<1x128xi32, #tpu.memory_space<vmem>> -> memref<128xi32, #tpu.memory_space<vmem>>
      %dma_wait3A_146 = arith.constant 0 : i32
      %dma_wait3A_147 = arith.constant 0 : i32
      %dma_wait3A_148 = tpu.memref_slice %arg11[%dma_wait3A_146, %dma_wait3A_147] : memref<10240x128xf32, #tpu.memory_space<vmem_shared>> -> memref<10240x128xf32, #tpu.memory_space<vmem_shared>>
      tpu.wait_indirect_dma semaphore(%run_scoped3A_136 : memref<!tpu.dma_semaphore, #tpu.memory_space<semaphore_mem>>) src(%arg8 : memref<128x128xf32, #tpu.memory_space<vmem>>) dst(%dma_wait3A_148 : memref<10240x128xf32, #tpu.memory_space<vmem_shared>>)
      tpu.yield
    }) : () -> ()
    %barrier3A_131 = arith.constant 0 : index
    tpu.barrier barrier_id(%barrier3A_131)
    %mul3A_132 = arith.constant 640 : i32
    %mul3A_133 = arith.muli %arg1, %mul3A_132 : i32
    %mul3A_134 = arith.constant 640 : i32
    %mul3A_135 = arith.muli %arg1, %mul3A_134 : i32
    "tpu.region"() ({
      %run_scoped3A_136 = tpu.sem_alloc : memref<!tpu.dma_semaphore, #tpu.memory_space<semaphore_mem>>
      %dma_start3A_137 = arith.constant 0 : i32
      %dma_start3A_138 = tpu.memref_slice %arg5[%arg0, %mul3A_135, %dma_start3A_137] : memref<2x10240x128xf32, #tpu.memory_space<hbm>> -> memref<1x640x128xf32, #tpu.memory_space<hbm>>
      %dma_start3A_139 = tpu.memref_squeeze %dma_start3A_138 : memref<1x640x128xf32, #tpu.memory_space<hbm>> -> memref<640x128xf32, #tpu.memory_space<hbm>>
      %dma_start3A_140 = arith.constant 0 : i32
      %dma_start3A_141 = tpu.memref_slice %arg11[%mul3A_133, %dma_start3A_140] : memref<10240x128xf32, #tpu.memory_space<vmem_shared>> -> memref<640x128xf32, #tpu.memory_space<vmem_shared>>
      tpu.enqueue_dma source(%dma_start3A_141 : memref<640x128xf32, #tpu.memory_space<vmem_shared>>) target(%dma_start3A_139 : memref<640x128xf32, #tpu.memory_space<hbm>>) target_semaphore(%run_scoped3A_136 : memref<!tpu.dma_semaphore, #tpu.memory_space<semaphore_mem>>)
      %dma_wait3A_142 = arith.constant 0 : i32
      %dma_wait3A_143 = tpu.memref_slice %arg5[%arg0, %mul3A_135, %dma_wait3A_142] : memref<2x10240x128xf32, #tpu.memory_space<hbm>> -> memref<1x640x128xf32, #tpu.memory_space<hbm>>
      %dma_wait3A_144 = tpu.memref_squeeze %dma_wait3A_143 : memref<1x640x128xf32, #tpu.memory_space<hbm>> -> memref<640x128xf32, #tpu.memory_space<hbm>>
      %dma_wait3A_145 = arith.constant 0 : i32
      %dma_wait3A_146 = tpu.memref_slice %arg11[%mul3A_133, %dma_wait3A_145] : memref<10240x128xf32, #tpu.memory_space<vmem_shared>> -> memref<640x128xf32, #tpu.memory_space<vmem_shared>>
      tpu.wait_dma2 semaphore(%run_scoped3A_136 : memref<!tpu.dma_semaphore, #tpu.memory_space<semaphore_mem>>) src(%dma_wait3A_146 : memref<640x128xf32, #tpu.memory_space<vmem_shared>>) dst(%dma_wait3A_144 : memref<640x128xf32, #tpu.memory_space<hbm>>)
      tpu.yield
    }) : () -> ()
    return
  }
}

#map = affine_map<(d0, d1) -> (0, 0)>
#map1 = affine_map<(d0, d1) -> (0, 0, 0)>
module attributes {stable_mosaic.version = 14 : i64} {
  func.func @_agg_call(%arg0: i32, %arg1: i32, %arg2: memref<10000x128xf32, #tpu.memory_space<hbm>>, %arg3: memref<32x79x128xi32, #tpu.memory_space<hbm>>, %arg4: memref<32x79x128xi32, #tpu.memory_space<hbm>>, %arg5: memref<2x10240x128xf32, #tpu.memory_space<hbm>>, %arg6: memref<40x128xi32, #tpu.memory_space<vmem>>, %arg7: memref<40x128xi32, #tpu.memory_space<vmem>>, %arg8: memref<128x128xf32, #tpu.memory_space<vmem>>, %arg9: memref<128x128xf32, #tpu.memory_space<vmem>>, %arg10: memref<32x128xf32, #tpu.memory_space<vmem>>, %arg11: memref<10240x128xf32, #tpu.memory_space<vmem_shared>>, %arg12: memref<!tpu.dma_semaphore, #tpu.memory_space<semaphore_mem>>, %arg13: memref<!tpu.dma_semaphore, #tpu.memory_space<semaphore_mem>>) attributes {dimension_semantics = [#tpu.dimension_semantics<core_parallel>, #tpu.dimension_semantics<subcore_parallel>], iteration_bounds = array<i64: 2, 16>, scalar_prefetch = 0 : i64, scratch_operands = 8 : i64, tpu.core_type = #tpu.core_type<sc_vector_subcore>, window_params = [{transform_indices = #map}, {transform_indices = #map1}, {transform_indices = #map1}, {transform_indices = #map1}]} {
    %mul3A = arith.constant 2 : i32
    %mul3A_0 = arith.muli %arg1, %mul3A : i32
    %add3A = arith.addi %mul3A_0, %arg0 : i32
    "tpu.region"() ({
      %run_scoped3A_136 = tpu.sem_alloc : memref<!tpu.dma_semaphore, #tpu.memory_space<semaphore_mem>>
      %dma_start3A_137 = arith.constant 0 : i32
      %dma_start3A_138 = arith.constant 0 : i32
      %dma_start3A_139 = tpu.memref_slice %arg3[%add3A, %dma_start3A_137, %dma_start3A_138] : memref<32x79x128xi32, #tpu.memory_space<hbm>> -> memref<1x40x128xi32, #tpu.memory_space<hbm>>
      %dma_start3A_140 = tpu.memref_squeeze %dma_start3A_139 : memref<1x40x128xi32, #tpu.memory_space<hbm>> -> memref<40x128xi32, #tpu.memory_space<hbm>>
      %dma_start3A_141 = arith.constant 0 : i32
      %dma_start3A_142 = arith.constant 0 : i32
      %dma_start3A_143 = tpu.memref_slice %arg3[%add3A, %dma_start3A_141, %dma_start3A_142] : memref<32x79x128xi32, #tpu.memory_space<hbm>> -> memref<1x40x128xi32, #tpu.memory_space<hbm>>
      %dma_start3A_144 = tpu.memref_squeeze %dma_start3A_143 : memref<1x40x128xi32, #tpu.memory_space<hbm>> -> memref<40x128xi32, #tpu.memory_space<hbm>>
      tpu.enqueue_dma source(%dma_start3A_144 : memref<40x128xi32, #tpu.memory_space<hbm>>) target(%arg6 : memref<40x128xi32, #tpu.memory_space<vmem>>) target_semaphore(%run_scoped3A_136 : memref<!tpu.dma_semaphore, #tpu.memory_space<semaphore_mem>>)
      %dma_wait3A_145 = arith.constant 0 : i32
      %dma_wait3A_146 = arith.constant 0 : i32
      %dma_wait3A_147 = tpu.memref_slice %arg3[%add3A, %dma_wait3A_145, %dma_wait3A_146] : memref<32x79x128xi32, #tpu.memory_space<hbm>> -> memref<1x40x128xi32, #tpu.memory_space<hbm>>
      %dma_wait3A_148 = tpu.memref_squeeze %dma_wait3A_147 : memref<1x40x128xi32, #tpu.memory_space<hbm>> -> memref<40x128xi32, #tpu.memory_space<hbm>>
      %dma_wait3A_149 = arith.constant 0 : i32
      %dma_wait3A_150 = arith.constant 0 : i32
      %dma_wait3A_151 = tpu.memref_slice %arg3[%add3A, %dma_wait3A_149, %dma_wait3A_150] : memref<32x79x128xi32, #tpu.memory_space<hbm>> -> memref<1x40x128xi32, #tpu.memory_space<hbm>>
      %dma_wait3A_152 = tpu.memref_squeeze %dma_wait3A_151 : memref<1x40x128xi32, #tpu.memory_space<hbm>> -> memref<40x128xi32, #tpu.memory_space<hbm>>
      tpu.wait_dma2 semaphore(%run_scoped3A_136 : memref<!tpu.dma_semaphore, #tpu.memory_space<semaphore_mem>>) src(%dma_wait3A_152 : memref<40x128xi32, #tpu.memory_space<hbm>>) dst(%arg6 : memref<40x128xi32, #tpu.memory_space<vmem>>)
      tpu.yield
    }) : () -> ()
    "tpu.region"() ({
      %run_scoped3A_136 = tpu.sem_alloc : memref<!tpu.dma_semaphore, #tpu.memory_space<semaphore_mem>>
      %dma_start3A_137 = arith.constant 0 : i32
      %dma_start3A_138 = arith.constant 0 : i32
      %dma_start3A_139 = tpu.memref_slice %arg4[%add3A, %dma_start3A_137, %dma_start3A_138] : memref<32x79x128xi32, #tpu.memory_space<hbm>> -> memref<1x40x128xi32, #tpu.memory_space<hbm>>
      %dma_start3A_140 = tpu.memref_squeeze %dma_start3A_139 : memref<1x40x128xi32, #tpu.memory_space<hbm>> -> memref<40x128xi32, #tpu.memory_space<hbm>>
      %dma_start3A_141 = arith.constant 0 : i32
      %dma_start3A_142 = arith.constant 0 : i32
      %dma_start3A_143 = tpu.memref_slice %arg4[%add3A, %dma_start3A_141, %dma_start3A_142] : memref<32x79x128xi32, #tpu.memory_space<hbm>> -> memref<1x40x128xi32, #tpu.memory_space<hbm>>
      %dma_start3A_144 = tpu.memref_squeeze %dma_start3A_143 : memref<1x40x128xi32, #tpu.memory_space<hbm>> -> memref<40x128xi32, #tpu.memory_space<hbm>>
      tpu.enqueue_dma source(%dma_start3A_144 : memref<40x128xi32, #tpu.memory_space<hbm>>) target(%arg7 : memref<40x128xi32, #tpu.memory_space<vmem>>) target_semaphore(%run_scoped3A_136 : memref<!tpu.dma_semaphore, #tpu.memory_space<semaphore_mem>>)
      %dma_wait3A_145 = arith.constant 0 : i32
      %dma_wait3A_146 = arith.constant 0 : i32
      %dma_wait3A_147 = tpu.memref_slice %arg4[%add3A, %dma_wait3A_145, %dma_wait3A_146] : memref<32x79x128xi32, #tpu.memory_space<hbm>> -> memref<1x40x128xi32, #tpu.memory_space<hbm>>
      %dma_wait3A_148 = tpu.memref_squeeze %dma_wait3A_147 : memref<1x40x128xi32, #tpu.memory_space<hbm>> -> memref<40x128xi32, #tpu.memory_space<hbm>>
      %dma_wait3A_149 = arith.constant 0 : i32
      %dma_wait3A_150 = arith.constant 0 : i32
      %dma_wait3A_151 = tpu.memref_slice %arg4[%add3A, %dma_wait3A_149, %dma_wait3A_150] : memref<32x79x128xi32, #tpu.memory_space<hbm>> -> memref<1x40x128xi32, #tpu.memory_space<hbm>>
      %dma_wait3A_152 = tpu.memref_squeeze %dma_wait3A_151 : memref<1x40x128xi32, #tpu.memory_space<hbm>> -> memref<40x128xi32, #tpu.memory_space<hbm>>
      tpu.wait_dma2 semaphore(%run_scoped3A_136 : memref<!tpu.dma_semaphore, #tpu.memory_space<semaphore_mem>>) src(%dma_wait3A_152 : memref<40x128xi32, #tpu.memory_space<hbm>>) dst(%arg7 : memref<40x128xi32, #tpu.memory_space<vmem>>)
      tpu.yield
    }) : () -> ()
    %dma_start3A = arith.constant 0 : i32
    %dma_start3A_1 = arith.constant 0 : i32
    %dma_start3A_2 = tpu.memref_slice %arg6[%dma_start3A, %dma_start3A_1] : memref<40x128xi32, #tpu.memory_space<vmem>> -> memref<1x128xi32, #tpu.memory_space<vmem>>
    %dma_start3A_3 = tpu.memref_squeeze %dma_start3A_2 : memref<1x128xi32, #tpu.memory_space<vmem>> -> memref<128xi32, #tpu.memory_space<vmem>>
    %dma_start3A_4 = arith.constant 0 : i32
    %dma_start3A_5 = arith.constant 0 : i32
    %dma_start3A_6 = tpu.memref_slice %arg2[%dma_start3A_4, %dma_start3A_5] : memref<10000x128xf32, #tpu.memory_space<hbm>> -> memref<10000x128xf32, #tpu.memory_space<hbm>>
    tpu.enqueue_indirect_dma source(%dma_start3A_6 : memref<10000x128xf32, #tpu.memory_space<hbm>>) target(%arg8 : memref<128x128xf32, #tpu.memory_space<vmem>>) offsets(%dma_start3A_3 : memref<128xi32, #tpu.memory_space<vmem>>) semaphore(%arg12 : memref<!tpu.dma_semaphore, #tpu.memory_space<semaphore_mem>>)
    %dma_start3A_7 = arith.constant 1 : i32
    %dma_start3A_8 = arith.constant 0 : i32
    %dma_start3A_9 = tpu.memref_slice %arg6[%dma_start3A_7, %dma_start3A_8] : memref<40x128xi32, #tpu.memory_space<vmem>> -> memref<1x128xi32, #tpu.memory_space<vmem>>
    %dma_start3A_10 = tpu.memref_squeeze %dma_start3A_9 : memref<1x128xi32, #tpu.memory_space<vmem>> -> memref<128xi32, #tpu.memory_space<vmem>>
    %dma_start3A_11 = arith.constant 0 : i32
    %dma_start3A_12 = arith.constant 0 : i32
    %dma_start3A_13 = tpu.memref_slice %arg2[%dma_start3A_11, %dma_start3A_12] : memref<10000x128xf32, #tpu.memory_space<hbm>> -> memref<10000x128xf32, #tpu.memory_space<hbm>>
    tpu.enqueue_indirect_dma source(%dma_start3A_13 : memref<10000x128xf32, #tpu.memory_space<hbm>>) target(%arg9 : memref<128x128xf32, #tpu.memory_space<vmem>>) offsets(%dma_start3A_10 : memref<128xi32, #tpu.memory_space<vmem>>) semaphore(%arg13 : memref<!tpu.dma_semaphore, #tpu.memory_space<semaphore_mem>>)
    %scan3A = arith.constant 0 : i32
    %scan3A_14 = arith.constant 0 : i32
    %scan3A_15 = arith.constant 32 : i32
    %scan3A_16 = arith.addi %scan3A_14, %scan3A_15 : i32
    %scan3A_17 = arith.constant 1 : i32
    scf.for %scan3A_136 = %scan3A_14 to %scan3A_16 step %scan3A_17  : i32 {
      %broadcast_in_dim3A = arith.constant 0.000000e+00 : f32
      %broadcast_in_dim3A_137 = vector.broadcast %broadcast_in_dim3A : f32 to vector<16xf32>
      %swap3A = arith.index_cast %scan3A_136 : i32 to index
      %swap3A_138 = arith.constant 0 : index
      %swap3A_139 = tpu.vector_load %arg10[%swap3A, %swap3A_138] {strides = array<i32>} : memref<32x128xf32, #tpu.memory_space<vmem>>, vector<1x16xf32>,
      %swap3A_140 = vector.shape_cast %swap3A_139 : vector<1x16xf32> to vector<16xf32>
      %swap3A_141 = vector.shape_cast %broadcast_in_dim3A_137 : vector<16xf32> to vector<1x16xf32>
      tpu.vector_store %arg10[%swap3A, %swap3A_138], %swap3A_141 {strides = array<i32>} : memref<32x128xf32, #tpu.memory_space<vmem>>, vector<1x16xf32>,
      %broadcast_in_dim3A_142 = arith.constant 0.000000e+00 : f32
      %broadcast_in_dim3A_143 = vector.broadcast %broadcast_in_dim3A_142 : f32 to vector<16xf32>
      %swap3A_144 = arith.index_cast %scan3A_136 : i32 to index
      %swap3A_145 = arith.constant 16 : index
      %swap3A_146 = tpu.vector_load %arg10[%swap3A_144, %swap3A_145] {strides = array<i32>} : memref<32x128xf32, #tpu.memory_space<vmem>>, vector<1x16xf32>,
      %swap3A_147 = vector.shape_cast %swap3A_146 : vector<1x16xf32> to vector<16xf32>
      %swap3A_148 = vector.shape_cast %broadcast_in_dim3A_143 : vector<16xf32> to vector<1x16xf32>
      tpu.vector_store %arg10[%swap3A_144, %swap3A_145], %swap3A_148 {strides = array<i32>} : memref<32x128xf32, #tpu.memory_space<vmem>>, vector<1x16xf32>,
      %broadcast_in_dim3A_149 = arith.constant 0.000000e+00 : f32
      %broadcast_in_dim3A_150 = vector.broadcast %broadcast_in_dim3A_149 : f32 to vector<16xf32>
      %swap3A_151 = arith.index_cast %scan3A_136 : i32 to index
      %swap3A_152 = arith.constant 32 : index
      %swap3A_153 = tpu.vector_load %arg10[%swap3A_151, %swap3A_152] {strides = array<i32>} : memref<32x128xf32, #tpu.memory_space<vmem>>, vector<1x16xf32>,
      %swap3A_154 = vector.shape_cast %swap3A_153 : vector<1x16xf32> to vector<16xf32>
      %swap3A_155 = vector.shape_cast %broadcast_in_dim3A_150 : vector<16xf32> to vector<1x16xf32>
      tpu.vector_store %arg10[%swap3A_151, %swap3A_152], %swap3A_155 {strides = array<i32>} : memref<32x128xf32, #tpu.memory_space<vmem>>, vector<1x16xf32>,
      %broadcast_in_dim3A_156 = arith.constant 0.000000e+00 : f32
      %broadcast_in_dim3A_157 = vector.broadcast %broadcast_in_dim3A_156 : f32 to vector<16xf32>
      %swap3A_158 = arith.index_cast %scan3A_136 : i32 to index
      %swap3A_159 = arith.constant 48 : index
      %swap3A_160 = tpu.vector_load %arg10[%swap3A_158, %swap3A_159] {strides = array<i32>} : memref<32x128xf32, #tpu.memory_space<vmem>>, vector<1x16xf32>,
      %swap3A_161 = vector.shape_cast %swap3A_160 : vector<1x16xf32> to vector<16xf32>
      %swap3A_162 = vector.shape_cast %broadcast_in_dim3A_157 : vector<16xf32> to vector<1x16xf32>
      tpu.vector_store %arg10[%swap3A_158, %swap3A_159], %swap3A_162 {strides = array<i32>} : memref<32x128xf32, #tpu.memory_space<vmem>>, vector<1x16xf32>,
      %broadcast_in_dim3A_163 = arith.constant 0.000000e+00 : f32
      %broadcast_in_dim3A_164 = vector.broadcast %broadcast_in_dim3A_163 : f32 to vector<16xf32>
      %swap3A_165 = arith.index_cast %scan3A_136 : i32 to index
      %swap3A_166 = arith.constant 64 : index
      %swap3A_167 = tpu.vector_load %arg10[%swap3A_165, %swap3A_166] {strides = array<i32>} : memref<32x128xf32, #tpu.memory_space<vmem>>, vector<1x16xf32>,
      %swap3A_168 = vector.shape_cast %swap3A_167 : vector<1x16xf32> to vector<16xf32>
      %swap3A_169 = vector.shape_cast %broadcast_in_dim3A_164 : vector<16xf32> to vector<1x16xf32>
      tpu.vector_store %arg10[%swap3A_165, %swap3A_166], %swap3A_169 {strides = array<i32>} : memref<32x128xf32, #tpu.memory_space<vmem>>, vector<1x16xf32>,
      %broadcast_in_dim3A_170 = arith.constant 0.000000e+00 : f32
      %broadcast_in_dim3A_171 = vector.broadcast %broadcast_in_dim3A_170 : f32 to vector<16xf32>
      %swap3A_172 = arith.index_cast %scan3A_136 : i32 to index
      %swap3A_173 = arith.constant 80 : index
      %swap3A_174 = tpu.vector_load %arg10[%swap3A_172, %swap3A_173] {strides = array<i32>} : memref<32x128xf32, #tpu.memory_space<vmem>>, vector<1x16xf32>,
      %swap3A_175 = vector.shape_cast %swap3A_174 : vector<1x16xf32> to vector<16xf32>
      %swap3A_176 = vector.shape_cast %broadcast_in_dim3A_171 : vector<16xf32> to vector<1x16xf32>
      tpu.vector_store %arg10[%swap3A_172, %swap3A_173], %swap3A_176 {strides = array<i32>} : memref<32x128xf32, #tpu.memory_space<vmem>>, vector<1x16xf32>,
      %broadcast_in_dim3A_177 = arith.constant 0.000000e+00 : f32
      %broadcast_in_dim3A_178 = vector.broadcast %broadcast_in_dim3A_177 : f32 to vector<16xf32>
      %swap3A_179 = arith.index_cast %scan3A_136 : i32 to index
      %swap3A_180 = arith.constant 96 : index
      %swap3A_181 = tpu.vector_load %arg10[%swap3A_179, %swap3A_180] {strides = array<i32>} : memref<32x128xf32, #tpu.memory_space<vmem>>, vector<1x16xf32>,
      %swap3A_182 = vector.shape_cast %swap3A_181 : vector<1x16xf32> to vector<16xf32>
      %swap3A_183 = vector.shape_cast %broadcast_in_dim3A_178 : vector<16xf32> to vector<1x16xf32>
      tpu.vector_store %arg10[%swap3A_179, %swap3A_180], %swap3A_183 {strides = array<i32>} : memref<32x128xf32, #tpu.memory_space<vmem>>, vector<1x16xf32>,
      %broadcast_in_dim3A_184 = arith.constant 0.000000e+00 : f32
      %broadcast_in_dim3A_185 = vector.broadcast %broadcast_in_dim3A_184 : f32 to vector<16xf32>
      %swap3A_186 = arith.index_cast %scan3A_136 : i32 to index
      %swap3A_187 = arith.constant 112 : index
      %swap3A_188 = tpu.vector_load %arg10[%swap3A_186, %swap3A_187] {strides = array<i32>} : memref<32x128xf32, #tpu.memory_space<vmem>>, vector<1x16xf32>,
      %swap3A_189 = vector.shape_cast %swap3A_188 : vector<1x16xf32> to vector<16xf32>
      %swap3A_190 = vector.shape_cast %broadcast_in_dim3A_185 : vector<16xf32> to vector<1x16xf32>
      tpu.vector_store %arg10[%swap3A_186, %swap3A_187], %swap3A_190 {strides = array<i32>} : memref<32x128xf32, #tpu.memory_space<vmem>>, vector<1x16xf32>,
    }
    %scan3A_18 = arith.constant 32 : i32
    %mul3A_19 = arith.constant 640 : i32
    %mul3A_20 = arith.muli %arg1, %mul3A_19 : i32
    %add3A_21 = arith.constant 0 : i32
    %add3A_22 = arith.addi %mul3A_20, %add3A_21 : i32
    "tpu.region"() ({
      %run_scoped3A_136 = tpu.sem_alloc : memref<!tpu.dma_semaphore, #tpu.memory_space<semaphore_mem>>
      %dma_start3A_137 = arith.constant 0 : i32
      %dma_start3A_138 = tpu.memref_slice %arg11[%add3A_22, %dma_start3A_137] : memref<10240x128xf32, #tpu.memory_space<vmem_shared>> -> memref<32x128xf32, #tpu.memory_space<vmem_shared>>
      %dma_start3A_139 = arith.constant 0 : i32
      %dma_start3A_140 = tpu.memref_slice %arg11[%add3A_22, %dma_start3A_139] : memref<10240x128xf32, #tpu.memory_space<vmem_shared>> -> memref<32x128xf32, #tpu.memory_space<vmem_shared>>
      tpu.enqueue_dma source(%arg10 : memref<32x128xf32, #tpu.memory_space<vmem>>) target(%dma_start3A_140 : memref<32x128xf32, #tpu.memory_space<vmem_shared>>) target_semaphore(%run_scoped3A_136 : memref<!tpu.dma_semaphore, #tpu.memory_space<semaphore_mem>>)
      %dma_wait3A_141 = arith.constant 0 : i32
      %dma_wait3A_142 = tpu.memref_slice %arg11[%add3A_22, %dma_wait3A_141] : memref<10240x128xf32, #tpu.memory_space<vmem_shared>> -> memref<32x128xf32, #tpu.memory_space<vmem_shared>>
      %dma_wait3A_143 = arith.constant 0 : i32
      %dma_wait3A_144 = tpu.memref_slice %arg11[%add3A_22, %dma_wait3A_143] : memref<10240x128xf32, #tpu.memory_space<vmem_shared>> -> memref<32x128xf32, #tpu.memory_space<vmem_shared>>
      tpu.wait_dma2 semaphore(%run_scoped3A_136 : memref<!tpu.dma_semaphore, #tpu.memory_space<semaphore_mem>>) src(%arg10 : memref<32x128xf32, #tpu.memory_space<vmem>>) dst(%dma_wait3A_144 : memref<32x128xf32, #tpu.memory_space<vmem_shared>>)
      tpu.yield
    }) : () -> ()
    %mul3A_23 = arith.constant 640 : i32
    %mul3A_24 = arith.muli %arg1, %mul3A_23 : i32
    %add3A_25 = arith.constant 32 : i32
    %add3A_26 = arith.addi %mul3A_24, %add3A_25 : i32
    "tpu.region"() ({
      %run_scoped3A_136 = tpu.sem_alloc : memref<!tpu.dma_semaphore, #tpu.memory_space<semaphore_mem>>
      %dma_start3A_137 = arith.constant 0 : i32
      %dma_start3A_138 = tpu.memref_slice %arg11[%add3A_26, %dma_start3A_137] : memref<10240x128xf32, #tpu.memory_space<vmem_shared>> -> memref<32x128xf32, #tpu.memory_space<vmem_shared>>
      %dma_start3A_139 = arith.constant 0 : i32
      %dma_start3A_140 = tpu.memref_slice %arg11[%add3A_26, %dma_start3A_139] : memref<10240x128xf32, #tpu.memory_space<vmem_shared>> -> memref<32x128xf32, #tpu.memory_space<vmem_shared>>
      tpu.enqueue_dma source(%arg10 : memref<32x128xf32, #tpu.memory_space<vmem>>) target(%dma_start3A_140 : memref<32x128xf32, #tpu.memory_space<vmem_shared>>) target_semaphore(%run_scoped3A_136 : memref<!tpu.dma_semaphore, #tpu.memory_space<semaphore_mem>>)
      %dma_wait3A_141 = arith.constant 0 : i32
      %dma_wait3A_142 = tpu.memref_slice %arg11[%add3A_26, %dma_wait3A_141] : memref<10240x128xf32, #tpu.memory_space<vmem_shared>> -> memref<32x128xf32, #tpu.memory_space<vmem_shared>>
      %dma_wait3A_143 = arith.constant 0 : i32
      %dma_wait3A_144 = tpu.memref_slice %arg11[%add3A_26, %dma_wait3A_143] : memref<10240x128xf32, #tpu.memory_space<vmem_shared>> -> memref<32x128xf32, #tpu.memory_space<vmem_shared>>
      tpu.wait_dma2 semaphore(%run_scoped3A_136 : memref<!tpu.dma_semaphore, #tpu.memory_space<semaphore_mem>>) src(%arg10 : memref<32x128xf32, #tpu.memory_space<vmem>>) dst(%dma_wait3A_144 : memref<32x128xf32, #tpu.memory_space<vmem_shared>>)
      tpu.yield
    }) : () -> ()
    %mul3A_27 = arith.constant 640 : i32
    %mul3A_28 = arith.muli %arg1, %mul3A_27 : i32
    %add3A_29 = arith.constant 64 : i32
    %add3A_30 = arith.addi %mul3A_28, %add3A_29 : i32
    "tpu.region"() ({
      %run_scoped3A_136 = tpu.sem_alloc : memref<!tpu.dma_semaphore, #tpu.memory_space<semaphore_mem>>
      %dma_start3A_137 = arith.constant 0 : i32
      %dma_start3A_138 = tpu.memref_slice %arg11[%add3A_30, %dma_start3A_137] : memref<10240x128xf32, #tpu.memory_space<vmem_shared>> -> memref<32x128xf32, #tpu.memory_space<vmem_shared>>
      %dma_start3A_139 = arith.constant 0 : i32
      %dma_start3A_140 = tpu.memref_slice %arg11[%add3A_30, %dma_start3A_139] : memref<10240x128xf32, #tpu.memory_space<vmem_shared>> -> memref<32x128xf32, #tpu.memory_space<vmem_shared>>
      tpu.enqueue_dma source(%arg10 : memref<32x128xf32, #tpu.memory_space<vmem>>) target(%dma_start3A_140 : memref<32x128xf32, #tpu.memory_space<vmem_shared>>) target_semaphore(%run_scoped3A_136 : memref<!tpu.dma_semaphore, #tpu.memory_space<semaphore_mem>>)
      %dma_wait3A_141 = arith.constant 0 : i32
      %dma_wait3A_142 = tpu.memref_slice %arg11[%add3A_30, %dma_wait3A_141] : memref<10240x128xf32, #tpu.memory_space<vmem_shared>> -> memref<32x128xf32, #tpu.memory_space<vmem_shared>>
      %dma_wait3A_143 = arith.constant 0 : i32
      %dma_wait3A_144 = tpu.memref_slice %arg11[%add3A_30, %dma_wait3A_143] : memref<10240x128xf32, #tpu.memory_space<vmem_shared>> -> memref<32x128xf32, #tpu.memory_space<vmem_shared>>
      tpu.wait_dma2 semaphore(%run_scoped3A_136 : memref<!tpu.dma_semaphore, #tpu.memory_space<semaphore_mem>>) src(%arg10 : memref<32x128xf32, #tpu.memory_space<vmem>>) dst(%dma_wait3A_144 : memref<32x128xf32, #tpu.memory_space<vmem_shared>>)
      tpu.yield
    }) : () -> ()
    %mul3A_31 = arith.constant 640 : i32
    %mul3A_32 = arith.muli %arg1, %mul3A_31 : i32
    %add3A_33 = arith.constant 96 : i32
    %add3A_34 = arith.addi %mul3A_32, %add3A_33 : i32
    "tpu.region"() ({
      %run_scoped3A_136 = tpu.sem_alloc : memref<!tpu.dma_semaphore, #tpu.memory_space<semaphore_mem>>
      %dma_start3A_137 = arith.constant 0 : i32
      %dma_start3A_138 = tpu.memref_slice %arg11[%add3A_34, %dma_start3A_137] : memref<10240x128xf32, #tpu.memory_space<vmem_shared>> -> memref<32x128xf32, #tpu.memory_space<vmem_shared>>
      %dma_start3A_139 = arith.constant 0 : i32
      %dma_start3A_140 = tpu.memref_slice %arg11[%add3A_34, %dma_start3A_139] : memref<10240x128xf32, #tpu.memory_space<vmem_shared>> -> memref<32x128xf32, #tpu.memory_space<vmem_shared>>
      tpu.enqueue_dma source(%arg10 : memref<32x128xf32, #tpu.memory_space<vmem>>) target(%dma_start3A_140 : memref<32x128xf32, #tpu.memory_space<vmem_shared>>) target_semaphore(%run_scoped3A_136 : memref<!tpu.dma_semaphore, #tpu.memory_space<semaphore_mem>>)
      %dma_wait3A_141 = arith.constant 0 : i32
      %dma_wait3A_142 = tpu.memref_slice %arg11[%add3A_34, %dma_wait3A_141] : memref<10240x128xf32, #tpu.memory_space<vmem_shared>> -> memref<32x128xf32, #tpu.memory_space<vmem_shared>>
      %dma_wait3A_143 = arith.constant 0 : i32
      %dma_wait3A_144 = tpu.memref_slice %arg11[%add3A_34, %dma_wait3A_143] : memref<10240x128xf32, #tpu.memory_space<vmem_shared>> -> memref<32x128xf32, #tpu.memory_space<vmem_shared>>
      tpu.wait_dma2 semaphore(%run_scoped3A_136 : memref<!tpu.dma_semaphore, #tpu.memory_space<semaphore_mem>>) src(%arg10 : memref<32x128xf32, #tpu.memory_space<vmem>>) dst(%dma_wait3A_144 : memref<32x128xf32, #tpu.memory_space<vmem_shared>>)
      tpu.yield
    }) : () -> ()
    %mul3A_35 = arith.constant 640 : i32
    %mul3A_36 = arith.muli %arg1, %mul3A_35 : i32
    %add3A_37 = arith.constant 128 : i32
    %add3A_38 = arith.addi %mul3A_36, %add3A_37 : i32
    "tpu.region"() ({
      %run_scoped3A_136 = tpu.sem_alloc : memref<!tpu.dma_semaphore, #tpu.memory_space<semaphore_mem>>
      %dma_start3A_137 = arith.constant 0 : i32
      %dma_start3A_138 = tpu.memref_slice %arg11[%add3A_38, %dma_start3A_137] : memref<10240x128xf32, #tpu.memory_space<vmem_shared>> -> memref<32x128xf32, #tpu.memory_space<vmem_shared>>
      %dma_start3A_139 = arith.constant 0 : i32
      %dma_start3A_140 = tpu.memref_slice %arg11[%add3A_38, %dma_start3A_139] : memref<10240x128xf32, #tpu.memory_space<vmem_shared>> -> memref<32x128xf32, #tpu.memory_space<vmem_shared>>
      tpu.enqueue_dma source(%arg10 : memref<32x128xf32, #tpu.memory_space<vmem>>) target(%dma_start3A_140 : memref<32x128xf32, #tpu.memory_space<vmem_shared>>) target_semaphore(%run_scoped3A_136 : memref<!tpu.dma_semaphore, #tpu.memory_space<semaphore_mem>>)
      %dma_wait3A_141 = arith.constant 0 : i32
      %dma_wait3A_142 = tpu.memref_slice %arg11[%add3A_38, %dma_wait3A_141] : memref<10240x128xf32, #tpu.memory_space<vmem_shared>> -> memref<32x128xf32, #tpu.memory_space<vmem_shared>>
      %dma_wait3A_143 = arith.constant 0 : i32
      %dma_wait3A_144 = tpu.memref_slice %arg11[%add3A_38, %dma_wait3A_143] : memref<10240x128xf32, #tpu.memory_space<vmem_shared>> -> memref<32x128xf32, #tpu.memory_space<vmem_shared>>
      tpu.wait_dma2 semaphore(%run_scoped3A_136 : memref<!tpu.dma_semaphore, #tpu.memory_space<semaphore_mem>>) src(%arg10 : memref<32x128xf32, #tpu.memory_space<vmem>>) dst(%dma_wait3A_144 : memref<32x128xf32, #tpu.memory_space<vmem_shared>>)
      tpu.yield
    }) : () -> ()
    %mul3A_39 = arith.constant 640 : i32
    %mul3A_40 = arith.muli %arg1, %mul3A_39 : i32
    %add3A_41 = arith.constant 160 : i32
    %add3A_42 = arith.addi %mul3A_40, %add3A_41 : i32
    "tpu.region"() ({
      %run_scoped3A_136 = tpu.sem_alloc : memref<!tpu.dma_semaphore, #tpu.memory_space<semaphore_mem>>
      %dma_start3A_137 = arith.constant 0 : i32
      %dma_start3A_138 = tpu.memref_slice %arg11[%add3A_42, %dma_start3A_137] : memref<10240x128xf32, #tpu.memory_space<vmem_shared>> -> memref<32x128xf32, #tpu.memory_space<vmem_shared>>
      %dma_start3A_139 = arith.constant 0 : i32
      %dma_start3A_140 = tpu.memref_slice %arg11[%add3A_42, %dma_start3A_139] : memref<10240x128xf32, #tpu.memory_space<vmem_shared>> -> memref<32x128xf32, #tpu.memory_space<vmem_shared>>
      tpu.enqueue_dma source(%arg10 : memref<32x128xf32, #tpu.memory_space<vmem>>) target(%dma_start3A_140 : memref<32x128xf32, #tpu.memory_space<vmem_shared>>) target_semaphore(%run_scoped3A_136 : memref<!tpu.dma_semaphore, #tpu.memory_space<semaphore_mem>>)
      %dma_wait3A_141 = arith.constant 0 : i32
      %dma_wait3A_142 = tpu.memref_slice %arg11[%add3A_42, %dma_wait3A_141] : memref<10240x128xf32, #tpu.memory_space<vmem_shared>> -> memref<32x128xf32, #tpu.memory_space<vmem_shared>>
      %dma_wait3A_143 = arith.constant 0 : i32
      %dma_wait3A_144 = tpu.memref_slice %arg11[%add3A_42, %dma_wait3A_143] : memref<10240x128xf32, #tpu.memory_space<vmem_shared>> -> memref<32x128xf32, #tpu.memory_space<vmem_shared>>
      tpu.wait_dma2 semaphore(%run_scoped3A_136 : memref<!tpu.dma_semaphore, #tpu.memory_space<semaphore_mem>>) src(%arg10 : memref<32x128xf32, #tpu.memory_space<vmem>>) dst(%dma_wait3A_144 : memref<32x128xf32, #tpu.memory_space<vmem_shared>>)
      tpu.yield
    }) : () -> ()
    %mul3A_43 = arith.constant 640 : i32
    %mul3A_44 = arith.muli %arg1, %mul3A_43 : i32
    %add3A_45 = arith.constant 192 : i32
    %add3A_46 = arith.addi %mul3A_44, %add3A_45 : i32
    "tpu.region"() ({
      %run_scoped3A_136 = tpu.sem_alloc : memref<!tpu.dma_semaphore, #tpu.memory_space<semaphore_mem>>
      %dma_start3A_137 = arith.constant 0 : i32
      %dma_start3A_138 = tpu.memref_slice %arg11[%add3A_46, %dma_start3A_137] : memref<10240x128xf32, #tpu.memory_space<vmem_shared>> -> memref<32x128xf32, #tpu.memory_space<vmem_shared>>
      %dma_start3A_139 = arith.constant 0 : i32
      %dma_start3A_140 = tpu.memref_slice %arg11[%add3A_46, %dma_start3A_139] : memref<10240x128xf32, #tpu.memory_space<vmem_shared>> -> memref<32x128xf32, #tpu.memory_space<vmem_shared>>
      tpu.enqueue_dma source(%arg10 : memref<32x128xf32, #tpu.memory_space<vmem>>) target(%dma_start3A_140 : memref<32x128xf32, #tpu.memory_space<vmem_shared>>) target_semaphore(%run_scoped3A_136 : memref<!tpu.dma_semaphore, #tpu.memory_space<semaphore_mem>>)
      %dma_wait3A_141 = arith.constant 0 : i32
      %dma_wait3A_142 = tpu.memref_slice %arg11[%add3A_46, %dma_wait3A_141] : memref<10240x128xf32, #tpu.memory_space<vmem_shared>> -> memref<32x128xf32, #tpu.memory_space<vmem_shared>>
      %dma_wait3A_143 = arith.constant 0 : i32
      %dma_wait3A_144 = tpu.memref_slice %arg11[%add3A_46, %dma_wait3A_143] : memref<10240x128xf32, #tpu.memory_space<vmem_shared>> -> memref<32x128xf32, #tpu.memory_space<vmem_shared>>
      tpu.wait_dma2 semaphore(%run_scoped3A_136 : memref<!tpu.dma_semaphore, #tpu.memory_space<semaphore_mem>>) src(%arg10 : memref<32x128xf32, #tpu.memory_space<vmem>>) dst(%dma_wait3A_144 : memref<32x128xf32, #tpu.memory_space<vmem_shared>>)
      tpu.yield
    }) : () -> ()
    %mul3A_47 = arith.constant 640 : i32
    %mul3A_48 = arith.muli %arg1, %mul3A_47 : i32
    %add3A_49 = arith.constant 224 : i32
    %add3A_50 = arith.addi %mul3A_48, %add3A_49 : i32
    "tpu.region"() ({
      %run_scoped3A_136 = tpu.sem_alloc : memref<!tpu.dma_semaphore, #tpu.memory_space<semaphore_mem>>
      %dma_start3A_137 = arith.constant 0 : i32
      %dma_start3A_138 = tpu.memref_slice %arg11[%add3A_50, %dma_start3A_137] : memref<10240x128xf32, #tpu.memory_space<vmem_shared>> -> memref<32x128xf32, #tpu.memory_space<vmem_shared>>
      %dma_start3A_139 = arith.constant 0 : i32
      %dma_start3A_140 = tpu.memref_slice %arg11[%add3A_50, %dma_start3A_139] : memref<10240x128xf32, #tpu.memory_space<vmem_shared>> -> memref<32x128xf32, #tpu.memory_space<vmem_shared>>
      tpu.enqueue_dma source(%arg10 : memref<32x128xf32, #tpu.memory_space<vmem>>) target(%dma_start3A_140 : memref<32x128xf32, #tpu.memory_space<vmem_shared>>) target_semaphore(%run_scoped3A_136 : memref<!tpu.dma_semaphore, #tpu.memory_space<semaphore_mem>>)
      %dma_wait3A_141 = arith.constant 0 : i32
      %dma_wait3A_142 = tpu.memref_slice %arg11[%add3A_50, %dma_wait3A_141] : memref<10240x128xf32, #tpu.memory_space<vmem_shared>> -> memref<32x128xf32, #tpu.memory_space<vmem_shared>>
      %dma_wait3A_143 = arith.constant 0 : i32
      %dma_wait3A_144 = tpu.memref_slice %arg11[%add3A_50, %dma_wait3A_143] : memref<10240x128xf32, #tpu.memory_space<vmem_shared>> -> memref<32x128xf32, #tpu.memory_space<vmem_shared>>
      tpu.wait_dma2 semaphore(%run_scoped3A_136 : memref<!tpu.dma_semaphore, #tpu.memory_space<semaphore_mem>>) src(%arg10 : memref<32x128xf32, #tpu.memory_space<vmem>>) dst(%dma_wait3A_144 : memref<32x128xf32, #tpu.memory_space<vmem_shared>>)
      tpu.yield
    }) : () -> ()
    %mul3A_51 = arith.constant 640 : i32
    %mul3A_52 = arith.muli %arg1, %mul3A_51 : i32
    %add3A_53 = arith.constant 256 : i32
    %add3A_54 = arith.addi %mul3A_52, %add3A_53 : i32
    "tpu.region"() ({
      %run_scoped3A_136 = tpu.sem_alloc : memref<!tpu.dma_semaphore, #tpu.memory_space<semaphore_mem>>
      %dma_start3A_137 = arith.constant 0 : i32
      %dma_start3A_138 = tpu.memref_slice %arg11[%add3A_54, %dma_start3A_137] : memref<10240x128xf32, #tpu.memory_space<vmem_shared>> -> memref<32x128xf32, #tpu.memory_space<vmem_shared>>
      %dma_start3A_139 = arith.constant 0 : i32
      %dma_start3A_140 = tpu.memref_slice %arg11[%add3A_54, %dma_start3A_139] : memref<10240x128xf32, #tpu.memory_space<vmem_shared>> -> memref<32x128xf32, #tpu.memory_space<vmem_shared>>
      tpu.enqueue_dma source(%arg10 : memref<32x128xf32, #tpu.memory_space<vmem>>) target(%dma_start3A_140 : memref<32x128xf32, #tpu.memory_space<vmem_shared>>) target_semaphore(%run_scoped3A_136 : memref<!tpu.dma_semaphore, #tpu.memory_space<semaphore_mem>>)
      %dma_wait3A_141 = arith.constant 0 : i32
      %dma_wait3A_142 = tpu.memref_slice %arg11[%add3A_54, %dma_wait3A_141] : memref<10240x128xf32, #tpu.memory_space<vmem_shared>> -> memref<32x128xf32, #tpu.memory_space<vmem_shared>>
      %dma_wait3A_143 = arith.constant 0 : i32
      %dma_wait3A_144 = tpu.memref_slice %arg11[%add3A_54, %dma_wait3A_143] : memref<10240x128xf32, #tpu.memory_space<vmem_shared>> -> memref<32x128xf32, #tpu.memory_space<vmem_shared>>
      tpu.wait_dma2 semaphore(%run_scoped3A_136 : memref<!tpu.dma_semaphore, #tpu.memory_space<semaphore_mem>>) src(%arg10 : memref<32x128xf32, #tpu.memory_space<vmem>>) dst(%dma_wait3A_144 : memref<32x128xf32, #tpu.memory_space<vmem_shared>>)
      tpu.yield
    }) : () -> ()
    %mul3A_55 = arith.constant 640 : i32
    %mul3A_56 = arith.muli %arg1, %mul3A_55 : i32
    %add3A_57 = arith.constant 288 : i32
    %add3A_58 = arith.addi %mul3A_56, %add3A_57 : i32
    "tpu.region"() ({
      %run_scoped3A_136 = tpu.sem_alloc : memref<!tpu.dma_semaphore, #tpu.memory_space<semaphore_mem>>
      %dma_start3A_137 = arith.constant 0 : i32
      %dma_start3A_138 = tpu.memref_slice %arg11[%add3A_58, %dma_start3A_137] : memref<10240x128xf32, #tpu.memory_space<vmem_shared>> -> memref<32x128xf32, #tpu.memory_space<vmem_shared>>
      %dma_start3A_139 = arith.constant 0 : i32
      %dma_start3A_140 = tpu.memref_slice %arg11[%add3A_58, %dma_start3A_139] : memref<10240x128xf32, #tpu.memory_space<vmem_shared>> -> memref<32x128xf32, #tpu.memory_space<vmem_shared>>
      tpu.enqueue_dma source(%arg10 : memref<32x128xf32, #tpu.memory_space<vmem>>) target(%dma_start3A_140 : memref<32x128xf32, #tpu.memory_space<vmem_shared>>) target_semaphore(%run_scoped3A_136 : memref<!tpu.dma_semaphore, #tpu.memory_space<semaphore_mem>>)
      %dma_wait3A_141 = arith.constant 0 : i32
      %dma_wait3A_142 = tpu.memref_slice %arg11[%add3A_58, %dma_wait3A_141] : memref<10240x128xf32, #tpu.memory_space<vmem_shared>> -> memref<32x128xf32, #tpu.memory_space<vmem_shared>>
      %dma_wait3A_143 = arith.constant 0 : i32
      %dma_wait3A_144 = tpu.memref_slice %arg11[%add3A_58, %dma_wait3A_143] : memref<10240x128xf32, #tpu.memory_space<vmem_shared>> -> memref<32x128xf32, #tpu.memory_space<vmem_shared>>
      tpu.wait_dma2 semaphore(%run_scoped3A_136 : memref<!tpu.dma_semaphore, #tpu.memory_space<semaphore_mem>>) src(%arg10 : memref<32x128xf32, #tpu.memory_space<vmem>>) dst(%dma_wait3A_144 : memref<32x128xf32, #tpu.memory_space<vmem_shared>>)
      tpu.yield
    }) : () -> ()
    %mul3A_59 = arith.constant 640 : i32
    %mul3A_60 = arith.muli %arg1, %mul3A_59 : i32
    %add3A_61 = arith.constant 320 : i32
    %add3A_62 = arith.addi %mul3A_60, %add3A_61 : i32
    "tpu.region"() ({
      %run_scoped3A_136 = tpu.sem_alloc : memref<!tpu.dma_semaphore, #tpu.memory_space<semaphore_mem>>
      %dma_start3A_137 = arith.constant 0 : i32
      %dma_start3A_138 = tpu.memref_slice %arg11[%add3A_62, %dma_start3A_137] : memref<10240x128xf32, #tpu.memory_space<vmem_shared>> -> memref<32x128xf32, #tpu.memory_space<vmem_shared>>
      %dma_start3A_139 = arith.constant 0 : i32
      %dma_start3A_140 = tpu.memref_slice %arg11[%add3A_62, %dma_start3A_139] : memref<10240x128xf32, #tpu.memory_space<vmem_shared>> -> memref<32x128xf32, #tpu.memory_space<vmem_shared>>
      tpu.enqueue_dma source(%arg10 : memref<32x128xf32, #tpu.memory_space<vmem>>) target(%dma_start3A_140 : memref<32x128xf32, #tpu.memory_space<vmem_shared>>) target_semaphore(%run_scoped3A_136 : memref<!tpu.dma_semaphore, #tpu.memory_space<semaphore_mem>>)
      %dma_wait3A_141 = arith.constant 0 : i32
      %dma_wait3A_142 = tpu.memref_slice %arg11[%add3A_62, %dma_wait3A_141] : memref<10240x128xf32, #tpu.memory_space<vmem_shared>> -> memref<32x128xf32, #tpu.memory_space<vmem_shared>>
      %dma_wait3A_143 = arith.constant 0 : i32
      %dma_wait3A_144 = tpu.memref_slice %arg11[%add3A_62, %dma_wait3A_143] : memref<10240x128xf32, #tpu.memory_space<vmem_shared>> -> memref<32x128xf32, #tpu.memory_space<vmem_shared>>
      tpu.wait_dma2 semaphore(%run_scoped3A_136 : memref<!tpu.dma_semaphore, #tpu.memory_space<semaphore_mem>>) src(%arg10 : memref<32x128xf32, #tpu.memory_space<vmem>>) dst(%dma_wait3A_144 : memref<32x128xf32, #tpu.memory_space<vmem_shared>>)
      tpu.yield
    }) : () -> ()
    %mul3A_63 = arith.constant 640 : i32
    %mul3A_64 = arith.muli %arg1, %mul3A_63 : i32
    %add3A_65 = arith.constant 352 : i32
    %add3A_66 = arith.addi %mul3A_64, %add3A_65 : i32
    "tpu.region"() ({
      %run_scoped3A_136 = tpu.sem_alloc : memref<!tpu.dma_semaphore, #tpu.memory_space<semaphore_mem>>
      %dma_start3A_137 = arith.constant 0 : i32
      %dma_start3A_138 = tpu.memref_slice %arg11[%add3A_66, %dma_start3A_137] : memref<10240x128xf32, #tpu.memory_space<vmem_shared>> -> memref<32x128xf32, #tpu.memory_space<vmem_shared>>
      %dma_start3A_139 = arith.constant 0 : i32
      %dma_start3A_140 = tpu.memref_slice %arg11[%add3A_66, %dma_start3A_139] : memref<10240x128xf32, #tpu.memory_space<vmem_shared>> -> memref<32x128xf32, #tpu.memory_space<vmem_shared>>
      tpu.enqueue_dma source(%arg10 : memref<32x128xf32, #tpu.memory_space<vmem>>) target(%dma_start3A_140 : memref<32x128xf32, #tpu.memory_space<vmem_shared>>) target_semaphore(%run_scoped3A_136 : memref<!tpu.dma_semaphore, #tpu.memory_space<semaphore_mem>>)
      %dma_wait3A_141 = arith.constant 0 : i32
      %dma_wait3A_142 = tpu.memref_slice %arg11[%add3A_66, %dma_wait3A_141] : memref<10240x128xf32, #tpu.memory_space<vmem_shared>> -> memref<32x128xf32, #tpu.memory_space<vmem_shared>>
      %dma_wait3A_143 = arith.constant 0 : i32
      %dma_wait3A_144 = tpu.memref_slice %arg11[%add3A_66, %dma_wait3A_143] : memref<10240x128xf32, #tpu.memory_space<vmem_shared>> -> memref<32x128xf32, #tpu.memory_space<vmem_shared>>
      tpu.wait_dma2 semaphore(%run_scoped3A_136 : memref<!tpu.dma_semaphore, #tpu.memory_space<semaphore_mem>>) src(%arg10 : memref<32x128xf32, #tpu.memory_space<vmem>>) dst(%dma_wait3A_144 : memref<32x128xf32, #tpu.memory_space<vmem_shared>>)
      tpu.yield
    }) : () -> ()
    %mul3A_67 = arith.constant 640 : i32
    %mul3A_68 = arith.muli %arg1, %mul3A_67 : i32
    %add3A_69 = arith.constant 384 : i32
    %add3A_70 = arith.addi %mul3A_68, %add3A_69 : i32
    "tpu.region"() ({
      %run_scoped3A_136 = tpu.sem_alloc : memref<!tpu.dma_semaphore, #tpu.memory_space<semaphore_mem>>
      %dma_start3A_137 = arith.constant 0 : i32
      %dma_start3A_138 = tpu.memref_slice %arg11[%add3A_70, %dma_start3A_137] : memref<10240x128xf32, #tpu.memory_space<vmem_shared>> -> memref<32x128xf32, #tpu.memory_space<vmem_shared>>
      %dma_start3A_139 = arith.constant 0 : i32
      %dma_start3A_140 = tpu.memref_slice %arg11[%add3A_70, %dma_start3A_139] : memref<10240x128xf32, #tpu.memory_space<vmem_shared>> -> memref<32x128xf32, #tpu.memory_space<vmem_shared>>
      tpu.enqueue_dma source(%arg10 : memref<32x128xf32, #tpu.memory_space<vmem>>) target(%dma_start3A_140 : memref<32x128xf32, #tpu.memory_space<vmem_shared>>) target_semaphore(%run_scoped3A_136 : memref<!tpu.dma_semaphore, #tpu.memory_space<semaphore_mem>>)
      %dma_wait3A_141 = arith.constant 0 : i32
      %dma_wait3A_142 = tpu.memref_slice %arg11[%add3A_70, %dma_wait3A_141] : memref<10240x128xf32, #tpu.memory_space<vmem_shared>> -> memref<32x128xf32, #tpu.memory_space<vmem_shared>>
      %dma_wait3A_143 = arith.constant 0 : i32
      %dma_wait3A_144 = tpu.memref_slice %arg11[%add3A_70, %dma_wait3A_143] : memref<10240x128xf32, #tpu.memory_space<vmem_shared>> -> memref<32x128xf32, #tpu.memory_space<vmem_shared>>
      tpu.wait_dma2 semaphore(%run_scoped3A_136 : memref<!tpu.dma_semaphore, #tpu.memory_space<semaphore_mem>>) src(%arg10 : memref<32x128xf32, #tpu.memory_space<vmem>>) dst(%dma_wait3A_144 : memref<32x128xf32, #tpu.memory_space<vmem_shared>>)
      tpu.yield
    }) : () -> ()
    %mul3A_71 = arith.constant 640 : i32
    %mul3A_72 = arith.muli %arg1, %mul3A_71 : i32
    %add3A_73 = arith.constant 416 : i32
    %add3A_74 = arith.addi %mul3A_72, %add3A_73 : i32
    "tpu.region"() ({
      %run_scoped3A_136 = tpu.sem_alloc : memref<!tpu.dma_semaphore, #tpu.memory_space<semaphore_mem>>
      %dma_start3A_137 = arith.constant 0 : i32
      %dma_start3A_138 = tpu.memref_slice %arg11[%add3A_74, %dma_start3A_137] : memref<10240x128xf32, #tpu.memory_space<vmem_shared>> -> memref<32x128xf32, #tpu.memory_space<vmem_shared>>
      %dma_start3A_139 = arith.constant 0 : i32
      %dma_start3A_140 = tpu.memref_slice %arg11[%add3A_74, %dma_start3A_139] : memref<10240x128xf32, #tpu.memory_space<vmem_shared>> -> memref<32x128xf32, #tpu.memory_space<vmem_shared>>
      tpu.enqueue_dma source(%arg10 : memref<32x128xf32, #tpu.memory_space<vmem>>) target(%dma_start3A_140 : memref<32x128xf32, #tpu.memory_space<vmem_shared>>) target_semaphore(%run_scoped3A_136 : memref<!tpu.dma_semaphore, #tpu.memory_space<semaphore_mem>>)
      %dma_wait3A_141 = arith.constant 0 : i32
      %dma_wait3A_142 = tpu.memref_slice %arg11[%add3A_74, %dma_wait3A_141] : memref<10240x128xf32, #tpu.memory_space<vmem_shared>> -> memref<32x128xf32, #tpu.memory_space<vmem_shared>>
      %dma_wait3A_143 = arith.constant 0 : i32
      %dma_wait3A_144 = tpu.memref_slice %arg11[%add3A_74, %dma_wait3A_143] : memref<10240x128xf32, #tpu.memory_space<vmem_shared>> -> memref<32x128xf32, #tpu.memory_space<vmem_shared>>
      tpu.wait_dma2 semaphore(%run_scoped3A_136 : memref<!tpu.dma_semaphore, #tpu.memory_space<semaphore_mem>>) src(%arg10 : memref<32x128xf32, #tpu.memory_space<vmem>>) dst(%dma_wait3A_144 : memref<32x128xf32, #tpu.memory_space<vmem_shared>>)
      tpu.yield
    }) : () -> ()
    %mul3A_75 = arith.constant 640 : i32
    %mul3A_76 = arith.muli %arg1, %mul3A_75 : i32
    %add3A_77 = arith.constant 448 : i32
    %add3A_78 = arith.addi %mul3A_76, %add3A_77 : i32
    "tpu.region"() ({
      %run_scoped3A_136 = tpu.sem_alloc : memref<!tpu.dma_semaphore, #tpu.memory_space<semaphore_mem>>
      %dma_start3A_137 = arith.constant 0 : i32
      %dma_start3A_138 = tpu.memref_slice %arg11[%add3A_78, %dma_start3A_137] : memref<10240x128xf32, #tpu.memory_space<vmem_shared>> -> memref<32x128xf32, #tpu.memory_space<vmem_shared>>
      %dma_start3A_139 = arith.constant 0 : i32
      %dma_start3A_140 = tpu.memref_slice %arg11[%add3A_78, %dma_start3A_139] : memref<10240x128xf32, #tpu.memory_space<vmem_shared>> -> memref<32x128xf32, #tpu.memory_space<vmem_shared>>
      tpu.enqueue_dma source(%arg10 : memref<32x128xf32, #tpu.memory_space<vmem>>) target(%dma_start3A_140 : memref<32x128xf32, #tpu.memory_space<vmem_shared>>) target_semaphore(%run_scoped3A_136 : memref<!tpu.dma_semaphore, #tpu.memory_space<semaphore_mem>>)
      %dma_wait3A_141 = arith.constant 0 : i32
      %dma_wait3A_142 = tpu.memref_slice %arg11[%add3A_78, %dma_wait3A_141] : memref<10240x128xf32, #tpu.memory_space<vmem_shared>> -> memref<32x128xf32, #tpu.memory_space<vmem_shared>>
      %dma_wait3A_143 = arith.constant 0 : i32
      %dma_wait3A_144 = tpu.memref_slice %arg11[%add3A_78, %dma_wait3A_143] : memref<10240x128xf32, #tpu.memory_space<vmem_shared>> -> memref<32x128xf32, #tpu.memory_space<vmem_shared>>
      tpu.wait_dma2 semaphore(%run_scoped3A_136 : memref<!tpu.dma_semaphore, #tpu.memory_space<semaphore_mem>>) src(%arg10 : memref<32x128xf32, #tpu.memory_space<vmem>>) dst(%dma_wait3A_144 : memref<32x128xf32, #tpu.memory_space<vmem_shared>>)
      tpu.yield
    }) : () -> ()
    %mul3A_79 = arith.constant 640 : i32
    %mul3A_80 = arith.muli %arg1, %mul3A_79 : i32
    %add3A_81 = arith.constant 480 : i32
    %add3A_82 = arith.addi %mul3A_80, %add3A_81 : i32
    "tpu.region"() ({
      %run_scoped3A_136 = tpu.sem_alloc : memref<!tpu.dma_semaphore, #tpu.memory_space<semaphore_mem>>
      %dma_start3A_137 = arith.constant 0 : i32
      %dma_start3A_138 = tpu.memref_slice %arg11[%add3A_82, %dma_start3A_137] : memref<10240x128xf32, #tpu.memory_space<vmem_shared>> -> memref<32x128xf32, #tpu.memory_space<vmem_shared>>
      %dma_start3A_139 = arith.constant 0 : i32
      %dma_start3A_140 = tpu.memref_slice %arg11[%add3A_82, %dma_start3A_139] : memref<10240x128xf32, #tpu.memory_space<vmem_shared>> -> memref<32x128xf32, #tpu.memory_space<vmem_shared>>
      tpu.enqueue_dma source(%arg10 : memref<32x128xf32, #tpu.memory_space<vmem>>) target(%dma_start3A_140 : memref<32x128xf32, #tpu.memory_space<vmem_shared>>) target_semaphore(%run_scoped3A_136 : memref<!tpu.dma_semaphore, #tpu.memory_space<semaphore_mem>>)
      %dma_wait3A_141 = arith.constant 0 : i32
      %dma_wait3A_142 = tpu.memref_slice %arg11[%add3A_82, %dma_wait3A_141] : memref<10240x128xf32, #tpu.memory_space<vmem_shared>> -> memref<32x128xf32, #tpu.memory_space<vmem_shared>>
      %dma_wait3A_143 = arith.constant 0 : i32
      %dma_wait3A_144 = tpu.memref_slice %arg11[%add3A_82, %dma_wait3A_143] : memref<10240x128xf32, #tpu.memory_space<vmem_shared>> -> memref<32x128xf32, #tpu.memory_space<vmem_shared>>
      tpu.wait_dma2 semaphore(%run_scoped3A_136 : memref<!tpu.dma_semaphore, #tpu.memory_space<semaphore_mem>>) src(%arg10 : memref<32x128xf32, #tpu.memory_space<vmem>>) dst(%dma_wait3A_144 : memref<32x128xf32, #tpu.memory_space<vmem_shared>>)
      tpu.yield
    }) : () -> ()
    %mul3A_83 = arith.constant 640 : i32
    %mul3A_84 = arith.muli %arg1, %mul3A_83 : i32
    %add3A_85 = arith.constant 512 : i32
    %add3A_86 = arith.addi %mul3A_84, %add3A_85 : i32
    "tpu.region"() ({
      %run_scoped3A_136 = tpu.sem_alloc : memref<!tpu.dma_semaphore, #tpu.memory_space<semaphore_mem>>
      %dma_start3A_137 = arith.constant 0 : i32
      %dma_start3A_138 = tpu.memref_slice %arg11[%add3A_86, %dma_start3A_137] : memref<10240x128xf32, #tpu.memory_space<vmem_shared>> -> memref<32x128xf32, #tpu.memory_space<vmem_shared>>
      %dma_start3A_139 = arith.constant 0 : i32
      %dma_start3A_140 = tpu.memref_slice %arg11[%add3A_86, %dma_start3A_139] : memref<10240x128xf32, #tpu.memory_space<vmem_shared>> -> memref<32x128xf32, #tpu.memory_space<vmem_shared>>
      tpu.enqueue_dma source(%arg10 : memref<32x128xf32, #tpu.memory_space<vmem>>) target(%dma_start3A_140 : memref<32x128xf32, #tpu.memory_space<vmem_shared>>) target_semaphore(%run_scoped3A_136 : memref<!tpu.dma_semaphore, #tpu.memory_space<semaphore_mem>>)
      %dma_wait3A_141 = arith.constant 0 : i32
      %dma_wait3A_142 = tpu.memref_slice %arg11[%add3A_86, %dma_wait3A_141] : memref<10240x128xf32, #tpu.memory_space<vmem_shared>> -> memref<32x128xf32, #tpu.memory_space<vmem_shared>>
      %dma_wait3A_143 = arith.constant 0 : i32
      %dma_wait3A_144 = tpu.memref_slice %arg11[%add3A_86, %dma_wait3A_143] : memref<10240x128xf32, #tpu.memory_space<vmem_shared>> -> memref<32x128xf32, #tpu.memory_space<vmem_shared>>
      tpu.wait_dma2 semaphore(%run_scoped3A_136 : memref<!tpu.dma_semaphore, #tpu.memory_space<semaphore_mem>>) src(%arg10 : memref<32x128xf32, #tpu.memory_space<vmem>>) dst(%dma_wait3A_144 : memref<32x128xf32, #tpu.memory_space<vmem_shared>>)
      tpu.yield
    }) : () -> ()
    %mul3A_87 = arith.constant 640 : i32
    %mul3A_88 = arith.muli %arg1, %mul3A_87 : i32
    %add3A_89 = arith.constant 544 : i32
    %add3A_90 = arith.addi %mul3A_88, %add3A_89 : i32
    "tpu.region"() ({
      %run_scoped3A_136 = tpu.sem_alloc : memref<!tpu.dma_semaphore, #tpu.memory_space<semaphore_mem>>
      %dma_start3A_137 = arith.constant 0 : i32
      %dma_start3A_138 = tpu.memref_slice %arg11[%add3A_90, %dma_start3A_137] : memref<10240x128xf32, #tpu.memory_space<vmem_shared>> -> memref<32x128xf32, #tpu.memory_space<vmem_shared>>
      %dma_start3A_139 = arith.constant 0 : i32
      %dma_start3A_140 = tpu.memref_slice %arg11[%add3A_90, %dma_start3A_139] : memref<10240x128xf32, #tpu.memory_space<vmem_shared>> -> memref<32x128xf32, #tpu.memory_space<vmem_shared>>
      tpu.enqueue_dma source(%arg10 : memref<32x128xf32, #tpu.memory_space<vmem>>) target(%dma_start3A_140 : memref<32x128xf32, #tpu.memory_space<vmem_shared>>) target_semaphore(%run_scoped3A_136 : memref<!tpu.dma_semaphore, #tpu.memory_space<semaphore_mem>>)
      %dma_wait3A_141 = arith.constant 0 : i32
      %dma_wait3A_142 = tpu.memref_slice %arg11[%add3A_90, %dma_wait3A_141] : memref<10240x128xf32, #tpu.memory_space<vmem_shared>> -> memref<32x128xf32, #tpu.memory_space<vmem_shared>>
      %dma_wait3A_143 = arith.constant 0 : i32
      %dma_wait3A_144 = tpu.memref_slice %arg11[%add3A_90, %dma_wait3A_143] : memref<10240x128xf32, #tpu.memory_space<vmem_shared>> -> memref<32x128xf32, #tpu.memory_space<vmem_shared>>
      tpu.wait_dma2 semaphore(%run_scoped3A_136 : memref<!tpu.dma_semaphore, #tpu.memory_space<semaphore_mem>>) src(%arg10 : memref<32x128xf32, #tpu.memory_space<vmem>>) dst(%dma_wait3A_144 : memref<32x128xf32, #tpu.memory_space<vmem_shared>>)
      tpu.yield
    }) : () -> ()
    %mul3A_91 = arith.constant 640 : i32
    %mul3A_92 = arith.muli %arg1, %mul3A_91 : i32
    %add3A_93 = arith.constant 576 : i32
    %add3A_94 = arith.addi %mul3A_92, %add3A_93 : i32
    "tpu.region"() ({
      %run_scoped3A_136 = tpu.sem_alloc : memref<!tpu.dma_semaphore, #tpu.memory_space<semaphore_mem>>
      %dma_start3A_137 = arith.constant 0 : i32
      %dma_start3A_138 = tpu.memref_slice %arg11[%add3A_94, %dma_start3A_137] : memref<10240x128xf32, #tpu.memory_space<vmem_shared>> -> memref<32x128xf32, #tpu.memory_space<vmem_shared>>
      %dma_start3A_139 = arith.constant 0 : i32
      %dma_start3A_140 = tpu.memref_slice %arg11[%add3A_94, %dma_start3A_139] : memref<10240x128xf32, #tpu.memory_space<vmem_shared>> -> memref<32x128xf32, #tpu.memory_space<vmem_shared>>
      tpu.enqueue_dma source(%arg10 : memref<32x128xf32, #tpu.memory_space<vmem>>) target(%dma_start3A_140 : memref<32x128xf32, #tpu.memory_space<vmem_shared>>) target_semaphore(%run_scoped3A_136 : memref<!tpu.dma_semaphore, #tpu.memory_space<semaphore_mem>>)
      %dma_wait3A_141 = arith.constant 0 : i32
      %dma_wait3A_142 = tpu.memref_slice %arg11[%add3A_94, %dma_wait3A_141] : memref<10240x128xf32, #tpu.memory_space<vmem_shared>> -> memref<32x128xf32, #tpu.memory_space<vmem_shared>>
      %dma_wait3A_143 = arith.constant 0 : i32
      %dma_wait3A_144 = tpu.memref_slice %arg11[%add3A_94, %dma_wait3A_143] : memref<10240x128xf32, #tpu.memory_space<vmem_shared>> -> memref<32x128xf32, #tpu.memory_space<vmem_shared>>
      tpu.wait_dma2 semaphore(%run_scoped3A_136 : memref<!tpu.dma_semaphore, #tpu.memory_space<semaphore_mem>>) src(%arg10 : memref<32x128xf32, #tpu.memory_space<vmem>>) dst(%dma_wait3A_144 : memref<32x128xf32, #tpu.memory_space<vmem_shared>>)
      tpu.yield
    }) : () -> ()
    %mul3A_95 = arith.constant 640 : i32
    %mul3A_96 = arith.muli %arg1, %mul3A_95 : i32
    %add3A_97 = arith.constant 608 : i32
    %add3A_98 = arith.addi %mul3A_96, %add3A_97 : i32
    "tpu.region"() ({
      %run_scoped3A_136 = tpu.sem_alloc : memref<!tpu.dma_semaphore, #tpu.memory_space<semaphore_mem>>
      %dma_start3A_137 = arith.constant 0 : i32
      %dma_start3A_138 = tpu.memref_slice %arg11[%add3A_98, %dma_start3A_137] : memref<10240x128xf32, #tpu.memory_space<vmem_shared>> -> memref<32x128xf32, #tpu.memory_space<vmem_shared>>
      %dma_start3A_139 = arith.constant 0 : i32
      %dma_start3A_140 = tpu.memref_slice %arg11[%add3A_98, %dma_start3A_139] : memref<10240x128xf32, #tpu.memory_space<vmem_shared>> -> memref<32x128xf32, #tpu.memory_space<vmem_shared>>
      tpu.enqueue_dma source(%arg10 : memref<32x128xf32, #tpu.memory_space<vmem>>) target(%dma_start3A_140 : memref<32x128xf32, #tpu.memory_space<vmem_shared>>) target_semaphore(%run_scoped3A_136 : memref<!tpu.dma_semaphore, #tpu.memory_space<semaphore_mem>>)
      %dma_wait3A_141 = arith.constant 0 : i32
      %dma_wait3A_142 = tpu.memref_slice %arg11[%add3A_98, %dma_wait3A_141] : memref<10240x128xf32, #tpu.memory_space<vmem_shared>> -> memref<32x128xf32, #tpu.memory_space<vmem_shared>>
      %dma_wait3A_143 = arith.constant 0 : i32
      %dma_wait3A_144 = tpu.memref_slice %arg11[%add3A_98, %dma_wait3A_143] : memref<10240x128xf32, #tpu.memory_space<vmem_shared>> -> memref<32x128xf32, #tpu.memory_space<vmem_shared>>
      tpu.wait_dma2 semaphore(%run_scoped3A_136 : memref<!tpu.dma_semaphore, #tpu.memory_space<semaphore_mem>>) src(%arg10 : memref<32x128xf32, #tpu.memory_space<vmem>>) dst(%dma_wait3A_144 : memref<32x128xf32, #tpu.memory_space<vmem_shared>>)
      tpu.yield
    }) : () -> ()
    %barrier3A = arith.constant 0 : index
    tpu.barrier barrier_id(%barrier3A)
    %scan3A_99 = arith.constant 0 : i32
    %scan3A_100 = arith.constant 0 : i32
    %scan3A_101 = arith.constant 20 : i32
    %scan3A_102 = arith.addi %scan3A_100, %scan3A_101 : i32
    %scan3A_103 = arith.constant 1 : i32
    scf.for %scan3A_136 = %scan3A_100 to %scan3A_102 step %scan3A_103  : i32 {
      %mul3A_137 = arith.constant 2 : i32
      %mul3A_138 = arith.muli %mul3A_137, %scan3A_136 : i32
      %add3A_139 = arith.constant 1 : i32
      %add3A_140 = arith.addi %mul3A_138, %add3A_139 : i32
      %dma_wait3A_141 = arith.constant 0 : i32
      %dma_wait3A_142 = tpu.memref_slice %arg6[%mul3A_138, %dma_wait3A_141] : memref<40x128xi32, #tpu.memory_space<vmem>> -> memref<1x128xi32, #tpu.memory_space<vmem>>
      %dma_wait3A_143 = tpu.memref_squeeze %dma_wait3A_142 : memref<1x128xi32, #tpu.memory_space<vmem>> -> memref<128xi32, #tpu.memory_space<vmem>>
      %dma_wait3A_144 = arith.constant 0 : i32
      %dma_wait3A_145 = arith.constant 0 : i32
      %dma_wait3A_146 = tpu.memref_slice %arg2[%dma_wait3A_144, %dma_wait3A_145] : memref<10000x128xf32, #tpu.memory_space<hbm>> -> memref<10000x128xf32, #tpu.memory_space<hbm>>
      tpu.wait_indirect_dma semaphore(%arg12 : memref<!tpu.dma_semaphore, #tpu.memory_space<semaphore_mem>>) src(%dma_wait3A_146 : memref<10000x128xf32, #tpu.memory_space<hbm>>) dst(%arg8 : memref<128x128xf32, #tpu.memory_space<vmem>>)
      "tpu.region"() ({
        %run_scoped3A_164 = tpu.sem_alloc : memref<!tpu.dma_semaphore, #tpu.memory_space<semaphore_mem>>
        %dma_start3A_165 = arith.constant 0 : i32
        %dma_start3A_166 = tpu.memref_slice %arg7[%mul3A_138, %dma_start3A_165] : memref<40x128xi32, #tpu.memory_space<vmem>> -> memref<1x128xi32, #tpu.memory_space<vmem>>
        %dma_start3A_167 = tpu.memref_squeeze %dma_start3A_166 : memref<1x128xi32, #tpu.memory_space<vmem>> -> memref<128xi32, #tpu.memory_space<vmem>>
        %dma_start3A_168 = arith.constant 0 : i32
        %dma_start3A_169 = arith.constant 0 : i32
        %dma_start3A_170 = tpu.memref_slice %arg11[%dma_start3A_168, %dma_start3A_169] : memref<10240x128xf32, #tpu.memory_space<vmem_shared>> -> memref<10240x128xf32, #tpu.memory_space<vmem_shared>>
        tpu.enqueue_indirect_dma source(%arg8 : memref<128x128xf32, #tpu.memory_space<vmem>>) target(%dma_start3A_170 : memref<10240x128xf32, #tpu.memory_space<vmem_shared>>) offsets(%dma_start3A_167 : memref<128xi32, #tpu.memory_space<vmem>>) semaphore(%run_scoped3A_164 : memref<!tpu.dma_semaphore, #tpu.memory_space<semaphore_mem>>) {add = true}
        %dma_wait3A_171 = arith.constant 0 : i32
        %dma_wait3A_172 = tpu.memref_slice %arg7[%mul3A_138, %dma_wait3A_171] : memref<40x128xi32, #tpu.memory_space<vmem>> -> memref<1x128xi32, #tpu.memory_space<vmem>>
        %dma_wait3A_173 = tpu.memref_squeeze %dma_wait3A_172 : memref<1x128xi32, #tpu.memory_space<vmem>> -> memref<128xi32, #tpu.memory_space<vmem>>
        %dma_wait3A_174 = arith.constant 0 : i32
        %dma_wait3A_175 = arith.constant 0 : i32
        %dma_wait3A_176 = tpu.memref_slice %arg11[%dma_wait3A_174, %dma_wait3A_175] : memref<10240x128xf32, #tpu.memory_space<vmem_shared>> -> memref<10240x128xf32, #tpu.memory_space<vmem_shared>>
        tpu.wait_indirect_dma semaphore(%run_scoped3A_164 : memref<!tpu.dma_semaphore, #tpu.memory_space<semaphore_mem>>) src(%arg8 : memref<128x128xf32, #tpu.memory_space<vmem>>) dst(%dma_wait3A_176 : memref<10240x128xf32, #tpu.memory_space<vmem_shared>>)
        tpu.yield
      }) : () -> ()
      %add3A_147 = arith.constant 2 : i32
      %add3A_148 = arith.addi %mul3A_138, %add3A_147 : i32
      %lt3A = arith.constant 40 : i32
      %lt3A_149 = arith.cmpi slt, %add3A_148, %lt3A : i32
      %convert_element_type3A = arith.extui %lt3A_149 : i1 to i32
      %cond3A = arith.constant 0 : i32
      %cond3A_150 = arith.cmpi ne, %convert_element_type3A, %cond3A : i32
      scf.if %cond3A_150 {
        %add3A_164 = arith.constant 2 : i32
        %add3A_165 = arith.addi %mul3A_138, %add3A_164 : i32
        %dma_start3A_166 = arith.constant 0 : i32
        %dma_start3A_167 = tpu.memref_slice %arg6[%add3A_165, %dma_start3A_166] : memref<40x128xi32, #tpu.memory_space<vmem>> -> memref<1x128xi32, #tpu.memory_space<vmem>>
        %dma_start3A_168 = tpu.memref_squeeze %dma_start3A_167 : memref<1x128xi32, #tpu.memory_space<vmem>> -> memref<128xi32, #tpu.memory_space<vmem>>
        %dma_start3A_169 = arith.constant 0 : i32
        %dma_start3A_170 = arith.constant 0 : i32
        %dma_start3A_171 = tpu.memref_slice %arg2[%dma_start3A_169, %dma_start3A_170] : memref<10000x128xf32, #tpu.memory_space<hbm>> -> memref<10000x128xf32, #tpu.memory_space<hbm>>
        tpu.enqueue_indirect_dma source(%dma_start3A_171 : memref<10000x128xf32, #tpu.memory_space<hbm>>) target(%arg8 : memref<128x128xf32, #tpu.memory_space<vmem>>) offsets(%dma_start3A_168 : memref<128xi32, #tpu.memory_space<vmem>>) semaphore(%arg12 : memref<!tpu.dma_semaphore, #tpu.memory_space<semaphore_mem>>)
      } else {
      }
      %dma_wait3A_151 = arith.constant 0 : i32
      %dma_wait3A_152 = tpu.memref_slice %arg6[%add3A_140, %dma_wait3A_151] : memref<40x128xi32, #tpu.memory_space<vmem>> -> memref<1x128xi32, #tpu.memory_space<vmem>>
      %dma_wait3A_153 = tpu.memref_squeeze %dma_wait3A_152 : memref<1x128xi32, #tpu.memory_space<vmem>> -> memref<128xi32, #tpu.memory_space<vmem>>
      %dma_wait3A_154 = arith.constant 0 : i32
      %dma_wait3A_155 = arith.constant 0 : i32
      %dma_wait3A_156 = tpu.memref_slice %arg2[%dma_wait3A_154, %dma_wait3A_155] : memref<10000x128xf32, #tpu.memory_space<hbm>> -> memref<10000x128xf32, #tpu.memory_space<hbm>>
      tpu.wait_indirect_dma semaphore(%arg13 : memref<!tpu.dma_semaphore, #tpu.memory_space<semaphore_mem>>) src(%dma_wait3A_156 : memref<10000x128xf32, #tpu.memory_space<hbm>>) dst(%arg9 : memref<128x128xf32, #tpu.memory_space<vmem>>)
      "tpu.region"() ({
        %run_scoped3A_164 = tpu.sem_alloc : memref<!tpu.dma_semaphore, #tpu.memory_space<semaphore_mem>>
        %dma_start3A_165 = arith.constant 0 : i32
        %dma_start3A_166 = tpu.memref_slice %arg7[%add3A_140, %dma_start3A_165] : memref<40x128xi32, #tpu.memory_space<vmem>> -> memref<1x128xi32, #tpu.memory_space<vmem>>
        %dma_start3A_167 = tpu.memref_squeeze %dma_start3A_166 : memref<1x128xi32, #tpu.memory_space<vmem>> -> memref<128xi32, #tpu.memory_space<vmem>>
        %dma_start3A_168 = arith.constant 0 : i32
        %dma_start3A_169 = arith.constant 0 : i32
        %dma_start3A_170 = tpu.memref_slice %arg11[%dma_start3A_168, %dma_start3A_169] : memref<10240x128xf32, #tpu.memory_space<vmem_shared>> -> memref<10240x128xf32, #tpu.memory_space<vmem_shared>>
        tpu.enqueue_indirect_dma source(%arg9 : memref<128x128xf32, #tpu.memory_space<vmem>>) target(%dma_start3A_170 : memref<10240x128xf32, #tpu.memory_space<vmem_shared>>) offsets(%dma_start3A_167 : memref<128xi32, #tpu.memory_space<vmem>>) semaphore(%run_scoped3A_164 : memref<!tpu.dma_semaphore, #tpu.memory_space<semaphore_mem>>) {add = true}
        %dma_wait3A_171 = arith.constant 0 : i32
        %dma_wait3A_172 = tpu.memref_slice %arg7[%add3A_140, %dma_wait3A_171] : memref<40x128xi32, #tpu.memory_space<vmem>> -> memref<1x128xi32, #tpu.memory_space<vmem>>
        %dma_wait3A_173 = tpu.memref_squeeze %dma_wait3A_172 : memref<1x128xi32, #tpu.memory_space<vmem>> -> memref<128xi32, #tpu.memory_space<vmem>>
        %dma_wait3A_174 = arith.constant 0 : i32
        %dma_wait3A_175 = arith.constant 0 : i32
        %dma_wait3A_176 = tpu.memref_slice %arg11[%dma_wait3A_174, %dma_wait3A_175] : memref<10240x128xf32, #tpu.memory_space<vmem_shared>> -> memref<10240x128xf32, #tpu.memory_space<vmem_shared>>
        tpu.wait_indirect_dma semaphore(%run_scoped3A_164 : memref<!tpu.dma_semaphore, #tpu.memory_space<semaphore_mem>>) src(%arg9 : memref<128x128xf32, #tpu.memory_space<vmem>>) dst(%dma_wait3A_176 : memref<10240x128xf32, #tpu.memory_space<vmem_shared>>)
        tpu.yield
      }) : () -> ()
      %add3A_157 = arith.constant 2 : i32
      %add3A_158 = arith.addi %add3A_140, %add3A_157 : i32
      %lt3A_159 = arith.constant 40 : i32
      %lt3A_160 = arith.cmpi slt, %add3A_158, %lt3A_159 : i32
      %convert_element_type3A_161 = arith.extui %lt3A_160 : i1 to i32
      %cond3A_162 = arith.constant 0 : i32
      %cond3A_163 = arith.cmpi ne, %convert_element_type3A_161, %cond3A_162 : i32
      scf.if %cond3A_163 {
        %add3A_164 = arith.constant 2 : i32
        %add3A_165 = arith.addi %add3A_140, %add3A_164 : i32
        %dma_start3A_166 = arith.constant 0 : i32
        %dma_start3A_167 = tpu.memref_slice %arg6[%add3A_165, %dma_start3A_166] : memref<40x128xi32, #tpu.memory_space<vmem>> -> memref<1x128xi32, #tpu.memory_space<vmem>>
        %dma_start3A_168 = tpu.memref_squeeze %dma_start3A_167 : memref<1x128xi32, #tpu.memory_space<vmem>> -> memref<128xi32, #tpu.memory_space<vmem>>
        %dma_start3A_169 = arith.constant 0 : i32
        %dma_start3A_170 = arith.constant 0 : i32
        %dma_start3A_171 = tpu.memref_slice %arg2[%dma_start3A_169, %dma_start3A_170] : memref<10000x128xf32, #tpu.memory_space<hbm>> -> memref<10000x128xf32, #tpu.memory_space<hbm>>
        tpu.enqueue_indirect_dma source(%dma_start3A_171 : memref<10000x128xf32, #tpu.memory_space<hbm>>) target(%arg9 : memref<128x128xf32, #tpu.memory_space<vmem>>) offsets(%dma_start3A_168 : memref<128xi32, #tpu.memory_space<vmem>>) semaphore(%arg13 : memref<!tpu.dma_semaphore, #tpu.memory_space<semaphore_mem>>)
      } else {
      }
    }
    %scan3A_104 = arith.constant 20 : i32
    "tpu.region"() ({
      %run_scoped3A_136 = tpu.sem_alloc : memref<!tpu.dma_semaphore, #tpu.memory_space<semaphore_mem>>
      %dma_start3A_137 = arith.constant 0 : i32
      %dma_start3A_138 = arith.constant 0 : i32
      %dma_start3A_139 = tpu.memref_slice %arg6[%dma_start3A_137, %dma_start3A_138] : memref<40x128xi32, #tpu.memory_space<vmem>> -> memref<39x128xi32, #tpu.memory_space<vmem>>
      %dma_start3A_140 = arith.constant 40 : i32
      %dma_start3A_141 = arith.constant 0 : i32
      %dma_start3A_142 = tpu.memref_slice %arg3[%add3A, %dma_start3A_140, %dma_start3A_141] : memref<32x79x128xi32, #tpu.memory_space<hbm>> -> memref<1x39x128xi32, #tpu.memory_space<hbm>>
      %dma_start3A_143 = tpu.memref_squeeze %dma_start3A_142 : memref<1x39x128xi32, #tpu.memory_space<hbm>> -> memref<39x128xi32, #tpu.memory_space<hbm>>
      %dma_start3A_144 = arith.constant 0 : i32
      %dma_start3A_145 = arith.constant 0 : i32
      %dma_start3A_146 = tpu.memref_slice %arg6[%dma_start3A_144, %dma_start3A_145] : memref<40x128xi32, #tpu.memory_space<vmem>> -> memref<39x128xi32, #tpu.memory_space<vmem>>
      %dma_start3A_147 = arith.constant 40 : i32
      %dma_start3A_148 = arith.constant 0 : i32
      %dma_start3A_149 = tpu.memref_slice %arg3[%add3A, %dma_start3A_147, %dma_start3A_148] : memref<32x79x128xi32, #tpu.memory_space<hbm>> -> memref<1x39x128xi32, #tpu.memory_space<hbm>>
      %dma_start3A_150 = tpu.memref_squeeze %dma_start3A_149 : memref<1x39x128xi32, #tpu.memory_space<hbm>> -> memref<39x128xi32, #tpu.memory_space<hbm>>
      tpu.enqueue_dma source(%dma_start3A_150 : memref<39x128xi32, #tpu.memory_space<hbm>>) target(%dma_start3A_146 : memref<39x128xi32, #tpu.memory_space<vmem>>) target_semaphore(%run_scoped3A_136 : memref<!tpu.dma_semaphore, #tpu.memory_space<semaphore_mem>>)
      %dma_wait3A_151 = arith.constant 0 : i32
      %dma_wait3A_152 = arith.constant 0 : i32
      %dma_wait3A_153 = tpu.memref_slice %arg6[%dma_wait3A_151, %dma_wait3A_152] : memref<40x128xi32, #tpu.memory_space<vmem>> -> memref<39x128xi32, #tpu.memory_space<vmem>>
      %dma_wait3A_154 = arith.constant 40 : i32
      %dma_wait3A_155 = arith.constant 0 : i32
      %dma_wait3A_156 = tpu.memref_slice %arg3[%add3A, %dma_wait3A_154, %dma_wait3A_155] : memref<32x79x128xi32, #tpu.memory_space<hbm>> -> memref<1x39x128xi32, #tpu.memory_space<hbm>>
      %dma_wait3A_157 = tpu.memref_squeeze %dma_wait3A_156 : memref<1x39x128xi32, #tpu.memory_space<hbm>> -> memref<39x128xi32, #tpu.memory_space<hbm>>
      %dma_wait3A_158 = arith.constant 0 : i32
      %dma_wait3A_159 = arith.constant 0 : i32
      %dma_wait3A_160 = tpu.memref_slice %arg6[%dma_wait3A_158, %dma_wait3A_159] : memref<40x128xi32, #tpu.memory_space<vmem>> -> memref<39x128xi32, #tpu.memory_space<vmem>>
      %dma_wait3A_161 = arith.constant 40 : i32
      %dma_wait3A_162 = arith.constant 0 : i32
      %dma_wait3A_163 = tpu.memref_slice %arg3[%add3A, %dma_wait3A_161, %dma_wait3A_162] : memref<32x79x128xi32, #tpu.memory_space<hbm>> -> memref<1x39x128xi32, #tpu.memory_space<hbm>>
      %dma_wait3A_164 = tpu.memref_squeeze %dma_wait3A_163 : memref<1x39x128xi32, #tpu.memory_space<hbm>> -> memref<39x128xi32, #tpu.memory_space<hbm>>
      tpu.wait_dma2 semaphore(%run_scoped3A_136 : memref<!tpu.dma_semaphore, #tpu.memory_space<semaphore_mem>>) src(%dma_wait3A_164 : memref<39x128xi32, #tpu.memory_space<hbm>>) dst(%dma_wait3A_160 : memref<39x128xi32, #tpu.memory_space<vmem>>)
      tpu.yield
    }) : () -> ()
    "tpu.region"() ({
      %run_scoped3A_136 = tpu.sem_alloc : memref<!tpu.dma_semaphore, #tpu.memory_space<semaphore_mem>>
      %dma_start3A_137 = arith.constant 0 : i32
      %dma_start3A_138 = arith.constant 0 : i32
      %dma_start3A_139 = tpu.memref_slice %arg7[%dma_start3A_137, %dma_start3A_138] : memref<40x128xi32, #tpu.memory_space<vmem>> -> memref<39x128xi32, #tpu.memory_space<vmem>>
      %dma_start3A_140 = arith.constant 40 : i32
      %dma_start3A_141 = arith.constant 0 : i32
      %dma_start3A_142 = tpu.memref_slice %arg4[%add3A, %dma_start3A_140, %dma_start3A_141] : memref<32x79x128xi32, #tpu.memory_space<hbm>> -> memref<1x39x128xi32, #tpu.memory_space<hbm>>
      %dma_start3A_143 = tpu.memref_squeeze %dma_start3A_142 : memref<1x39x128xi32, #tpu.memory_space<hbm>> -> memref<39x128xi32, #tpu.memory_space<hbm>>
      %dma_start3A_144 = arith.constant 0 : i32
      %dma_start3A_145 = arith.constant 0 : i32
      %dma_start3A_146 = tpu.memref_slice %arg7[%dma_start3A_144, %dma_start3A_145] : memref<40x128xi32, #tpu.memory_space<vmem>> -> memref<39x128xi32, #tpu.memory_space<vmem>>
      %dma_start3A_147 = arith.constant 40 : i32
      %dma_start3A_148 = arith.constant 0 : i32
      %dma_start3A_149 = tpu.memref_slice %arg4[%add3A, %dma_start3A_147, %dma_start3A_148] : memref<32x79x128xi32, #tpu.memory_space<hbm>> -> memref<1x39x128xi32, #tpu.memory_space<hbm>>
      %dma_start3A_150 = tpu.memref_squeeze %dma_start3A_149 : memref<1x39x128xi32, #tpu.memory_space<hbm>> -> memref<39x128xi32, #tpu.memory_space<hbm>>
      tpu.enqueue_dma source(%dma_start3A_150 : memref<39x128xi32, #tpu.memory_space<hbm>>) target(%dma_start3A_146 : memref<39x128xi32, #tpu.memory_space<vmem>>) target_semaphore(%run_scoped3A_136 : memref<!tpu.dma_semaphore, #tpu.memory_space<semaphore_mem>>)
      %dma_wait3A_151 = arith.constant 0 : i32
      %dma_wait3A_152 = arith.constant 0 : i32
      %dma_wait3A_153 = tpu.memref_slice %arg7[%dma_wait3A_151, %dma_wait3A_152] : memref<40x128xi32, #tpu.memory_space<vmem>> -> memref<39x128xi32, #tpu.memory_space<vmem>>
      %dma_wait3A_154 = arith.constant 40 : i32
      %dma_wait3A_155 = arith.constant 0 : i32
      %dma_wait3A_156 = tpu.memref_slice %arg4[%add3A, %dma_wait3A_154, %dma_wait3A_155] : memref<32x79x128xi32, #tpu.memory_space<hbm>> -> memref<1x39x128xi32, #tpu.memory_space<hbm>>
      %dma_wait3A_157 = tpu.memref_squeeze %dma_wait3A_156 : memref<1x39x128xi32, #tpu.memory_space<hbm>> -> memref<39x128xi32, #tpu.memory_space<hbm>>
      %dma_wait3A_158 = arith.constant 0 : i32
      %dma_wait3A_159 = arith.constant 0 : i32
      %dma_wait3A_160 = tpu.memref_slice %arg7[%dma_wait3A_158, %dma_wait3A_159] : memref<40x128xi32, #tpu.memory_space<vmem>> -> memref<39x128xi32, #tpu.memory_space<vmem>>
      %dma_wait3A_161 = arith.constant 40 : i32
      %dma_wait3A_162 = arith.constant 0 : i32
      %dma_wait3A_163 = tpu.memref_slice %arg4[%add3A, %dma_wait3A_161, %dma_wait3A_162] : memref<32x79x128xi32, #tpu.memory_space<hbm>> -> memref<1x39x128xi32, #tpu.memory_space<hbm>>
      %dma_wait3A_164 = tpu.memref_squeeze %dma_wait3A_163 : memref<1x39x128xi32, #tpu.memory_space<hbm>> -> memref<39x128xi32, #tpu.memory_space<hbm>>
      tpu.wait_dma2 semaphore(%run_scoped3A_136 : memref<!tpu.dma_semaphore, #tpu.memory_space<semaphore_mem>>) src(%dma_wait3A_164 : memref<39x128xi32, #tpu.memory_space<hbm>>) dst(%dma_wait3A_160 : memref<39x128xi32, #tpu.memory_space<vmem>>)
      tpu.yield
    }) : () -> ()
    %dma_start3A_105 = arith.constant 0 : i32
    %dma_start3A_106 = arith.constant 0 : i32
    %dma_start3A_107 = tpu.memref_slice %arg6[%dma_start3A_105, %dma_start3A_106] : memref<40x128xi32, #tpu.memory_space<vmem>> -> memref<1x128xi32, #tpu.memory_space<vmem>>
    %dma_start3A_108 = tpu.memref_squeeze %dma_start3A_107 : memref<1x128xi32, #tpu.memory_space<vmem>> -> memref<128xi32, #tpu.memory_space<vmem>>
    %dma_start3A_109 = arith.constant 0 : i32
    %dma_start3A_110 = arith.constant 0 : i32
    %dma_start3A_111 = tpu.memref_slice %arg2[%dma_start3A_109, %dma_start3A_110] : memref<10000x128xf32, #tpu.memory_space<hbm>> -> memref<10000x128xf32, #tpu.memory_space<hbm>>
    tpu.enqueue_indirect_dma source(%dma_start3A_111 : memref<10000x128xf32, #tpu.memory_space<hbm>>) target(%arg8 : memref<128x128xf32, #tpu.memory_space<vmem>>) offsets(%dma_start3A_108 : memref<128xi32, #tpu.memory_space<vmem>>) semaphore(%arg12 : memref<!tpu.dma_semaphore, #tpu.memory_space<semaphore_mem>>)
    %dma_start3A_112 = arith.constant 1 : i32
    %dma_start3A_113 = arith.constant 0 : i32
    %dma_start3A_114 = tpu.memref_slice %arg6[%dma_start3A_112, %dma_start3A_113] : memref<40x128xi32, #tpu.memory_space<vmem>> -> memref<1x128xi32, #tpu.memory_space<vmem>>
    %dma_start3A_115 = tpu.memref_squeeze %dma_start3A_114 : memref<1x128xi32, #tpu.memory_space<vmem>> -> memref<128xi32, #tpu.memory_space<vmem>>
    %dma_start3A_116 = arith.constant 0 : i32
    %dma_start3A_117 = arith.constant 0 : i32
    %dma_start3A_118 = tpu.memref_slice %arg2[%dma_start3A_116, %dma_start3A_117] : memref<10000x128xf32, #tpu.memory_space<hbm>> -> memref<10000x128xf32, #tpu.memory_space<hbm>>
    tpu.enqueue_indirect_dma source(%dma_start3A_118 : memref<10000x128xf32, #tpu.memory_space<hbm>>) target(%arg9 : memref<128x128xf32, #tpu.memory_space<vmem>>) offsets(%dma_start3A_115 : memref<128xi32, #tpu.memory_space<vmem>>) semaphore(%arg13 : memref<!tpu.dma_semaphore, #tpu.memory_space<semaphore_mem>>)
    %scan3A_119 = arith.constant 0 : i32
    %scan3A_120 = arith.constant 0 : i32
    %scan3A_121 = arith.constant 19 : i32
    %scan3A_122 = arith.addi %scan3A_120, %scan3A_121 : i32
    %scan3A_123 = arith.constant 1 : i32
    scf.for %scan3A_136 = %scan3A_120 to %scan3A_122 step %scan3A_123  : i32 {
      %mul3A_137 = arith.constant 2 : i32
      %mul3A_138 = arith.muli %mul3A_137, %scan3A_136 : i32
      %add3A_139 = arith.constant 1 : i32
      %add3A_140 = arith.addi %mul3A_138, %add3A_139 : i32
      %dma_wait3A_141 = arith.constant 0 : i32
      %dma_wait3A_142 = tpu.memref_slice %arg6[%mul3A_138, %dma_wait3A_141] : memref<40x128xi32, #tpu.memory_space<vmem>> -> memref<1x128xi32, #tpu.memory_space<vmem>>
      %dma_wait3A_143 = tpu.memref_squeeze %dma_wait3A_142 : memref<1x128xi32, #tpu.memory_space<vmem>> -> memref<128xi32, #tpu.memory_space<vmem>>
      %dma_wait3A_144 = arith.constant 0 : i32
      %dma_wait3A_145 = arith.constant 0 : i32
      %dma_wait3A_146 = tpu.memref_slice %arg2[%dma_wait3A_144, %dma_wait3A_145] : memref<10000x128xf32, #tpu.memory_space<hbm>> -> memref<10000x128xf32, #tpu.memory_space<hbm>>
      tpu.wait_indirect_dma semaphore(%arg12 : memref<!tpu.dma_semaphore, #tpu.memory_space<semaphore_mem>>) src(%dma_wait3A_146 : memref<10000x128xf32, #tpu.memory_space<hbm>>) dst(%arg8 : memref<128x128xf32, #tpu.memory_space<vmem>>)
      "tpu.region"() ({
        %run_scoped3A_164 = tpu.sem_alloc : memref<!tpu.dma_semaphore, #tpu.memory_space<semaphore_mem>>
        %dma_start3A_165 = arith.constant 0 : i32
        %dma_start3A_166 = tpu.memref_slice %arg7[%mul3A_138, %dma_start3A_165] : memref<40x128xi32, #tpu.memory_space<vmem>> -> memref<1x128xi32, #tpu.memory_space<vmem>>
        %dma_start3A_167 = tpu.memref_squeeze %dma_start3A_166 : memref<1x128xi32, #tpu.memory_space<vmem>> -> memref<128xi32, #tpu.memory_space<vmem>>
        %dma_start3A_168 = arith.constant 0 : i32
        %dma_start3A_169 = arith.constant 0 : i32
        %dma_start3A_170 = tpu.memref_slice %arg11[%dma_start3A_168, %dma_start3A_169] : memref<10240x128xf32, #tpu.memory_space<vmem_shared>> -> memref<10240x128xf32, #tpu.memory_space<vmem_shared>>
        tpu.enqueue_indirect_dma source(%arg8 : memref<128x128xf32, #tpu.memory_space<vmem>>) target(%dma_start3A_170 : memref<10240x128xf32, #tpu.memory_space<vmem_shared>>) offsets(%dma_start3A_167 : memref<128xi32, #tpu.memory_space<vmem>>) semaphore(%run_scoped3A_164 : memref<!tpu.dma_semaphore, #tpu.memory_space<semaphore_mem>>) {add = true}
        %dma_wait3A_171 = arith.constant 0 : i32
        %dma_wait3A_172 = tpu.memref_slice %arg7[%mul3A_138, %dma_wait3A_171] : memref<40x128xi32, #tpu.memory_space<vmem>> -> memref<1x128xi32, #tpu.memory_space<vmem>>
        %dma_wait3A_173 = tpu.memref_squeeze %dma_wait3A_172 : memref<1x128xi32, #tpu.memory_space<vmem>> -> memref<128xi32, #tpu.memory_space<vmem>>
        %dma_wait3A_174 = arith.constant 0 : i32
        %dma_wait3A_175 = arith.constant 0 : i32
        %dma_wait3A_176 = tpu.memref_slice %arg11[%dma_wait3A_174, %dma_wait3A_175] : memref<10240x128xf32, #tpu.memory_space<vmem_shared>> -> memref<10240x128xf32, #tpu.memory_space<vmem_shared>>
        tpu.wait_indirect_dma semaphore(%run_scoped3A_164 : memref<!tpu.dma_semaphore, #tpu.memory_space<semaphore_mem>>) src(%arg8 : memref<128x128xf32, #tpu.memory_space<vmem>>) dst(%dma_wait3A_176 : memref<10240x128xf32, #tpu.memory_space<vmem_shared>>)
        tpu.yield
      }) : () -> ()
      %add3A_147 = arith.constant 2 : i32
      %add3A_148 = arith.addi %mul3A_138, %add3A_147 : i32
      %lt3A = arith.constant 39 : i32
      %lt3A_149 = arith.cmpi slt, %add3A_148, %lt3A : i32
      %convert_element_type3A = arith.extui %lt3A_149 : i1 to i32
      %cond3A = arith.constant 0 : i32
      %cond3A_150 = arith.cmpi ne, %convert_element_type3A, %cond3A : i32
      scf.if %cond3A_150 {
        %add3A_164 = arith.constant 2 : i32
        %add3A_165 = arith.addi %mul3A_138, %add3A_164 : i32
        %dma_start3A_166 = arith.constant 0 : i32
        %dma_start3A_167 = tpu.memref_slice %arg6[%add3A_165, %dma_start3A_166] : memref<40x128xi32, #tpu.memory_space<vmem>> -> memref<1x128xi32, #tpu.memory_space<vmem>>
        %dma_start3A_168 = tpu.memref_squeeze %dma_start3A_167 : memref<1x128xi32, #tpu.memory_space<vmem>> -> memref<128xi32, #tpu.memory_space<vmem>>
        %dma_start3A_169 = arith.constant 0 : i32
        %dma_start3A_170 = arith.constant 0 : i32
        %dma_start3A_171 = tpu.memref_slice %arg2[%dma_start3A_169, %dma_start3A_170] : memref<10000x128xf32, #tpu.memory_space<hbm>> -> memref<10000x128xf32, #tpu.memory_space<hbm>>
        tpu.enqueue_indirect_dma source(%dma_start3A_171 : memref<10000x128xf32, #tpu.memory_space<hbm>>) target(%arg8 : memref<128x128xf32, #tpu.memory_space<vmem>>) offsets(%dma_start3A_168 : memref<128xi32, #tpu.memory_space<vmem>>) semaphore(%arg12 : memref<!tpu.dma_semaphore, #tpu.memory_space<semaphore_mem>>)
      } else {
      }
      %dma_wait3A_151 = arith.constant 0 : i32
      %dma_wait3A_152 = tpu.memref_slice %arg6[%add3A_140, %dma_wait3A_151] : memref<40x128xi32, #tpu.memory_space<vmem>> -> memref<1x128xi32, #tpu.memory_space<vmem>>
      %dma_wait3A_153 = tpu.memref_squeeze %dma_wait3A_152 : memref<1x128xi32, #tpu.memory_space<vmem>> -> memref<128xi32, #tpu.memory_space<vmem>>
      %dma_wait3A_154 = arith.constant 0 : i32
      %dma_wait3A_155 = arith.constant 0 : i32
      %dma_wait3A_156 = tpu.memref_slice %arg2[%dma_wait3A_154, %dma_wait3A_155] : memref<10000x128xf32, #tpu.memory_space<hbm>> -> memref<10000x128xf32, #tpu.memory_space<hbm>>
      tpu.wait_indirect_dma semaphore(%arg13 : memref<!tpu.dma_semaphore, #tpu.memory_space<semaphore_mem>>) src(%dma_wait3A_156 : memref<10000x128xf32, #tpu.memory_space<hbm>>) dst(%arg9 : memref<128x128xf32, #tpu.memory_space<vmem>>)
      "tpu.region"() ({
        %run_scoped3A_164 = tpu.sem_alloc : memref<!tpu.dma_semaphore, #tpu.memory_space<semaphore_mem>>
        %dma_start3A_165 = arith.constant 0 : i32
        %dma_start3A_166 = tpu.memref_slice %arg7[%add3A_140, %dma_start3A_165] : memref<40x128xi32, #tpu.memory_space<vmem>> -> memref<1x128xi32, #tpu.memory_space<vmem>>
        %dma_start3A_167 = tpu.memref_squeeze %dma_start3A_166 : memref<1x128xi32, #tpu.memory_space<vmem>> -> memref<128xi32, #tpu.memory_space<vmem>>
        %dma_start3A_168 = arith.constant 0 : i32
        %dma_start3A_169 = arith.constant 0 : i32
        %dma_start3A_170 = tpu.memref_slice %arg11[%dma_start3A_168, %dma_start3A_169] : memref<10240x128xf32, #tpu.memory_space<vmem_shared>> -> memref<10240x128xf32, #tpu.memory_space<vmem_shared>>
        tpu.enqueue_indirect_dma source(%arg9 : memref<128x128xf32, #tpu.memory_space<vmem>>) target(%dma_start3A_170 : memref<10240x128xf32, #tpu.memory_space<vmem_shared>>) offsets(%dma_start3A_167 : memref<128xi32, #tpu.memory_space<vmem>>) semaphore(%run_scoped3A_164 : memref<!tpu.dma_semaphore, #tpu.memory_space<semaphore_mem>>) {add = true}
        %dma_wait3A_171 = arith.constant 0 : i32
        %dma_wait3A_172 = tpu.memref_slice %arg7[%add3A_140, %dma_wait3A_171] : memref<40x128xi32, #tpu.memory_space<vmem>> -> memref<1x128xi32, #tpu.memory_space<vmem>>
        %dma_wait3A_173 = tpu.memref_squeeze %dma_wait3A_172 : memref<1x128xi32, #tpu.memory_space<vmem>> -> memref<128xi32, #tpu.memory_space<vmem>>
        %dma_wait3A_174 = arith.constant 0 : i32
        %dma_wait3A_175 = arith.constant 0 : i32
        %dma_wait3A_176 = tpu.memref_slice %arg11[%dma_wait3A_174, %dma_wait3A_175] : memref<10240x128xf32, #tpu.memory_space<vmem_shared>> -> memref<10240x128xf32, #tpu.memory_space<vmem_shared>>
        tpu.wait_indirect_dma semaphore(%run_scoped3A_164 : memref<!tpu.dma_semaphore, #tpu.memory_space<semaphore_mem>>) src(%arg9 : memref<128x128xf32, #tpu.memory_space<vmem>>) dst(%dma_wait3A_176 : memref<10240x128xf32, #tpu.memory_space<vmem_shared>>)
        tpu.yield
      }) : () -> ()
      %add3A_157 = arith.constant 2 : i32
      %add3A_158 = arith.addi %add3A_140, %add3A_157 : i32
      %lt3A_159 = arith.constant 39 : i32
      %lt3A_160 = arith.cmpi slt, %add3A_158, %lt3A_159 : i32
      %convert_element_type3A_161 = arith.extui %lt3A_160 : i1 to i32
      %cond3A_162 = arith.constant 0 : i32
      %cond3A_163 = arith.cmpi ne, %convert_element_type3A_161, %cond3A_162 : i32
      scf.if %cond3A_163 {
        %add3A_164 = arith.constant 2 : i32
        %add3A_165 = arith.addi %add3A_140, %add3A_164 : i32
        %dma_start3A_166 = arith.constant 0 : i32
        %dma_start3A_167 = tpu.memref_slice %arg6[%add3A_165, %dma_start3A_166] : memref<40x128xi32, #tpu.memory_space<vmem>> -> memref<1x128xi32, #tpu.memory_space<vmem>>
        %dma_start3A_168 = tpu.memref_squeeze %dma_start3A_167 : memref<1x128xi32, #tpu.memory_space<vmem>> -> memref<128xi32, #tpu.memory_space<vmem>>
        %dma_start3A_169 = arith.constant 0 : i32
        %dma_start3A_170 = arith.constant 0 : i32
        %dma_start3A_171 = tpu.memref_slice %arg2[%dma_start3A_169, %dma_start3A_170] : memref<10000x128xf32, #tpu.memory_space<hbm>> -> memref<10000x128xf32, #tpu.memory_space<hbm>>
        tpu.enqueue_indirect_dma source(%dma_start3A_171 : memref<10000x128xf32, #tpu.memory_space<hbm>>) target(%arg9 : memref<128x128xf32, #tpu.memory_space<vmem>>) offsets(%dma_start3A_168 : memref<128xi32, #tpu.memory_space<vmem>>) semaphore(%arg13 : memref<!tpu.dma_semaphore, #tpu.memory_space<semaphore_mem>>)
      } else {
      }
    }
    %scan3A_124 = arith.constant 19 : i32
    %dma_wait3A = arith.constant 38 : i32
    %dma_wait3A_125 = arith.constant 0 : i32
    %dma_wait3A_126 = tpu.memref_slice %arg6[%dma_wait3A, %dma_wait3A_125] : memref<40x128xi32, #tpu.memory_space<vmem>> -> memref<1x128xi32, #tpu.memory_space<vmem>>
    %dma_wait3A_127 = tpu.memref_squeeze %dma_wait3A_126 : memref<1x128xi32, #tpu.memory_space<vmem>> -> memref<128xi32, #tpu.memory_space<vmem>>
    %dma_wait3A_128 = arith.constant 0 : i32
    %dma_wait3A_129 = arith.constant 0 : i32
    %dma_wait3A_130 = tpu.memref_slice %arg2[%dma_wait3A_128, %dma_wait3A_129] : memref<10000x128xf32, #tpu.memory_space<hbm>> -> memref<10000x128xf32, #tpu.memory_space<hbm>>
    tpu.wait_indirect_dma semaphore(%arg12 : memref<!tpu.dma_semaphore, #tpu.memory_space<semaphore_mem>>) src(%dma_wait3A_130 : memref<10000x128xf32, #tpu.memory_space<hbm>>) dst(%arg8 : memref<128x128xf32, #tpu.memory_space<vmem>>)
    %run_scoped3A = arith.constant 38 : i32
    "tpu.region"() ({
      %run_scoped3A_136 = tpu.sem_alloc : memref<!tpu.dma_semaphore, #tpu.memory_space<semaphore_mem>>
      %dma_start3A_137 = arith.constant 0 : i32
      %dma_start3A_138 = tpu.memref_slice %arg7[%run_scoped3A, %dma_start3A_137] : memref<40x128xi32, #tpu.memory_space<vmem>> -> memref<1x128xi32, #tpu.memory_space<vmem>>
      %dma_start3A_139 = tpu.memref_squeeze %dma_start3A_138 : memref<1x128xi32, #tpu.memory_space<vmem>> -> memref<128xi32, #tpu.memory_space<vmem>>
      %dma_start3A_140 = arith.constant 0 : i32
      %dma_start3A_141 = arith.constant 0 : i32
      %dma_start3A_142 = tpu.memref_slice %arg11[%dma_start3A_140, %dma_start3A_141] : memref<10240x128xf32, #tpu.memory_space<vmem_shared>> -> memref<10240x128xf32, #tpu.memory_space<vmem_shared>>
      tpu.enqueue_indirect_dma source(%arg8 : memref<128x128xf32, #tpu.memory_space<vmem>>) target(%dma_start3A_142 : memref<10240x128xf32, #tpu.memory_space<vmem_shared>>) offsets(%dma_start3A_139 : memref<128xi32, #tpu.memory_space<vmem>>) semaphore(%run_scoped3A_136 : memref<!tpu.dma_semaphore, #tpu.memory_space<semaphore_mem>>) {add = true}
      %dma_wait3A_143 = arith.constant 0 : i32
      %dma_wait3A_144 = tpu.memref_slice %arg7[%run_scoped3A, %dma_wait3A_143] : memref<40x128xi32, #tpu.memory_space<vmem>> -> memref<1x128xi32, #tpu.memory_space<vmem>>
      %dma_wait3A_145 = tpu.memref_squeeze %dma_wait3A_144 : memref<1x128xi32, #tpu.memory_space<vmem>> -> memref<128xi32, #tpu.memory_space<vmem>>
      %dma_wait3A_146 = arith.constant 0 : i32
      %dma_wait3A_147 = arith.constant 0 : i32
      %dma_wait3A_148 = tpu.memref_slice %arg11[%dma_wait3A_146, %dma_wait3A_147] : memref<10240x128xf32, #tpu.memory_space<vmem_shared>> -> memref<10240x128xf32, #tpu.memory_space<vmem_shared>>
      tpu.wait_indirect_dma semaphore(%run_scoped3A_136 : memref<!tpu.dma_semaphore, #tpu.memory_space<semaphore_mem>>) src(%arg8 : memref<128x128xf32, #tpu.memory_space<vmem>>) dst(%dma_wait3A_148 : memref<10240x128xf32, #tpu.memory_space<vmem_shared>>)
      tpu.yield
    }) : () -> ()
    %barrier3A_131 = arith.constant 0 : index
    tpu.barrier barrier_id(%barrier3A_131)
    %mul3A_132 = arith.constant 640 : i32
    %mul3A_133 = arith.muli %arg1, %mul3A_132 : i32
    %mul3A_134 = arith.constant 640 : i32
    %mul3A_135 = arith.muli %arg1, %mul3A_134 : i32
    "tpu.region"() ({
      %run_scoped3A_136 = tpu.sem_alloc : memref<!tpu.dma_semaphore, #tpu.memory_space<semaphore_mem>>
      %dma_start3A_137 = arith.constant 0 : i32
      %dma_start3A_138 = tpu.memref_slice %arg5[%arg0, %mul3A_135, %dma_start3A_137] : memref<2x10240x128xf32, #tpu.memory_space<hbm>> -> memref<1x640x128xf32, #tpu.memory_space<hbm>>
      %dma_start3A_139 = tpu.memref_squeeze %dma_start3A_138 : memref<1x640x128xf32, #tpu.memory_space<hbm>> -> memref<640x128xf32, #tpu.memory_space<hbm>>
      %dma_start3A_140 = arith.constant 0 : i32
      %dma_start3A_141 = tpu.memref_slice %arg11[%mul3A_133, %dma_start3A_140] : memref<10240x128xf32, #tpu.memory_space<vmem_shared>> -> memref<640x128xf32, #tpu.memory_space<vmem_shared>>
      tpu.enqueue_dma source(%dma_start3A_141 : memref<640x128xf32, #tpu.memory_space<vmem_shared>>) target(%dma_start3A_139 : memref<640x128xf32, #tpu.memory_space<hbm>>) target_semaphore(%run_scoped3A_136 : memref<!tpu.dma_semaphore, #tpu.memory_space<semaphore_mem>>)
      %dma_wait3A_142 = arith.constant 0 : i32
      %dma_wait3A_143 = tpu.memref_slice %arg5[%arg0, %mul3A_135, %dma_wait3A_142] : memref<2x10240x128xf32, #tpu.memory_space<hbm>> -> memref<1x640x128xf32, #tpu.memory_space<hbm>>
      %dma_wait3A_144 = tpu.memref_squeeze %dma_wait3A_143 : memref<1x640x128xf32, #tpu.memory_space<hbm>> -> memref<640x128xf32, #tpu.memory_space<hbm>>
      %dma_wait3A_145 = arith.constant 0 : i32
      %dma_wait3A_146 = tpu.memref_slice %arg11[%mul3A_133, %dma_wait3A_145] : memref<10240x128xf32, #tpu.memory_space<vmem_shared>> -> memref<640x128xf32, #tpu.memory_space<vmem_shared>>
      tpu.wait_dma2 semaphore(%run_scoped3A_136 : memref<!tpu.dma_semaphore, #tpu.memory_space<semaphore_mem>>) src(%dma_wait3A_146 : memref<640x128xf32, #tpu.memory_space<vmem_shared>>) dst(%dma_wait3A_144 : memref<640x128xf32, #tpu.memory_space<hbm>>)
      tpu.yield
    }) : () -> ()
    return
  }
}

#map = affine_map<(d0, d1) -> (0, 0, 0)>
#map1 = affine_map<(d0, d1) -> (0)>
module attributes {stable_mosaic.version = 14 : i64} {
  func.func @_deg_call(%arg0: i32, %arg1: i32, %arg2: memref<32x79x128xi32, #tpu.memory_space<hbm>>, %arg3: memref<20480xf32, #tpu.memory_space<hbm>>, %arg4: memref<79x128xi32, #tpu.memory_space<vmem>>, %arg5: memref<128xf32, #tpu.memory_space<vmem>>, %arg6: memref<128xf32, #tpu.memory_space<vmem>>, %arg7: memref<10240xf32, #tpu.memory_space<vmem_shared>>) attributes {dimension_semantics = [#tpu.dimension_semantics<core_parallel>, #tpu.dimension_semantics<subcore_parallel>], iteration_bounds = array<i64: 2, 16>, scalar_prefetch = 0 : i64, scratch_operands = 4 : i64, tpu.core_type = #tpu.core_type<sc_vector_subcore>, window_params = [{transform_indices = #map}, {transform_indices = #map1}]} {
    %mul3A = arith.constant 2 : i32
    %mul3A_0 = arith.muli %arg1, %mul3A : i32
    %add3A = arith.addi %mul3A_0, %arg0 : i32
    %broadcast_in_dim3A = arith.constant 1.000000e+00 : f32
    %broadcast_in_dim3A_1 = vector.broadcast %broadcast_in_dim3A : f32 to vector<16xf32>
    %swap3A = arith.constant 0 : index
    %swap3A_2 = tpu.vector_load %arg5[%swap3A] {strides = array<i32>} : memref<128xf32, #tpu.memory_space<vmem>>, vector<16xf32>,
    %swap3A_3 = vector.shape_cast %swap3A_2 : vector<16xf32> to vector<16xf32>
    %swap3A_4 = vector.shape_cast %broadcast_in_dim3A_1 : vector<16xf32> to vector<16xf32>
    tpu.vector_store %arg5[%swap3A], %swap3A_4 {strides = array<i32>} : memref<128xf32, #tpu.memory_space<vmem>>, vector<16xf32>,
    %broadcast_in_dim3A_5 = arith.constant 0.000000e+00 : f32
    %broadcast_in_dim3A_6 = vector.broadcast %broadcast_in_dim3A_5 : f32 to vector<16xf32>
    %swap3A_7 = arith.constant 0 : index
    %swap3A_8 = tpu.vector_load %arg6[%swap3A_7] {strides = array<i32>} : memref<128xf32, #tpu.memory_space<vmem>>, vector<16xf32>,
    %swap3A_9 = vector.shape_cast %swap3A_8 : vector<16xf32> to vector<16xf32>
    %swap3A_10 = vector.shape_cast %broadcast_in_dim3A_6 : vector<16xf32> to vector<16xf32>
    tpu.vector_store %arg6[%swap3A_7], %swap3A_10 {strides = array<i32>} : memref<128xf32, #tpu.memory_space<vmem>>, vector<16xf32>,
    %broadcast_in_dim3A_11 = arith.constant 1.000000e+00 : f32
    %broadcast_in_dim3A_12 = vector.broadcast %broadcast_in_dim3A_11 : f32 to vector<16xf32>
    %swap3A_13 = arith.constant 16 : index
    %swap3A_14 = tpu.vector_load %arg5[%swap3A_13] {strides = array<i32>} : memref<128xf32, #tpu.memory_space<vmem>>, vector<16xf32>,
    %swap3A_15 = vector.shape_cast %swap3A_14 : vector<16xf32> to vector<16xf32>
    %swap3A_16 = vector.shape_cast %broadcast_in_dim3A_12 : vector<16xf32> to vector<16xf32>
    tpu.vector_store %arg5[%swap3A_13], %swap3A_16 {strides = array<i32>} : memref<128xf32, #tpu.memory_space<vmem>>, vector<16xf32>,
    %broadcast_in_dim3A_17 = arith.constant 0.000000e+00 : f32
    %broadcast_in_dim3A_18 = vector.broadcast %broadcast_in_dim3A_17 : f32 to vector<16xf32>
    %swap3A_19 = arith.constant 16 : index
    %swap3A_20 = tpu.vector_load %arg6[%swap3A_19] {strides = array<i32>} : memref<128xf32, #tpu.memory_space<vmem>>, vector<16xf32>,
    %swap3A_21 = vector.shape_cast %swap3A_20 : vector<16xf32> to vector<16xf32>
    %swap3A_22 = vector.shape_cast %broadcast_in_dim3A_18 : vector<16xf32> to vector<16xf32>
    tpu.vector_store %arg6[%swap3A_19], %swap3A_22 {strides = array<i32>} : memref<128xf32, #tpu.memory_space<vmem>>, vector<16xf32>,
    %broadcast_in_dim3A_23 = arith.constant 1.000000e+00 : f32
    %broadcast_in_dim3A_24 = vector.broadcast %broadcast_in_dim3A_23 : f32 to vector<16xf32>
    %swap3A_25 = arith.constant 32 : index
    %swap3A_26 = tpu.vector_load %arg5[%swap3A_25] {strides = array<i32>} : memref<128xf32, #tpu.memory_space<vmem>>, vector<16xf32>,
    %swap3A_27 = vector.shape_cast %swap3A_26 : vector<16xf32> to vector<16xf32>
    %swap3A_28 = vector.shape_cast %broadcast_in_dim3A_24 : vector<16xf32> to vector<16xf32>
    tpu.vector_store %arg5[%swap3A_25], %swap3A_28 {strides = array<i32>} : memref<128xf32, #tpu.memory_space<vmem>>, vector<16xf32>,
    %broadcast_in_dim3A_29 = arith.constant 0.000000e+00 : f32
    %broadcast_in_dim3A_30 = vector.broadcast %broadcast_in_dim3A_29 : f32 to vector<16xf32>
    %swap3A_31 = arith.constant 32 : index
    %swap3A_32 = tpu.vector_load %arg6[%swap3A_31] {strides = array<i32>} : memref<128xf32, #tpu.memory_space<vmem>>, vector<16xf32>,
    %swap3A_33 = vector.shape_cast %swap3A_32 : vector<16xf32> to vector<16xf32>
    %swap3A_34 = vector.shape_cast %broadcast_in_dim3A_30 : vector<16xf32> to vector<16xf32>
    tpu.vector_store %arg6[%swap3A_31], %swap3A_34 {strides = array<i32>} : memref<128xf32, #tpu.memory_space<vmem>>, vector<16xf32>,
    %broadcast_in_dim3A_35 = arith.constant 1.000000e+00 : f32
    %broadcast_in_dim3A_36 = vector.broadcast %broadcast_in_dim3A_35 : f32 to vector<16xf32>
    %swap3A_37 = arith.constant 48 : index
    %swap3A_38 = tpu.vector_load %arg5[%swap3A_37] {strides = array<i32>} : memref<128xf32, #tpu.memory_space<vmem>>, vector<16xf32>,
    %swap3A_39 = vector.shape_cast %swap3A_38 : vector<16xf32> to vector<16xf32>
    %swap3A_40 = vector.shape_cast %broadcast_in_dim3A_36 : vector<16xf32> to vector<16xf32>
    tpu.vector_store %arg5[%swap3A_37], %swap3A_40 {strides = array<i32>} : memref<128xf32, #tpu.memory_space<vmem>>, vector<16xf32>,
    %broadcast_in_dim3A_41 = arith.constant 0.000000e+00 : f32
    %broadcast_in_dim3A_42 = vector.broadcast %broadcast_in_dim3A_41 : f32 to vector<16xf32>
    %swap3A_43 = arith.constant 48 : index
    %swap3A_44 = tpu.vector_load %arg6[%swap3A_43] {strides = array<i32>} : memref<128xf32, #tpu.memory_space<vmem>>, vector<16xf32>,
    %swap3A_45 = vector.shape_cast %swap3A_44 : vector<16xf32> to vector<16xf32>
    %swap3A_46 = vector.shape_cast %broadcast_in_dim3A_42 : vector<16xf32> to vector<16xf32>
    tpu.vector_store %arg6[%swap3A_43], %swap3A_46 {strides = array<i32>} : memref<128xf32, #tpu.memory_space<vmem>>, vector<16xf32>,
    %broadcast_in_dim3A_47 = arith.constant 1.000000e+00 : f32
    %broadcast_in_dim3A_48 = vector.broadcast %broadcast_in_dim3A_47 : f32 to vector<16xf32>
    %swap3A_49 = arith.constant 64 : index
    %swap3A_50 = tpu.vector_load %arg5[%swap3A_49] {strides = array<i32>} : memref<128xf32, #tpu.memory_space<vmem>>, vector<16xf32>,
    %swap3A_51 = vector.shape_cast %swap3A_50 : vector<16xf32> to vector<16xf32>
    %swap3A_52 = vector.shape_cast %broadcast_in_dim3A_48 : vector<16xf32> to vector<16xf32>
    tpu.vector_store %arg5[%swap3A_49], %swap3A_52 {strides = array<i32>} : memref<128xf32, #tpu.memory_space<vmem>>, vector<16xf32>,
    %broadcast_in_dim3A_53 = arith.constant 0.000000e+00 : f32
    %broadcast_in_dim3A_54 = vector.broadcast %broadcast_in_dim3A_53 : f32 to vector<16xf32>
    %swap3A_55 = arith.constant 64 : index
    %swap3A_56 = tpu.vector_load %arg6[%swap3A_55] {strides = array<i32>} : memref<128xf32, #tpu.memory_space<vmem>>, vector<16xf32>,
    %swap3A_57 = vector.shape_cast %swap3A_56 : vector<16xf32> to vector<16xf32>
    %swap3A_58 = vector.shape_cast %broadcast_in_dim3A_54 : vector<16xf32> to vector<16xf32>
    tpu.vector_store %arg6[%swap3A_55], %swap3A_58 {strides = array<i32>} : memref<128xf32, #tpu.memory_space<vmem>>, vector<16xf32>,
    %broadcast_in_dim3A_59 = arith.constant 1.000000e+00 : f32
    %broadcast_in_dim3A_60 = vector.broadcast %broadcast_in_dim3A_59 : f32 to vector<16xf32>
    %swap3A_61 = arith.constant 80 : index
    %swap3A_62 = tpu.vector_load %arg5[%swap3A_61] {strides = array<i32>} : memref<128xf32, #tpu.memory_space<vmem>>, vector<16xf32>,
    %swap3A_63 = vector.shape_cast %swap3A_62 : vector<16xf32> to vector<16xf32>
    %swap3A_64 = vector.shape_cast %broadcast_in_dim3A_60 : vector<16xf32> to vector<16xf32>
    tpu.vector_store %arg5[%swap3A_61], %swap3A_64 {strides = array<i32>} : memref<128xf32, #tpu.memory_space<vmem>>, vector<16xf32>,
    %broadcast_in_dim3A_65 = arith.constant 0.000000e+00 : f32
    %broadcast_in_dim3A_66 = vector.broadcast %broadcast_in_dim3A_65 : f32 to vector<16xf32>
    %swap3A_67 = arith.constant 80 : index
    %swap3A_68 = tpu.vector_load %arg6[%swap3A_67] {strides = array<i32>} : memref<128xf32, #tpu.memory_space<vmem>>, vector<16xf32>,
    %swap3A_69 = vector.shape_cast %swap3A_68 : vector<16xf32> to vector<16xf32>
    %swap3A_70 = vector.shape_cast %broadcast_in_dim3A_66 : vector<16xf32> to vector<16xf32>
    tpu.vector_store %arg6[%swap3A_67], %swap3A_70 {strides = array<i32>} : memref<128xf32, #tpu.memory_space<vmem>>, vector<16xf32>,
    %broadcast_in_dim3A_71 = arith.constant 1.000000e+00 : f32
    %broadcast_in_dim3A_72 = vector.broadcast %broadcast_in_dim3A_71 : f32 to vector<16xf32>
    %swap3A_73 = arith.constant 96 : index
    %swap3A_74 = tpu.vector_load %arg5[%swap3A_73] {strides = array<i32>} : memref<128xf32, #tpu.memory_space<vmem>>, vector<16xf32>,
    %swap3A_75 = vector.shape_cast %swap3A_74 : vector<16xf32> to vector<16xf32>
    %swap3A_76 = vector.shape_cast %broadcast_in_dim3A_72 : vector<16xf32> to vector<16xf32>
    tpu.vector_store %arg5[%swap3A_73], %swap3A_76 {strides = array<i32>} : memref<128xf32, #tpu.memory_space<vmem>>, vector<16xf32>,
    %broadcast_in_dim3A_77 = arith.constant 0.000000e+00 : f32
    %broadcast_in_dim3A_78 = vector.broadcast %broadcast_in_dim3A_77 : f32 to vector<16xf32>
    %swap3A_79 = arith.constant 96 : index
    %swap3A_80 = tpu.vector_load %arg6[%swap3A_79] {strides = array<i32>} : memref<128xf32, #tpu.memory_space<vmem>>, vector<16xf32>,
    %swap3A_81 = vector.shape_cast %swap3A_80 : vector<16xf32> to vector<16xf32>
    %swap3A_82 = vector.shape_cast %broadcast_in_dim3A_78 : vector<16xf32> to vector<16xf32>
    tpu.vector_store %arg6[%swap3A_79], %swap3A_82 {strides = array<i32>} : memref<128xf32, #tpu.memory_space<vmem>>, vector<16xf32>,
    %broadcast_in_dim3A_83 = arith.constant 1.000000e+00 : f32
    %broadcast_in_dim3A_84 = vector.broadcast %broadcast_in_dim3A_83 : f32 to vector<16xf32>
    %swap3A_85 = arith.constant 112 : index
    %swap3A_86 = tpu.vector_load %arg5[%swap3A_85] {strides = array<i32>} : memref<128xf32, #tpu.memory_space<vmem>>, vector<16xf32>,
    %swap3A_87 = vector.shape_cast %swap3A_86 : vector<16xf32> to vector<16xf32>
    %swap3A_88 = vector.shape_cast %broadcast_in_dim3A_84 : vector<16xf32> to vector<16xf32>
    tpu.vector_store %arg5[%swap3A_85], %swap3A_88 {strides = array<i32>} : memref<128xf32, #tpu.memory_space<vmem>>, vector<16xf32>,
    %broadcast_in_dim3A_89 = arith.constant 0.000000e+00 : f32
    %broadcast_in_dim3A_90 = vector.broadcast %broadcast_in_dim3A_89 : f32 to vector<16xf32>
    %swap3A_91 = arith.constant 112 : index
    %swap3A_92 = tpu.vector_load %arg6[%swap3A_91] {strides = array<i32>} : memref<128xf32, #tpu.memory_space<vmem>>, vector<16xf32>,
    %swap3A_93 = vector.shape_cast %swap3A_92 : vector<16xf32> to vector<16xf32>
    %swap3A_94 = vector.shape_cast %broadcast_in_dim3A_90 : vector<16xf32> to vector<16xf32>
    tpu.vector_store %arg6[%swap3A_91], %swap3A_94 {strides = array<i32>} : memref<128xf32, #tpu.memory_space<vmem>>, vector<16xf32>,
    %mul3A_95 = arith.constant 640 : i32
    %mul3A_96 = arith.muli %arg1, %mul3A_95 : i32
    %add3A_97 = arith.constant 0 : i32
    %add3A_98 = arith.addi %mul3A_96, %add3A_97 : i32
    "tpu.region"() ({
      %run_scoped3A = tpu.sem_alloc : memref<!tpu.dma_semaphore, #tpu.memory_space<semaphore_mem>>
      %dma_start3A = tpu.memref_slice %arg7[%add3A_98] : memref<10240xf32, #tpu.memory_space<vmem_shared>> -> memref<128xf32, #tpu.memory_space<vmem_shared>>
      %dma_start3A_128 = tpu.memref_slice %arg7[%add3A_98] : memref<10240xf32, #tpu.memory_space<vmem_shared>> -> memref<128xf32, #tpu.memory_space<vmem_shared>>
      tpu.enqueue_dma source(%arg6 : memref<128xf32, #tpu.memory_space<vmem>>) target(%dma_start3A_128 : memref<128xf32, #tpu.memory_space<vmem_shared>>) target_semaphore(%run_scoped3A : memref<!tpu.dma_semaphore, #tpu.memory_space<semaphore_mem>>)
      %dma_wait3A = tpu.memref_slice %arg7[%add3A_98] : memref<10240xf32, #tpu.memory_space<vmem_shared>> -> memref<128xf32, #tpu.memory_space<vmem_shared>>
      %dma_wait3A_129 = tpu.memref_slice %arg7[%add3A_98] : memref<10240xf32, #tpu.memory_space<vmem_shared>> -> memref<128xf32, #tpu.memory_space<vmem_shared>>
      tpu.wait_dma2 semaphore(%run_scoped3A : memref<!tpu.dma_semaphore, #tpu.memory_space<semaphore_mem>>) src(%arg6 : memref<128xf32, #tpu.memory_space<vmem>>) dst(%dma_wait3A_129 : memref<128xf32, #tpu.memory_space<vmem_shared>>)
      tpu.yield
    }) : () -> ()
    %mul3A_99 = arith.constant 640 : i32
    %mul3A_100 = arith.muli %arg1, %mul3A_99 : i32
    %add3A_101 = arith.constant 128 : i32
    %add3A_102 = arith.addi %mul3A_100, %add3A_101 : i32
    "tpu.region"() ({
      %run_scoped3A = tpu.sem_alloc : memref<!tpu.dma_semaphore, #tpu.memory_space<semaphore_mem>>
      %dma_start3A = tpu.memref_slice %arg7[%add3A_102] : memref<10240xf32, #tpu.memory_space<vmem_shared>> -> memref<128xf32, #tpu.memory_space<vmem_shared>>
      %dma_start3A_128 = tpu.memref_slice %arg7[%add3A_102] : memref<10240xf32, #tpu.memory_space<vmem_shared>> -> memref<128xf32, #tpu.memory_space<vmem_shared>>
      tpu.enqueue_dma source(%arg6 : memref<128xf32, #tpu.memory_space<vmem>>) target(%dma_start3A_128 : memref<128xf32, #tpu.memory_space<vmem_shared>>) target_semaphore(%run_scoped3A : memref<!tpu.dma_semaphore, #tpu.memory_space<semaphore_mem>>)
      %dma_wait3A = tpu.memref_slice %arg7[%add3A_102] : memref<10240xf32, #tpu.memory_space<vmem_shared>> -> memref<128xf32, #tpu.memory_space<vmem_shared>>
      %dma_wait3A_129 = tpu.memref_slice %arg7[%add3A_102] : memref<10240xf32, #tpu.memory_space<vmem_shared>> -> memref<128xf32, #tpu.memory_space<vmem_shared>>
      tpu.wait_dma2 semaphore(%run_scoped3A : memref<!tpu.dma_semaphore, #tpu.memory_space<semaphore_mem>>) src(%arg6 : memref<128xf32, #tpu.memory_space<vmem>>) dst(%dma_wait3A_129 : memref<128xf32, #tpu.memory_space<vmem_shared>>)
      tpu.yield
    }) : () -> ()
    %mul3A_103 = arith.constant 640 : i32
    %mul3A_104 = arith.muli %arg1, %mul3A_103 : i32
    %add3A_105 = arith.constant 256 : i32
    %add3A_106 = arith.addi %mul3A_104, %add3A_105 : i32
    "tpu.region"() ({
      %run_scoped3A = tpu.sem_alloc : memref<!tpu.dma_semaphore, #tpu.memory_space<semaphore_mem>>
      %dma_start3A = tpu.memref_slice %arg7[%add3A_106] : memref<10240xf32, #tpu.memory_space<vmem_shared>> -> memref<128xf32, #tpu.memory_space<vmem_shared>>
      %dma_start3A_128 = tpu.memref_slice %arg7[%add3A_106] : memref<10240xf32, #tpu.memory_space<vmem_shared>> -> memref<128xf32, #tpu.memory_space<vmem_shared>>
      tpu.enqueue_dma source(%arg6 : memref<128xf32, #tpu.memory_space<vmem>>) target(%dma_start3A_128 : memref<128xf32, #tpu.memory_space<vmem_shared>>) target_semaphore(%run_scoped3A : memref<!tpu.dma_semaphore, #tpu.memory_space<semaphore_mem>>)
      %dma_wait3A = tpu.memref_slice %arg7[%add3A_106] : memref<10240xf32, #tpu.memory_space<vmem_shared>> -> memref<128xf32, #tpu.memory_space<vmem_shared>>
      %dma_wait3A_129 = tpu.memref_slice %arg7[%add3A_106] : memref<10240xf32, #tpu.memory_space<vmem_shared>> -> memref<128xf32, #tpu.memory_space<vmem_shared>>
      tpu.wait_dma2 semaphore(%run_scoped3A : memref<!tpu.dma_semaphore, #tpu.memory_space<semaphore_mem>>) src(%arg6 : memref<128xf32, #tpu.memory_space<vmem>>) dst(%dma_wait3A_129 : memref<128xf32, #tpu.memory_space<vmem_shared>>)
      tpu.yield
    }) : () -> ()
    %mul3A_107 = arith.constant 640 : i32
    %mul3A_108 = arith.muli %arg1, %mul3A_107 : i32
    %add3A_109 = arith.constant 384 : i32
    %add3A_110 = arith.addi %mul3A_108, %add3A_109 : i32
    "tpu.region"() ({
      %run_scoped3A = tpu.sem_alloc : memref<!tpu.dma_semaphore, #tpu.memory_space<semaphore_mem>>
      %dma_start3A = tpu.memref_slice %arg7[%add3A_110] : memref<10240xf32, #tpu.memory_space<vmem_shared>> -> memref<128xf32, #tpu.memory_space<vmem_shared>>
      %dma_start3A_128 = tpu.memref_slice %arg7[%add3A_110] : memref<10240xf32, #tpu.memory_space<vmem_shared>> -> memref<128xf32, #tpu.memory_space<vmem_shared>>
      tpu.enqueue_dma source(%arg6 : memref<128xf32, #tpu.memory_space<vmem>>) target(%dma_start3A_128 : memref<128xf32, #tpu.memory_space<vmem_shared>>) target_semaphore(%run_scoped3A : memref<!tpu.dma_semaphore, #tpu.memory_space<semaphore_mem>>)
      %dma_wait3A = tpu.memref_slice %arg7[%add3A_110] : memref<10240xf32, #tpu.memory_space<vmem_shared>> -> memref<128xf32, #tpu.memory_space<vmem_shared>>
      %dma_wait3A_129 = tpu.memref_slice %arg7[%add3A_110] : memref<10240xf32, #tpu.memory_space<vmem_shared>> -> memref<128xf32, #tpu.memory_space<vmem_shared>>
      tpu.wait_dma2 semaphore(%run_scoped3A : memref<!tpu.dma_semaphore, #tpu.memory_space<semaphore_mem>>) src(%arg6 : memref<128xf32, #tpu.memory_space<vmem>>) dst(%dma_wait3A_129 : memref<128xf32, #tpu.memory_space<vmem_shared>>)
      tpu.yield
    }) : () -> ()
    %mul3A_111 = arith.constant 640 : i32
    %mul3A_112 = arith.muli %arg1, %mul3A_111 : i32
    %add3A_113 = arith.constant 512 : i32
    %add3A_114 = arith.addi %mul3A_112, %add3A_113 : i32
    "tpu.region"() ({
      %run_scoped3A = tpu.sem_alloc : memref<!tpu.dma_semaphore, #tpu.memory_space<semaphore_mem>>
      %dma_start3A = tpu.memref_slice %arg7[%add3A_114] : memref<10240xf32, #tpu.memory_space<vmem_shared>> -> memref<128xf32, #tpu.memory_space<vmem_shared>>
      %dma_start3A_128 = tpu.memref_slice %arg7[%add3A_114] : memref<10240xf32, #tpu.memory_space<vmem_shared>> -> memref<128xf32, #tpu.memory_space<vmem_shared>>
      tpu.enqueue_dma source(%arg6 : memref<128xf32, #tpu.memory_space<vmem>>) target(%dma_start3A_128 : memref<128xf32, #tpu.memory_space<vmem_shared>>) target_semaphore(%run_scoped3A : memref<!tpu.dma_semaphore, #tpu.memory_space<semaphore_mem>>)
      %dma_wait3A = tpu.memref_slice %arg7[%add3A_114] : memref<10240xf32, #tpu.memory_space<vmem_shared>> -> memref<128xf32, #tpu.memory_space<vmem_shared>>
      %dma_wait3A_129 = tpu.memref_slice %arg7[%add3A_114] : memref<10240xf32, #tpu.memory_space<vmem_shared>> -> memref<128xf32, #tpu.memory_space<vmem_shared>>
      tpu.wait_dma2 semaphore(%run_scoped3A : memref<!tpu.dma_semaphore, #tpu.memory_space<semaphore_mem>>) src(%arg6 : memref<128xf32, #tpu.memory_space<vmem>>) dst(%dma_wait3A_129 : memref<128xf32, #tpu.memory_space<vmem_shared>>)
      tpu.yield
    }) : () -> ()
    "tpu.region"() ({
      %run_scoped3A = tpu.sem_alloc : memref<!tpu.dma_semaphore, #tpu.memory_space<semaphore_mem>>
      %dma_start3A = arith.constant 0 : i32
      %dma_start3A_128 = arith.constant 0 : i32
      %dma_start3A_129 = tpu.memref_slice %arg2[%add3A, %dma_start3A, %dma_start3A_128] : memref<32x79x128xi32, #tpu.memory_space<hbm>> -> memref<1x79x128xi32, #tpu.memory_space<hbm>>
      %dma_start3A_130 = tpu.memref_squeeze %dma_start3A_129 : memref<1x79x128xi32, #tpu.memory_space<hbm>> -> memref<79x128xi32, #tpu.memory_space<hbm>>
      %dma_start3A_131 = arith.constant 0 : i32
      %dma_start3A_132 = arith.constant 0 : i32
      %dma_start3A_133 = tpu.memref_slice %arg2[%add3A, %dma_start3A_131, %dma_start3A_132] : memref<32x79x128xi32, #tpu.memory_space<hbm>> -> memref<1x79x128xi32, #tpu.memory_space<hbm>>
      %dma_start3A_134 = tpu.memref_squeeze %dma_start3A_133 : memref<1x79x128xi32, #tpu.memory_space<hbm>> -> memref<79x128xi32, #tpu.memory_space<hbm>>
      tpu.enqueue_dma source(%dma_start3A_134 : memref<79x128xi32, #tpu.memory_space<hbm>>) target(%arg4 : memref<79x128xi32, #tpu.memory_space<vmem>>) target_semaphore(%run_scoped3A : memref<!tpu.dma_semaphore, #tpu.memory_space<semaphore_mem>>)
      %dma_wait3A = arith.constant 0 : i32
      %dma_wait3A_135 = arith.constant 0 : i32
      %dma_wait3A_136 = tpu.memref_slice %arg2[%add3A, %dma_wait3A, %dma_wait3A_135] : memref<32x79x128xi32, #tpu.memory_space<hbm>> -> memref<1x79x128xi32, #tpu.memory_space<hbm>>
      %dma_wait3A_137 = tpu.memref_squeeze %dma_wait3A_136 : memref<1x79x128xi32, #tpu.memory_space<hbm>> -> memref<79x128xi32, #tpu.memory_space<hbm>>
      %dma_wait3A_138 = arith.constant 0 : i32
      %dma_wait3A_139 = arith.constant 0 : i32
      %dma_wait3A_140 = tpu.memref_slice %arg2[%add3A, %dma_wait3A_138, %dma_wait3A_139] : memref<32x79x128xi32, #tpu.memory_space<hbm>> -> memref<1x79x128xi32, #tpu.memory_space<hbm>>
      %dma_wait3A_141 = tpu.memref_squeeze %dma_wait3A_140 : memref<1x79x128xi32, #tpu.memory_space<hbm>> -> memref<79x128xi32, #tpu.memory_space<hbm>>
      tpu.wait_dma2 semaphore(%run_scoped3A : memref<!tpu.dma_semaphore, #tpu.memory_space<semaphore_mem>>) src(%dma_wait3A_141 : memref<79x128xi32, #tpu.memory_space<hbm>>) dst(%arg4 : memref<79x128xi32, #tpu.memory_space<vmem>>)
      tpu.yield
    }) : () -> ()
    %barrier3A = arith.constant 0 : index
    tpu.barrier barrier_id(%barrier3A)
    %scan3A = arith.constant 0 : i32
    %scan3A_115 = arith.constant 0 : i32
    %scan3A_116 = arith.constant 79 : i32
    %scan3A_117 = arith.addi %scan3A_115, %scan3A_116 : i32
    %scan3A_118 = arith.constant 1 : i32
    scf.for %scan3A_128 = %scan3A_115 to %scan3A_117 step %scan3A_118  : i32 {
      "tpu.region"() ({
        %run_scoped3A = tpu.sem_alloc : memref<!tpu.dma_semaphore, #tpu.memory_space<semaphore_mem>>
        %dma_start3A = arith.constant 0 : i32
        %dma_start3A_129 = tpu.memref_slice %arg4[%scan3A_128, %dma_start3A] : memref<79x128xi32, #tpu.memory_space<vmem>> -> memref<1x128xi32, #tpu.memory_space<vmem>>
        %dma_start3A_130 = tpu.memref_squeeze %dma_start3A_129 : memref<1x128xi32, #tpu.memory_space<vmem>> -> memref<128xi32, #tpu.memory_space<vmem>>
        %dma_start3A_131 = arith.constant 0 : i32
        %dma_start3A_132 = tpu.memref_slice %arg7[%dma_start3A_131] : memref<10240xf32, #tpu.memory_space<vmem_shared>> -> memref<10240xf32, #tpu.memory_space<vmem_shared>>
        tpu.enqueue_indirect_dma source(%arg5 : memref<128xf32, #tpu.memory_space<vmem>>) target(%dma_start3A_132 : memref<10240xf32, #tpu.memory_space<vmem_shared>>) offsets(%dma_start3A_130 : memref<128xi32, #tpu.memory_space<vmem>>) semaphore(%run_scoped3A : memref<!tpu.dma_semaphore, #tpu.memory_space<semaphore_mem>>) {add = true}
        %dma_wait3A = arith.constant 0 : i32
        %dma_wait3A_133 = tpu.memref_slice %arg4[%scan3A_128, %dma_wait3A] : memref<79x128xi32, #tpu.memory_space<vmem>> -> memref<1x128xi32, #tpu.memory_space<vmem>>
        %dma_wait3A_134 = tpu.memref_squeeze %dma_wait3A_133 : memref<1x128xi32, #tpu.memory_space<vmem>> -> memref<128xi32, #tpu.memory_space<vmem>>
        %dma_wait3A_135 = arith.constant 0 : i32
        %dma_wait3A_136 = tpu.memref_slice %arg7[%dma_wait3A_135] : memref<10240xf32, #tpu.memory_space<vmem_shared>> -> memref<10240xf32, #tpu.memory_space<vmem_shared>>
        tpu.wait_indirect_dma semaphore(%run_scoped3A : memref<!tpu.dma_semaphore, #tpu.memory_space<semaphore_mem>>) src(%arg5 : memref<128xf32, #tpu.memory_space<vmem>>) dst(%dma_wait3A_136 : memref<10240xf32, #tpu.memory_space<vmem_shared>>)
        tpu.yield
      }) : () -> ()
    }
    %scan3A_119 = arith.constant 79 : i32
    %barrier3A_120 = arith.constant 0 : index
    tpu.barrier barrier_id(%barrier3A_120)
    %mul3A_121 = arith.constant 640 : i32
    %mul3A_122 = arith.muli %arg1, %mul3A_121 : i32
    %mul3A_123 = arith.constant 10240 : i32
    %mul3A_124 = arith.muli %arg0, %mul3A_123 : i32
    %mul3A_125 = arith.constant 640 : i32
    %mul3A_126 = arith.muli %arg1, %mul3A_125 : i32
    %add3A_127 = arith.addi %mul3A_124, %mul3A_126 : i32
    "tpu.region"() ({
      %run_scoped3A = tpu.sem_alloc : memref<!tpu.dma_semaphore, #tpu.memory_space<semaphore_mem>>
      %dma_start3A = tpu.memref_slice %arg3[%add3A_127] : memref<20480xf32, #tpu.memory_space<hbm>> -> memref<640xf32, #tpu.memory_space<hbm>>
      %dma_start3A_128 = tpu.memref_slice %arg7[%mul3A_122] : memref<10240xf32, #tpu.memory_space<vmem_shared>> -> memref<640xf32, #tpu.memory_space<vmem_shared>>
      tpu.enqueue_dma source(%dma_start3A_128 : memref<640xf32, #tpu.memory_space<vmem_shared>>) target(%dma_start3A : memref<640xf32, #tpu.memory_space<hbm>>) target_semaphore(%run_scoped3A : memref<!tpu.dma_semaphore, #tpu.memory_space<semaphore_mem>>)
      %dma_wait3A = tpu.memref_slice %arg3[%add3A_127] : memref<20480xf32, #tpu.memory_space<hbm>> -> memref<640xf32, #tpu.memory_space<hbm>>
      %dma_wait3A_129 = tpu.memref_slice %arg7[%mul3A_122] : memref<10240xf32, #tpu.memory_space<vmem_shared>> -> memref<640xf32, #tpu.memory_space<vmem_shared>>
      tpu.wait_dma2 semaphore(%run_scoped3A : memref<!tpu.dma_semaphore, #tpu.memory_space<semaphore_mem>>) src(%dma_wait3A_129 : memref<640xf32, #tpu.memory_space<vmem_shared>>) dst(%dma_wait3A : memref<640xf32, #tpu.memory_space<hbm>>)
      tpu.yield
    }) : () -> ()
    return
  }
}

#map = affine_map<(d0, d1) -> (0, 0)>
#map1 = affine_map<(d0, d1) -> (0, 0, 0)>
module attributes {stable_mosaic.version = 14 : i64} {
  func.func @_agg_call(%arg0: i32, %arg1: i32, %arg2: memref<10000x128xf32, #tpu.memory_space<hbm>>, %arg3: memref<32x79x128xi32, #tpu.memory_space<hbm>>, %arg4: memref<32x79x128xi32, #tpu.memory_space<hbm>>, %arg5: memref<2x10240x128xf32, #tpu.memory_space<hbm>>, %arg6: memref<40x128xi32, #tpu.memory_space<vmem>>, %arg7: memref<40x128xi32, #tpu.memory_space<vmem>>, %arg8: memref<128x128xf32, #tpu.memory_space<vmem>>, %arg9: memref<128x128xf32, #tpu.memory_space<vmem>>, %arg10: memref<32x128xf32, #tpu.memory_space<vmem>>, %arg11: memref<10240x128xf32, #tpu.memory_space<vmem_shared>>, %arg12: memref<!tpu.dma_semaphore, #tpu.memory_space<semaphore_mem>>, %arg13: memref<!tpu.dma_semaphore, #tpu.memory_space<semaphore_mem>>) attributes {dimension_semantics = [#tpu.dimension_semantics<core_parallel>, #tpu.dimension_semantics<subcore_parallel>], iteration_bounds = array<i64: 2, 16>, scalar_prefetch = 0 : i64, scratch_operands = 8 : i64, tpu.core_type = #tpu.core_type<sc_vector_subcore>, window_params = [{transform_indices = #map}, {transform_indices = #map1}, {transform_indices = #map1}, {transform_indices = #map1}]} {
    %mul3A = arith.constant 2 : i32
    %mul3A_0 = arith.muli %arg1, %mul3A : i32
    %add3A = arith.addi %mul3A_0, %arg0 : i32
    "tpu.region"() ({
      %run_scoped3A_136 = tpu.sem_alloc : memref<!tpu.dma_semaphore, #tpu.memory_space<semaphore_mem>>
      %dma_start3A_137 = arith.constant 0 : i32
      %dma_start3A_138 = arith.constant 0 : i32
      %dma_start3A_139 = tpu.memref_slice %arg3[%add3A, %dma_start3A_137, %dma_start3A_138] : memref<32x79x128xi32, #tpu.memory_space<hbm>> -> memref<1x40x128xi32, #tpu.memory_space<hbm>>
      %dma_start3A_140 = tpu.memref_squeeze %dma_start3A_139 : memref<1x40x128xi32, #tpu.memory_space<hbm>> -> memref<40x128xi32, #tpu.memory_space<hbm>>
      %dma_start3A_141 = arith.constant 0 : i32
      %dma_start3A_142 = arith.constant 0 : i32
      %dma_start3A_143 = tpu.memref_slice %arg3[%add3A, %dma_start3A_141, %dma_start3A_142] : memref<32x79x128xi32, #tpu.memory_space<hbm>> -> memref<1x40x128xi32, #tpu.memory_space<hbm>>
      %dma_start3A_144 = tpu.memref_squeeze %dma_start3A_143 : memref<1x40x128xi32, #tpu.memory_space<hbm>> -> memref<40x128xi32, #tpu.memory_space<hbm>>
      tpu.enqueue_dma source(%dma_start3A_144 : memref<40x128xi32, #tpu.memory_space<hbm>>) target(%arg6 : memref<40x128xi32, #tpu.memory_space<vmem>>) target_semaphore(%run_scoped3A_136 : memref<!tpu.dma_semaphore, #tpu.memory_space<semaphore_mem>>)
      %dma_wait3A_145 = arith.constant 0 : i32
      %dma_wait3A_146 = arith.constant 0 : i32
      %dma_wait3A_147 = tpu.memref_slice %arg3[%add3A, %dma_wait3A_145, %dma_wait3A_146] : memref<32x79x128xi32, #tpu.memory_space<hbm>> -> memref<1x40x128xi32, #tpu.memory_space<hbm>>
      %dma_wait3A_148 = tpu.memref_squeeze %dma_wait3A_147 : memref<1x40x128xi32, #tpu.memory_space<hbm>> -> memref<40x128xi32, #tpu.memory_space<hbm>>
      %dma_wait3A_149 = arith.constant 0 : i32
      %dma_wait3A_150 = arith.constant 0 : i32
      %dma_wait3A_151 = tpu.memref_slice %arg3[%add3A, %dma_wait3A_149, %dma_wait3A_150] : memref<32x79x128xi32, #tpu.memory_space<hbm>> -> memref<1x40x128xi32, #tpu.memory_space<hbm>>
      %dma_wait3A_152 = tpu.memref_squeeze %dma_wait3A_151 : memref<1x40x128xi32, #tpu.memory_space<hbm>> -> memref<40x128xi32, #tpu.memory_space<hbm>>
      tpu.wait_dma2 semaphore(%run_scoped3A_136 : memref<!tpu.dma_semaphore, #tpu.memory_space<semaphore_mem>>) src(%dma_wait3A_152 : memref<40x128xi32, #tpu.memory_space<hbm>>) dst(%arg6 : memref<40x128xi32, #tpu.memory_space<vmem>>)
      tpu.yield
    }) : () -> ()
    "tpu.region"() ({
      %run_scoped3A_136 = tpu.sem_alloc : memref<!tpu.dma_semaphore, #tpu.memory_space<semaphore_mem>>
      %dma_start3A_137 = arith.constant 0 : i32
      %dma_start3A_138 = arith.constant 0 : i32
      %dma_start3A_139 = tpu.memref_slice %arg4[%add3A, %dma_start3A_137, %dma_start3A_138] : memref<32x79x128xi32, #tpu.memory_space<hbm>> -> memref<1x40x128xi32, #tpu.memory_space<hbm>>
      %dma_start3A_140 = tpu.memref_squeeze %dma_start3A_139 : memref<1x40x128xi32, #tpu.memory_space<hbm>> -> memref<40x128xi32, #tpu.memory_space<hbm>>
      %dma_start3A_141 = arith.constant 0 : i32
      %dma_start3A_142 = arith.constant 0 : i32
      %dma_start3A_143 = tpu.memref_slice %arg4[%add3A, %dma_start3A_141, %dma_start3A_142] : memref<32x79x128xi32, #tpu.memory_space<hbm>> -> memref<1x40x128xi32, #tpu.memory_space<hbm>>
      %dma_start3A_144 = tpu.memref_squeeze %dma_start3A_143 : memref<1x40x128xi32, #tpu.memory_space<hbm>> -> memref<40x128xi32, #tpu.memory_space<hbm>>
      tpu.enqueue_dma source(%dma_start3A_144 : memref<40x128xi32, #tpu.memory_space<hbm>>) target(%arg7 : memref<40x128xi32, #tpu.memory_space<vmem>>) target_semaphore(%run_scoped3A_136 : memref<!tpu.dma_semaphore, #tpu.memory_space<semaphore_mem>>)
      %dma_wait3A_145 = arith.constant 0 : i32
      %dma_wait3A_146 = arith.constant 0 : i32
      %dma_wait3A_147 = tpu.memref_slice %arg4[%add3A, %dma_wait3A_145, %dma_wait3A_146] : memref<32x79x128xi32, #tpu.memory_space<hbm>> -> memref<1x40x128xi32, #tpu.memory_space<hbm>>
      %dma_wait3A_148 = tpu.memref_squeeze %dma_wait3A_147 : memref<1x40x128xi32, #tpu.memory_space<hbm>> -> memref<40x128xi32, #tpu.memory_space<hbm>>
      %dma_wait3A_149 = arith.constant 0 : i32
      %dma_wait3A_150 = arith.constant 0 : i32
      %dma_wait3A_151 = tpu.memref_slice %arg4[%add3A, %dma_wait3A_149, %dma_wait3A_150] : memref<32x79x128xi32, #tpu.memory_space<hbm>> -> memref<1x40x128xi32, #tpu.memory_space<hbm>>
      %dma_wait3A_152 = tpu.memref_squeeze %dma_wait3A_151 : memref<1x40x128xi32, #tpu.memory_space<hbm>> -> memref<40x128xi32, #tpu.memory_space<hbm>>
      tpu.wait_dma2 semaphore(%run_scoped3A_136 : memref<!tpu.dma_semaphore, #tpu.memory_space<semaphore_mem>>) src(%dma_wait3A_152 : memref<40x128xi32, #tpu.memory_space<hbm>>) dst(%arg7 : memref<40x128xi32, #tpu.memory_space<vmem>>)
      tpu.yield
    }) : () -> ()
    %dma_start3A = arith.constant 0 : i32
    %dma_start3A_1 = arith.constant 0 : i32
    %dma_start3A_2 = tpu.memref_slice %arg6[%dma_start3A, %dma_start3A_1] : memref<40x128xi32, #tpu.memory_space<vmem>> -> memref<1x128xi32, #tpu.memory_space<vmem>>
    %dma_start3A_3 = tpu.memref_squeeze %dma_start3A_2 : memref<1x128xi32, #tpu.memory_space<vmem>> -> memref<128xi32, #tpu.memory_space<vmem>>
    %dma_start3A_4 = arith.constant 0 : i32
    %dma_start3A_5 = arith.constant 0 : i32
    %dma_start3A_6 = tpu.memref_slice %arg2[%dma_start3A_4, %dma_start3A_5] : memref<10000x128xf32, #tpu.memory_space<hbm>> -> memref<10000x128xf32, #tpu.memory_space<hbm>>
    tpu.enqueue_indirect_dma source(%dma_start3A_6 : memref<10000x128xf32, #tpu.memory_space<hbm>>) target(%arg8 : memref<128x128xf32, #tpu.memory_space<vmem>>) offsets(%dma_start3A_3 : memref<128xi32, #tpu.memory_space<vmem>>) semaphore(%arg12 : memref<!tpu.dma_semaphore, #tpu.memory_space<semaphore_mem>>)
    %dma_start3A_7 = arith.constant 1 : i32
    %dma_start3A_8 = arith.constant 0 : i32
    %dma_start3A_9 = tpu.memref_slice %arg6[%dma_start3A_7, %dma_start3A_8] : memref<40x128xi32, #tpu.memory_space<vmem>> -> memref<1x128xi32, #tpu.memory_space<vmem>>
    %dma_start3A_10 = tpu.memref_squeeze %dma_start3A_9 : memref<1x128xi32, #tpu.memory_space<vmem>> -> memref<128xi32, #tpu.memory_space<vmem>>
    %dma_start3A_11 = arith.constant 0 : i32
    %dma_start3A_12 = arith.constant 0 : i32
    %dma_start3A_13 = tpu.memref_slice %arg2[%dma_start3A_11, %dma_start3A_12] : memref<10000x128xf32, #tpu.memory_space<hbm>> -> memref<10000x128xf32, #tpu.memory_space<hbm>>
    tpu.enqueue_indirect_dma source(%dma_start3A_13 : memref<10000x128xf32, #tpu.memory_space<hbm>>) target(%arg9 : memref<128x128xf32, #tpu.memory_space<vmem>>) offsets(%dma_start3A_10 : memref<128xi32, #tpu.memory_space<vmem>>) semaphore(%arg13 : memref<!tpu.dma_semaphore, #tpu.memory_space<semaphore_mem>>)
    %scan3A = arith.constant 0 : i32
    %scan3A_14 = arith.constant 0 : i32
    %scan3A_15 = arith.constant 32 : i32
    %scan3A_16 = arith.addi %scan3A_14, %scan3A_15 : i32
    %scan3A_17 = arith.constant 1 : i32
    scf.for %scan3A_136 = %scan3A_14 to %scan3A_16 step %scan3A_17  : i32 {
      %broadcast_in_dim3A = arith.constant 0.000000e+00 : f32
      %broadcast_in_dim3A_137 = vector.broadcast %broadcast_in_dim3A : f32 to vector<16xf32>
      %swap3A = arith.index_cast %scan3A_136 : i32 to index
      %swap3A_138 = arith.constant 0 : index
      %swap3A_139 = tpu.vector_load %arg10[%swap3A, %swap3A_138] {strides = array<i32>} : memref<32x128xf32, #tpu.memory_space<vmem>>, vector<1x16xf32>,
      %swap3A_140 = vector.shape_cast %swap3A_139 : vector<1x16xf32> to vector<16xf32>
      %swap3A_141 = vector.shape_cast %broadcast_in_dim3A_137 : vector<16xf32> to vector<1x16xf32>
      tpu.vector_store %arg10[%swap3A, %swap3A_138], %swap3A_141 {strides = array<i32>} : memref<32x128xf32, #tpu.memory_space<vmem>>, vector<1x16xf32>,
      %broadcast_in_dim3A_142 = arith.constant 0.000000e+00 : f32
      %broadcast_in_dim3A_143 = vector.broadcast %broadcast_in_dim3A_142 : f32 to vector<16xf32>
      %swap3A_144 = arith.index_cast %scan3A_136 : i32 to index
      %swap3A_145 = arith.constant 16 : index
      %swap3A_146 = tpu.vector_load %arg10[%swap3A_144, %swap3A_145] {strides = array<i32>} : memref<32x128xf32, #tpu.memory_space<vmem>>, vector<1x16xf32>,
      %swap3A_147 = vector.shape_cast %swap3A_146 : vector<1x16xf32> to vector<16xf32>
      %swap3A_148 = vector.shape_cast %broadcast_in_dim3A_143 : vector<16xf32> to vector<1x16xf32>
      tpu.vector_store %arg10[%swap3A_144, %swap3A_145], %swap3A_148 {strides = array<i32>} : memref<32x128xf32, #tpu.memory_space<vmem>>, vector<1x16xf32>,
      %broadcast_in_dim3A_149 = arith.constant 0.000000e+00 : f32
      %broadcast_in_dim3A_150 = vector.broadcast %broadcast_in_dim3A_149 : f32 to vector<16xf32>
      %swap3A_151 = arith.index_cast %scan3A_136 : i32 to index
      %swap3A_152 = arith.constant 32 : index
      %swap3A_153 = tpu.vector_load %arg10[%swap3A_151, %swap3A_152] {strides = array<i32>} : memref<32x128xf32, #tpu.memory_space<vmem>>, vector<1x16xf32>,
      %swap3A_154 = vector.shape_cast %swap3A_153 : vector<1x16xf32> to vector<16xf32>
      %swap3A_155 = vector.shape_cast %broadcast_in_dim3A_150 : vector<16xf32> to vector<1x16xf32>
      tpu.vector_store %arg10[%swap3A_151, %swap3A_152], %swap3A_155 {strides = array<i32>} : memref<32x128xf32, #tpu.memory_space<vmem>>, vector<1x16xf32>,
      %broadcast_in_dim3A_156 = arith.constant 0.000000e+00 : f32
      %broadcast_in_dim3A_157 = vector.broadcast %broadcast_in_dim3A_156 : f32 to vector<16xf32>
      %swap3A_158 = arith.index_cast %scan3A_136 : i32 to index
      %swap3A_159 = arith.constant 48 : index
      %swap3A_160 = tpu.vector_load %arg10[%swap3A_158, %swap3A_159] {strides = array<i32>} : memref<32x128xf32, #tpu.memory_space<vmem>>, vector<1x16xf32>,
      %swap3A_161 = vector.shape_cast %swap3A_160 : vector<1x16xf32> to vector<16xf32>
      %swap3A_162 = vector.shape_cast %broadcast_in_dim3A_157 : vector<16xf32> to vector<1x16xf32>
      tpu.vector_store %arg10[%swap3A_158, %swap3A_159], %swap3A_162 {strides = array<i32>} : memref<32x128xf32, #tpu.memory_space<vmem>>, vector<1x16xf32>,
      %broadcast_in_dim3A_163 = arith.constant 0.000000e+00 : f32
      %broadcast_in_dim3A_164 = vector.broadcast %broadcast_in_dim3A_163 : f32 to vector<16xf32>
      %swap3A_165 = arith.index_cast %scan3A_136 : i32 to index
      %swap3A_166 = arith.constant 64 : index
      %swap3A_167 = tpu.vector_load %arg10[%swap3A_165, %swap3A_166] {strides = array<i32>} : memref<32x128xf32, #tpu.memory_space<vmem>>, vector<1x16xf32>,
      %swap3A_168 = vector.shape_cast %swap3A_167 : vector<1x16xf32> to vector<16xf32>
      %swap3A_169 = vector.shape_cast %broadcast_in_dim3A_164 : vector<16xf32> to vector<1x16xf32>
      tpu.vector_store %arg10[%swap3A_165, %swap3A_166], %swap3A_169 {strides = array<i32>} : memref<32x128xf32, #tpu.memory_space<vmem>>, vector<1x16xf32>,
      %broadcast_in_dim3A_170 = arith.constant 0.000000e+00 : f32
      %broadcast_in_dim3A_171 = vector.broadcast %broadcast_in_dim3A_170 : f32 to vector<16xf32>
      %swap3A_172 = arith.index_cast %scan3A_136 : i32 to index
      %swap3A_173 = arith.constant 80 : index
      %swap3A_174 = tpu.vector_load %arg10[%swap3A_172, %swap3A_173] {strides = array<i32>} : memref<32x128xf32, #tpu.memory_space<vmem>>, vector<1x16xf32>,
      %swap3A_175 = vector.shape_cast %swap3A_174 : vector<1x16xf32> to vector<16xf32>
      %swap3A_176 = vector.shape_cast %broadcast_in_dim3A_171 : vector<16xf32> to vector<1x16xf32>
      tpu.vector_store %arg10[%swap3A_172, %swap3A_173], %swap3A_176 {strides = array<i32>} : memref<32x128xf32, #tpu.memory_space<vmem>>, vector<1x16xf32>,
      %broadcast_in_dim3A_177 = arith.constant 0.000000e+00 : f32
      %broadcast_in_dim3A_178 = vector.broadcast %broadcast_in_dim3A_177 : f32 to vector<16xf32>
      %swap3A_179 = arith.index_cast %scan3A_136 : i32 to index
      %swap3A_180 = arith.constant 96 : index
      %swap3A_181 = tpu.vector_load %arg10[%swap3A_179, %swap3A_180] {strides = array<i32>} : memref<32x128xf32, #tpu.memory_space<vmem>>, vector<1x16xf32>,
      %swap3A_182 = vector.shape_cast %swap3A_181 : vector<1x16xf32> to vector<16xf32>
      %swap3A_183 = vector.shape_cast %broadcast_in_dim3A_178 : vector<16xf32> to vector<1x16xf32>
      tpu.vector_store %arg10[%swap3A_179, %swap3A_180], %swap3A_183 {strides = array<i32>} : memref<32x128xf32, #tpu.memory_space<vmem>>, vector<1x16xf32>,
      %broadcast_in_dim3A_184 = arith.constant 0.000000e+00 : f32
      %broadcast_in_dim3A_185 = vector.broadcast %broadcast_in_dim3A_184 : f32 to vector<16xf32>
      %swap3A_186 = arith.index_cast %scan3A_136 : i32 to index
      %swap3A_187 = arith.constant 112 : index
      %swap3A_188 = tpu.vector_load %arg10[%swap3A_186, %swap3A_187] {strides = array<i32>} : memref<32x128xf32, #tpu.memory_space<vmem>>, vector<1x16xf32>,
      %swap3A_189 = vector.shape_cast %swap3A_188 : vector<1x16xf32> to vector<16xf32>
      %swap3A_190 = vector.shape_cast %broadcast_in_dim3A_185 : vector<16xf32> to vector<1x16xf32>
      tpu.vector_store %arg10[%swap3A_186, %swap3A_187], %swap3A_190 {strides = array<i32>} : memref<32x128xf32, #tpu.memory_space<vmem>>, vector<1x16xf32>,
    }
    %scan3A_18 = arith.constant 32 : i32
    %mul3A_19 = arith.constant 640 : i32
    %mul3A_20 = arith.muli %arg1, %mul3A_19 : i32
    %add3A_21 = arith.constant 0 : i32
    %add3A_22 = arith.addi %mul3A_20, %add3A_21 : i32
    "tpu.region"() ({
      %run_scoped3A_136 = tpu.sem_alloc : memref<!tpu.dma_semaphore, #tpu.memory_space<semaphore_mem>>
      %dma_start3A_137 = arith.constant 0 : i32
      %dma_start3A_138 = tpu.memref_slice %arg11[%add3A_22, %dma_start3A_137] : memref<10240x128xf32, #tpu.memory_space<vmem_shared>> -> memref<32x128xf32, #tpu.memory_space<vmem_shared>>
      %dma_start3A_139 = arith.constant 0 : i32
      %dma_start3A_140 = tpu.memref_slice %arg11[%add3A_22, %dma_start3A_139] : memref<10240x128xf32, #tpu.memory_space<vmem_shared>> -> memref<32x128xf32, #tpu.memory_space<vmem_shared>>
      tpu.enqueue_dma source(%arg10 : memref<32x128xf32, #tpu.memory_space<vmem>>) target(%dma_start3A_140 : memref<32x128xf32, #tpu.memory_space<vmem_shared>>) target_semaphore(%run_scoped3A_136 : memref<!tpu.dma_semaphore, #tpu.memory_space<semaphore_mem>>)
      %dma_wait3A_141 = arith.constant 0 : i32
      %dma_wait3A_142 = tpu.memref_slice %arg11[%add3A_22, %dma_wait3A_141] : memref<10240x128xf32, #tpu.memory_space<vmem_shared>> -> memref<32x128xf32, #tpu.memory_space<vmem_shared>>
      %dma_wait3A_143 = arith.constant 0 : i32
      %dma_wait3A_144 = tpu.memref_slice %arg11[%add3A_22, %dma_wait3A_143] : memref<10240x128xf32, #tpu.memory_space<vmem_shared>> -> memref<32x128xf32, #tpu.memory_space<vmem_shared>>
      tpu.wait_dma2 semaphore(%run_scoped3A_136 : memref<!tpu.dma_semaphore, #tpu.memory_space<semaphore_mem>>) src(%arg10 : memref<32x128xf32, #tpu.memory_space<vmem>>) dst(%dma_wait3A_144 : memref<32x128xf32, #tpu.memory_space<vmem_shared>>)
      tpu.yield
    }) : () -> ()
    %mul3A_23 = arith.constant 640 : i32
    %mul3A_24 = arith.muli %arg1, %mul3A_23 : i32
    %add3A_25 = arith.constant 32 : i32
    %add3A_26 = arith.addi %mul3A_24, %add3A_25 : i32
    "tpu.region"() ({
      %run_scoped3A_136 = tpu.sem_alloc : memref<!tpu.dma_semaphore, #tpu.memory_space<semaphore_mem>>
      %dma_start3A_137 = arith.constant 0 : i32
      %dma_start3A_138 = tpu.memref_slice %arg11[%add3A_26, %dma_start3A_137] : memref<10240x128xf32, #tpu.memory_space<vmem_shared>> -> memref<32x128xf32, #tpu.memory_space<vmem_shared>>
      %dma_start3A_139 = arith.constant 0 : i32
      %dma_start3A_140 = tpu.memref_slice %arg11[%add3A_26, %dma_start3A_139] : memref<10240x128xf32, #tpu.memory_space<vmem_shared>> -> memref<32x128xf32, #tpu.memory_space<vmem_shared>>
      tpu.enqueue_dma source(%arg10 : memref<32x128xf32, #tpu.memory_space<vmem>>) target(%dma_start3A_140 : memref<32x128xf32, #tpu.memory_space<vmem_shared>>) target_semaphore(%run_scoped3A_136 : memref<!tpu.dma_semaphore, #tpu.memory_space<semaphore_mem>>)
      %dma_wait3A_141 = arith.constant 0 : i32
      %dma_wait3A_142 = tpu.memref_slice %arg11[%add3A_26, %dma_wait3A_141] : memref<10240x128xf32, #tpu.memory_space<vmem_shared>> -> memref<32x128xf32, #tpu.memory_space<vmem_shared>>
      %dma_wait3A_143 = arith.constant 0 : i32
      %dma_wait3A_144 = tpu.memref_slice %arg11[%add3A_26, %dma_wait3A_143] : memref<10240x128xf32, #tpu.memory_space<vmem_shared>> -> memref<32x128xf32, #tpu.memory_space<vmem_shared>>
      tpu.wait_dma2 semaphore(%run_scoped3A_136 : memref<!tpu.dma_semaphore, #tpu.memory_space<semaphore_mem>>) src(%arg10 : memref<32x128xf32, #tpu.memory_space<vmem>>) dst(%dma_wait3A_144 : memref<32x128xf32, #tpu.memory_space<vmem_shared>>)
      tpu.yield
    }) : () -> ()
    %mul3A_27 = arith.constant 640 : i32
    %mul3A_28 = arith.muli %arg1, %mul3A_27 : i32
    %add3A_29 = arith.constant 64 : i32
    %add3A_30 = arith.addi %mul3A_28, %add3A_29 : i32
    "tpu.region"() ({
      %run_scoped3A_136 = tpu.sem_alloc : memref<!tpu.dma_semaphore, #tpu.memory_space<semaphore_mem>>
      %dma_start3A_137 = arith.constant 0 : i32
      %dma_start3A_138 = tpu.memref_slice %arg11[%add3A_30, %dma_start3A_137] : memref<10240x128xf32, #tpu.memory_space<vmem_shared>> -> memref<32x128xf32, #tpu.memory_space<vmem_shared>>
      %dma_start3A_139 = arith.constant 0 : i32
      %dma_start3A_140 = tpu.memref_slice %arg11[%add3A_30, %dma_start3A_139] : memref<10240x128xf32, #tpu.memory_space<vmem_shared>> -> memref<32x128xf32, #tpu.memory_space<vmem_shared>>
      tpu.enqueue_dma source(%arg10 : memref<32x128xf32, #tpu.memory_space<vmem>>) target(%dma_start3A_140 : memref<32x128xf32, #tpu.memory_space<vmem_shared>>) target_semaphore(%run_scoped3A_136 : memref<!tpu.dma_semaphore, #tpu.memory_space<semaphore_mem>>)
      %dma_wait3A_141 = arith.constant 0 : i32
      %dma_wait3A_142 = tpu.memref_slice %arg11[%add3A_30, %dma_wait3A_141] : memref<10240x128xf32, #tpu.memory_space<vmem_shared>> -> memref<32x128xf32, #tpu.memory_space<vmem_shared>>
      %dma_wait3A_143 = arith.constant 0 : i32
      %dma_wait3A_144 = tpu.memref_slice %arg11[%add3A_30, %dma_wait3A_143] : memref<10240x128xf32, #tpu.memory_space<vmem_shared>> -> memref<32x128xf32, #tpu.memory_space<vmem_shared>>
      tpu.wait_dma2 semaphore(%run_scoped3A_136 : memref<!tpu.dma_semaphore, #tpu.memory_space<semaphore_mem>>) src(%arg10 : memref<32x128xf32, #tpu.memory_space<vmem>>) dst(%dma_wait3A_144 : memref<32x128xf32, #tpu.memory_space<vmem_shared>>)
      tpu.yield
    }) : () -> ()
    %mul3A_31 = arith.constant 640 : i32
    %mul3A_32 = arith.muli %arg1, %mul3A_31 : i32
    %add3A_33 = arith.constant 96 : i32
    %add3A_34 = arith.addi %mul3A_32, %add3A_33 : i32
    "tpu.region"() ({
      %run_scoped3A_136 = tpu.sem_alloc : memref<!tpu.dma_semaphore, #tpu.memory_space<semaphore_mem>>
      %dma_start3A_137 = arith.constant 0 : i32
      %dma_start3A_138 = tpu.memref_slice %arg11[%add3A_34, %dma_start3A_137] : memref<10240x128xf32, #tpu.memory_space<vmem_shared>> -> memref<32x128xf32, #tpu.memory_space<vmem_shared>>
      %dma_start3A_139 = arith.constant 0 : i32
      %dma_start3A_140 = tpu.memref_slice %arg11[%add3A_34, %dma_start3A_139] : memref<10240x128xf32, #tpu.memory_space<vmem_shared>> -> memref<32x128xf32, #tpu.memory_space<vmem_shared>>
      tpu.enqueue_dma source(%arg10 : memref<32x128xf32, #tpu.memory_space<vmem>>) target(%dma_start3A_140 : memref<32x128xf32, #tpu.memory_space<vmem_shared>>) target_semaphore(%run_scoped3A_136 : memref<!tpu.dma_semaphore, #tpu.memory_space<semaphore_mem>>)
      %dma_wait3A_141 = arith.constant 0 : i32
      %dma_wait3A_142 = tpu.memref_slice %arg11[%add3A_34, %dma_wait3A_141] : memref<10240x128xf32, #tpu.memory_space<vmem_shared>> -> memref<32x128xf32, #tpu.memory_space<vmem_shared>>
      %dma_wait3A_143 = arith.constant 0 : i32
      %dma_wait3A_144 = tpu.memref_slice %arg11[%add3A_34, %dma_wait3A_143] : memref<10240x128xf32, #tpu.memory_space<vmem_shared>> -> memref<32x128xf32, #tpu.memory_space<vmem_shared>>
      tpu.wait_dma2 semaphore(%run_scoped3A_136 : memref<!tpu.dma_semaphore, #tpu.memory_space<semaphore_mem>>) src(%arg10 : memref<32x128xf32, #tpu.memory_space<vmem>>) dst(%dma_wait3A_144 : memref<32x128xf32, #tpu.memory_space<vmem_shared>>)
      tpu.yield
    }) : () -> ()
    %mul3A_35 = arith.constant 640 : i32
    %mul3A_36 = arith.muli %arg1, %mul3A_35 : i32
    %add3A_37 = arith.constant 128 : i32
    %add3A_38 = arith.addi %mul3A_36, %add3A_37 : i32
    "tpu.region"() ({
      %run_scoped3A_136 = tpu.sem_alloc : memref<!tpu.dma_semaphore, #tpu.memory_space<semaphore_mem>>
      %dma_start3A_137 = arith.constant 0 : i32
      %dma_start3A_138 = tpu.memref_slice %arg11[%add3A_38, %dma_start3A_137] : memref<10240x128xf32, #tpu.memory_space<vmem_shared>> -> memref<32x128xf32, #tpu.memory_space<vmem_shared>>
      %dma_start3A_139 = arith.constant 0 : i32
      %dma_start3A_140 = tpu.memref_slice %arg11[%add3A_38, %dma_start3A_139] : memref<10240x128xf32, #tpu.memory_space<vmem_shared>> -> memref<32x128xf32, #tpu.memory_space<vmem_shared>>
      tpu.enqueue_dma source(%arg10 : memref<32x128xf32, #tpu.memory_space<vmem>>) target(%dma_start3A_140 : memref<32x128xf32, #tpu.memory_space<vmem_shared>>) target_semaphore(%run_scoped3A_136 : memref<!tpu.dma_semaphore, #tpu.memory_space<semaphore_mem>>)
      %dma_wait3A_141 = arith.constant 0 : i32
      %dma_wait3A_142 = tpu.memref_slice %arg11[%add3A_38, %dma_wait3A_141] : memref<10240x128xf32, #tpu.memory_space<vmem_shared>> -> memref<32x128xf32, #tpu.memory_space<vmem_shared>>
      %dma_wait3A_143 = arith.constant 0 : i32
      %dma_wait3A_144 = tpu.memref_slice %arg11[%add3A_38, %dma_wait3A_143] : memref<10240x128xf32, #tpu.memory_space<vmem_shared>> -> memref<32x128xf32, #tpu.memory_space<vmem_shared>>
      tpu.wait_dma2 semaphore(%run_scoped3A_136 : memref<!tpu.dma_semaphore, #tpu.memory_space<semaphore_mem>>) src(%arg10 : memref<32x128xf32, #tpu.memory_space<vmem>>) dst(%dma_wait3A_144 : memref<32x128xf32, #tpu.memory_space<vmem_shared>>)
      tpu.yield
    }) : () -> ()
    %mul3A_39 = arith.constant 640 : i32
    %mul3A_40 = arith.muli %arg1, %mul3A_39 : i32
    %add3A_41 = arith.constant 160 : i32
    %add3A_42 = arith.addi %mul3A_40, %add3A_41 : i32
    "tpu.region"() ({
      %run_scoped3A_136 = tpu.sem_alloc : memref<!tpu.dma_semaphore, #tpu.memory_space<semaphore_mem>>
      %dma_start3A_137 = arith.constant 0 : i32
      %dma_start3A_138 = tpu.memref_slice %arg11[%add3A_42, %dma_start3A_137] : memref<10240x128xf32, #tpu.memory_space<vmem_shared>> -> memref<32x128xf32, #tpu.memory_space<vmem_shared>>
      %dma_start3A_139 = arith.constant 0 : i32
      %dma_start3A_140 = tpu.memref_slice %arg11[%add3A_42, %dma_start3A_139] : memref<10240x128xf32, #tpu.memory_space<vmem_shared>> -> memref<32x128xf32, #tpu.memory_space<vmem_shared>>
      tpu.enqueue_dma source(%arg10 : memref<32x128xf32, #tpu.memory_space<vmem>>) target(%dma_start3A_140 : memref<32x128xf32, #tpu.memory_space<vmem_shared>>) target_semaphore(%run_scoped3A_136 : memref<!tpu.dma_semaphore, #tpu.memory_space<semaphore_mem>>)
      %dma_wait3A_141 = arith.constant 0 : i32
      %dma_wait3A_142 = tpu.memref_slice %arg11[%add3A_42, %dma_wait3A_141] : memref<10240x128xf32, #tpu.memory_space<vmem_shared>> -> memref<32x128xf32, #tpu.memory_space<vmem_shared>>
      %dma_wait3A_143 = arith.constant 0 : i32
      %dma_wait3A_144 = tpu.memref_slice %arg11[%add3A_42, %dma_wait3A_143] : memref<10240x128xf32, #tpu.memory_space<vmem_shared>> -> memref<32x128xf32, #tpu.memory_space<vmem_shared>>
      tpu.wait_dma2 semaphore(%run_scoped3A_136 : memref<!tpu.dma_semaphore, #tpu.memory_space<semaphore_mem>>) src(%arg10 : memref<32x128xf32, #tpu.memory_space<vmem>>) dst(%dma_wait3A_144 : memref<32x128xf32, #tpu.memory_space<vmem_shared>>)
      tpu.yield
    }) : () -> ()
    %mul3A_43 = arith.constant 640 : i32
    %mul3A_44 = arith.muli %arg1, %mul3A_43 : i32
    %add3A_45 = arith.constant 192 : i32
    %add3A_46 = arith.addi %mul3A_44, %add3A_45 : i32
    "tpu.region"() ({
      %run_scoped3A_136 = tpu.sem_alloc : memref<!tpu.dma_semaphore, #tpu.memory_space<semaphore_mem>>
      %dma_start3A_137 = arith.constant 0 : i32
      %dma_start3A_138 = tpu.memref_slice %arg11[%add3A_46, %dma_start3A_137] : memref<10240x128xf32, #tpu.memory_space<vmem_shared>> -> memref<32x128xf32, #tpu.memory_space<vmem_shared>>
      %dma_start3A_139 = arith.constant 0 : i32
      %dma_start3A_140 = tpu.memref_slice %arg11[%add3A_46, %dma_start3A_139] : memref<10240x128xf32, #tpu.memory_space<vmem_shared>> -> memref<32x128xf32, #tpu.memory_space<vmem_shared>>
      tpu.enqueue_dma source(%arg10 : memref<32x128xf32, #tpu.memory_space<vmem>>) target(%dma_start3A_140 : memref<32x128xf32, #tpu.memory_space<vmem_shared>>) target_semaphore(%run_scoped3A_136 : memref<!tpu.dma_semaphore, #tpu.memory_space<semaphore_mem>>)
      %dma_wait3A_141 = arith.constant 0 : i32
      %dma_wait3A_142 = tpu.memref_slice %arg11[%add3A_46, %dma_wait3A_141] : memref<10240x128xf32, #tpu.memory_space<vmem_shared>> -> memref<32x128xf32, #tpu.memory_space<vmem_shared>>
      %dma_wait3A_143 = arith.constant 0 : i32
      %dma_wait3A_144 = tpu.memref_slice %arg11[%add3A_46, %dma_wait3A_143] : memref<10240x128xf32, #tpu.memory_space<vmem_shared>> -> memref<32x128xf32, #tpu.memory_space<vmem_shared>>
      tpu.wait_dma2 semaphore(%run_scoped3A_136 : memref<!tpu.dma_semaphore, #tpu.memory_space<semaphore_mem>>) src(%arg10 : memref<32x128xf32, #tpu.memory_space<vmem>>) dst(%dma_wait3A_144 : memref<32x128xf32, #tpu.memory_space<vmem_shared>>)
      tpu.yield
    }) : () -> ()
    %mul3A_47 = arith.constant 640 : i32
    %mul3A_48 = arith.muli %arg1, %mul3A_47 : i32
    %add3A_49 = arith.constant 224 : i32
    %add3A_50 = arith.addi %mul3A_48, %add3A_49 : i32
    "tpu.region"() ({
      %run_scoped3A_136 = tpu.sem_alloc : memref<!tpu.dma_semaphore, #tpu.memory_space<semaphore_mem>>
      %dma_start3A_137 = arith.constant 0 : i32
      %dma_start3A_138 = tpu.memref_slice %arg11[%add3A_50, %dma_start3A_137] : memref<10240x128xf32, #tpu.memory_space<vmem_shared>> -> memref<32x128xf32, #tpu.memory_space<vmem_shared>>
      %dma_start3A_139 = arith.constant 0 : i32
      %dma_start3A_140 = tpu.memref_slice %arg11[%add3A_50, %dma_start3A_139] : memref<10240x128xf32, #tpu.memory_space<vmem_shared>> -> memref<32x128xf32, #tpu.memory_space<vmem_shared>>
      tpu.enqueue_dma source(%arg10 : memref<32x128xf32, #tpu.memory_space<vmem>>) target(%dma_start3A_140 : memref<32x128xf32, #tpu.memory_space<vmem_shared>>) target_semaphore(%run_scoped3A_136 : memref<!tpu.dma_semaphore, #tpu.memory_space<semaphore_mem>>)
      %dma_wait3A_141 = arith.constant 0 : i32
      %dma_wait3A_142 = tpu.memref_slice %arg11[%add3A_50, %dma_wait3A_141] : memref<10240x128xf32, #tpu.memory_space<vmem_shared>> -> memref<32x128xf32, #tpu.memory_space<vmem_shared>>
      %dma_wait3A_143 = arith.constant 0 : i32
      %dma_wait3A_144 = tpu.memref_slice %arg11[%add3A_50, %dma_wait3A_143] : memref<10240x128xf32, #tpu.memory_space<vmem_shared>> -> memref<32x128xf32, #tpu.memory_space<vmem_shared>>
      tpu.wait_dma2 semaphore(%run_scoped3A_136 : memref<!tpu.dma_semaphore, #tpu.memory_space<semaphore_mem>>) src(%arg10 : memref<32x128xf32, #tpu.memory_space<vmem>>) dst(%dma_wait3A_144 : memref<32x128xf32, #tpu.memory_space<vmem_shared>>)
      tpu.yield
    }) : () -> ()
    %mul3A_51 = arith.constant 640 : i32
    %mul3A_52 = arith.muli %arg1, %mul3A_51 : i32
    %add3A_53 = arith.constant 256 : i32
    %add3A_54 = arith.addi %mul3A_52, %add3A_53 : i32
    "tpu.region"() ({
      %run_scoped3A_136 = tpu.sem_alloc : memref<!tpu.dma_semaphore, #tpu.memory_space<semaphore_mem>>
      %dma_start3A_137 = arith.constant 0 : i32
      %dma_start3A_138 = tpu.memref_slice %arg11[%add3A_54, %dma_start3A_137] : memref<10240x128xf32, #tpu.memory_space<vmem_shared>> -> memref<32x128xf32, #tpu.memory_space<vmem_shared>>
      %dma_start3A_139 = arith.constant 0 : i32
      %dma_start3A_140 = tpu.memref_slice %arg11[%add3A_54, %dma_start3A_139] : memref<10240x128xf32, #tpu.memory_space<vmem_shared>> -> memref<32x128xf32, #tpu.memory_space<vmem_shared>>
      tpu.enqueue_dma source(%arg10 : memref<32x128xf32, #tpu.memory_space<vmem>>) target(%dma_start3A_140 : memref<32x128xf32, #tpu.memory_space<vmem_shared>>) target_semaphore(%run_scoped3A_136 : memref<!tpu.dma_semaphore, #tpu.memory_space<semaphore_mem>>)
      %dma_wait3A_141 = arith.constant 0 : i32
      %dma_wait3A_142 = tpu.memref_slice %arg11[%add3A_54, %dma_wait3A_141] : memref<10240x128xf32, #tpu.memory_space<vmem_shared>> -> memref<32x128xf32, #tpu.memory_space<vmem_shared>>
      %dma_wait3A_143 = arith.constant 0 : i32
      %dma_wait3A_144 = tpu.memref_slice %arg11[%add3A_54, %dma_wait3A_143] : memref<10240x128xf32, #tpu.memory_space<vmem_shared>> -> memref<32x128xf32, #tpu.memory_space<vmem_shared>>
      tpu.wait_dma2 semaphore(%run_scoped3A_136 : memref<!tpu.dma_semaphore, #tpu.memory_space<semaphore_mem>>) src(%arg10 : memref<32x128xf32, #tpu.memory_space<vmem>>) dst(%dma_wait3A_144 : memref<32x128xf32, #tpu.memory_space<vmem_shared>>)
      tpu.yield
    }) : () -> ()
    %mul3A_55 = arith.constant 640 : i32
    %mul3A_56 = arith.muli %arg1, %mul3A_55 : i32
    %add3A_57 = arith.constant 288 : i32
    %add3A_58 = arith.addi %mul3A_56, %add3A_57 : i32
    "tpu.region"() ({
      %run_scoped3A_136 = tpu.sem_alloc : memref<!tpu.dma_semaphore, #tpu.memory_space<semaphore_mem>>
      %dma_start3A_137 = arith.constant 0 : i32
      %dma_start3A_138 = tpu.memref_slice %arg11[%add3A_58, %dma_start3A_137] : memref<10240x128xf32, #tpu.memory_space<vmem_shared>> -> memref<32x128xf32, #tpu.memory_space<vmem_shared>>
      %dma_start3A_139 = arith.constant 0 : i32
      %dma_start3A_140 = tpu.memref_slice %arg11[%add3A_58, %dma_start3A_139] : memref<10240x128xf32, #tpu.memory_space<vmem_shared>> -> memref<32x128xf32, #tpu.memory_space<vmem_shared>>
      tpu.enqueue_dma source(%arg10 : memref<32x128xf32, #tpu.memory_space<vmem>>) target(%dma_start3A_140 : memref<32x128xf32, #tpu.memory_space<vmem_shared>>) target_semaphore(%run_scoped3A_136 : memref<!tpu.dma_semaphore, #tpu.memory_space<semaphore_mem>>)
      %dma_wait3A_141 = arith.constant 0 : i32
      %dma_wait3A_142 = tpu.memref_slice %arg11[%add3A_58, %dma_wait3A_141] : memref<10240x128xf32, #tpu.memory_space<vmem_shared>> -> memref<32x128xf32, #tpu.memory_space<vmem_shared>>
      %dma_wait3A_143 = arith.constant 0 : i32
      %dma_wait3A_144 = tpu.memref_slice %arg11[%add3A_58, %dma_wait3A_143] : memref<10240x128xf32, #tpu.memory_space<vmem_shared>> -> memref<32x128xf32, #tpu.memory_space<vmem_shared>>
      tpu.wait_dma2 semaphore(%run_scoped3A_136 : memref<!tpu.dma_semaphore, #tpu.memory_space<semaphore_mem>>) src(%arg10 : memref<32x128xf32, #tpu.memory_space<vmem>>) dst(%dma_wait3A_144 : memref<32x128xf32, #tpu.memory_space<vmem_shared>>)
      tpu.yield
    }) : () -> ()
    %mul3A_59 = arith.constant 640 : i32
    %mul3A_60 = arith.muli %arg1, %mul3A_59 : i32
    %add3A_61 = arith.constant 320 : i32
    %add3A_62 = arith.addi %mul3A_60, %add3A_61 : i32
    "tpu.region"() ({
      %run_scoped3A_136 = tpu.sem_alloc : memref<!tpu.dma_semaphore, #tpu.memory_space<semaphore_mem>>
      %dma_start3A_137 = arith.constant 0 : i32
      %dma_start3A_138 = tpu.memref_slice %arg11[%add3A_62, %dma_start3A_137] : memref<10240x128xf32, #tpu.memory_space<vmem_shared>> -> memref<32x128xf32, #tpu.memory_space<vmem_shared>>
      %dma_start3A_139 = arith.constant 0 : i32
      %dma_start3A_140 = tpu.memref_slice %arg11[%add3A_62, %dma_start3A_139] : memref<10240x128xf32, #tpu.memory_space<vmem_shared>> -> memref<32x128xf32, #tpu.memory_space<vmem_shared>>
      tpu.enqueue_dma source(%arg10 : memref<32x128xf32, #tpu.memory_space<vmem>>) target(%dma_start3A_140 : memref<32x128xf32, #tpu.memory_space<vmem_shared>>) target_semaphore(%run_scoped3A_136 : memref<!tpu.dma_semaphore, #tpu.memory_space<semaphore_mem>>)
      %dma_wait3A_141 = arith.constant 0 : i32
      %dma_wait3A_142 = tpu.memref_slice %arg11[%add3A_62, %dma_wait3A_141] : memref<10240x128xf32, #tpu.memory_space<vmem_shared>> -> memref<32x128xf32, #tpu.memory_space<vmem_shared>>
      %dma_wait3A_143 = arith.constant 0 : i32
      %dma_wait3A_144 = tpu.memref_slice %arg11[%add3A_62, %dma_wait3A_143] : memref<10240x128xf32, #tpu.memory_space<vmem_shared>> -> memref<32x128xf32, #tpu.memory_space<vmem_shared>>
      tpu.wait_dma2 semaphore(%run_scoped3A_136 : memref<!tpu.dma_semaphore, #tpu.memory_space<semaphore_mem>>) src(%arg10 : memref<32x128xf32, #tpu.memory_space<vmem>>) dst(%dma_wait3A_144 : memref<32x128xf32, #tpu.memory_space<vmem_shared>>)
      tpu.yield
    }) : () -> ()
    %mul3A_63 = arith.constant 640 : i32
    %mul3A_64 = arith.muli %arg1, %mul3A_63 : i32
    %add3A_65 = arith.constant 352 : i32
    %add3A_66 = arith.addi %mul3A_64, %add3A_65 : i32
    "tpu.region"() ({
      %run_scoped3A_136 = tpu.sem_alloc : memref<!tpu.dma_semaphore, #tpu.memory_space<semaphore_mem>>
      %dma_start3A_137 = arith.constant 0 : i32
      %dma_start3A_138 = tpu.memref_slice %arg11[%add3A_66, %dma_start3A_137] : memref<10240x128xf32, #tpu.memory_space<vmem_shared>> -> memref<32x128xf32, #tpu.memory_space<vmem_shared>>
      %dma_start3A_139 = arith.constant 0 : i32
      %dma_start3A_140 = tpu.memref_slice %arg11[%add3A_66, %dma_start3A_139] : memref<10240x128xf32, #tpu.memory_space<vmem_shared>> -> memref<32x128xf32, #tpu.memory_space<vmem_shared>>
      tpu.enqueue_dma source(%arg10 : memref<32x128xf32, #tpu.memory_space<vmem>>) target(%dma_start3A_140 : memref<32x128xf32, #tpu.memory_space<vmem_shared>>) target_semaphore(%run_scoped3A_136 : memref<!tpu.dma_semaphore, #tpu.memory_space<semaphore_mem>>)
      %dma_wait3A_141 = arith.constant 0 : i32
      %dma_wait3A_142 = tpu.memref_slice %arg11[%add3A_66, %dma_wait3A_141] : memref<10240x128xf32, #tpu.memory_space<vmem_shared>> -> memref<32x128xf32, #tpu.memory_space<vmem_shared>>
      %dma_wait3A_143 = arith.constant 0 : i32
      %dma_wait3A_144 = tpu.memref_slice %arg11[%add3A_66, %dma_wait3A_143] : memref<10240x128xf32, #tpu.memory_space<vmem_shared>> -> memref<32x128xf32, #tpu.memory_space<vmem_shared>>
      tpu.wait_dma2 semaphore(%run_scoped3A_136 : memref<!tpu.dma_semaphore, #tpu.memory_space<semaphore_mem>>) src(%arg10 : memref<32x128xf32, #tpu.memory_space<vmem>>) dst(%dma_wait3A_144 : memref<32x128xf32, #tpu.memory_space<vmem_shared>>)
      tpu.yield
    }) : () -> ()
    %mul3A_67 = arith.constant 640 : i32
    %mul3A_68 = arith.muli %arg1, %mul3A_67 : i32
    %add3A_69 = arith.constant 384 : i32
    %add3A_70 = arith.addi %mul3A_68, %add3A_69 : i32
    "tpu.region"() ({
      %run_scoped3A_136 = tpu.sem_alloc : memref<!tpu.dma_semaphore, #tpu.memory_space<semaphore_mem>>
      %dma_start3A_137 = arith.constant 0 : i32
      %dma_start3A_138 = tpu.memref_slice %arg11[%add3A_70, %dma_start3A_137] : memref<10240x128xf32, #tpu.memory_space<vmem_shared>> -> memref<32x128xf32, #tpu.memory_space<vmem_shared>>
      %dma_start3A_139 = arith.constant 0 : i32
      %dma_start3A_140 = tpu.memref_slice %arg11[%add3A_70, %dma_start3A_139] : memref<10240x128xf32, #tpu.memory_space<vmem_shared>> -> memref<32x128xf32, #tpu.memory_space<vmem_shared>>
      tpu.enqueue_dma source(%arg10 : memref<32x128xf32, #tpu.memory_space<vmem>>) target(%dma_start3A_140 : memref<32x128xf32, #tpu.memory_space<vmem_shared>>) target_semaphore(%run_scoped3A_136 : memref<!tpu.dma_semaphore, #tpu.memory_space<semaphore_mem>>)
      %dma_wait3A_141 = arith.constant 0 : i32
      %dma_wait3A_142 = tpu.memref_slice %arg11[%add3A_70, %dma_wait3A_141] : memref<10240x128xf32, #tpu.memory_space<vmem_shared>> -> memref<32x128xf32, #tpu.memory_space<vmem_shared>>
      %dma_wait3A_143 = arith.constant 0 : i32
      %dma_wait3A_144 = tpu.memref_slice %arg11[%add3A_70, %dma_wait3A_143] : memref<10240x128xf32, #tpu.memory_space<vmem_shared>> -> memref<32x128xf32, #tpu.memory_space<vmem_shared>>
      tpu.wait_dma2 semaphore(%run_scoped3A_136 : memref<!tpu.dma_semaphore, #tpu.memory_space<semaphore_mem>>) src(%arg10 : memref<32x128xf32, #tpu.memory_space<vmem>>) dst(%dma_wait3A_144 : memref<32x128xf32, #tpu.memory_space<vmem_shared>>)
      tpu.yield
    }) : () -> ()
    %mul3A_71 = arith.constant 640 : i32
    %mul3A_72 = arith.muli %arg1, %mul3A_71 : i32
    %add3A_73 = arith.constant 416 : i32
    %add3A_74 = arith.addi %mul3A_72, %add3A_73 : i32
    "tpu.region"() ({
      %run_scoped3A_136 = tpu.sem_alloc : memref<!tpu.dma_semaphore, #tpu.memory_space<semaphore_mem>>
      %dma_start3A_137 = arith.constant 0 : i32
      %dma_start3A_138 = tpu.memref_slice %arg11[%add3A_74, %dma_start3A_137] : memref<10240x128xf32, #tpu.memory_space<vmem_shared>> -> memref<32x128xf32, #tpu.memory_space<vmem_shared>>
      %dma_start3A_139 = arith.constant 0 : i32
      %dma_start3A_140 = tpu.memref_slice %arg11[%add3A_74, %dma_start3A_139] : memref<10240x128xf32, #tpu.memory_space<vmem_shared>> -> memref<32x128xf32, #tpu.memory_space<vmem_shared>>
      tpu.enqueue_dma source(%arg10 : memref<32x128xf32, #tpu.memory_space<vmem>>) target(%dma_start3A_140 : memref<32x128xf32, #tpu.memory_space<vmem_shared>>) target_semaphore(%run_scoped3A_136 : memref<!tpu.dma_semaphore, #tpu.memory_space<semaphore_mem>>)
      %dma_wait3A_141 = arith.constant 0 : i32
      %dma_wait3A_142 = tpu.memref_slice %arg11[%add3A_74, %dma_wait3A_141] : memref<10240x128xf32, #tpu.memory_space<vmem_shared>> -> memref<32x128xf32, #tpu.memory_space<vmem_shared>>
      %dma_wait3A_143 = arith.constant 0 : i32
      %dma_wait3A_144 = tpu.memref_slice %arg11[%add3A_74, %dma_wait3A_143] : memref<10240x128xf32, #tpu.memory_space<vmem_shared>> -> memref<32x128xf32, #tpu.memory_space<vmem_shared>>
      tpu.wait_dma2 semaphore(%run_scoped3A_136 : memref<!tpu.dma_semaphore, #tpu.memory_space<semaphore_mem>>) src(%arg10 : memref<32x128xf32, #tpu.memory_space<vmem>>) dst(%dma_wait3A_144 : memref<32x128xf32, #tpu.memory_space<vmem_shared>>)
      tpu.yield
    }) : () -> ()
    %mul3A_75 = arith.constant 640 : i32
    %mul3A_76 = arith.muli %arg1, %mul3A_75 : i32
    %add3A_77 = arith.constant 448 : i32
    %add3A_78 = arith.addi %mul3A_76, %add3A_77 : i32
    "tpu.region"() ({
      %run_scoped3A_136 = tpu.sem_alloc : memref<!tpu.dma_semaphore, #tpu.memory_space<semaphore_mem>>
      %dma_start3A_137 = arith.constant 0 : i32
      %dma_start3A_138 = tpu.memref_slice %arg11[%add3A_78, %dma_start3A_137] : memref<10240x128xf32, #tpu.memory_space<vmem_shared>> -> memref<32x128xf32, #tpu.memory_space<vmem_shared>>
      %dma_start3A_139 = arith.constant 0 : i32
      %dma_start3A_140 = tpu.memref_slice %arg11[%add3A_78, %dma_start3A_139] : memref<10240x128xf32, #tpu.memory_space<vmem_shared>> -> memref<32x128xf32, #tpu.memory_space<vmem_shared>>
      tpu.enqueue_dma source(%arg10 : memref<32x128xf32, #tpu.memory_space<vmem>>) target(%dma_start3A_140 : memref<32x128xf32, #tpu.memory_space<vmem_shared>>) target_semaphore(%run_scoped3A_136 : memref<!tpu.dma_semaphore, #tpu.memory_space<semaphore_mem>>)
      %dma_wait3A_141 = arith.constant 0 : i32
      %dma_wait3A_142 = tpu.memref_slice %arg11[%add3A_78, %dma_wait3A_141] : memref<10240x128xf32, #tpu.memory_space<vmem_shared>> -> memref<32x128xf32, #tpu.memory_space<vmem_shared>>
      %dma_wait3A_143 = arith.constant 0 : i32
      %dma_wait3A_144 = tpu.memref_slice %arg11[%add3A_78, %dma_wait3A_143] : memref<10240x128xf32, #tpu.memory_space<vmem_shared>> -> memref<32x128xf32, #tpu.memory_space<vmem_shared>>
      tpu.wait_dma2 semaphore(%run_scoped3A_136 : memref<!tpu.dma_semaphore, #tpu.memory_space<semaphore_mem>>) src(%arg10 : memref<32x128xf32, #tpu.memory_space<vmem>>) dst(%dma_wait3A_144 : memref<32x128xf32, #tpu.memory_space<vmem_shared>>)
      tpu.yield
    }) : () -> ()
    %mul3A_79 = arith.constant 640 : i32
    %mul3A_80 = arith.muli %arg1, %mul3A_79 : i32
    %add3A_81 = arith.constant 480 : i32
    %add3A_82 = arith.addi %mul3A_80, %add3A_81 : i32
    "tpu.region"() ({
      %run_scoped3A_136 = tpu.sem_alloc : memref<!tpu.dma_semaphore, #tpu.memory_space<semaphore_mem>>
      %dma_start3A_137 = arith.constant 0 : i32
      %dma_start3A_138 = tpu.memref_slice %arg11[%add3A_82, %dma_start3A_137] : memref<10240x128xf32, #tpu.memory_space<vmem_shared>> -> memref<32x128xf32, #tpu.memory_space<vmem_shared>>
      %dma_start3A_139 = arith.constant 0 : i32
      %dma_start3A_140 = tpu.memref_slice %arg11[%add3A_82, %dma_start3A_139] : memref<10240x128xf32, #tpu.memory_space<vmem_shared>> -> memref<32x128xf32, #tpu.memory_space<vmem_shared>>
      tpu.enqueue_dma source(%arg10 : memref<32x128xf32, #tpu.memory_space<vmem>>) target(%dma_start3A_140 : memref<32x128xf32, #tpu.memory_space<vmem_shared>>) target_semaphore(%run_scoped3A_136 : memref<!tpu.dma_semaphore, #tpu.memory_space<semaphore_mem>>)
      %dma_wait3A_141 = arith.constant 0 : i32
      %dma_wait3A_142 = tpu.memref_slice %arg11[%add3A_82, %dma_wait3A_141] : memref<10240x128xf32, #tpu.memory_space<vmem_shared>> -> memref<32x128xf32, #tpu.memory_space<vmem_shared>>
      %dma_wait3A_143 = arith.constant 0 : i32
      %dma_wait3A_144 = tpu.memref_slice %arg11[%add3A_82, %dma_wait3A_143] : memref<10240x128xf32, #tpu.memory_space<vmem_shared>> -> memref<32x128xf32, #tpu.memory_space<vmem_shared>>
      tpu.wait_dma2 semaphore(%run_scoped3A_136 : memref<!tpu.dma_semaphore, #tpu.memory_space<semaphore_mem>>) src(%arg10 : memref<32x128xf32, #tpu.memory_space<vmem>>) dst(%dma_wait3A_144 : memref<32x128xf32, #tpu.memory_space<vmem_shared>>)
      tpu.yield
    }) : () -> ()
    %mul3A_83 = arith.constant 640 : i32
    %mul3A_84 = arith.muli %arg1, %mul3A_83 : i32
    %add3A_85 = arith.constant 512 : i32
    %add3A_86 = arith.addi %mul3A_84, %add3A_85 : i32
    "tpu.region"() ({
      %run_scoped3A_136 = tpu.sem_alloc : memref<!tpu.dma_semaphore, #tpu.memory_space<semaphore_mem>>
      %dma_start3A_137 = arith.constant 0 : i32
      %dma_start3A_138 = tpu.memref_slice %arg11[%add3A_86, %dma_start3A_137] : memref<10240x128xf32, #tpu.memory_space<vmem_shared>> -> memref<32x128xf32, #tpu.memory_space<vmem_shared>>
      %dma_start3A_139 = arith.constant 0 : i32
      %dma_start3A_140 = tpu.memref_slice %arg11[%add3A_86, %dma_start3A_139] : memref<10240x128xf32, #tpu.memory_space<vmem_shared>> -> memref<32x128xf32, #tpu.memory_space<vmem_shared>>
      tpu.enqueue_dma source(%arg10 : memref<32x128xf32, #tpu.memory_space<vmem>>) target(%dma_start3A_140 : memref<32x128xf32, #tpu.memory_space<vmem_shared>>) target_semaphore(%run_scoped3A_136 : memref<!tpu.dma_semaphore, #tpu.memory_space<semaphore_mem>>)
      %dma_wait3A_141 = arith.constant 0 : i32
      %dma_wait3A_142 = tpu.memref_slice %arg11[%add3A_86, %dma_wait3A_141] : memref<10240x128xf32, #tpu.memory_space<vmem_shared>> -> memref<32x128xf32, #tpu.memory_space<vmem_shared>>
      %dma_wait3A_143 = arith.constant 0 : i32
      %dma_wait3A_144 = tpu.memref_slice %arg11[%add3A_86, %dma_wait3A_143] : memref<10240x128xf32, #tpu.memory_space<vmem_shared>> -> memref<32x128xf32, #tpu.memory_space<vmem_shared>>
      tpu.wait_dma2 semaphore(%run_scoped3A_136 : memref<!tpu.dma_semaphore, #tpu.memory_space<semaphore_mem>>) src(%arg10 : memref<32x128xf32, #tpu.memory_space<vmem>>) dst(%dma_wait3A_144 : memref<32x128xf32, #tpu.memory_space<vmem_shared>>)
      tpu.yield
    }) : () -> ()
    %mul3A_87 = arith.constant 640 : i32
    %mul3A_88 = arith.muli %arg1, %mul3A_87 : i32
    %add3A_89 = arith.constant 544 : i32
    %add3A_90 = arith.addi %mul3A_88, %add3A_89 : i32
    "tpu.region"() ({
      %run_scoped3A_136 = tpu.sem_alloc : memref<!tpu.dma_semaphore, #tpu.memory_space<semaphore_mem>>
      %dma_start3A_137 = arith.constant 0 : i32
      %dma_start3A_138 = tpu.memref_slice %arg11[%add3A_90, %dma_start3A_137] : memref<10240x128xf32, #tpu.memory_space<vmem_shared>> -> memref<32x128xf32, #tpu.memory_space<vmem_shared>>
      %dma_start3A_139 = arith.constant 0 : i32
      %dma_start3A_140 = tpu.memref_slice %arg11[%add3A_90, %dma_start3A_139] : memref<10240x128xf32, #tpu.memory_space<vmem_shared>> -> memref<32x128xf32, #tpu.memory_space<vmem_shared>>
      tpu.enqueue_dma source(%arg10 : memref<32x128xf32, #tpu.memory_space<vmem>>) target(%dma_start3A_140 : memref<32x128xf32, #tpu.memory_space<vmem_shared>>) target_semaphore(%run_scoped3A_136 : memref<!tpu.dma_semaphore, #tpu.memory_space<semaphore_mem>>)
      %dma_wait3A_141 = arith.constant 0 : i32
      %dma_wait3A_142 = tpu.memref_slice %arg11[%add3A_90, %dma_wait3A_141] : memref<10240x128xf32, #tpu.memory_space<vmem_shared>> -> memref<32x128xf32, #tpu.memory_space<vmem_shared>>
      %dma_wait3A_143 = arith.constant 0 : i32
      %dma_wait3A_144 = tpu.memref_slice %arg11[%add3A_90, %dma_wait3A_143] : memref<10240x128xf32, #tpu.memory_space<vmem_shared>> -> memref<32x128xf32, #tpu.memory_space<vmem_shared>>
      tpu.wait_dma2 semaphore(%run_scoped3A_136 : memref<!tpu.dma_semaphore, #tpu.memory_space<semaphore_mem>>) src(%arg10 : memref<32x128xf32, #tpu.memory_space<vmem>>) dst(%dma_wait3A_144 : memref<32x128xf32, #tpu.memory_space<vmem_shared>>)
      tpu.yield
    }) : () -> ()
    %mul3A_91 = arith.constant 640 : i32
    %mul3A_92 = arith.muli %arg1, %mul3A_91 : i32
    %add3A_93 = arith.constant 576 : i32
    %add3A_94 = arith.addi %mul3A_92, %add3A_93 : i32
    "tpu.region"() ({
      %run_scoped3A_136 = tpu.sem_alloc : memref<!tpu.dma_semaphore, #tpu.memory_space<semaphore_mem>>
      %dma_start3A_137 = arith.constant 0 : i32
      %dma_start3A_138 = tpu.memref_slice %arg11[%add3A_94, %dma_start3A_137] : memref<10240x128xf32, #tpu.memory_space<vmem_shared>> -> memref<32x128xf32, #tpu.memory_space<vmem_shared>>
      %dma_start3A_139 = arith.constant 0 : i32
      %dma_start3A_140 = tpu.memref_slice %arg11[%add3A_94, %dma_start3A_139] : memref<10240x128xf32, #tpu.memory_space<vmem_shared>> -> memref<32x128xf32, #tpu.memory_space<vmem_shared>>
      tpu.enqueue_dma source(%arg10 : memref<32x128xf32, #tpu.memory_space<vmem>>) target(%dma_start3A_140 : memref<32x128xf32, #tpu.memory_space<vmem_shared>>) target_semaphore(%run_scoped3A_136 : memref<!tpu.dma_semaphore, #tpu.memory_space<semaphore_mem>>)
      %dma_wait3A_141 = arith.constant 0 : i32
      %dma_wait3A_142 = tpu.memref_slice %arg11[%add3A_94, %dma_wait3A_141] : memref<10240x128xf32, #tpu.memory_space<vmem_shared>> -> memref<32x128xf32, #tpu.memory_space<vmem_shared>>
      %dma_wait3A_143 = arith.constant 0 : i32
      %dma_wait3A_144 = tpu.memref_slice %arg11[%add3A_94, %dma_wait3A_143] : memref<10240x128xf32, #tpu.memory_space<vmem_shared>> -> memref<32x128xf32, #tpu.memory_space<vmem_shared>>
      tpu.wait_dma2 semaphore(%run_scoped3A_136 : memref<!tpu.dma_semaphore, #tpu.memory_space<semaphore_mem>>) src(%arg10 : memref<32x128xf32, #tpu.memory_space<vmem>>) dst(%dma_wait3A_144 : memref<32x128xf32, #tpu.memory_space<vmem_shared>>)
      tpu.yield
    }) : () -> ()
    %mul3A_95 = arith.constant 640 : i32
    %mul3A_96 = arith.muli %arg1, %mul3A_95 : i32
    %add3A_97 = arith.constant 608 : i32
    %add3A_98 = arith.addi %mul3A_96, %add3A_97 : i32
    "tpu.region"() ({
      %run_scoped3A_136 = tpu.sem_alloc : memref<!tpu.dma_semaphore, #tpu.memory_space<semaphore_mem>>
      %dma_start3A_137 = arith.constant 0 : i32
      %dma_start3A_138 = tpu.memref_slice %arg11[%add3A_98, %dma_start3A_137] : memref<10240x128xf32, #tpu.memory_space<vmem_shared>> -> memref<32x128xf32, #tpu.memory_space<vmem_shared>>
      %dma_start3A_139 = arith.constant 0 : i32
      %dma_start3A_140 = tpu.memref_slice %arg11[%add3A_98, %dma_start3A_139] : memref<10240x128xf32, #tpu.memory_space<vmem_shared>> -> memref<32x128xf32, #tpu.memory_space<vmem_shared>>
      tpu.enqueue_dma source(%arg10 : memref<32x128xf32, #tpu.memory_space<vmem>>) target(%dma_start3A_140 : memref<32x128xf32, #tpu.memory_space<vmem_shared>>) target_semaphore(%run_scoped3A_136 : memref<!tpu.dma_semaphore, #tpu.memory_space<semaphore_mem>>)
      %dma_wait3A_141 = arith.constant 0 : i32
      %dma_wait3A_142 = tpu.memref_slice %arg11[%add3A_98, %dma_wait3A_141] : memref<10240x128xf32, #tpu.memory_space<vmem_shared>> -> memref<32x128xf32, #tpu.memory_space<vmem_shared>>
      %dma_wait3A_143 = arith.constant 0 : i32
      %dma_wait3A_144 = tpu.memref_slice %arg11[%add3A_98, %dma_wait3A_143] : memref<10240x128xf32, #tpu.memory_space<vmem_shared>> -> memref<32x128xf32, #tpu.memory_space<vmem_shared>>
      tpu.wait_dma2 semaphore(%run_scoped3A_136 : memref<!tpu.dma_semaphore, #tpu.memory_space<semaphore_mem>>) src(%arg10 : memref<32x128xf32, #tpu.memory_space<vmem>>) dst(%dma_wait3A_144 : memref<32x128xf32, #tpu.memory_space<vmem_shared>>)
      tpu.yield
    }) : () -> ()
    %barrier3A = arith.constant 0 : index
    tpu.barrier barrier_id(%barrier3A)
    %scan3A_99 = arith.constant 0 : i32
    %scan3A_100 = arith.constant 0 : i32
    %scan3A_101 = arith.constant 20 : i32
    %scan3A_102 = arith.addi %scan3A_100, %scan3A_101 : i32
    %scan3A_103 = arith.constant 1 : i32
    scf.for %scan3A_136 = %scan3A_100 to %scan3A_102 step %scan3A_103  : i32 {
      %mul3A_137 = arith.constant 2 : i32
      %mul3A_138 = arith.muli %mul3A_137, %scan3A_136 : i32
      %add3A_139 = arith.constant 1 : i32
      %add3A_140 = arith.addi %mul3A_138, %add3A_139 : i32
      %dma_wait3A_141 = arith.constant 0 : i32
      %dma_wait3A_142 = tpu.memref_slice %arg6[%mul3A_138, %dma_wait3A_141] : memref<40x128xi32, #tpu.memory_space<vmem>> -> memref<1x128xi32, #tpu.memory_space<vmem>>
      %dma_wait3A_143 = tpu.memref_squeeze %dma_wait3A_142 : memref<1x128xi32, #tpu.memory_space<vmem>> -> memref<128xi32, #tpu.memory_space<vmem>>
      %dma_wait3A_144 = arith.constant 0 : i32
      %dma_wait3A_145 = arith.constant 0 : i32
      %dma_wait3A_146 = tpu.memref_slice %arg2[%dma_wait3A_144, %dma_wait3A_145] : memref<10000x128xf32, #tpu.memory_space<hbm>> -> memref<10000x128xf32, #tpu.memory_space<hbm>>
      tpu.wait_indirect_dma semaphore(%arg12 : memref<!tpu.dma_semaphore, #tpu.memory_space<semaphore_mem>>) src(%dma_wait3A_146 : memref<10000x128xf32, #tpu.memory_space<hbm>>) dst(%arg8 : memref<128x128xf32, #tpu.memory_space<vmem>>)
      "tpu.region"() ({
        %run_scoped3A_164 = tpu.sem_alloc : memref<!tpu.dma_semaphore, #tpu.memory_space<semaphore_mem>>
        %dma_start3A_165 = arith.constant 0 : i32
        %dma_start3A_166 = tpu.memref_slice %arg7[%mul3A_138, %dma_start3A_165] : memref<40x128xi32, #tpu.memory_space<vmem>> -> memref<1x128xi32, #tpu.memory_space<vmem>>
        %dma_start3A_167 = tpu.memref_squeeze %dma_start3A_166 : memref<1x128xi32, #tpu.memory_space<vmem>> -> memref<128xi32, #tpu.memory_space<vmem>>
        %dma_start3A_168 = arith.constant 0 : i32
        %dma_start3A_169 = arith.constant 0 : i32
        %dma_start3A_170 = tpu.memref_slice %arg11[%dma_start3A_168, %dma_start3A_169] : memref<10240x128xf32, #tpu.memory_space<vmem_shared>> -> memref<10240x128xf32, #tpu.memory_space<vmem_shared>>
        tpu.enqueue_indirect_dma source(%arg8 : memref<128x128xf32, #tpu.memory_space<vmem>>) target(%dma_start3A_170 : memref<10240x128xf32, #tpu.memory_space<vmem_shared>>) offsets(%dma_start3A_167 : memref<128xi32, #tpu.memory_space<vmem>>) semaphore(%run_scoped3A_164 : memref<!tpu.dma_semaphore, #tpu.memory_space<semaphore_mem>>) {add = true}
        %dma_wait3A_171 = arith.constant 0 : i32
        %dma_wait3A_172 = tpu.memref_slice %arg7[%mul3A_138, %dma_wait3A_171] : memref<40x128xi32, #tpu.memory_space<vmem>> -> memref<1x128xi32, #tpu.memory_space<vmem>>
        %dma_wait3A_173 = tpu.memref_squeeze %dma_wait3A_172 : memref<1x128xi32, #tpu.memory_space<vmem>> -> memref<128xi32, #tpu.memory_space<vmem>>
        %dma_wait3A_174 = arith.constant 0 : i32
        %dma_wait3A_175 = arith.constant 0 : i32
        %dma_wait3A_176 = tpu.memref_slice %arg11[%dma_wait3A_174, %dma_wait3A_175] : memref<10240x128xf32, #tpu.memory_space<vmem_shared>> -> memref<10240x128xf32, #tpu.memory_space<vmem_shared>>
        tpu.wait_indirect_dma semaphore(%run_scoped3A_164 : memref<!tpu.dma_semaphore, #tpu.memory_space<semaphore_mem>>) src(%arg8 : memref<128x128xf32, #tpu.memory_space<vmem>>) dst(%dma_wait3A_176 : memref<10240x128xf32, #tpu.memory_space<vmem_shared>>)
        tpu.yield
      }) : () -> ()
      %add3A_147 = arith.constant 2 : i32
      %add3A_148 = arith.addi %mul3A_138, %add3A_147 : i32
      %lt3A = arith.constant 40 : i32
      %lt3A_149 = arith.cmpi slt, %add3A_148, %lt3A : i32
      %convert_element_type3A = arith.extui %lt3A_149 : i1 to i32
      %cond3A = arith.constant 0 : i32
      %cond3A_150 = arith.cmpi ne, %convert_element_type3A, %cond3A : i32
      scf.if %cond3A_150 {
        %add3A_164 = arith.constant 2 : i32
        %add3A_165 = arith.addi %mul3A_138, %add3A_164 : i32
        %dma_start3A_166 = arith.constant 0 : i32
        %dma_start3A_167 = tpu.memref_slice %arg6[%add3A_165, %dma_start3A_166] : memref<40x128xi32, #tpu.memory_space<vmem>> -> memref<1x128xi32, #tpu.memory_space<vmem>>
        %dma_start3A_168 = tpu.memref_squeeze %dma_start3A_167 : memref<1x128xi32, #tpu.memory_space<vmem>> -> memref<128xi32, #tpu.memory_space<vmem>>
        %dma_start3A_169 = arith.constant 0 : i32
        %dma_start3A_170 = arith.constant 0 : i32
        %dma_start3A_171 = tpu.memref_slice %arg2[%dma_start3A_169, %dma_start3A_170] : memref<10000x128xf32, #tpu.memory_space<hbm>> -> memref<10000x128xf32, #tpu.memory_space<hbm>>
        tpu.enqueue_indirect_dma source(%dma_start3A_171 : memref<10000x128xf32, #tpu.memory_space<hbm>>) target(%arg8 : memref<128x128xf32, #tpu.memory_space<vmem>>) offsets(%dma_start3A_168 : memref<128xi32, #tpu.memory_space<vmem>>) semaphore(%arg12 : memref<!tpu.dma_semaphore, #tpu.memory_space<semaphore_mem>>)
      } else {
      }
      %dma_wait3A_151 = arith.constant 0 : i32
      %dma_wait3A_152 = tpu.memref_slice %arg6[%add3A_140, %dma_wait3A_151] : memref<40x128xi32, #tpu.memory_space<vmem>> -> memref<1x128xi32, #tpu.memory_space<vmem>>
      %dma_wait3A_153 = tpu.memref_squeeze %dma_wait3A_152 : memref<1x128xi32, #tpu.memory_space<vmem>> -> memref<128xi32, #tpu.memory_space<vmem>>
      %dma_wait3A_154 = arith.constant 0 : i32
      %dma_wait3A_155 = arith.constant 0 : i32
      %dma_wait3A_156 = tpu.memref_slice %arg2[%dma_wait3A_154, %dma_wait3A_155] : memref<10000x128xf32, #tpu.memory_space<hbm>> -> memref<10000x128xf32, #tpu.memory_space<hbm>>
      tpu.wait_indirect_dma semaphore(%arg13 : memref<!tpu.dma_semaphore, #tpu.memory_space<semaphore_mem>>) src(%dma_wait3A_156 : memref<10000x128xf32, #tpu.memory_space<hbm>>) dst(%arg9 : memref<128x128xf32, #tpu.memory_space<vmem>>)
      "tpu.region"() ({
        %run_scoped3A_164 = tpu.sem_alloc : memref<!tpu.dma_semaphore, #tpu.memory_space<semaphore_mem>>
        %dma_start3A_165 = arith.constant 0 : i32
        %dma_start3A_166 = tpu.memref_slice %arg7[%add3A_140, %dma_start3A_165] : memref<40x128xi32, #tpu.memory_space<vmem>> -> memref<1x128xi32, #tpu.memory_space<vmem>>
        %dma_start3A_167 = tpu.memref_squeeze %dma_start3A_166 : memref<1x128xi32, #tpu.memory_space<vmem>> -> memref<128xi32, #tpu.memory_space<vmem>>
        %dma_start3A_168 = arith.constant 0 : i32
        %dma_start3A_169 = arith.constant 0 : i32
        %dma_start3A_170 = tpu.memref_slice %arg11[%dma_start3A_168, %dma_start3A_169] : memref<10240x128xf32, #tpu.memory_space<vmem_shared>> -> memref<10240x128xf32, #tpu.memory_space<vmem_shared>>
        tpu.enqueue_indirect_dma source(%arg9 : memref<128x128xf32, #tpu.memory_space<vmem>>) target(%dma_start3A_170 : memref<10240x128xf32, #tpu.memory_space<vmem_shared>>) offsets(%dma_start3A_167 : memref<128xi32, #tpu.memory_space<vmem>>) semaphore(%run_scoped3A_164 : memref<!tpu.dma_semaphore, #tpu.memory_space<semaphore_mem>>) {add = true}
        %dma_wait3A_171 = arith.constant 0 : i32
        %dma_wait3A_172 = tpu.memref_slice %arg7[%add3A_140, %dma_wait3A_171] : memref<40x128xi32, #tpu.memory_space<vmem>> -> memref<1x128xi32, #tpu.memory_space<vmem>>
        %dma_wait3A_173 = tpu.memref_squeeze %dma_wait3A_172 : memref<1x128xi32, #tpu.memory_space<vmem>> -> memref<128xi32, #tpu.memory_space<vmem>>
        %dma_wait3A_174 = arith.constant 0 : i32
        %dma_wait3A_175 = arith.constant 0 : i32
        %dma_wait3A_176 = tpu.memref_slice %arg11[%dma_wait3A_174, %dma_wait3A_175] : memref<10240x128xf32, #tpu.memory_space<vmem_shared>> -> memref<10240x128xf32, #tpu.memory_space<vmem_shared>>
        tpu.wait_indirect_dma semaphore(%run_scoped3A_164 : memref<!tpu.dma_semaphore, #tpu.memory_space<semaphore_mem>>) src(%arg9 : memref<128x128xf32, #tpu.memory_space<vmem>>) dst(%dma_wait3A_176 : memref<10240x128xf32, #tpu.memory_space<vmem_shared>>)
        tpu.yield
      }) : () -> ()
      %add3A_157 = arith.constant 2 : i32
      %add3A_158 = arith.addi %add3A_140, %add3A_157 : i32
      %lt3A_159 = arith.constant 40 : i32
      %lt3A_160 = arith.cmpi slt, %add3A_158, %lt3A_159 : i32
      %convert_element_type3A_161 = arith.extui %lt3A_160 : i1 to i32
      %cond3A_162 = arith.constant 0 : i32
      %cond3A_163 = arith.cmpi ne, %convert_element_type3A_161, %cond3A_162 : i32
      scf.if %cond3A_163 {
        %add3A_164 = arith.constant 2 : i32
        %add3A_165 = arith.addi %add3A_140, %add3A_164 : i32
        %dma_start3A_166 = arith.constant 0 : i32
        %dma_start3A_167 = tpu.memref_slice %arg6[%add3A_165, %dma_start3A_166] : memref<40x128xi32, #tpu.memory_space<vmem>> -> memref<1x128xi32, #tpu.memory_space<vmem>>
        %dma_start3A_168 = tpu.memref_squeeze %dma_start3A_167 : memref<1x128xi32, #tpu.memory_space<vmem>> -> memref<128xi32, #tpu.memory_space<vmem>>
        %dma_start3A_169 = arith.constant 0 : i32
        %dma_start3A_170 = arith.constant 0 : i32
        %dma_start3A_171 = tpu.memref_slice %arg2[%dma_start3A_169, %dma_start3A_170] : memref<10000x128xf32, #tpu.memory_space<hbm>> -> memref<10000x128xf32, #tpu.memory_space<hbm>>
        tpu.enqueue_indirect_dma source(%dma_start3A_171 : memref<10000x128xf32, #tpu.memory_space<hbm>>) target(%arg9 : memref<128x128xf32, #tpu.memory_space<vmem>>) offsets(%dma_start3A_168 : memref<128xi32, #tpu.memory_space<vmem>>) semaphore(%arg13 : memref<!tpu.dma_semaphore, #tpu.memory_space<semaphore_mem>>)
      } else {
      }
    }
    %scan3A_104 = arith.constant 20 : i32
    "tpu.region"() ({
      %run_scoped3A_136 = tpu.sem_alloc : memref<!tpu.dma_semaphore, #tpu.memory_space<semaphore_mem>>
      %dma_start3A_137 = arith.constant 0 : i32
      %dma_start3A_138 = arith.constant 0 : i32
      %dma_start3A_139 = tpu.memref_slice %arg6[%dma_start3A_137, %dma_start3A_138] : memref<40x128xi32, #tpu.memory_space<vmem>> -> memref<39x128xi32, #tpu.memory_space<vmem>>
      %dma_start3A_140 = arith.constant 40 : i32
      %dma_start3A_141 = arith.constant 0 : i32
      %dma_start3A_142 = tpu.memref_slice %arg3[%add3A, %dma_start3A_140, %dma_start3A_141] : memref<32x79x128xi32, #tpu.memory_space<hbm>> -> memref<1x39x128xi32, #tpu.memory_space<hbm>>
      %dma_start3A_143 = tpu.memref_squeeze %dma_start3A_142 : memref<1x39x128xi32, #tpu.memory_space<hbm>> -> memref<39x128xi32, #tpu.memory_space<hbm>>
      %dma_start3A_144 = arith.constant 0 : i32
      %dma_start3A_145 = arith.constant 0 : i32
      %dma_start3A_146 = tpu.memref_slice %arg6[%dma_start3A_144, %dma_start3A_145] : memref<40x128xi32, #tpu.memory_space<vmem>> -> memref<39x128xi32, #tpu.memory_space<vmem>>
      %dma_start3A_147 = arith.constant 40 : i32
      %dma_start3A_148 = arith.constant 0 : i32
      %dma_start3A_149 = tpu.memref_slice %arg3[%add3A, %dma_start3A_147, %dma_start3A_148] : memref<32x79x128xi32, #tpu.memory_space<hbm>> -> memref<1x39x128xi32, #tpu.memory_space<hbm>>
      %dma_start3A_150 = tpu.memref_squeeze %dma_start3A_149 : memref<1x39x128xi32, #tpu.memory_space<hbm>> -> memref<39x128xi32, #tpu.memory_space<hbm>>
      tpu.enqueue_dma source(%dma_start3A_150 : memref<39x128xi32, #tpu.memory_space<hbm>>) target(%dma_start3A_146 : memref<39x128xi32, #tpu.memory_space<vmem>>) target_semaphore(%run_scoped3A_136 : memref<!tpu.dma_semaphore, #tpu.memory_space<semaphore_mem>>)
      %dma_wait3A_151 = arith.constant 0 : i32
      %dma_wait3A_152 = arith.constant 0 : i32
      %dma_wait3A_153 = tpu.memref_slice %arg6[%dma_wait3A_151, %dma_wait3A_152] : memref<40x128xi32, #tpu.memory_space<vmem>> -> memref<39x128xi32, #tpu.memory_space<vmem>>
      %dma_wait3A_154 = arith.constant 40 : i32
      %dma_wait3A_155 = arith.constant 0 : i32
      %dma_wait3A_156 = tpu.memref_slice %arg3[%add3A, %dma_wait3A_154, %dma_wait3A_155] : memref<32x79x128xi32, #tpu.memory_space<hbm>> -> memref<1x39x128xi32, #tpu.memory_space<hbm>>
      %dma_wait3A_157 = tpu.memref_squeeze %dma_wait3A_156 : memref<1x39x128xi32, #tpu.memory_space<hbm>> -> memref<39x128xi32, #tpu.memory_space<hbm>>
      %dma_wait3A_158 = arith.constant 0 : i32
      %dma_wait3A_159 = arith.constant 0 : i32
      %dma_wait3A_160 = tpu.memref_slice %arg6[%dma_wait3A_158, %dma_wait3A_159] : memref<40x128xi32, #tpu.memory_space<vmem>> -> memref<39x128xi32, #tpu.memory_space<vmem>>
      %dma_wait3A_161 = arith.constant 40 : i32
      %dma_wait3A_162 = arith.constant 0 : i32
      %dma_wait3A_163 = tpu.memref_slice %arg3[%add3A, %dma_wait3A_161, %dma_wait3A_162] : memref<32x79x128xi32, #tpu.memory_space<hbm>> -> memref<1x39x128xi32, #tpu.memory_space<hbm>>
      %dma_wait3A_164 = tpu.memref_squeeze %dma_wait3A_163 : memref<1x39x128xi32, #tpu.memory_space<hbm>> -> memref<39x128xi32, #tpu.memory_space<hbm>>
      tpu.wait_dma2 semaphore(%run_scoped3A_136 : memref<!tpu.dma_semaphore, #tpu.memory_space<semaphore_mem>>) src(%dma_wait3A_164 : memref<39x128xi32, #tpu.memory_space<hbm>>) dst(%dma_wait3A_160 : memref<39x128xi32, #tpu.memory_space<vmem>>)
      tpu.yield
    }) : () -> ()
    "tpu.region"() ({
      %run_scoped3A_136 = tpu.sem_alloc : memref<!tpu.dma_semaphore, #tpu.memory_space<semaphore_mem>>
      %dma_start3A_137 = arith.constant 0 : i32
      %dma_start3A_138 = arith.constant 0 : i32
      %dma_start3A_139 = tpu.memref_slice %arg7[%dma_start3A_137, %dma_start3A_138] : memref<40x128xi32, #tpu.memory_space<vmem>> -> memref<39x128xi32, #tpu.memory_space<vmem>>
      %dma_start3A_140 = arith.constant 40 : i32
      %dma_start3A_141 = arith.constant 0 : i32
      %dma_start3A_142 = tpu.memref_slice %arg4[%add3A, %dma_start3A_140, %dma_start3A_141] : memref<32x79x128xi32, #tpu.memory_space<hbm>> -> memref<1x39x128xi32, #tpu.memory_space<hbm>>
      %dma_start3A_143 = tpu.memref_squeeze %dma_start3A_142 : memref<1x39x128xi32, #tpu.memory_space<hbm>> -> memref<39x128xi32, #tpu.memory_space<hbm>>
      %dma_start3A_144 = arith.constant 0 : i32
      %dma_start3A_145 = arith.constant 0 : i32
      %dma_start3A_146 = tpu.memref_slice %arg7[%dma_start3A_144, %dma_start3A_145] : memref<40x128xi32, #tpu.memory_space<vmem>> -> memref<39x128xi32, #tpu.memory_space<vmem>>
      %dma_start3A_147 = arith.constant 40 : i32
      %dma_start3A_148 = arith.constant 0 : i32
      %dma_start3A_149 = tpu.memref_slice %arg4[%add3A, %dma_start3A_147, %dma_start3A_148] : memref<32x79x128xi32, #tpu.memory_space<hbm>> -> memref<1x39x128xi32, #tpu.memory_space<hbm>>
      %dma_start3A_150 = tpu.memref_squeeze %dma_start3A_149 : memref<1x39x128xi32, #tpu.memory_space<hbm>> -> memref<39x128xi32, #tpu.memory_space<hbm>>
      tpu.enqueue_dma source(%dma_start3A_150 : memref<39x128xi32, #tpu.memory_space<hbm>>) target(%dma_start3A_146 : memref<39x128xi32, #tpu.memory_space<vmem>>) target_semaphore(%run_scoped3A_136 : memref<!tpu.dma_semaphore, #tpu.memory_space<semaphore_mem>>)
      %dma_wait3A_151 = arith.constant 0 : i32
      %dma_wait3A_152 = arith.constant 0 : i32
      %dma_wait3A_153 = tpu.memref_slice %arg7[%dma_wait3A_151, %dma_wait3A_152] : memref<40x128xi32, #tpu.memory_space<vmem>> -> memref<39x128xi32, #tpu.memory_space<vmem>>
      %dma_wait3A_154 = arith.constant 40 : i32
      %dma_wait3A_155 = arith.constant 0 : i32
      %dma_wait3A_156 = tpu.memref_slice %arg4[%add3A, %dma_wait3A_154, %dma_wait3A_155] : memref<32x79x128xi32, #tpu.memory_space<hbm>> -> memref<1x39x128xi32, #tpu.memory_space<hbm>>
      %dma_wait3A_157 = tpu.memref_squeeze %dma_wait3A_156 : memref<1x39x128xi32, #tpu.memory_space<hbm>> -> memref<39x128xi32, #tpu.memory_space<hbm>>
      %dma_wait3A_158 = arith.constant 0 : i32
      %dma_wait3A_159 = arith.constant 0 : i32
      %dma_wait3A_160 = tpu.memref_slice %arg7[%dma_wait3A_158, %dma_wait3A_159] : memref<40x128xi32, #tpu.memory_space<vmem>> -> memref<39x128xi32, #tpu.memory_space<vmem>>
      %dma_wait3A_161 = arith.constant 40 : i32
      %dma_wait3A_162 = arith.constant 0 : i32
      %dma_wait3A_163 = tpu.memref_slice %arg4[%add3A, %dma_wait3A_161, %dma_wait3A_162] : memref<32x79x128xi32, #tpu.memory_space<hbm>> -> memref<1x39x128xi32, #tpu.memory_space<hbm>>
      %dma_wait3A_164 = tpu.memref_squeeze %dma_wait3A_163 : memref<1x39x128xi32, #tpu.memory_space<hbm>> -> memref<39x128xi32, #tpu.memory_space<hbm>>
      tpu.wait_dma2 semaphore(%run_scoped3A_136 : memref<!tpu.dma_semaphore, #tpu.memory_space<semaphore_mem>>) src(%dma_wait3A_164 : memref<39x128xi32, #tpu.memory_space<hbm>>) dst(%dma_wait3A_160 : memref<39x128xi32, #tpu.memory_space<vmem>>)
      tpu.yield
    }) : () -> ()
    %dma_start3A_105 = arith.constant 0 : i32
    %dma_start3A_106 = arith.constant 0 : i32
    %dma_start3A_107 = tpu.memref_slice %arg6[%dma_start3A_105, %dma_start3A_106] : memref<40x128xi32, #tpu.memory_space<vmem>> -> memref<1x128xi32, #tpu.memory_space<vmem>>
    %dma_start3A_108 = tpu.memref_squeeze %dma_start3A_107 : memref<1x128xi32, #tpu.memory_space<vmem>> -> memref<128xi32, #tpu.memory_space<vmem>>
    %dma_start3A_109 = arith.constant 0 : i32
    %dma_start3A_110 = arith.constant 0 : i32
    %dma_start3A_111 = tpu.memref_slice %arg2[%dma_start3A_109, %dma_start3A_110] : memref<10000x128xf32, #tpu.memory_space<hbm>> -> memref<10000x128xf32, #tpu.memory_space<hbm>>
    tpu.enqueue_indirect_dma source(%dma_start3A_111 : memref<10000x128xf32, #tpu.memory_space<hbm>>) target(%arg8 : memref<128x128xf32, #tpu.memory_space<vmem>>) offsets(%dma_start3A_108 : memref<128xi32, #tpu.memory_space<vmem>>) semaphore(%arg12 : memref<!tpu.dma_semaphore, #tpu.memory_space<semaphore_mem>>)
    %dma_start3A_112 = arith.constant 1 : i32
    %dma_start3A_113 = arith.constant 0 : i32
    %dma_start3A_114 = tpu.memref_slice %arg6[%dma_start3A_112, %dma_start3A_113] : memref<40x128xi32, #tpu.memory_space<vmem>> -> memref<1x128xi32, #tpu.memory_space<vmem>>
    %dma_start3A_115 = tpu.memref_squeeze %dma_start3A_114 : memref<1x128xi32, #tpu.memory_space<vmem>> -> memref<128xi32, #tpu.memory_space<vmem>>
    %dma_start3A_116 = arith.constant 0 : i32
    %dma_start3A_117 = arith.constant 0 : i32
    %dma_start3A_118 = tpu.memref_slice %arg2[%dma_start3A_116, %dma_start3A_117] : memref<10000x128xf32, #tpu.memory_space<hbm>> -> memref<10000x128xf32, #tpu.memory_space<hbm>>
    tpu.enqueue_indirect_dma source(%dma_start3A_118 : memref<10000x128xf32, #tpu.memory_space<hbm>>) target(%arg9 : memref<128x128xf32, #tpu.memory_space<vmem>>) offsets(%dma_start3A_115 : memref<128xi32, #tpu.memory_space<vmem>>) semaphore(%arg13 : memref<!tpu.dma_semaphore, #tpu.memory_space<semaphore_mem>>)
    %scan3A_119 = arith.constant 0 : i32
    %scan3A_120 = arith.constant 0 : i32
    %scan3A_121 = arith.constant 19 : i32
    %scan3A_122 = arith.addi %scan3A_120, %scan3A_121 : i32
    %scan3A_123 = arith.constant 1 : i32
    scf.for %scan3A_136 = %scan3A_120 to %scan3A_122 step %scan3A_123  : i32 {
      %mul3A_137 = arith.constant 2 : i32
      %mul3A_138 = arith.muli %mul3A_137, %scan3A_136 : i32
      %add3A_139 = arith.constant 1 : i32
      %add3A_140 = arith.addi %mul3A_138, %add3A_139 : i32
      %dma_wait3A_141 = arith.constant 0 : i32
      %dma_wait3A_142 = tpu.memref_slice %arg6[%mul3A_138, %dma_wait3A_141] : memref<40x128xi32, #tpu.memory_space<vmem>> -> memref<1x128xi32, #tpu.memory_space<vmem>>
      %dma_wait3A_143 = tpu.memref_squeeze %dma_wait3A_142 : memref<1x128xi32, #tpu.memory_space<vmem>> -> memref<128xi32, #tpu.memory_space<vmem>>
      %dma_wait3A_144 = arith.constant 0 : i32
      %dma_wait3A_145 = arith.constant 0 : i32
      %dma_wait3A_146 = tpu.memref_slice %arg2[%dma_wait3A_144, %dma_wait3A_145] : memref<10000x128xf32, #tpu.memory_space<hbm>> -> memref<10000x128xf32, #tpu.memory_space<hbm>>
      tpu.wait_indirect_dma semaphore(%arg12 : memref<!tpu.dma_semaphore, #tpu.memory_space<semaphore_mem>>) src(%dma_wait3A_146 : memref<10000x128xf32, #tpu.memory_space<hbm>>) dst(%arg8 : memref<128x128xf32, #tpu.memory_space<vmem>>)
      "tpu.region"() ({
        %run_scoped3A_164 = tpu.sem_alloc : memref<!tpu.dma_semaphore, #tpu.memory_space<semaphore_mem>>
        %dma_start3A_165 = arith.constant 0 : i32
        %dma_start3A_166 = tpu.memref_slice %arg7[%mul3A_138, %dma_start3A_165] : memref<40x128xi32, #tpu.memory_space<vmem>> -> memref<1x128xi32, #tpu.memory_space<vmem>>
        %dma_start3A_167 = tpu.memref_squeeze %dma_start3A_166 : memref<1x128xi32, #tpu.memory_space<vmem>> -> memref<128xi32, #tpu.memory_space<vmem>>
        %dma_start3A_168 = arith.constant 0 : i32
        %dma_start3A_169 = arith.constant 0 : i32
        %dma_start3A_170 = tpu.memref_slice %arg11[%dma_start3A_168, %dma_start3A_169] : memref<10240x128xf32, #tpu.memory_space<vmem_shared>> -> memref<10240x128xf32, #tpu.memory_space<vmem_shared>>
        tpu.enqueue_indirect_dma source(%arg8 : memref<128x128xf32, #tpu.memory_space<vmem>>) target(%dma_start3A_170 : memref<10240x128xf32, #tpu.memory_space<vmem_shared>>) offsets(%dma_start3A_167 : memref<128xi32, #tpu.memory_space<vmem>>) semaphore(%run_scoped3A_164 : memref<!tpu.dma_semaphore, #tpu.memory_space<semaphore_mem>>) {add = true}
        %dma_wait3A_171 = arith.constant 0 : i32
        %dma_wait3A_172 = tpu.memref_slice %arg7[%mul3A_138, %dma_wait3A_171] : memref<40x128xi32, #tpu.memory_space<vmem>> -> memref<1x128xi32, #tpu.memory_space<vmem>>
        %dma_wait3A_173 = tpu.memref_squeeze %dma_wait3A_172 : memref<1x128xi32, #tpu.memory_space<vmem>> -> memref<128xi32, #tpu.memory_space<vmem>>
        %dma_wait3A_174 = arith.constant 0 : i32
        %dma_wait3A_175 = arith.constant 0 : i32
        %dma_wait3A_176 = tpu.memref_slice %arg11[%dma_wait3A_174, %dma_wait3A_175] : memref<10240x128xf32, #tpu.memory_space<vmem_shared>> -> memref<10240x128xf32, #tpu.memory_space<vmem_shared>>
        tpu.wait_indirect_dma semaphore(%run_scoped3A_164 : memref<!tpu.dma_semaphore, #tpu.memory_space<semaphore_mem>>) src(%arg8 : memref<128x128xf32, #tpu.memory_space<vmem>>) dst(%dma_wait3A_176 : memref<10240x128xf32, #tpu.memory_space<vmem_shared>>)
        tpu.yield
      }) : () -> ()
      %add3A_147 = arith.constant 2 : i32
      %add3A_148 = arith.addi %mul3A_138, %add3A_147 : i32
      %lt3A = arith.constant 39 : i32
      %lt3A_149 = arith.cmpi slt, %add3A_148, %lt3A : i32
      %convert_element_type3A = arith.extui %lt3A_149 : i1 to i32
      %cond3A = arith.constant 0 : i32
      %cond3A_150 = arith.cmpi ne, %convert_element_type3A, %cond3A : i32
      scf.if %cond3A_150 {
        %add3A_164 = arith.constant 2 : i32
        %add3A_165 = arith.addi %mul3A_138, %add3A_164 : i32
        %dma_start3A_166 = arith.constant 0 : i32
        %dma_start3A_167 = tpu.memref_slice %arg6[%add3A_165, %dma_start3A_166] : memref<40x128xi32, #tpu.memory_space<vmem>> -> memref<1x128xi32, #tpu.memory_space<vmem>>
        %dma_start3A_168 = tpu.memref_squeeze %dma_start3A_167 : memref<1x128xi32, #tpu.memory_space<vmem>> -> memref<128xi32, #tpu.memory_space<vmem>>
        %dma_start3A_169 = arith.constant 0 : i32
        %dma_start3A_170 = arith.constant 0 : i32
        %dma_start3A_171 = tpu.memref_slice %arg2[%dma_start3A_169, %dma_start3A_170] : memref<10000x128xf32, #tpu.memory_space<hbm>> -> memref<10000x128xf32, #tpu.memory_space<hbm>>
        tpu.enqueue_indirect_dma source(%dma_start3A_171 : memref<10000x128xf32, #tpu.memory_space<hbm>>) target(%arg8 : memref<128x128xf32, #tpu.memory_space<vmem>>) offsets(%dma_start3A_168 : memref<128xi32, #tpu.memory_space<vmem>>) semaphore(%arg12 : memref<!tpu.dma_semaphore, #tpu.memory_space<semaphore_mem>>)
      } else {
      }
      %dma_wait3A_151 = arith.constant 0 : i32
      %dma_wait3A_152 = tpu.memref_slice %arg6[%add3A_140, %dma_wait3A_151] : memref<40x128xi32, #tpu.memory_space<vmem>> -> memref<1x128xi32, #tpu.memory_space<vmem>>
      %dma_wait3A_153 = tpu.memref_squeeze %dma_wait3A_152 : memref<1x128xi32, #tpu.memory_space<vmem>> -> memref<128xi32, #tpu.memory_space<vmem>>
      %dma_wait3A_154 = arith.constant 0 : i32
      %dma_wait3A_155 = arith.constant 0 : i32
      %dma_wait3A_156 = tpu.memref_slice %arg2[%dma_wait3A_154, %dma_wait3A_155] : memref<10000x128xf32, #tpu.memory_space<hbm>> -> memref<10000x128xf32, #tpu.memory_space<hbm>>
      tpu.wait_indirect_dma semaphore(%arg13 : memref<!tpu.dma_semaphore, #tpu.memory_space<semaphore_mem>>) src(%dma_wait3A_156 : memref<10000x128xf32, #tpu.memory_space<hbm>>) dst(%arg9 : memref<128x128xf32, #tpu.memory_space<vmem>>)
      "tpu.region"() ({
        %run_scoped3A_164 = tpu.sem_alloc : memref<!tpu.dma_semaphore, #tpu.memory_space<semaphore_mem>>
        %dma_start3A_165 = arith.constant 0 : i32
        %dma_start3A_166 = tpu.memref_slice %arg7[%add3A_140, %dma_start3A_165] : memref<40x128xi32, #tpu.memory_space<vmem>> -> memref<1x128xi32, #tpu.memory_space<vmem>>
        %dma_start3A_167 = tpu.memref_squeeze %dma_start3A_166 : memref<1x128xi32, #tpu.memory_space<vmem>> -> memref<128xi32, #tpu.memory_space<vmem>>
        %dma_start3A_168 = arith.constant 0 : i32
        %dma_start3A_169 = arith.constant 0 : i32
        %dma_start3A_170 = tpu.memref_slice %arg11[%dma_start3A_168, %dma_start3A_169] : memref<10240x128xf32, #tpu.memory_space<vmem_shared>> -> memref<10240x128xf32, #tpu.memory_space<vmem_shared>>
        tpu.enqueue_indirect_dma source(%arg9 : memref<128x128xf32, #tpu.memory_space<vmem>>) target(%dma_start3A_170 : memref<10240x128xf32, #tpu.memory_space<vmem_shared>>) offsets(%dma_start3A_167 : memref<128xi32, #tpu.memory_space<vmem>>) semaphore(%run_scoped3A_164 : memref<!tpu.dma_semaphore, #tpu.memory_space<semaphore_mem>>) {add = true}
        %dma_wait3A_171 = arith.constant 0 : i32
        %dma_wait3A_172 = tpu.memref_slice %arg7[%add3A_140, %dma_wait3A_171] : memref<40x128xi32, #tpu.memory_space<vmem>> -> memref<1x128xi32, #tpu.memory_space<vmem>>
        %dma_wait3A_173 = tpu.memref_squeeze %dma_wait3A_172 : memref<1x128xi32, #tpu.memory_space<vmem>> -> memref<128xi32, #tpu.memory_space<vmem>>
        %dma_wait3A_174 = arith.constant 0 : i32
        %dma_wait3A_175 = arith.constant 0 : i32
        %dma_wait3A_176 = tpu.memref_slice %arg11[%dma_wait3A_174, %dma_wait3A_175] : memref<10240x128xf32, #tpu.memory_space<vmem_shared>> -> memref<10240x128xf32, #tpu.memory_space<vmem_shared>>
        tpu.wait_indirect_dma semaphore(%run_scoped3A_164 : memref<!tpu.dma_semaphore, #tpu.memory_space<semaphore_mem>>) src(%arg9 : memref<128x128xf32, #tpu.memory_space<vmem>>) dst(%dma_wait3A_176 : memref<10240x128xf32, #tpu.memory_space<vmem_shared>>)
        tpu.yield
      }) : () -> ()
      %add3A_157 = arith.constant 2 : i32
      %add3A_158 = arith.addi %add3A_140, %add3A_157 : i32
      %lt3A_159 = arith.constant 39 : i32
      %lt3A_160 = arith.cmpi slt, %add3A_158, %lt3A_159 : i32
      %convert_element_type3A_161 = arith.extui %lt3A_160 : i1 to i32
      %cond3A_162 = arith.constant 0 : i32
      %cond3A_163 = arith.cmpi ne, %convert_element_type3A_161, %cond3A_162 : i32
      scf.if %cond3A_163 {
        %add3A_164 = arith.constant 2 : i32
        %add3A_165 = arith.addi %add3A_140, %add3A_164 : i32
        %dma_start3A_166 = arith.constant 0 : i32
        %dma_start3A_167 = tpu.memref_slice %arg6[%add3A_165, %dma_start3A_166] : memref<40x128xi32, #tpu.memory_space<vmem>> -> memref<1x128xi32, #tpu.memory_space<vmem>>
        %dma_start3A_168 = tpu.memref_squeeze %dma_start3A_167 : memref<1x128xi32, #tpu.memory_space<vmem>> -> memref<128xi32, #tpu.memory_space<vmem>>
        %dma_start3A_169 = arith.constant 0 : i32
        %dma_start3A_170 = arith.constant 0 : i32
        %dma_start3A_171 = tpu.memref_slice %arg2[%dma_start3A_169, %dma_start3A_170] : memref<10000x128xf32, #tpu.memory_space<hbm>> -> memref<10000x128xf32, #tpu.memory_space<hbm>>
        tpu.enqueue_indirect_dma source(%dma_start3A_171 : memref<10000x128xf32, #tpu.memory_space<hbm>>) target(%arg9 : memref<128x128xf32, #tpu.memory_space<vmem>>) offsets(%dma_start3A_168 : memref<128xi32, #tpu.memory_space<vmem>>) semaphore(%arg13 : memref<!tpu.dma_semaphore, #tpu.memory_space<semaphore_mem>>)
      } else {
      }
    }
    %scan3A_124 = arith.constant 19 : i32
    %dma_wait3A = arith.constant 38 : i32
    %dma_wait3A_125 = arith.constant 0 : i32
    %dma_wait3A_126 = tpu.memref_slice %arg6[%dma_wait3A, %dma_wait3A_125] : memref<40x128xi32, #tpu.memory_space<vmem>> -> memref<1x128xi32, #tpu.memory_space<vmem>>
    %dma_wait3A_127 = tpu.memref_squeeze %dma_wait3A_126 : memref<1x128xi32, #tpu.memory_space<vmem>> -> memref<128xi32, #tpu.memory_space<vmem>>
    %dma_wait3A_128 = arith.constant 0 : i32
    %dma_wait3A_129 = arith.constant 0 : i32
    %dma_wait3A_130 = tpu.memref_slice %arg2[%dma_wait3A_128, %dma_wait3A_129] : memref<10000x128xf32, #tpu.memory_space<hbm>> -> memref<10000x128xf32, #tpu.memory_space<hbm>>
    tpu.wait_indirect_dma semaphore(%arg12 : memref<!tpu.dma_semaphore, #tpu.memory_space<semaphore_mem>>) src(%dma_wait3A_130 : memref<10000x128xf32, #tpu.memory_space<hbm>>) dst(%arg8 : memref<128x128xf32, #tpu.memory_space<vmem>>)
    %run_scoped3A = arith.constant 38 : i32
    "tpu.region"() ({
      %run_scoped3A_136 = tpu.sem_alloc : memref<!tpu.dma_semaphore, #tpu.memory_space<semaphore_mem>>
      %dma_start3A_137 = arith.constant 0 : i32
      %dma_start3A_138 = tpu.memref_slice %arg7[%run_scoped3A, %dma_start3A_137] : memref<40x128xi32, #tpu.memory_space<vmem>> -> memref<1x128xi32, #tpu.memory_space<vmem>>
      %dma_start3A_139 = tpu.memref_squeeze %dma_start3A_138 : memref<1x128xi32, #tpu.memory_space<vmem>> -> memref<128xi32, #tpu.memory_space<vmem>>
      %dma_start3A_140 = arith.constant 0 : i32
      %dma_start3A_141 = arith.constant 0 : i32
      %dma_start3A_142 = tpu.memref_slice %arg11[%dma_start3A_140, %dma_start3A_141] : memref<10240x128xf32, #tpu.memory_space<vmem_shared>> -> memref<10240x128xf32, #tpu.memory_space<vmem_shared>>
      tpu.enqueue_indirect_dma source(%arg8 : memref<128x128xf32, #tpu.memory_space<vmem>>) target(%dma_start3A_142 : memref<10240x128xf32, #tpu.memory_space<vmem_shared>>) offsets(%dma_start3A_139 : memref<128xi32, #tpu.memory_space<vmem>>) semaphore(%run_scoped3A_136 : memref<!tpu.dma_semaphore, #tpu.memory_space<semaphore_mem>>) {add = true}
      %dma_wait3A_143 = arith.constant 0 : i32
      %dma_wait3A_144 = tpu.memref_slice %arg7[%run_scoped3A, %dma_wait3A_143] : memref<40x128xi32, #tpu.memory_space<vmem>> -> memref<1x128xi32, #tpu.memory_space<vmem>>
      %dma_wait3A_145 = tpu.memref_squeeze %dma_wait3A_144 : memref<1x128xi32, #tpu.memory_space<vmem>> -> memref<128xi32, #tpu.memory_space<vmem>>
      %dma_wait3A_146 = arith.constant 0 : i32
      %dma_wait3A_147 = arith.constant 0 : i32
      %dma_wait3A_148 = tpu.memref_slice %arg11[%dma_wait3A_146, %dma_wait3A_147] : memref<10240x128xf32, #tpu.memory_space<vmem_shared>> -> memref<10240x128xf32, #tpu.memory_space<vmem_shared>>
      tpu.wait_indirect_dma semaphore(%run_scoped3A_136 : memref<!tpu.dma_semaphore, #tpu.memory_space<semaphore_mem>>) src(%arg8 : memref<128x128xf32, #tpu.memory_space<vmem>>) dst(%dma_wait3A_148 : memref<10240x128xf32, #tpu.memory_space<vmem_shared>>)
      tpu.yield
    }) : () -> ()
    %barrier3A_131 = arith.constant 0 : index
    tpu.barrier barrier_id(%barrier3A_131)
    %mul3A_132 = arith.constant 640 : i32
    %mul3A_133 = arith.muli %arg1, %mul3A_132 : i32
    %mul3A_134 = arith.constant 640 : i32
    %mul3A_135 = arith.muli %arg1, %mul3A_134 : i32
    "tpu.region"() ({
      %run_scoped3A_136 = tpu.sem_alloc : memref<!tpu.dma_semaphore, #tpu.memory_space<semaphore_mem>>
      %dma_start3A_137 = arith.constant 0 : i32
      %dma_start3A_138 = tpu.memref_slice %arg5[%arg0, %mul3A_135, %dma_start3A_137] : memref<2x10240x128xf32, #tpu.memory_space<hbm>> -> memref<1x640x128xf32, #tpu.memory_space<hbm>>
      %dma_start3A_139 = tpu.memref_squeeze %dma_start3A_138 : memref<1x640x128xf32, #tpu.memory_space<hbm>> -> memref<640x128xf32, #tpu.memory_space<hbm>>
      %dma_start3A_140 = arith.constant 0 : i32
      %dma_start3A_141 = tpu.memref_slice %arg11[%mul3A_133, %dma_start3A_140] : memref<10240x128xf32, #tpu.memory_space<vmem_shared>> -> memref<640x128xf32, #tpu.memory_space<vmem_shared>>
      tpu.enqueue_dma source(%dma_start3A_141 : memref<640x128xf32, #tpu.memory_space<vmem_shared>>) target(%dma_start3A_139 : memref<640x128xf32, #tpu.memory_space<hbm>>) target_semaphore(%run_scoped3A_136 : memref<!tpu.dma_semaphore, #tpu.memory_space<semaphore_mem>>)
      %dma_wait3A_142 = arith.constant 0 : i32
      %dma_wait3A_143 = tpu.memref_slice %arg5[%arg0, %mul3A_135, %dma_wait3A_142] : memref<2x10240x128xf32, #tpu.memory_space<hbm>> -> memref<1x640x128xf32, #tpu.memory_space<hbm>>
      %dma_wait3A_144 = tpu.memref_squeeze %dma_wait3A_143 : memref<1x640x128xf32, #tpu.memory_space<hbm>> -> memref<640x128xf32, #tpu.memory_space<hbm>>
      %dma_wait3A_145 = arith.constant 0 : i32
      %dma_wait3A_146 = tpu.memref_slice %arg11[%mul3A_133, %dma_wait3A_145] : memref<10240x128xf32, #tpu.memory_space<vmem_shared>> -> memref<640x128xf32, #tpu.memory_space<vmem_shared>>
      tpu.wait_dma2 semaphore(%run_scoped3A_136 : memref<!tpu.dma_semaphore, #tpu.memory_space<semaphore_mem>>) src(%dma_wait3A_146 : memref<640x128xf32, #tpu.memory_space<vmem_shared>>) dst(%dma_wait3A_144 : memref<640x128xf32, #tpu.memory_space<hbm>>)
      tpu.yield
    }) : () -> ()
    return
  }
}

module attributes {stable_mosaic.version = 14 : i64} {
  func.func @_mm_body(%arg0: i32, %arg1: memref<1000x128xf32, #tpu.memory_space<vmem>>, %arg2: memref<128x128xf32, #tpu.memory_space<vmem>>, %arg3: memref<1000x128xf32, #tpu.memory_space<vmem>>) attributes {dimension_semantics = [#tpu.dimension_semantics<arbitrary>], iteration_bounds = array<i64: 10>, scalar_prefetch = 0 : i64, scratch_operands = 0 : i64, tpu.core_type = #tpu.core_type<tc>, window_params = [{transform_indices = @transform_0, window_bounds = array<i64: 1000, 128>}, {pipeline_mode = #tpu.pipeline_mode<synchronous>, transform_indices = @transform_1, window_bounds = array<i64: 128, 128>}, {transform_indices = @transform_2, window_bounds = array<i64: 1000, 128>}]} {
    %get3A = arith.constant 0 : index
    %get3A_0 = arith.constant 0 : index
    %get3A_1 = vector.load %arg1[%get3A, %get3A_0] : memref<1000x128xf32, #tpu.memory_space<vmem>>, vector<1000x128xf32>
    %get3A_2 = arith.constant 0 : index
    %get3A_3 = arith.constant 0 : index
    %get3A_4 = vector.load %arg2[%get3A_2, %get3A_3] : memref<128x128xf32, #tpu.memory_space<vmem>>, vector<128x128xf32>
    %dot_general3A = arith.constant dense<0.000000e+00> : vector<1000x128xf32>
    %dot_general3A_5 = tpu.matmul %get3A_1, %get3A_4, %dot_general3A {dimension_numbers = #tpu.dot_dimension_numbers<[1], [0], [0], [1], [0, 0, 1, 1], [], []>, transpose_lhs_hint = false} : vector<1000x128xf32>, vector<128x128xf32>, vector<1000x128xf32> -> vector<1000x128xf32>
    %swap3A = arith.constant 0 : index
    %swap3A_6 = arith.constant 0 : index
    %swap3A_7 = vector.load %arg3[%swap3A, %swap3A_6] : memref<1000x128xf32, #tpu.memory_space<vmem>>, vector<1000x128xf32>
    tpu.vector_store %arg3[%swap3A, %swap3A_6], %dot_general3A_5 {strides = array<i32>} : memref<1000x128xf32, #tpu.memory_space<vmem>>, vector<1000x128xf32>,
    return
  }
  func.func @transform_0(%arg0: i32) -> (i32, i32) {
    %c0_i32 = arith.constant 0 : i32
    %c0_i32_0 = arith.constant 0 : i32
    return %arg0, %c0_i32 : i32, i32
  }
  func.func @transform_1(%arg0: i32) -> (i32, i32) {
    %c0_i32 = arith.constant 0 : i32
    %c0_i32_0 = arith.constant 0 : i32
    %c0_i32_1 = arith.constant 0 : i32
    return %c0_i32, %c0_i32_0 : i32, i32
  }
  func.func @transform_2(%arg0: i32) -> (i32, i32) {
    %c0_i32 = arith.constant 0 : i32
    %c0_i32_0 = arith.constant 0 : i32
    return %arg0, %c0_i32 : i32, i32
  }
}

module attributes {stable_mosaic.version = 14 : i64} {
  func.func @_scale_body(%arg0: i32, %arg1: memref<1000x128xf32, #tpu.memory_space<vmem>>, %arg2: memref<1000x1xf32, #tpu.memory_space<vmem>>, %arg3: memref<1000x1xf32, #tpu.memory_space<vmem>>, %arg4: memref<1000x128xf32, #tpu.memory_space<vmem>>, %arg5: memref<1000x1xf32, #tpu.memory_space<vmem>>) attributes {dimension_semantics = [#tpu.dimension_semantics<arbitrary>], iteration_bounds = array<i64: 10>, scalar_prefetch = 0 : i64, scratch_operands = 0 : i64, tpu.core_type = #tpu.core_type<tc>, window_params = [{transform_indices = @transform_0, window_bounds = array<i64: 1000, 128>}, {transform_indices = @transform_1, window_bounds = array<i64: 1000, 1>}, {transform_indices = @transform_2, window_bounds = array<i64: 1000, 1>}, {transform_indices = @transform_3, window_bounds = array<i64: 1000, 128>}, {transform_indices = @transform_4, window_bounds = array<i64: 1000, 1>}]} {
    %get3A = arith.constant 0 : index
    %get3A_0 = arith.constant 0 : index
    %get3A_1 = vector.load %arg2[%get3A, %get3A_0] : memref<1000x1xf32, #tpu.memory_space<vmem>>, vector<1000x1xf32>
    %get3A_2 = arith.constant 0 : index
    %get3A_3 = arith.constant 0 : index
    %get3A_4 = vector.load %arg3[%get3A_2, %get3A_3] : memref<1000x1xf32, #tpu.memory_space<vmem>>, vector<1000x1xf32>
    %add3A = arith.addf %get3A_1, %get3A_4 : vector<1000x1xf32>
    %add3A_5 = arith.constant 1.000000e+00 : f32
    %add3A_6 = vector.broadcast %add3A_5 : f32 to vector<1000x1xf32>
    %add3A_7 = arith.addf %add3A, %add3A_6 : vector<1000x1xf32>
    %rsqrt3A = math.rsqrt %add3A_7 : vector<1000x1xf32>
    %get3A_8 = arith.constant 0 : index
    %get3A_9 = arith.constant 0 : index
    %get3A_10 = vector.load %arg1[%get3A_8, %get3A_9] : memref<1000x128xf32, #tpu.memory_space<vmem>>, vector<1000x128xf32>
    %mul3A = vector.broadcast %rsqrt3A : vector<1000x1xf32> to vector<1000x128xf32>
    %mul3A_11 = arith.mulf %get3A_10, %mul3A : vector<1000x128xf32>
    %swap3A = arith.constant 0 : index
    %swap3A_12 = arith.constant 0 : index
    %swap3A_13 = vector.load %arg4[%swap3A, %swap3A_12] : memref<1000x128xf32, #tpu.memory_space<vmem>>, vector<1000x128xf32>
    tpu.vector_store %arg4[%swap3A, %swap3A_12], %mul3A_11 {strides = array<i32>} : memref<1000x128xf32, #tpu.memory_space<vmem>>, vector<1000x128xf32>,
    %swap3A_14 = arith.constant 0 : index
    %swap3A_15 = arith.constant 0 : index
    %swap3A_16 = vector.load %arg5[%swap3A_14, %swap3A_15] : memref<1000x1xf32, #tpu.memory_space<vmem>>, vector<1000x1xf32>
    tpu.vector_store %arg5[%swap3A_14, %swap3A_15], %rsqrt3A {strides = array<i32>} : memref<1000x1xf32, #tpu.memory_space<vmem>>, vector<1000x1xf32>,
    return
  }
  func.func @transform_0(%arg0: i32) -> (i32, i32) {
    %c0_i32 = arith.constant 0 : i32
    %c0_i32_0 = arith.constant 0 : i32
    return %arg0, %c0_i32 : i32, i32
  }
  func.func @transform_1(%arg0: i32) -> (i32, i32) {
    %c0_i32 = arith.constant 0 : i32
    %c0_i32_0 = arith.constant 0 : i32
    return %arg0, %c0_i32 : i32, i32
  }
  func.func @transform_2(%arg0: i32) -> (i32, i32) {
    %c0_i32 = arith.constant 0 : i32
    %c0_i32_0 = arith.constant 0 : i32
    return %arg0, %c0_i32 : i32, i32
  }
  func.func @transform_3(%arg0: i32) -> (i32, i32) {
    %c0_i32 = arith.constant 0 : i32
    %c0_i32_0 = arith.constant 0 : i32
    return %arg0, %c0_i32 : i32, i32
  }
  func.func @transform_4(%arg0: i32) -> (i32, i32) {
    %c0_i32 = arith.constant 0 : i32
    %c0_i32_0 = arith.constant 0 : i32
    return %arg0, %c0_i32 : i32, i32
  }
}

module attributes {stable_mosaic.version = 14 : i64} {
  func.func @_epi_body(%arg0: i32, %arg1: memref<2x1000x128xf32, #tpu.memory_space<vmem>>, %arg2: memref<1000x128xf32, #tpu.memory_space<vmem>>, %arg3: memref<1000x1xf32, #tpu.memory_space<vmem>>, %arg4: memref<1x128xf32, #tpu.memory_space<vmem>>, %arg5: memref<1000x128xf32, #tpu.memory_space<vmem>>) attributes {dimension_semantics = [#tpu.dimension_semantics<arbitrary>], iteration_bounds = array<i64: 10>, scalar_prefetch = 0 : i64, scratch_operands = 0 : i64, tpu.core_type = #tpu.core_type<tc>, window_params = [{transform_indices = @transform_0, window_bounds = array<i64: 2, 1000, 128>}, {transform_indices = @transform_1, window_bounds = array<i64: 1000, 128>}, {transform_indices = @transform_2, window_bounds = array<i64: 1000, 1>}, {pipeline_mode = #tpu.pipeline_mode<synchronous>, transform_indices = @transform_3, window_bounds = array<i64: 1, 128>}, {transform_indices = @transform_4, window_bounds = array<i64: 1000, 128>}]} {
    %get3A = arith.constant 0 : index
    %get3A_0 = arith.constant 0 : index
    %get3A_1 = arith.constant 0 : index
    %get3A_2 = vector.load %arg1[%get3A, %get3A_0, %get3A_1] : memref<2x1000x128xf32, #tpu.memory_space<vmem>>, vector<1x1000x128xf32>
    %get3A_3 = vector.shape_cast %get3A_2 : vector<1x1000x128xf32> to vector<1000x128xf32>
    %get3A_4 = arith.constant 1 : index
    %get3A_5 = arith.constant 0 : index
    %get3A_6 = arith.constant 0 : index
    %get3A_7 = vector.load %arg1[%get3A_4, %get3A_5, %get3A_6] : memref<2x1000x128xf32, #tpu.memory_space<vmem>>, vector<1x1000x128xf32>
    %get3A_8 = vector.shape_cast %get3A_7 : vector<1x1000x128xf32> to vector<1000x128xf32>
    %add3A = arith.addf %get3A_3, %get3A_8 : vector<1000x128xf32>
    %get3A_9 = arith.constant 0 : index
    %get3A_10 = arith.constant 0 : index
    %get3A_11 = vector.load %arg2[%get3A_9, %get3A_10] : memref<1000x128xf32, #tpu.memory_space<vmem>>, vector<1000x128xf32>
    %add3A_12 = arith.addf %add3A, %get3A_11 : vector<1000x128xf32>
    %get3A_13 = arith.constant 0 : index
    %get3A_14 = arith.constant 0 : index
    %get3A_15 = vector.load %arg3[%get3A_13, %get3A_14] : memref<1000x1xf32, #tpu.memory_space<vmem>>, vector<1000x1xf32>
    %mul3A = vector.broadcast %get3A_15 : vector<1000x1xf32> to vector<1000x128xf32>
    %mul3A_16 = arith.mulf %add3A_12, %mul3A : vector<1000x128xf32>
    %get3A_17 = arith.constant 0 : index
    %get3A_18 = arith.constant 0 : index
    %get3A_19 = vector.load %arg4[%get3A_17, %get3A_18] : memref<1x128xf32, #tpu.memory_space<vmem>>, vector<1x128xf32>
    %add3A_20 = vector.broadcast %get3A_19 : vector<1x128xf32> to vector<1000x128xf32>
    %add3A_21 = arith.addf %mul3A_16, %add3A_20 : vector<1000x128xf32>
    %swap3A = arith.constant 0 : index
    %swap3A_22 = arith.constant 0 : index
    %swap3A_23 = vector.load %arg5[%swap3A, %swap3A_22] : memref<1000x128xf32, #tpu.memory_space<vmem>>, vector<1000x128xf32>
    tpu.vector_store %arg5[%swap3A, %swap3A_22], %add3A_21 {strides = array<i32>} : memref<1000x128xf32, #tpu.memory_space<vmem>>, vector<1000x128xf32>,
    return
  }
  func.func @transform_0(%arg0: i32) -> (i32, i32, i32) {
    %c0_i32 = arith.constant 0 : i32
    %c0_i32_0 = arith.constant 0 : i32
    %c0_i32_1 = arith.constant 0 : i32
    return %c0_i32, %arg0, %c0_i32_0 : i32, i32, i32
  }
  func.func @transform_1(%arg0: i32) -> (i32, i32) {
    %c0_i32 = arith.constant 0 : i32
    %c0_i32_0 = arith.constant 0 : i32
    return %arg0, %c0_i32 : i32, i32
  }
  func.func @transform_2(%arg0: i32) -> (i32, i32) {
    %c0_i32 = arith.constant 0 : i32
    %c0_i32_0 = arith.constant 0 : i32
    return %arg0, %c0_i32 : i32, i32
  }
  func.func @transform_3(%arg0: i32) -> (i32, i32) {
    %c0_i32 = arith.constant 0 : i32
    %c0_i32_0 = arith.constant 0 : i32
    %c0_i32_1 = arith.constant 0 : i32
    return %c0_i32, %c0_i32_0 : i32, i32
  }
  func.func @transform_4(%arg0: i32) -> (i32, i32) {
    %c0_i32 = arith.constant 0 : i32
    %c0_i32_0 = arith.constant 0 : i32
    return %arg0, %c0_i32 : i32, i32
  }
}

module attributes {stable_mosaic.version = 14 : i64} {
  func.func @_mid_body(%arg0: i32, %arg1: memref<2x1000x128xf32, #tpu.memory_space<vmem>>, %arg2: memref<1000x128xf32, #tpu.memory_space<vmem>>, %arg3: memref<1000x1xf32, #tpu.memory_space<vmem>>, %arg4: memref<1x128xf32, #tpu.memory_space<vmem>>, %arg5: memref<1x128xf32, #tpu.memory_space<vmem>>, %arg6: memref<128x128xf32, #tpu.memory_space<vmem>>, %arg7: memref<1000x128xf32, #tpu.memory_space<vmem>>) attributes {dimension_semantics = [#tpu.dimension_semantics<arbitrary>], iteration_bounds = array<i64: 10>, scalar_prefetch = 0 : i64, scratch_operands = 0 : i64, tpu.core_type = #tpu.core_type<tc>, window_params = [{transform_indices = @transform_0, window_bounds = array<i64: 2, 1000, 128>}, {transform_indices = @transform_1, window_bounds = array<i64: 1000, 128>}, {transform_indices = @transform_2, window_bounds = array<i64: 1000, 1>}, {pipeline_mode = #tpu.pipeline_mode<synchronous>, transform_indices = @transform_3, window_bounds = array<i64: 1, 128>}, {pipeline_mode = #tpu.pipeline_mode<synchronous>, transform_indices = @transform_4, window_bounds = array<i64: 1, 128>}, {pipeline_mode = #tpu.pipeline_mode<synchronous>, transform_indices = @transform_5, window_bounds = array<i64: 128, 128>}, {transform_indices = @transform_6, window_bounds = array<i64: 1000, 128>}]} {
    %get3A = arith.constant 0 : index
    %get3A_0 = arith.constant 0 : index
    %get3A_1 = arith.constant 0 : index
    %get3A_2 = vector.load %arg1[%get3A, %get3A_0, %get3A_1] : memref<2x1000x128xf32, #tpu.memory_space<vmem>>, vector<1x1000x128xf32>
    %get3A_3 = vector.shape_cast %get3A_2 : vector<1x1000x128xf32> to vector<1000x128xf32>
    %get3A_4 = arith.constant 1 : index
    %get3A_5 = arith.constant 0 : index
    %get3A_6 = arith.constant 0 : index
    %get3A_7 = vector.load %arg1[%get3A_4, %get3A_5, %get3A_6] : memref<2x1000x128xf32, #tpu.memory_space<vmem>>, vector<1x1000x128xf32>
    %get3A_8 = vector.shape_cast %get3A_7 : vector<1x1000x128xf32> to vector<1000x128xf32>
    %add3A = arith.addf %get3A_3, %get3A_8 : vector<1000x128xf32>
    %get3A_9 = arith.constant 0 : index
    %get3A_10 = arith.constant 0 : index
    %get3A_11 = vector.load %arg2[%get3A_9, %get3A_10] : memref<1000x128xf32, #tpu.memory_space<vmem>>, vector<1000x128xf32>
    %add3A_12 = arith.addf %add3A, %get3A_11 : vector<1000x128xf32>
    %get3A_13 = arith.constant 0 : index
    %get3A_14 = arith.constant 0 : index
    %get3A_15 = vector.load %arg3[%get3A_13, %get3A_14] : memref<1000x1xf32, #tpu.memory_space<vmem>>, vector<1000x1xf32>
    %mul3A = vector.broadcast %get3A_15 : vector<1000x1xf32> to vector<1000x128xf32>
    %mul3A_16 = arith.mulf %add3A_12, %mul3A : vector<1000x128xf32>
    %get3A_17 = arith.constant 0 : index
    %get3A_18 = arith.constant 0 : index
    %get3A_19 = vector.load %arg4[%get3A_17, %get3A_18] : memref<1x128xf32, #tpu.memory_space<vmem>>, vector<1x128xf32>
    %mul3A_20 = vector.broadcast %get3A_19 : vector<1x128xf32> to vector<1000x128xf32>
    %mul3A_21 = arith.mulf %mul3A_16, %mul3A_20 : vector<1000x128xf32>
    %get3A_22 = arith.constant 0 : index
    %get3A_23 = arith.constant 0 : index
    %get3A_24 = vector.load %arg5[%get3A_22, %get3A_23] : memref<1x128xf32, #tpu.memory_space<vmem>>, vector<1x128xf32>
    %add3A_25 = vector.broadcast %get3A_24 : vector<1x128xf32> to vector<1000x128xf32>
    %add3A_26 = arith.addf %mul3A_21, %add3A_25 : vector<1000x128xf32>
    %max3A = arith.constant 0.000000e+00 : f32
    %max3A_27 = vector.broadcast %max3A : f32 to vector<1000x128xf32>
    %max3A_28 = arith.maximumf %add3A_26, %max3A_27 : vector<1000x128xf32>
    %get3A_29 = arith.constant 0 : index
    %get3A_30 = arith.constant 0 : index
    %get3A_31 = vector.load %arg6[%get3A_29, %get3A_30] : memref<128x128xf32, #tpu.memory_space<vmem>>, vector<128x128xf32>
    %dot_general3A = arith.constant dense<0.000000e+00> : vector<1000x128xf32>
    %dot_general3A_32 = tpu.matmul %max3A_28, %get3A_31, %dot_general3A {dimension_numbers = #tpu.dot_dimension_numbers<[1], [0], [0], [1], [0, 0, 1, 1], [], []>, transpose_lhs_hint = false} : vector<1000x128xf32>, vector<128x128xf32>, vector<1000x128xf32> -> vector<1000x128xf32>
    %get3A_33 = arith.constant 0 : index
    %get3A_34 = arith.constant 0 : index
    %get3A_35 = vector.load %arg3[%get3A_33, %get3A_34] : memref<1000x1xf32, #tpu.memory_space<vmem>>, vector<1000x1xf32>
    %mul3A_36 = vector.broadcast %get3A_35 : vector<1000x1xf32> to vector<1000x128xf32>
    %mul3A_37 = arith.mulf %dot_general3A_32, %mul3A_36 : vector<1000x128xf32>
    %swap3A = arith.constant 0 : index
    %swap3A_38 = arith.constant 0 : index
    %swap3A_39 = vector.load %arg7[%swap3A, %swap3A_38] : memref<1000x128xf32, #tpu.memory_space<vmem>>, vector<1000x128xf32>
    tpu.vector_store %arg7[%swap3A, %swap3A_38], %mul3A_37 {strides = array<i32>} : memref<1000x128xf32, #tpu.memory_space<vmem>>, vector<1000x128xf32>,
    return
  }
  func.func @transform_0(%arg0: i32) -> (i32, i32, i32) {
    %c0_i32 = arith.constant 0 : i32
    %c0_i32_0 = arith.constant 0 : i32
    %c0_i32_1 = arith.constant 0 : i32
    return %c0_i32, %arg0, %c0_i32_0 : i32, i32, i32
  }
  func.func @transform_1(%arg0: i32) -> (i32, i32) {
    %c0_i32 = arith.constant 0 : i32
    %c0_i32_0 = arith.constant 0 : i32
    return %arg0, %c0_i32 : i32, i32
  }
  func.func @transform_2(%arg0: i32) -> (i32, i32) {
    %c0_i32 = arith.constant 0 : i32
    %c0_i32_0 = arith.constant 0 : i32
    return %arg0, %c0_i32 : i32, i32
  }
  func.func @transform_3(%arg0: i32) -> (i32, i32) {
    %c0_i32 = arith.constant 0 : i32
    %c0_i32_0 = arith.constant 0 : i32
    %c0_i32_1 = arith.constant 0 : i32
    return %c0_i32, %c0_i32_0 : i32, i32
  }
  func.func @transform_4(%arg0: i32) -> (i32, i32) {
    %c0_i32 = arith.constant 0 : i32
    %c0_i32_0 = arith.constant 0 : i32
    %c0_i32_1 = arith.constant 0 : i32
    return %c0_i32, %c0_i32_0 : i32, i32
  }
  func.func @transform_5(%arg0: i32) -> (i32, i32) {
    %c0_i32 = arith.constant 0 : i32
    %c0_i32_0 = arith.constant 0 : i32
    %c0_i32_1 = arith.constant 0 : i32
    return %c0_i32, %c0_i32_0 : i32, i32
  }
  func.func @transform_6(%arg0: i32) -> (i32, i32) {
    %c0_i32 = arith.constant 0 : i32
    %c0_i32_0 = arith.constant 0 : i32
    return %arg0, %c0_i32 : i32, i32
  }
}

</mosaic_0001>

<sc_bundles>
// kernel: kernel.11.cloned.1.call-start
scs
__scs_entry_jumppad:
0x0: {  	(pc) =	sbr.rel $0x88, $3  }
0x1: {  	(tag) =	ssettag $0x0;
	lr =	simm.s32 $0x1  }
0x2: {  	[smem:$0x3F95] =	sst lr;
	_ =	strace $0xD0000000  }
0x3: {  	_ = 	snop  }
0x4: {  	_ = 	snop  }
0x5: {  	_ = 	snop  }
0x6: {  	_ = 	snop  }
0x7: {  	_ = 	snop  }
__scs_overlays_trampoline_lowered:
0x8: {  	[smem:$0x3FA4] =	sst s0  }
0x9: {  	[smem:$0x3FA5] =	sst s1  }
0xa: {  	[smem:$0x3FA6] =	sst s2  }
0xb: {  	[smem:$0x3FA7] =	sst s3  }
0xc: {  	[smem:$0x3FA8] =	sst s4  }
0xd: {  	[smem:$0x3FA9] =	sst s5  }
0xe: {  	[smem:$0x3FAA] =	sst s6  }
0xf: {  	[smem:$0x3FAB] =	sst s7  }
0x10: {  	[smem:$0x3FAC] =	sst s8  }
0x11: {  	[smem:$0x3FAD] =	sst s9;
	s0 =	simm.s32 @!p0 $0x0  }
0x12: {  	s1 =	sld [smem:$0x3F93];
	s0 =	simm.s32 @p0 $0x1  }
0x13: {  	[smem:$0x3FAE] =	sst s0;
	s0 =	simm.s32 @!p1 $0x0  }
0x14: {  	s2 =	sld [smem:$0x3F92];
	s0 =	simm.s32 @p1 $0x1  }
0x15: {  	[smem:$0x3FAF] =	sst s0;
	s0 =	simm.s32 @!p2 $0x0  }
0x16: {  	s3 =	sld [smem:$0x3FDB];
	s0 =	simm.s32 @p2 $0x1  }
0x17: {  	s4 =	simm.s32 $0x1BF5;
	[smem:$0x3FB1] =	sst s0  }
0x18: {  	s0 =	sld [smem:$0x3F94];
	_ =	swait.ge [sflag:s4], $0x0  }
0x19: {  	s7 =	sld [smem:$0x3F95]  }
0x1a: {  	s8 =	sadd.s32 $0xFFFFE003, lr  }
0x1b: {  	s9 =	sadd.s32 $0xFFFFFEF7, lr;
	s5 =	simm.s32 $0xFFFFFFFF;
	p2 =	slt.u32 s8, $0xFFFFF086  }
0x1c: {  	p1 =	slt.u32 s9, $0xF7A;
	s5 =	simm.s32 @!p2 $0x0  }
0x1d: {  	s5 =	simm.s32 @p1 $0x1;
	p0 =	seq.s32 s7, s2  }
0x1e: {  	s7 =	smul.u32 @!p0 $0xF7A, s2;
	p2 =	seq.s32 @!p0 s5, $0x0  }
0x1f: {  	s9 =	smul.u32 $0xF7A, s1;
	s8 =	simm.s32 @!p0 $0x1BF5;
	p2 =	por !p2, p0  }
0x20: {  	[sflag:s8] =	ssyncset.s32 @!p0 $0xFFFFF086;
	s6 =	sadd.s32 @!p0 s3, s7;
	s7 =	simm.s32 @!p0 $0x108  }
0x21: {  	s3 =	sadd.s32 s3, s9;
	s6 =	sadd.s32 @!p0 $0x88, s6;
	s7 =	simm.s32 @p2 $0x1082  }
0x22: {  	[simem:s7], [sflag:s8] =	dma.local @!p0 [hbm:s6], $0xF7A  }
0x23: {  	s9 =	sor.u32 $0xD0000000, s2;
	s6 =	simm.s32 $0x108;
	_ =	swait.ge @!p0 [sflag:s8], $0x0  }
0x24: {  	s3 =	sadd.s32 $0x88, s3;
	s6 =	simm.s32 @!p1 $0x1082;
	[sflag:s4] =	ssyncset.s32 $0xFFFFF086  }
0x25: {  	[simem:s6], [sflag:s4] =	dma.local [hbm:s3], $0xF7A  }
0x26: {  	[smem:$0x3F95] =	sst s1;
	(tag) =	ssettag s2;
	_ =	strace s9  }
0x27: {  	s1 =	sld [smem:$0x3FA5]  }
0x28: {  	s2 =	sld [smem:$0x3FA6]  }
0x29: {  	s4 =	sld [smem:$0x3FA8]  }
0x2a: {  	p0 =	seq.s32 s5, $0x0;
	s5 =	sld [smem:$0x3FA9]  }
0x2b: {  	s6 =	sld [smem:$0x3FAA]  }
0x2c: {  	s7 =	sld [smem:$0x3FAB]  }
0x2d: {  	s3 =	simm.s32 $0x108;
	s8 =	sld [smem:$0x3FAC]  }
0x2e: {  	s3 =	simm.s32 @!p0 $0x1082;
	s9 =	sld [smem:$0x3FAD]  }
0x2f: {  	lr =	sadd.s32 s0, s3;
	s0 =	sld [smem:$0x3FA4]  }
0x30: {  	s3 =	sld [smem:$0x3FA7]  }
0x31: {  	[smem:$0x3FB0] =	sst s10  }
0x32: {  	s10 =	sld [smem:$0x3FAE];
	_ =	sdelay $0x3  }
0x33: {  	p0 =	seq.s32 s10, $0x1;
	s10 =	sld [smem:$0x3FB0];
	_ =	sdelay $0x3  }
0x34: {  	[smem:$0x3FB0] =	sst s10  }
0x35: {  	s10 =	sld [smem:$0x3FAF];
	_ =	sdelay $0x3  }
0x36: {  	p1 =	seq.s32 s10, $0x1;
	s10 =	sld [smem:$0x3FB0];
	_ =	sdelay $0x3  }
0x37: {  	[smem:$0x3FB0] =	sst s10  }
0x38: {  	s10 =	sld [smem:$0x3FB1]  }
0x39: {  	_ = 	snop;
	(pc) =	sbr.ind lr, $3  }
0x3a: {  	_ = 	snop  }
0x3b: {  	_ = 	snop  }
0x3c: {  	p2 =	seq.s32 s10, $0x1;
	s10 =	sld [smem:$0x3FB0]  }
0x3d: {  	_ =	shalt  }
0x3e: {  	_ =	shalt  }
0x3f: {  	_ =	shalt  }
0x40: {  	_ =	shalt  }
0x41: {  	_ =	shalt  }
0x42: {  	_ =	shalt  }
0x43: {  	_ =	shalt  }
0x44: {  	_ =	shalt  }
0x45: {  	_ =	shalt  }
0x46: {  	_ =	shalt  }
0x47: {  	_ =	shalt  }
0x48: {  	_ =	shalt  }
0x49: {  	_ =	shalt  }
0x4a: {  	_ =	shalt  }
0x4b: {  	_ =	shalt  }
0x4c: {  	_ =	shalt  }
0x4d: {  	_ =	shalt  }
0x4e: {  	_ =	shalt  }
0x4f: {  	_ =	shalt  }
0x50: {  	_ =	shalt  }
0x51: {  	_ =	shalt  }
0x52: {  	_ =	shalt  }
0x53: {  	_ =	shalt  }
0x54: {  	_ =	shalt  }
0x55: {  	_ =	shalt  }
0x56: {  	_ =	shalt  }
0x57: {  	_ =	shalt  }
0x58: {  	_ =	shalt  }
0x59: {  	_ =	shalt  }
0x5a: {  	_ =	shalt  }
0x5b: {  	_ =	shalt  }
0x5c: {  	_ =	shalt  }
0x5d: {  	_ =	shalt  }
0x5e: {  	_ =	shalt  }
0x5f: {  	_ =	shalt  }
0x60: {  	_ =	shalt  }
0x61: {  	_ =	shalt  }
0x62: {  	_ =	shalt  }
0x63: {  	_ =	shalt  }
0x64: {  	_ =	shalt  }
0x65: {  	_ =	shalt  }
0x66: {  	_ =	shalt  }
0x67: {  	_ =	shalt  }
0x68: {  	_ =	shalt  }
0x69: {  	_ =	shalt  }
0x6a: {  	_ =	shalt  }
0x6b: {  	_ =	shalt  }
0x6c: {  	_ =	shalt  }
0x6d: {  	_ =	shalt  }
0x6e: {  	_ =	shalt  }
0x6f: {  	_ =	shalt  }
0x70: {  	_ =	shalt  }
0x71: {  	_ =	shalt  }
0x72: {  	_ =	shalt  }
0x73: {  	_ =	shalt  }
0x74: {  	_ =	shalt  }
0x75: {  	_ =	shalt  }
0x76: {  	_ =	shalt  }
0x77: {  	_ =	shalt  }
0x78: {  	_ =	shalt  }
0x79: {  	_ =	shalt  }
0x7a: {  	_ =	shalt  }
0x7b: {  	_ =	shalt  }
0x7c: {  	_ =	shalt  }
0x7d: {  	_ =	shalt  }
0x7e: {  	_ =	shalt  }
0x7f: {  	_ =	shalt  }
0x80: {  	_ =	shalt  }
0x81: {  	_ =	shalt  }
0x82: {  	_ =	shalt  }
0x83: {  	_ =	shalt  }
0x84: {  	_ =	shalt  }
0x85: {  	_ =	shalt  }
0x86: {  	_ =	shalt  }
0x87: {  	_ =	shalt  }
.Lfunc_end0:
.L_simem_size_0:
called_computation_lowered:
.L_overlay_start_0:
0x88: {  	s2 =	sld [smem:$0x3FD9]  }
0x89: {  	s3 =	sld [smem:$0x3FFE];
	_ =	sdelay $0x1  }
0x8a: {  	s1 =	srdreg.scid  }
0x8b: {  	s0 =	sand.u32 $0x1, s1  }
0x8c: {  	s17 =	sshll.u32 s0, $0xA;
	s2 =	sadd.s32 s3, s2  }
0x8d: {  	s2 =	sadd.s32 s2, s17  }
0x8e: {  	[smem:$0x3FBC] =	sst s2  }
0x8f: {  	_ = 	snop  }
0x90: {  	s2 =	sld [smem:$0x3FD0];
	(tm) =	ssettm $0x1  }
0x91: {  	s18 =	sld [smem:$0x3FFB];
	_ =	sdelay $0x3  }
0x92: {  	_ =	strace s18  }
0x93: {  	s3 =	sld [smem:$0x3FFC];
	_ =	sdelay $0x3  }
0x94: {  	_ =	strace s3  }
0x95: {  	s3 =	sld [smem:$0x3FFD];
	_ =	sdelay $0x3  }
0x96: {  	_ =	strace s3  }
0x97: {  	_ =	strace $0x8FFFFFFF  }
0x98: {  	s19 =	sld [smem:$0x3FDB];
	_ =	sdelay $0x1  }
0x99: {  	s4 =	simm.s32 $_scs_section_size  }
0x9a: {  	s5 =	simm.s32 $_size__tile_overlayer_lowered;
	s6 =	simm.s32 $_tile_overlayer_lowered  }
0x9b: {  	s22 =	simm.s32 $0x1BFF;
	s21 =	sshll.u32 s6, $0x1;
	s3 =	sadd.s32 s4, s19  }
0x9c: {  	s7 =	simm.s32 $0x0;
	s20 =	sshll.u32 s5, $0x1;
	s5 =	sadd.s32 s21, s3  }
0x9d: {  	[timem:s7], [sflag:s22] =	dma.local [hbm:s5], s20  }
0x9e: {  	_ =	swait.ge [sflag:s22], s20  }
0x9f: {  	s4 =	ssub.s32 $0x0, s20;
	[sflag:s22] =	ssyncset.done $0x0  }
0xa0: {  	[sflag:s22] =	ssyncadd.s32 s4;
	_ =	sdelay $0x1  }
0xa1: {  	s23 =	simm.s32 $0x1B8B  }
0xa2: {  	_ =	swait.ge [sflag:s23], $0x1  }
0xa3: {  	[sflag:s23] =	ssyncset.done $0x0  }
0xa4: {  	s25 =	simm.s32 $0x1B8E;
	s24 =	sld [smem:$0x3FFE];
	[sflag:s23] =	ssyncadd.s32 $0xFFFFFFFF  }
0xa5: {  	s26 =	simm.s32 $execute0_lowered;
	[smem:$0x3FD2] =	sst s25  }
0xa6: {  	s5 =	sshll.u32 s26, $0x1;
	_ =	strace $0x80000046;
	[dreg:$0x1] =	wrdreg $0xFFFFFFFF  }
0xa7: {  	s28 =	simm.s32 $_size_execute0_lowered;
	s3 =	sadd.s32 s3, s5;
	[dreg:$0x0] =	wrdreg $0x0  }
0xa8: {  	s5 =	sshll.u32 s28, $0x1;
	[dreg:$0x2] =	wrdreg s3  }
0xa9: {  	[dreg:$0x3] =	wrdreg s5  }
0xaa: {  	[dreg:$0x4] =	wrdreg $0xC0  }
0xab: {  	_ =	task [dreg:s7], $0x5FFFF  }
0xac: {  	[dreg:$0x1] =	wrdreg $0xFFFFFFFF  }
0xad: {  	[dreg:$0x0] =	wrdreg $0x60  }
0xae: {  	[dreg:$0x2] =	wrdreg s24  }
0xaf: {  	[dreg:$0x3] =	wrdreg s2  }
0xb0: {  	[dreg:$0x4] =	wrdreg $0x29000  }
0xb1: {  	[dreg:$0x5] =	wrdreg $0x9  }
0xb2: {  	_ =	task.clear_ibuf [dreg:s7], $0x6FFFF;
	_ =	strace $0x90000046  }
0xb3: {  	s29 =	simm.s32 $0x9;
	_ =	strace $0x80000048  }
0xb4: {  	_ =	swait.ge [sflag:s29], $0x1  }
0xb5: {  	[sflag:s29] =	ssyncadd.s32 $0xFFFFFFFF  }
0xb6: {  	_ =	strace $0x90000048  }
0xb7: {  	_ =	sfence  }
0xb8: {  	s30 =	sld [smem:$0x0];
	_ =	sdelay $0x2  }
0xb9: {  	s31 =	sshll.u32 s1, $0xD;
	s1 =	sshrl.u32 s1, $0x2  }
0xba: {  	s3 =	sand.u32 $0x4000, s31;
	s1 =	sadd.s32 s1, s30  }
0xbb: {  	s0 =	sor.u32 s3, s0;
	s1 =	sshll.u32 s1, $0x11  }
0xbc: {  	s0 =	sor.u32 s1, s0  }
0xbd: {  	s0 =	sadd.s32 $0x8F2B, s0  }
0xbe: {  	[sflag:s0] =	ssyncadd.remote.s32 $0x1  }
0xbf: {  	_ =	sfence.sel $0xFFFF  }
0xc0: {  	[dreg:$0x0] =	wrdreg $0xFFFFFFFF;
	(pc) =	sbr.abs _section_cstart, $3  }
0xc1: {  	[dreg:$0x1] =	wrdreg $0xFFFFFFFF  }
0xc2: {  	_ =	task.clear_ibuf [dreg:s7], $0x2FFFF;
	_ =	strace $0x9FFFFFFF  }
0xc3: {  	(tm) =	ssettm $0x7FFFFFFF  }
tec
execute0_lowered:
.L_overlay_start_1:
0x0: {  	(tag) =	ssettag $0x1  }
0x1: {  	s4 =	rddreg [dreg:$0x0];
	s1 =	srdreg.scid  }
0x2: {  	s0 =	stileid.u32;
	s10 =	rddreg [dreg:$0x1]  }
0x3: {  	s2 =	rddreg [dreg:$0x2];
	s3 =	simm.s32 $0x0;
	s14 =	simm.s32 $0x80  }
0x4: {  	s15 =	simm.s32 $0x2800;
	s18 =	simm.s32 $0x0;
	s5 =	sand.u32 $0x1, s1  }
0x5: {  	s29 =	sshll.u32 s0, $0x1;
	s1 =	rddreg [dreg:$0x3];
	s7 =	smul.u32 $0x280, s0  }
0x6: {  	[smem:$0x7FF] =	sst s3;
	s6 =	sor.u32 s5, s29;
	s9 =	smul.u32 $0x2800, s5  }
0x7: {  	s16 =	sshll.u32 s0, $0x6;
	s8 =	ssub.s32 $0x2, s5;
	s6 =	smul.u32 $0x500, s6  }
0x8: {  	_ =	strace $0x80000047;
	s16 =	sor.u32 $0x1C01, s16;
	s30 =	sshrl.u32 s8, $0x1  }
0x9: {  	s31 =	sadd.s32 s7, s9;
	s11 =	sadd.s32 s6, s4;
	s4 =	sadd.s32 s7, s2  }
0xa: {  	s12 =	ssub.s32 s8, s30;
	s13 =	sshrl.u32 s31, $0x3;
	s5 =	sadd.s32 $0x80, s4  }
0xb: {  	s6 =	sadd.s32 $0x100, s4;
	s7 =	sadd.s32 $0x180, s4;
	s8 =	sadd.s32 $0x200, s4  }
0xc: {  	s9 =	sadd.s32 $0x4000, s11;
	s10 =	sadd.s32 s10, s13;
	s11 =	smax.u32 s12, $0x1  }
0xd: {  	v0 =	vimm.f32 $1.000000000e+00;
	v1 =	vimm.f32 $0.0e+00;
	s12 =	simm.s32 $0x2880;
	s13 =	simm.s32 $0x1;
	s17 =	sshrl.u32 s4, $0x3  }
.LBB2_1:
0xe: {  	[tilespmem:$0x2800] =	vst v0  }
0xf: {  	[tilespmem:$0x2880] =	vst v1  }
0x10: {  	[tilespmem:$0x2810] =	vst v0  }
0x11: {  	[tilespmem:$0x2890] =	vst v1  }
0x12: {  	[tilespmem:$0x2820] =	vst v0  }
0x13: {  	[tilespmem:$0x28A0] =	vst v1  }
0x14: {  	[tilespmem:$0x2830] =	vst v0  }
0x15: {  	[tilespmem:$0x28B0] =	vst v1  }
0x16: {  	[tilespmem:$0x2840] =	vst v0  }
0x17: {  	[tilespmem:$0x28C0] =	vst v1  }
0x18: {  	[tilespmem:$0x2850] =	vst v0  }
0x19: {  	[tilespmem:$0x28D0] =	vst v1  }
0x1a: {  	[tilespmem:$0x2860] =	vst v0  }
0x1b: {  	[tilespmem:$0x28E0] =	vst v1  }
0x1c: {  	[tilespmem:$0x2870] =	vst v0  }
0x1d: {  	[tilespmem:$0x28F0] =	vst v1  }
0x1e: {  	[spmem:s4] =	stream.linear.scatter [tilespmem:s12], [sflag:$0x1], $0x80, $0x38;
	[tilespmem:$0x2B80] =	vst v63  }
0x1f: {  	_ =	swait.ge [sflag:s13], $0x80  }
0x20: {  	[sflag:s13] =	ssyncset.done $0x0  }
0x21: {  	[sflag:s13] =	ssyncadd.s32 $0xFFFFFF80  }
0x22: {  	[spmem:s5] =	stream.linear.scatter [tilespmem:s12], [sflag:$0x1], $0x80, $0x38;
	[tilespmem:$0x2B80] =	vst v63  }
0x23: {  	_ =	swait.ge [sflag:s13], $0x80  }
0x24: {  	[sflag:s13] =	ssyncset.done $0x0  }
0x25: {  	[sflag:s13] =	ssyncadd.s32 $0xFFFFFF80  }
0x26: {  	[spmem:s6] =	stream.linear.scatter [tilespmem:s12], [sflag:$0x1], $0x80, $0x38;
	[tilespmem:$0x2B80] =	vst v63  }
0x27: {  	_ =	swait.ge [sflag:s13], $0x80  }
0x28: {  	[sflag:s13] =	ssyncset.done $0x0  }
0x29: {  	[sflag:s13] =	ssyncadd.s32 $0xFFFFFF80  }
0x2a: {  	[spmem:s7] =	stream.linear.scatter [tilespmem:s12], [sflag:$0x1], $0x80, $0x38;
	[tilespmem:$0x2B80] =	vst v63  }
0x2b: {  	_ =	swait.ge [sflag:s13], $0x80  }
0x2c: {  	[sflag:s13] =	ssyncset.done $0x0  }
0x2d: {  	[sflag:s13] =	ssyncadd.s32 $0xFFFFFF80  }
0x2e: {  	[spmem:s8] =	stream.linear.scatter [tilespmem:s12], [sflag:$0x1], $0x80, $0x38;
	[tilespmem:$0x2B80] =	vst v63  }
0x2f: {  	_ =	swait.ge [sflag:s13], $0x80  }
0x30: {  	[sflag:s13] =	ssyncset.done $0x0  }
0x31: {  	[sflag:s13] =	ssyncadd.s32 $0xFFFFFF80  }
0x32: {  	[tilespmem:s3], [sflag:$0x1] =	stream.linear.gather [hbm4b:s9+s3], $0x2780, $0x38;
	[tilespmem:$0x2B80] =	vst v63  }
0x33: {  	_ =	swait.ge [sflag:s13], $0x2780  }
0x34: {  	[sflag:s13] =	ssyncset.done $0x0  }
0x35: {  	[sflag:s13] =	ssyncadd.s32 $0xFFFFD880  }
0x36: {  	s19 =	simm.s32 $0x0;
	[bflag:$0x0] =	sbarrier.arrive $0xFFFF  }
0x37: {  	[spmem:s2] =	stream.indirect.scatter.add.f32 [tilespmem:s15], [sflag:$0x1], $0x1, s19, s14, $0xb8;
	[tilespmem:$0x2B80] =	vst v63  }
0x38: {  	_ =	swait.ge [sflag:s13], $0x80  }
0x39: {  	s19 =	simm.s32 $0x200;
	[sflag:s13] =	ssyncset.done $0x0  }
.LBB2_2:
0x3a: {  	s20 =	sshra.s32 s19, $0x2;
	[sflag:s13] =	ssyncadd.s32 $0xFFFFFF80;
	p0 =	sne.s32 s19, $0x9C00  }
0x3b: {  	[spmem:s2] =	stream.indirect.scatter.add.f32 [tilespmem:s15], [sflag:$0x1], $0x1, s20, s14, $0xb8;
	[tilespmem:$0x2B80] =	vst v63  }
.Ltmp0:
0x3c: {  	_ = 	snop;
	(pc) =	sbr.rel @p0 .LBB2_2-.Ltmp0, $4  }
0x3d: {  	_ = 	snop  }
0x3e: {  	s19 =	sadd.s32 $0x200, s19  }
0x3f: {  	_ =	swait.ge [sflag:s13], $0x80  }
0x40: {  	[sflag:s13] =	ssyncset.done $0x0  }
0x41: {  	s18 =	sadd.s32 $0x1, s18  }
0x42: {  	[sflag:s13] =	ssyncadd.s32 $0xFFFFFF80;
	p0 =	sne.s32 s18, s11  }
.Ltmp1:
0x43: {  	[bflag:$0x0] =	sbarrier.arrive $0xFFFF;
	(pc) =	sbr.rel @p0 .LBB2_1-.Ltmp1, $4  }
0x44: {  	[hbm:s10], [sflag:s16] =	dma.local [spmem:s17], $0x50  }
0x45: {  	_ =	swait.ge [sflag:s13], $0x50  }
0x46: {  	[sflag:s13] =	ssyncset.done $0x0  }
0x47: {  	[sflag:s13] =	ssyncadd.s32 $0xFFFFFFB0  }
0x48: {  	_ =	sfence.sel $0x180000  }
0x49: {  	[bflag:$0x0] =	sbarrier.arrive $0xFFFF  }
0x4a: {  	p0 =	sne.s32 s0, $0x0;
	_ =	strace $0x90000047  }
0x4b: {  	s0 =	sadd.s32 @!p0 $0x100000, s1;
	[bflag:$0x2] =	sbarrier.arrive $0xFFFF  }
0x4c: {  	[sflag:s0] =	ssyncadd.tile.s32 @!p0 $0x1;
	_ =	shalt  }
.Lfunc_end2:
_tile_overlayer_lowered:
.L_overlay_start_2:
0x4d: {  	(tag) =	ssettag $0x2  }
0x4e: {  	s0 =	rddreg [dreg:$0x0];
	s2 =	stileid.u32  }
0x4f: {  	s1 =	rddreg [dreg:$0x1];
	p0 =	sne.s32 s2, $0x0  }
0x50: {  	s3 =	rddreg [dreg:$0x2];
	[bflag:$0x3] =	sbarrier.arrive $0xFFFF;
	s2 =	simm.s32 @!p0 $0x1C01  }
0x51: {  	[timem:s3], [sflag:s2] =	dma.local @!p0 [hbm:s0], s1  }
0x52: {  	s0 =	simm.s32 @!p0 $0x1  }
0x53: {  	_ =	swait.ge @!p0 [sflag:s0], s1  }
0x54: {  	s1 =	ssub.s32 @!p0 $0x0, s1;
	[sflag:s0] =	ssyncset.done @!p0 $0x0  }
0x55: {  	[sflag:s0] =	ssyncadd.s32 @!p0 s1  }
0x56: {  	[bflag:$0x3] =	sbarrier.arrive $0xFFFF  }
0x57: {  	_ =	shalt  }

// kernel: kernel.14.cloned.1.call-start
scs
__scs_entry_jumppad:
0x0: {  	(pc) =	sbr.rel $0x88, $3  }
0x1: {  	(tag) =	ssettag $0x0;
	lr =	simm.s32 $0x1  }
0x2: {  	[smem:$0x3F95] =	sst lr;
	_ =	strace $0xD0000000  }
0x3: {  	_ = 	snop  }
0x4: {  	_ = 	snop  }
0x5: {  	_ = 	snop  }
0x6: {  	_ = 	snop  }
0x7: {  	_ = 	snop  }
__scs_overlays_trampoline_lowered:
0x8: {  	[smem:$0x3FA4] =	sst s0  }
0x9: {  	[smem:$0x3FA5] =	sst s1  }
0xa: {  	[smem:$0x3FA6] =	sst s2  }
0xb: {  	[smem:$0x3FA7] =	sst s3  }
0xc: {  	[smem:$0x3FA8] =	sst s4  }
0xd: {  	[smem:$0x3FA9] =	sst s5  }
0xe: {  	[smem:$0x3FAA] =	sst s6  }
0xf: {  	[smem:$0x3FAB] =	sst s7  }
0x10: {  	[smem:$0x3FAC] =	sst s8  }
0x11: {  	[smem:$0x3FAD] =	sst s9;
	s0 =	simm.s32 @!p0 $0x0  }
0x12: {  	s1 =	sld [smem:$0x3F93];
	s0 =	simm.s32 @p0 $0x1  }
0x13: {  	[smem:$0x3FAE] =	sst s0;
	s0 =	simm.s32 @!p1 $0x0  }
0x14: {  	s2 =	sld [smem:$0x3F92];
	s0 =	simm.s32 @p1 $0x1  }
0x15: {  	[smem:$0x3FAF] =	sst s0;
	s0 =	simm.s32 @!p2 $0x0  }
0x16: {  	s3 =	sld [smem:$0x3FDB];
	s0 =	simm.s32 @p2 $0x1  }
0x17: {  	s4 =	simm.s32 $0x1BF5;
	[smem:$0x3FB1] =	sst s0  }
0x18: {  	s0 =	sld [smem:$0x3F94];
	_ =	swait.ge [sflag:s4], $0x0  }
0x19: {  	s7 =	sld [smem:$0x3F95]  }
0x1a: {  	s8 =	sadd.s32 $0xFFFFE003, lr  }
0x1b: {  	s9 =	sadd.s32 $0xFFFFFEF7, lr;
	s5 =	simm.s32 $0xFFFFFFFF;
	p2 =	slt.u32 s8, $0xFFFFF086  }
0x1c: {  	p1 =	slt.u32 s9, $0xF7A;
	s5 =	simm.s32 @!p2 $0x0  }
0x1d: {  	s5 =	simm.s32 @p1 $0x1;
	p0 =	seq.s32 s7, s2  }
0x1e: {  	s7 =	smul.u32 @!p0 $0xF7A, s2;
	p2 =	seq.s32 @!p0 s5, $0x0  }
0x1f: {  	s9 =	smul.u32 $0xF7A, s1;
	s8 =	simm.s32 @!p0 $0x1BF5;
	p2 =	por !p2, p0  }
0x20: {  	[sflag:s8] =	ssyncset.s32 @!p0 $0xFFFFF086;
	s6 =	sadd.s32 @!p0 s3, s7;
	s7 =	simm.s32 @!p0 $0x108  }
0x21: {  	s3 =	sadd.s32 s3, s9;
	s6 =	sadd.s32 @!p0 $0x88, s6;
	s7 =	simm.s32 @p2 $0x1082  }
0x22: {  	[simem:s7], [sflag:s8] =	dma.local @!p0 [hbm:s6], $0xF7A  }
0x23: {  	s9 =	sor.u32 $0xD0000000, s2;
	s6 =	simm.s32 $0x108;
	_ =	swait.ge @!p0 [sflag:s8], $0x0  }
0x24: {  	s3 =	sadd.s32 $0x88, s3;
	s6 =	simm.s32 @!p1 $0x1082;
	[sflag:s4] =	ssyncset.s32 $0xFFFFF086  }
0x25: {  	[simem:s6], [sflag:s4] =	dma.local [hbm:s3], $0xF7A  }
0x26: {  	[smem:$0x3F95] =	sst s1;
	(tag) =	ssettag s2;
	_ =	strace s9  }
0x27: {  	s1 =	sld [smem:$0x3FA5]  }
0x28: {  	s2 =	sld [smem:$0x3FA6]  }
0x29: {  	s4 =	sld [smem:$0x3FA8]  }
0x2a: {  	p0 =	seq.s32 s5, $0x0;
	s5 =	sld [smem:$0x3FA9]  }
0x2b: {  	s6 =	sld [smem:$0x3FAA]  }
0x2c: {  	s7 =	sld [smem:$0x3FAB]  }
0x2d: {  	s3 =	simm.s32 $0x108;
	s8 =	sld [smem:$0x3FAC]  }
0x2e: {  	s3 =	simm.s32 @!p0 $0x1082;
	s9 =	sld [smem:$0x3FAD]  }
0x2f: {  	lr =	sadd.s32 s0, s3;
	s0 =	sld [smem:$0x3FA4]  }
0x30: {  	s3 =	sld [smem:$0x3FA7]  }
0x31: {  	[smem:$0x3FB0] =	sst s10  }
0x32: {  	s10 =	sld [smem:$0x3FAE];
	_ =	sdelay $0x3  }
0x33: {  	p0 =	seq.s32 s10, $0x1;
	s10 =	sld [smem:$0x3FB0];
	_ =	sdelay $0x3  }
0x34: {  	[smem:$0x3FB0] =	sst s10  }
0x35: {  	s10 =	sld [smem:$0x3FAF];
	_ =	sdelay $0x3  }
0x36: {  	p1 =	seq.s32 s10, $0x1;
	s10 =	sld [smem:$0x3FB0];
	_ =	sdelay $0x3  }
0x37: {  	[smem:$0x3FB0] =	sst s10  }
0x38: {  	s10 =	sld [smem:$0x3FB1]  }
0x39: {  	_ = 	snop;
	(pc) =	sbr.ind lr, $3  }
0x3a: {  	_ = 	snop  }
0x3b: {  	_ = 	snop  }
0x3c: {  	p2 =	seq.s32 s10, $0x1;
	s10 =	sld [smem:$0x3FB0]  }
0x3d: {  	_ =	shalt  }
0x3e: {  	_ =	shalt  }
0x3f: {  	_ =	shalt  }
0x40: {  	_ =	shalt  }
0x41: {  	_ =	shalt  }
0x42: {  	_ =	shalt  }
0x43: {  	_ =	shalt  }
0x44: {  	_ =	shalt  }
0x45: {  	_ =	shalt  }
0x46: {  	_ =	shalt  }
0x47: {  	_ =	shalt  }
0x48: {  	_ =	shalt  }
0x49: {  	_ =	shalt  }
0x4a: {  	_ =	shalt  }
0x4b: {  	_ =	shalt  }
0x4c: {  	_ =	shalt  }
0x4d: {  	_ =	shalt  }
0x4e: {  	_ =	shalt  }
0x4f: {  	_ =	shalt  }
0x50: {  	_ =	shalt  }
0x51: {  	_ =	shalt  }
0x52: {  	_ =	shalt  }
0x53: {  	_ =	shalt  }
0x54: {  	_ =	shalt  }
0x55: {  	_ =	shalt  }
0x56: {  	_ =	shalt  }
0x57: {  	_ =	shalt  }
0x58: {  	_ =	shalt  }
0x59: {  	_ =	shalt  }
0x5a: {  	_ =	shalt  }
0x5b: {  	_ =	shalt  }
0x5c: {  	_ =	shalt  }
0x5d: {  	_ =	shalt  }
0x5e: {  	_ =	shalt  }
0x5f: {  	_ =	shalt  }
0x60: {  	_ =	shalt  }
0x61: {  	_ =	shalt  }
0x62: {  	_ =	shalt  }
0x63: {  	_ =	shalt  }
0x64: {  	_ =	shalt  }
0x65: {  	_ =	shalt  }
0x66: {  	_ =	shalt  }
0x67: {  	_ =	shalt  }
0x68: {  	_ =	shalt  }
0x69: {  	_ =	shalt  }
0x6a: {  	_ =	shalt  }
0x6b: {  	_ =	shalt  }
0x6c: {  	_ =	shalt  }
0x6d: {  	_ =	shalt  }
0x6e: {  	_ =	shalt  }
0x6f: {  	_ =	shalt  }
0x70: {  	_ =	shalt  }
0x71: {  	_ =	shalt  }
0x72: {  	_ =	shalt  }
0x73: {  	_ =	shalt  }
0x74: {  	_ =	shalt  }
0x75: {  	_ =	shalt  }
0x76: {  	_ =	shalt  }
0x77: {  	_ =	shalt  }
0x78: {  	_ =	shalt  }
0x79: {  	_ =	shalt  }
0x7a: {  	_ =	shalt  }
0x7b: {  	_ =	shalt  }
0x7c: {  	_ =	shalt  }
0x7d: {  	_ =	shalt  }
0x7e: {  	_ =	shalt  }
0x7f: {  	_ =	shalt  }
0x80: {  	_ =	shalt  }
0x81: {  	_ =	shalt  }
0x82: {  	_ =	shalt  }
0x83: {  	_ =	shalt  }
0x84: {  	_ =	shalt  }
0x85: {  	_ =	shalt  }
0x86: {  	_ =	shalt  }
0x87: {  	_ =	shalt  }
.Lfunc_end0:
.L_simem_size_0:
called_computation.1_lowered:
.L_overlay_start_0:
0x88: {  	s2 =	sld [smem:$0x3FD9]  }
0x89: {  	s3 =	sld [smem:$0x3FFE];
	_ =	sdelay $0x1  }
0x8a: {  	s1 =	srdreg.scid  }
0x8b: {  	s0 =	sand.u32 $0x1, s1  }
0x8c: {  	s17 =	sshll.u32 s0, $0xA;
	s2 =	sadd.s32 s3, s2  }
0x8d: {  	s2 =	sadd.s32 s2, s17  }
0x8e: {  	[smem:$0x3FBC] =	sst s2  }
0x8f: {  	_ = 	snop  }
0x90: {  	s2 =	sld [smem:$0x3FD0];
	(tm) =	ssettm $0x1  }
0x91: {  	s18 =	sld [smem:$0x3FFB];
	_ =	sdelay $0x3  }
0x92: {  	_ =	strace s18  }
0x93: {  	s3 =	sld [smem:$0x3FFC];
	_ =	sdelay $0x3  }
0x94: {  	_ =	strace s3  }
0x95: {  	s3 =	sld [smem:$0x3FFD];
	_ =	sdelay $0x3  }
0x96: {  	_ =	strace s3  }
0x97: {  	_ =	strace $0x8FFFFFFF  }
0x98: {  	s19 =	sld [smem:$0x3FDB];
	_ =	sdelay $0x1  }
0x99: {  	s4 =	simm.s32 $_scs_section_size  }
0x9a: {  	s5 =	simm.s32 $_size__tile_overlayer_lowered;
	s6 =	simm.s32 $_tile_overlayer_lowered  }
0x9b: {  	s22 =	simm.s32 $0x1BFF;
	s21 =	sshll.u32 s6, $0x1;
	s3 =	sadd.s32 s4, s19  }
0x9c: {  	s7 =	simm.s32 $0x0;
	s20 =	sshll.u32 s5, $0x1;
	s5 =	sadd.s32 s21, s3  }
0x9d: {  	[timem:s7], [sflag:s22] =	dma.local [hbm:s5], s20  }
0x9e: {  	_ =	swait.ge [sflag:s22], s20  }
0x9f: {  	s4 =	ssub.s32 $0x0, s20;
	[sflag:s22] =	ssyncset.done $0x0  }
0xa0: {  	[sflag:s22] =	ssyncadd.s32 s4;
	_ =	sdelay $0x1  }
0xa1: {  	s23 =	simm.s32 $0x1B8B  }
0xa2: {  	_ =	swait.ge [sflag:s23], $0x1  }
0xa3: {  	[sflag:s23] =	ssyncset.done $0x0  }
0xa4: {  	s25 =	simm.s32 $0x1B8E;
	s24 =	sld [smem:$0x3FFE];
	[sflag:s23] =	ssyncadd.s32 $0xFFFFFFFF  }
0xa5: {  	s26 =	simm.s32 $execute0_lowered;
	[smem:$0x3FD2] =	sst s25  }
0xa6: {  	s5 =	sshll.u32 s26, $0x1;
	_ =	strace $0x80000049;
	[dreg:$0x1] =	wrdreg $0xFFFFFFFF  }
0xa7: {  	s28 =	simm.s32 $_size_execute0_lowered;
	s3 =	sadd.s32 s3, s5;
	[dreg:$0x0] =	wrdreg $0x0  }
0xa8: {  	s5 =	sshll.u32 s28, $0x1;
	[dreg:$0x2] =	wrdreg s3  }
0xa9: {  	[dreg:$0x3] =	wrdreg s5  }
0xaa: {  	[dreg:$0x4] =	wrdreg $0xC0  }
0xab: {  	_ =	task [dreg:s7], $0x5FFFF  }
0xac: {  	[dreg:$0x1] =	wrdreg $0xFFFFFFFF  }
0xad: {  	[dreg:$0x0] =	wrdreg $0x60  }
0xae: {  	[dreg:$0x2] =	wrdreg s2  }
0xaf: {  	[dreg:$0x3] =	wrdreg s24  }
0xb0: {  	[dreg:$0x4] =	wrdreg $0xB8000  }
0xb1: {  	[dreg:$0x5] =	wrdreg $0x9  }
0xb2: {  	_ =	task.clear_ibuf [dreg:s7], $0x6FFFF;
	_ =	strace $0x90000049  }
0xb3: {  	s29 =	simm.s32 $0x9;
	_ =	strace $0x8000004B  }
0xb4: {  	_ =	swait.ge [sflag:s29], $0x1  }
0xb5: {  	[sflag:s29] =	ssyncadd.s32 $0xFFFFFFFF  }
0xb6: {  	_ =	strace $0x9000004B  }
0xb7: {  	_ =	sfence  }
0xb8: {  	s30 =	sld [smem:$0x0];
	_ =	sdelay $0x2  }
0xb9: {  	s31 =	sshll.u32 s1, $0xD;
	s1 =	sshrl.u32 s1, $0x2  }
0xba: {  	s3 =	sand.u32 $0x4000, s31;
	s1 =	sadd.s32 s1, s30  }
0xbb: {  	s0 =	sor.u32 s3, s0;
	s1 =	sshll.u32 s1, $0x11  }
0xbc: {  	s0 =	sor.u32 s1, s0  }
0xbd: {  	s0 =	sadd.s32 $0x8F2B, s0  }
0xbe: {  	[sflag:s0] =	ssyncadd.remote.s32 $0x1  }
0xbf: {  	_ =	sfence.sel $0xFFFF  }
0xc0: {  	[dreg:$0x0] =	wrdreg $0xFFFFFFFF;
	(pc) =	sbr.abs _section_cstart, $3  }
0xc1: {  	[dreg:$0x1] =	wrdreg $0xFFFFFFFF  }
0xc2: {  	_ =	task.clear_ibuf [dreg:s7], $0x2FFFF;
	_ =	strace $0x9FFFFFFF  }
0xc3: {  	(tm) =	ssettm $0x7FFFFFFF  }
tec
execute0_lowered:
.L_overlay_start_1:
0x0: {  	(tag) =	ssettag $0x1  }
0x1: {  	s1 =	rddreg [dreg:$0x0]  }
0x2: {  	s0 =	rddreg [dreg:$0x1]  }
0x3: {  	s3 =	rddreg [dreg:$0x2];
	s2 =	srdreg.scid  }
0x4: {  	s8 =	stileid.u32;
	s4 =	simm.s32 $0x0;
	s2 =	sand.u32 $0x1, s2  }
0x5: {  	s6 =	smul.u32 $0x14000, s8;
	s7 =	sshll.u32 s8, $0x1;
	[smem:$0x7FF] =	sst s4  }
0x6: {  	s12 =	sadd.s32 $0xE000, s0;
	s8 =	smul.u32 $0x50000, s8;
	s9 =	sadd.s32 $0x4000, s0  }
0x7: {  	s5 =	smul.u32 $0x140000, s2;
	s7 =	sor.u32 s2, s7;
	s2 =	ssub.s32 $0x2, s2  }
0x8: {  	_ =	strace $0x8000004A;
	s11 =	smul.u32 $0x2800, s7;
	s13 =	sshrl.u32 s2, $0x1  }
0x9: {  	s14 =	sshrl.u32 s8, $0x2;
	s7 =	simm.s32 $0x2800;
	s8 =	simm.s32 $0x6800  }
0xa: {  	s5 =	sadd.s32 s6, s5;
	s2 =	ssub.s32 s2, s13;
	s6 =	sadd.s32 s14, s3  }
0xb: {  	s13 =	simm.s32 $0x0;
	s5 =	sshrl.u32 s5, $0x3;
	s17 =	sadd.s32 $0x1000, s6  }
0xc: {  	s10 =	sshrl.u32 s11, $0x3;
	s18 =	sadd.s32 $0x2000, s6;
	[dreg:$0x6] =	wrdreg s17  }
0xd: {  	s19 =	sadd.s32 $0x3000, s6;
	s20 =	sadd.s32 $0x4000, s6;
	[dreg:$0x7] =	wrdreg s18  }
0xe: {  	s21 =	sadd.s32 $0x5000, s6;
	s22 =	sadd.s32 $0x6000, s6;
	[dreg:$0x8] =	wrdreg s19  }
0xf: {  	s23 =	sadd.s32 $0x7000, s6;
	s24 =	sadd.s32 $0x8000, s6;
	[dreg:$0x9] =	wrdreg s20  }
0x10: {  	s25 =	sadd.s32 $0x9000, s6;
	s28 =	sadd.s32 $0x10000, s6;
	[dreg:$0xa] =	wrdreg s21  }
0x11: {  	s29 =	sadd.s32 $0x11000, s6;
	s30 =	sadd.s32 $0x12000, s6;
	[dreg:$0xb] =	wrdreg s22  }
0x12: {  	s31 =	sadd.s32 $0x13000, s6;
	s11 =	simm.s32 $0x2;
	[dreg:$0xc] =	wrdreg s23  }
0x13: {  	s0 =	sadd.s32 s5, s0;
	s15 =	sadd.s32 s12, s10;
	[dreg:$0xd] =	wrdreg s24  }
0x14: {  	s16 =	sadd.s32 s9, s10;
	[dreg:$0xe] =	wrdreg s25;
	s17 =	sadd.s32 $0xA000, s6  }
0x15: {  	s18 =	sadd.s32 $0xB000, s6;
	s19 =	sadd.s32 $0xC000, s6;
	s20 =	sadd.s32 $0xD000, s6  }
0x16: {  	s26 =	sadd.s32 $0x280, s10;
	s23 =	sadd.s32 $0xE000, s6;
	s25 =	smax.u32 s2, $0x1  }
0x17: {  	s2 =	simm.s32 $0x1400;
	s5 =	simm.s32 $0x80;
	[dreg:$0x4] =	wrdreg s15  }
0x18: {  	s10 =	simm.s32 $0x1;
	[dreg:$0x5] =	wrdreg s16;
	s21 =	sadd.s32 s12, s26  }
0x19: {  	s22 =	sadd.s32 s9, s26;
	s24 =	sadd.s32 $0x18000, s0;
	s26 =	sadd.s32 $0xF000, s6  }
0x1a: {  	v0 =	vimm.f32 $0.0e+00;
	s0 =	simm.s32 $0x3;
	s9 =	simm.s32 $0xA800;
	s12 =	simm.s32 $0x2700  }
.LBB2_1:
0x1b: {  	s14 =	rddreg [dreg:$0x4]  }
0x1c: {  	[tilespmem:s4], [sflag:$0x3] =	stream.linear.gather [hbm4b:s14+s4], $0x1400, $0x38;
	[tilespmem:$0x1F800] =	vst v63  }
0x1d: {  	_ =	swait.ge [sflag:s0], $0x1400  }
0x1e: {  	[sflag:s0] =	ssyncset.done $0x0  }
0x1f: {  	s16 =	rddreg [dreg:$0x5];
	[sflag:s0] =	ssyncadd.s32 $0xFFFFEC00  }
0x20: {  	[tilespmem:s2], [sflag:$0x3] =	stream.linear.gather [hbm4b:s16+s4], $0x1400, $0x38;
	[tilespmem:$0x1F800] =	vst v63  }
0x21: {  	_ =	swait.ge [sflag:s0], $0x1400  }
0x22: {  	[sflag:s0] =	ssyncset.done $0x0  }
0x23: {  	[sflag:s0] =	ssyncadd.s32 $0xFFFFEC00  }
0x24: {  	[tilespmem:s7], [sflag:$0x1] =	stream.indirect.gather [hbm4b:s1+s5], $0x80, s4, s5, $0xb8;
	[tilespmem:$0x1F800] =	vst v63  }
0x25: {  	s15 =	simm.s32 $0x200;
	s14 =	simm.s32 $0x0  }
0x26: {  	[tilespmem:s8], [sflag:$0x2] =	stream.indirect.gather [hbm4b:s1+s5], $0x80, s5, s5, $0xb8;
	[tilespmem:$0x1F800] =	vst v63  }
.LBB2_2:
0x27: {  	p0 =	sne.s32 s15, $0x3E00;
	[tilespmem:s14+$0xA870] =	vst v0  }
0x28: {  	[tilespmem:s14+$0xA800] =	vst v0  }
0x29: {  	[tilespmem:s14+$0xA810] =	vst v0  }
.Ltmp0:
0x2a: {  	[tilespmem:s14+$0xA820] =	vst v0;
	(pc) =	sbr.rel @p0 .LBB2_2-.Ltmp0, $4  }
0x2b: {  	[tilespmem:s14+$0xA830] =	vst v0  }
0x2c: {  	[tilespmem:s14+$0xA840] =	vst v0  }
0x2d: {  	[tilespmem:s14+$0xA850] =	vst v0  }
0x2e: {  	[tilespmem:s14+$0xA860] =	vst v0;
	s14 =	sshra.s32 s15, $0x2;
	s15 =	sadd.s32 $0x200, s15  }
0x2f: {  	[tilespmem:s14+$0xA870] =	vst v0  }
0x30: {  	[tilespmem:s14+$0xA800] =	vst v0  }
0x31: {  	[tilespmem:s14+$0xA810] =	vst v0  }
0x32: {  	[tilespmem:s14+$0xA820] =	vst v0  }
0x33: {  	[tilespmem:s14+$0xA830] =	vst v0  }
0x34: {  	[tilespmem:s14+$0xA840] =	vst v0  }
0x35: {  	[tilespmem:s14+$0xA850] =	vst v0  }
0x36: {  	[tilespmem:s14+$0xA860] =	vst v0  }
0x37: {  	[spmem:s6] =	stream.linear.scatter [tilespmem:s9], [sflag:$0x3], $0x1000, $0x38;
	[tilespmem:$0x1F800] =	vst v63  }
0x38: {  	_ =	swait.ge [sflag:s0], $0x1000  }
0x39: {  	[sflag:s0] =	ssyncset.done $0x0  }
0x3a: {  	s15 =	rddreg [dreg:$0x6];
	[sflag:s0] =	ssyncadd.s32 $0xFFFFF000  }
0x3b: {  	[spmem:s15] =	stream.linear.scatter [tilespmem:s9], [sflag:$0x3], $0x1000, $0x38;
	[tilespmem:$0x1F800] =	vst v63  }
0x3c: {  	_ =	swait.ge [sflag:s0], $0x1000  }
0x3d: {  	[sflag:s0] =	ssyncset.done $0x0  }
0x3e: {  	s16 =	rddreg [dreg:$0x7];
	[sflag:s0] =	ssyncadd.s32 $0xFFFFF000  }
0x3f: {  	[spmem:s16] =	stream.linear.scatter [tilespmem:s9], [sflag:$0x3], $0x1000, $0x38;
	[tilespmem:$0x1F800] =	vst v63  }
0x40: {  	_ =	swait.ge [sflag:s0], $0x1000  }
0x41: {  	[sflag:s0] =	ssyncset.done $0x0  }
0x42: {  	s15 =	rddreg [dreg:$0x8];
	[sflag:s0] =	ssyncadd.s32 $0xFFFFF000  }
0x43: {  	[spmem:s15] =	stream.linear.scatter [tilespmem:s9], [sflag:$0x3], $0x1000, $0x38;
	[tilespmem:$0x1F800] =	vst v63  }
0x44: {  	_ =	swait.ge [sflag:s0], $0x1000  }
0x45: {  	[sflag:s0] =	ssyncset.done $0x0  }
0x46: {  	s16 =	rddreg [dreg:$0x9];
	[sflag:s0] =	ssyncadd.s32 $0xFFFFF000  }
0x47: {  	[spmem:s16] =	stream.linear.scatter [tilespmem:s9], [sflag:$0x3], $0x1000, $0x38;
	[tilespmem:$0x1F800] =	vst v63  }
0x48: {  	_ =	swait.ge [sflag:s0], $0x1000  }
0x49: {  	[sflag:s0] =	ssyncset.done $0x0  }
0x4a: {  	s15 =	rddreg [dreg:$0xa];
	[sflag:s0] =	ssyncadd.s32 $0xFFFFF000  }
0x4b: {  	[spmem:s15] =	stream.linear.scatter [tilespmem:s9], [sflag:$0x3], $0x1000, $0x38;
	[tilespmem:$0x1F800] =	vst v63  }
0x4c: {  	_ =	swait.ge [sflag:s0], $0x1000  }
0x4d: {  	[sflag:s0] =	ssyncset.done $0x0  }
0x4e: {  	s16 =	rddreg [dreg:$0xb];
	[sflag:s0] =	ssyncadd.s32 $0xFFFFF000  }
0x4f: {  	[spmem:s16] =	stream.linear.scatter [tilespmem:s9], [sflag:$0x3], $0x1000, $0x38;
	[tilespmem:$0x1F800] =	vst v63  }
0x50: {  	_ =	swait.ge [sflag:s0], $0x1000  }
0x51: {  	[sflag:s0] =	ssyncset.done $0x0  }
0x52: {  	s15 =	rddreg [dreg:$0xc];
	[sflag:s0] =	ssyncadd.s32 $0xFFFFF000  }
0x53: {  	[spmem:s15] =	stream.linear.scatter [tilespmem:s9], [sflag:$0x3], $0x1000, $0x38;
	[tilespmem:$0x1F800] =	vst v63  }
0x54: {  	_ =	swait.ge [sflag:s0], $0x1000  }
0x55: {  	[sflag:s0] =	ssyncset.done $0x0  }
0x56: {  	s16 =	rddreg [dreg:$0xd];
	[sflag:s0] =	ssyncadd.s32 $0xFFFFF000  }
0x57: {  	[spmem:s16] =	stream.linear.scatter [tilespmem:s9], [sflag:$0x3], $0x1000, $0x38;
	[tilespmem:$0x1F800] =	vst v63  }
0x58: {  	_ =	swait.ge [sflag:s0], $0x1000  }
0x59: {  	[sflag:s0] =	ssyncset.done $0x0  }
0x5a: {  	s15 =	rddreg [dreg:$0xe];
	[sflag:s0] =	ssyncadd.s32 $0xFFFFF000  }
0x5b: {  	[spmem:s15] =	stream.linear.scatter [tilespmem:s9], [sflag:$0x3], $0x1000, $0x38;
	[tilespmem:$0x1F800] =	vst v63  }
0x5c: {  	_ =	swait.ge [sflag:s0], $0x1000  }
0x5d: {  	[sflag:s0] =	ssyncset.done $0x0  }
0x5e: {  	[sflag:s0] =	ssyncadd.s32 $0xFFFFF000  }
0x5f: {  	[spmem:s17] =	stream.linear.scatter [tilespmem:s9], [sflag:$0x3], $0x1000, $0x38;
	[tilespmem:$0x1F800] =	vst v63  }
0x60: {  	_ =	swait.ge [sflag:s0], $0x1000  }
0x61: {  	[sflag:s0] =	ssyncset.done $0x0  }
0x62: {  	[sflag:s0] =	ssyncadd.s32 $0xFFFFF000  }
0x63: {  	[spmem:s18] =	stream.linear.scatter [tilespmem:s9], [sflag:$0x3], $0x1000, $0x38;
	[tilespmem:$0x1F800] =	vst v63  }
0x64: {  	_ =	swait.ge [sflag:s0], $0x1000  }
0x65: {  	[sflag:s0] =	ssyncset.done $0x0  }
0x66: {  	[sflag:s0] =	ssyncadd.s32 $0xFFFFF000  }
0x67: {  	[spmem:s19] =	stream.linear.scatter [tilespmem:s9], [sflag:$0x3], $0x1000, $0x38;
	[tilespmem:$0x1F800] =	vst v63  }
0x68: {  	_ =	swait.ge [sflag:s0], $0x1000  }
0x69: {  	[sflag:s0] =	ssyncset.done $0x0  }
0x6a: {  	[sflag:s0] =	ssyncadd.s32 $0xFFFFF000  }
0x6b: {  	[spmem:s20] =	stream.linear.scatter [tilespmem:s9], [sflag:$0x3], $0x1000, $0x38;
	[tilespmem:$0x1F800] =	vst v63  }
0x6c: {  	_ =	swait.ge [sflag:s0], $0x1000  }
0x6d: {  	[sflag:s0] =	ssyncset.done $0x0  }
0x6e: {  	[sflag:s0] =	ssyncadd.s32 $0xFFFFF000  }
0x6f: {  	[spmem:s23] =	stream.linear.scatter [tilespmem:s9], [sflag:$0x3], $0x1000, $0x38;
	[tilespmem:$0x1F800] =	vst v63  }
0x70: {  	_ =	swait.ge [sflag:s0], $0x1000  }
0x71: {  	[sflag:s0] =	ssyncset.done $0x0  }
0x72: {  	[sflag:s0] =	ssyncadd.s32 $0xFFFFF000  }
0x73: {  	[spmem:s26] =	stream.linear.scatter [tilespmem:s9], [sflag:$0x3], $0x1000, $0x38;
	[tilespmem:$0x1F800] =	vst v63  }
0x74: {  	_ =	swait.ge [sflag:s0], $0x1000  }
0x75: {  	[sflag:s0] =	ssyncset.done $0x0  }
0x76: {  	[sflag:s0] =	ssyncadd.s32 $0xFFFFF000  }
0x77: {  	[spmem:s28] =	stream.linear.scatter [tilespmem:s9], [sflag:$0x3], $0x1000, $0x38;
	[tilespmem:$0x1F800] =	vst v63  }
0x78: {  	_ =	swait.ge [sflag:s0], $0x1000  }
0x79: {  	[sflag:s0] =	ssyncset.done $0x0  }
0x7a: {  	[sflag:s0] =	ssyncadd.s32 $0xFFFFF000  }
0x7b: {  	[spmem:s29] =	stream.linear.scatter [tilespmem:s9], [sflag:$0x3], $0x1000, $0x38;
	[tilespmem:$0x1F800] =	vst v63  }
0x7c: {  	_ =	swait.ge [sflag:s0], $0x1000  }
0x7d: {  	[sflag:s0] =	ssyncset.done $0x0  }
0x7e: {  	[sflag:s0] =	ssyncadd.s32 $0xFFFFF000  }
0x7f: {  	[spmem:s30] =	stream.linear.scatter [tilespmem:s9], [sflag:$0x3], $0x1000, $0x38;
	[tilespmem:$0x1F800] =	vst v63  }
0x80: {  	_ =	swait.ge [sflag:s0], $0x1000  }
0x81: {  	[sflag:s0] =	ssyncset.done $0x0  }
0x82: {  	[sflag:s0] =	ssyncadd.s32 $0xFFFFF000  }
0x83: {  	[spmem:s31] =	stream.linear.scatter [tilespmem:s9], [sflag:$0x3], $0x1000, $0x38;
	[tilespmem:$0x1F800] =	vst v63  }
0x84: {  	_ =	swait.ge [sflag:s0], $0x1000  }
0x85: {  	[sflag:s0] =	ssyncset.done $0x0  }
0x86: {  	[sflag:s0] =	ssyncadd.s32 $0xFFFFF000  }
0x87: {  	[bflag:$0x0] =	sbarrier.arrive $0xFFFF  }
0x88: {  	_ =	swait.ge [sflag:s10], $0x4000  }
0x89: {  	[sflag:s10] =	ssyncset.done $0x0  }
0x8a: {  	s16 =	simm.s32 $0x1400;
	[sflag:s10] =	ssyncadd.s32 $0xFFFFC000  }
0x8b: {  	[spmem:s3] =	stream.indirect.scatter.add.f32 [tilespmem:s7], [sflag:$0x3], $0x80, s16, s5, $0xb8;
	[tilespmem:$0x1F800] =	vst v63  }
0x8c: {  	_ =	swait.ge [sflag:s0], $0x4000  }
0x8d: {  	[sflag:s0] =	ssyncset.done $0x0  }
0x8e: {  	s15 =	simm.s32 $0x100;
	[sflag:s0] =	ssyncadd.s32 $0xFFFFC000  }
0x8f: {  	[tilespmem:s7], [sflag:$0x1] =	stream.indirect.gather [hbm4b:s1+s5], $0x80, s15, s5, $0xb8;
	[tilespmem:$0x1F800] =	vst v63  }
0x90: {  	_ =	swait.ge [sflag:s11], $0x4000  }
0x91: {  	[sflag:s11] =	ssyncset.done $0x0  }
0x92: {  	s16 =	simm.s32 $0x1480;
	[sflag:s11] =	ssyncadd.s32 $0xFFFFC000  }
0x93: {  	[spmem:s3] =	stream.indirect.scatter.add.f32 [tilespmem:s8], [sflag:$0x3], $0x80, s16, s5, $0xb8;
	[tilespmem:$0x1F800] =	vst v63  }
0x94: {  	_ =	swait.ge [sflag:s0], $0x4000  }
0x95: {  	[sflag:s0] =	ssyncset.done $0x0  }
0x96: {  	s14 =	simm.s32 $0x400;
	s15 =	simm.s32 $0x180;
	[sflag:s0] =	ssyncadd.s32 $0xFFFFC000  }
.LBB2_4:
0x97: {  	[tilespmem:s8], [sflag:$0x2] =	stream.indirect.gather [hbm4b:s1+s5], $0x80, s15, s5, $0xb8;
	[tilespmem:$0x1F800] =	vst v63  }
0x98: {  	s15 =	smov.u32 s14  }
0x99: {  	p0 =	sne.s32 s14, $0x4800;
	s14 =	sadd.s32 $0x400, s14;
	_ =	swait.ge [sflag:s10], $0x4000  }
0x9a: {  	s15 =	sshra.s32 s15, $0x2;
	[sflag:s10] =	ssyncset.done $0x0  }
0x9b: {  	s16 =	sadd.s32 $0x1400, s15;
	[sflag:s10] =	ssyncadd.s32 $0xFFFFC000  }
0x9c: {  	[spmem:s3] =	stream.indirect.scatter.add.f32 [tilespmem:s7], [sflag:$0x3], $0x80, s16, s5, $0xb8;
	[tilespmem:$0x1F800] =	vst v63  }
0x9d: {  	_ =	swait.ge [sflag:s0], $0x4000  }
0x9e: {  	[sflag:s0] =	ssyncset.done $0x0  }
0x9f: {  	s16 =	sadd.s32 $0x100, s15;
	[sflag:s0] =	ssyncadd.s32 $0xFFFFC000  }
0xa0: {  	[tilespmem:s7], [sflag:$0x1] =	stream.indirect.gather [hbm4b:s1+s5], $0x80, s16, s5, $0xb8;
	[tilespmem:$0x1F800] =	vst v63  }
0xa1: {  	_ =	swait.ge [sflag:s11], $0x4000  }
0xa2: {  	[sflag:s11] =	ssyncset.done $0x0  }
.Ltmp1:
0xa3: {  	s16 =	sadd.s32 $0x1480, s15;
	[sflag:s11] =	ssyncadd.s32 $0xFFFFC000;
	(pc) =	sbr.rel @p0 .LBB2_4-.Ltmp1, $4  }
0xa4: {  	[spmem:s3] =	stream.indirect.scatter.add.f32 [tilespmem:s8], [sflag:$0x3], $0x80, s16, s5, $0xb8;
	[tilespmem:$0x1F800] =	vst v63  }
0xa5: {  	_ =	swait.ge [sflag:s0], $0x4000  }
0xa6: {  	[sflag:s0] =	ssyncset.done $0x0  }
0xa7: {  	s15 =	sadd.s32 $0x180, s15;
	[sflag:s0] =	ssyncadd.s32 $0xFFFFC000  }
0xa8: {  	[tilespmem:s8], [sflag:$0x2] =	stream.indirect.gather [hbm4b:s1+s5], $0x80, s15, s5, $0xb8;
	[tilespmem:$0x1F800] =	vst v63  }
0xa9: {  	_ =	swait.ge [sflag:s10], $0x4000  }
0xaa: {  	[sflag:s10] =	ssyncset.done $0x0  }
0xab: {  	[sflag:s10] =	ssyncadd.s32 $0xFFFFC000  }
0xac: {  	[spmem:s3] =	stream.indirect.scatter.add.f32 [tilespmem:s7], [sflag:$0x3], $0x80, s12, s5, $0xb8;
	[tilespmem:$0x1F800] =	vst v63  }
0xad: {  	_ =	swait.ge [sflag:s0], $0x4000  }
0xae: {  	[sflag:s0] =	ssyncset.done $0x0  }
0xaf: {  	[sflag:s0] =	ssyncadd.s32 $0xFFFFC000  }
0xb0: {  	_ =	swait.ge [sflag:s11], $0x4000  }
0xb1: {  	[sflag:s11] =	ssyncset.done $0x0  }
0xb2: {  	s14 =	simm.s32 $0x2780;
	[sflag:s11] =	ssyncadd.s32 $0xFFFFC000  }
0xb3: {  	[spmem:s3] =	stream.indirect.scatter.add.f32 [tilespmem:s8], [sflag:$0x3], $0x80, s14, s5, $0xb8;
	[tilespmem:$0x1F800] =	vst v63  }
0xb4: {  	_ =	swait.ge [sflag:s0], $0x4000  }
0xb5: {  	[sflag:s0] =	ssyncset.done $0x0  }
0xb6: {  	s15 =	simm.s32 $0x0;
	[sflag:s0] =	ssyncadd.s32 $0xFFFFC000  }
0xb7: {  	[tilespmem:s15], [sflag:$0x3] =	stream.linear.gather [hbm4b:s21+s15], $0x1380, $0x38;
	[tilespmem:$0x1F800] =	vst v63  }
0xb8: {  	_ =	swait.ge [sflag:s0], $0x1380  }
0xb9: {  	[sflag:s0] =	ssyncset.done $0x0  }
0xba: {  	[sflag:s0] =	ssyncadd.s32 $0xFFFFEC80  }
0xbb: {  	[tilespmem:s2], [sflag:$0x3] =	stream.linear.gather [hbm4b:s22+s15], $0x1380, $0x38;
	[tilespmem:$0x1F800] =	vst v63  }
0xbc: {  	_ =	swait.ge [sflag:s0], $0x1380  }
0xbd: {  	[sflag:s0] =	ssyncset.done $0x0  }
0xbe: {  	[sflag:s0] =	ssyncadd.s32 $0xFFFFEC80  }
0xbf: {  	[tilespmem:s7], [sflag:$0x1] =	stream.indirect.gather [hbm4b:s1+s5], $0x80, s15, s5, $0xb8;
	[tilespmem:$0x1F800] =	vst v63  }
0xc0: {  	_ = 	snop  }
0xc1: {  	[tilespmem:s8], [sflag:$0x2] =	stream.indirect.gather [hbm4b:s1+s5], $0x80, s5, s5, $0xb8;
	[tilespmem:$0x1F800] =	vst v63  }
0xc2: {  	_ =	swait.ge [sflag:s10], $0x4000  }
0xc3: {  	[sflag:s10] =	ssyncset.done $0x0  }
0xc4: {  	s16 =	simm.s32 $0x1400;
	[sflag:s10] =	ssyncadd.s32 $0xFFFFC000  }
0xc5: {  	[spmem:s3] =	stream.indirect.scatter.add.f32 [tilespmem:s7], [sflag:$0x3], $0x80, s16, s5, $0xb8;
	[tilespmem:$0x1F800] =	vst v63  }
0xc6: {  	_ =	swait.ge [sflag:s0], $0x4000  }
0xc7: {  	[sflag:s0] =	ssyncset.done $0x0  }
0xc8: {  	s15 =	simm.s32 $0x100;
	[sflag:s0] =	ssyncadd.s32 $0xFFFFC000  }
0xc9: {  	[tilespmem:s7], [sflag:$0x1] =	stream.indirect.gather [hbm4b:s1+s5], $0x80, s15, s5, $0xb8;
	[tilespmem:$0x1F800] =	vst v63  }
0xca: {  	_ =	swait.ge [sflag:s11], $0x4000  }
0xcb: {  	[sflag:s11] =	ssyncset.done $0x0  }
0xcc: {  	s16 =	simm.s32 $0x1480;
	[sflag:s11] =	ssyncadd.s32 $0xFFFFC000  }
0xcd: {  	[spmem:s3] =	stream.indirect.scatter.add.f32 [tilespmem:s8], [sflag:$0x3], $0x80, s16, s5, $0xb8;
	[tilespmem:$0x1F800] =	vst v63  }
0xce: {  	_ =	swait.ge [sflag:s0], $0x4000  }
0xcf: {  	[sflag:s0] =	ssyncset.done $0x0  }
0xd0: {  	s14 =	simm.s32 $0x400;
	s15 =	simm.s32 $0x180;
	[sflag:s0] =	ssyncadd.s32 $0xFFFFC000  }
.LBB2_6:
0xd1: {  	[tilespmem:s8], [sflag:$0x2] =	stream.indirect.gather [hbm4b:s1+s5], $0x80, s15, s5, $0xb8;
	[tilespmem:$0x1F800] =	vst v63  }
0xd2: {  	s15 =	smov.u32 s14  }
0xd3: {  	p0 =	sne.s32 s14, $0x4400;
	s14 =	sadd.s32 $0x400, s14;
	_ =	swait.ge [sflag:s10], $0x4000  }
0xd4: {  	s15 =	sshra.s32 s15, $0x2;
	[sflag:s10] =	ssyncset.done $0x0  }
0xd5: {  	s16 =	sadd.s32 $0x1400, s15;
	[sflag:s10] =	ssyncadd.s32 $0xFFFFC000  }
0xd6: {  	[spmem:s3] =	stream.indirect.scatter.add.f32 [tilespmem:s7], [sflag:$0x3], $0x80, s16, s5, $0xb8;
	[tilespmem:$0x1F800] =	vst v63  }
0xd7: {  	_ =	swait.ge [sflag:s0], $0x4000  }
0xd8: {  	[sflag:s0] =	ssyncset.done $0x0  }
0xd9: {  	s16 =	sadd.s32 $0x100, s15;
	[sflag:s0] =	ssyncadd.s32 $0xFFFFC000  }
0xda: {  	[tilespmem:s7], [sflag:$0x1] =	stream.indirect.gather [hbm4b:s1+s5], $0x80, s16, s5, $0xb8;
	[tilespmem:$0x1F800] =	vst v63  }
0xdb: {  	_ =	swait.ge [sflag:s11], $0x4000  }
0xdc: {  	[sflag:s11] =	ssyncset.done $0x0  }
.Ltmp2:
0xdd: {  	s16 =	sadd.s32 $0x1480, s15;
	[sflag:s11] =	ssyncadd.s32 $0xFFFFC000;
	(pc) =	sbr.rel @p0 .LBB2_6-.Ltmp2, $4  }
0xde: {  	[spmem:s3] =	stream.indirect.scatter.add.f32 [tilespmem:s8], [sflag:$0x3], $0x80, s16, s5, $0xb8;
	[tilespmem:$0x1F800] =	vst v63  }
0xdf: {  	_ =	swait.ge [sflag:s0], $0x4000  }
0xe0: {  	[sflag:s0] =	ssyncset.done $0x0  }
0xe1: {  	s15 =	sadd.s32 $0x180, s15;
	[sflag:s0] =	ssyncadd.s32 $0xFFFFC000  }
0xe2: {  	[tilespmem:s8], [sflag:$0x2] =	stream.indirect.gather [hbm4b:s1+s5], $0x80, s15, s5, $0xb8;
	[tilespmem:$0x1F800] =	vst v63  }
0xe3: {  	_ =	swait.ge [sflag:s10], $0x4000  }
0xe4: {  	[sflag:s10] =	ssyncset.done $0x0  }
0xe5: {  	s14 =	simm.s32 $0x2600;
	[sflag:s10] =	ssyncadd.s32 $0xFFFFC000  }
0xe6: {  	[spmem:s3] =	stream.indirect.scatter.add.f32 [tilespmem:s7], [sflag:$0x3], $0x80, s14, s5, $0xb8;
	[tilespmem:$0x1F800] =	vst v63  }
0xe7: {  	_ =	swait.ge [sflag:s0], $0x4000  }
0xe8: {  	[sflag:s0] =	ssyncset.done $0x0  }
0xe9: {  	s15 =	simm.s32 $0x1300;
	[sflag:s0] =	ssyncadd.s32 $0xFFFFC000  }
0xea: {  	[tilespmem:s7], [sflag:$0x1] =	stream.indirect.gather [hbm4b:s1+s5], $0x80, s15, s5, $0xb8;
	[tilespmem:$0x1F800] =	vst v63  }
0xeb: {  	_ =	swait.ge [sflag:s11], $0x4000  }
0xec: {  	[sflag:s11] =	ssyncset.done $0x0  }
0xed: {  	s16 =	simm.s32 $0x2680;
	[sflag:s11] =	ssyncadd.s32 $0xFFFFC000  }
0xee: {  	[spmem:s3] =	stream.indirect.scatter.add.f32 [tilespmem:s8], [sflag:$0x3], $0x80, s16, s5, $0xb8;
	[tilespmem:$0x1F800] =	vst v63  }
0xef: {  	_ =	swait.ge [sflag:s0], $0x4000  }
0xf0: {  	[sflag:s0] =	ssyncset.done $0x0  }
0xf1: {  	[sflag:s0] =	ssyncadd.s32 $0xFFFFC000  }
0xf2: {  	_ =	swait.ge [sflag:s10], $0x4000  }
0xf3: {  	[sflag:s10] =	ssyncset.done $0x0  }
0xf4: {  	[sflag:s10] =	ssyncadd.s32 $0xFFFFC000  }
0xf5: {  	[spmem:s3] =	stream.indirect.scatter.add.f32 [tilespmem:s7], [sflag:$0x3], $0x80, s12, s5, $0xb8;
	[tilespmem:$0x1F800] =	vst v63  }
0xf6: {  	s15 =	stileid.u32;
	_ =	swait.ge [sflag:s0], $0x4000  }
0xf7: {  	s13 =	sadd.s32 $0x1, s13;
	s14 =	sshll.u32 s15, $0x6;
	[sflag:s0] =	ssyncset.done $0x0  }
0xf8: {  	p0 =	sne.s32 s13, s25;
	s14 =	sor.u32 $0x1C03, s14;
	[sflag:s0] =	ssyncadd.s32 $0xFFFFC000  }
.Ltmp3:
0xf9: {  	s16 =	sshrl.u32 s6, $0x3;
	[bflag:$0x0] =	sbarrier.arrive $0xFFFF;
	(pc) =	sbr.rel @p0 .LBB2_1-.Ltmp3, $4  }
0xfa: {  	[hbm:s24], [sflag:s14] =	dma.local [spmem:s16], $0x2800  }
0xfb: {  	_ =	swait.ge [sflag:s0], $0x2800  }
0xfc: {  	[sflag:s0] =	ssyncset.done $0x0  }
0xfd: {  	[sflag:s0] =	ssyncadd.s32 $0xFFFFD800  }
0xfe: {  	_ =	sfence.sel $0x180000  }
0xff: {  	[bflag:$0x0] =	sbarrier.arrive $0xFFFF  }
0x100: {  	_ =	strace $0x9000004A  }
0x101: {  	s0 =	stileid.u32;
	[bflag:$0x2] =	sbarrier.arrive $0xFFFF  }
0x102: {  	p0 =	sne.s32 s0, $0x0;
	s0 =	rddreg [dreg:$0x3]  }
0x103: {  	s0 =	sadd.s32 @!p0 $0x100000, s0  }
0x104: {  	[sflag:s0] =	ssyncadd.tile.s32 @!p0 $0x1;
	_ =	shalt  }
.Lfunc_end2:
_tile_overlayer_lowered:
.L_overlay_start_2:
0x105: {  	(tag) =	ssettag $0x2  }
0x106: {  	s0 =	rddreg [dreg:$0x0];
	s2 =	stileid.u32  }
0x107: {  	s1 =	rddreg [dreg:$0x1];
	p0 =	sne.s32 s2, $0x0  }
0x108: {  	s3 =	rddreg [dreg:$0x2];
	[bflag:$0x3] =	sbarrier.arrive $0xFFFF;
	s2 =	simm.s32 @!p0 $0x1C03  }
0x109: {  	[timem:s3], [sflag:s2] =	dma.local @!p0 [hbm:s0], s1  }
0x10a: {  	s0 =	simm.s32 @!p0 $0x3  }
0x10b: {  	_ =	swait.ge @!p0 [sflag:s0], s1  }
0x10c: {  	s1 =	ssub.s32 @!p0 $0x0, s1;
	[sflag:s0] =	ssyncset.done @!p0 $0x0  }
0x10d: {  	[sflag:s0] =	ssyncadd.s32 @!p0 s1  }
0x10e: {  	[bflag:$0x3] =	sbarrier.arrive $0xFFFF  }
0x10f: {  	_ =	shalt  }

// kernel: kernel.17.cloned.1.call-start
scs
__scs_entry_jumppad:
0x0: {  	(pc) =	sbr.rel $0x88, $3  }
0x1: {  	(tag) =	ssettag $0x0;
	lr =	simm.s32 $0x1  }
0x2: {  	[smem:$0x3F95] =	sst lr;
	_ =	strace $0xD0000000  }
0x3: {  	_ = 	snop  }
0x4: {  	_ = 	snop  }
0x5: {  	_ = 	snop  }
0x6: {  	_ = 	snop  }
0x7: {  	_ = 	snop  }
__scs_overlays_trampoline_lowered:
0x8: {  	[smem:$0x3FA4] =	sst s0  }
0x9: {  	[smem:$0x3FA5] =	sst s1  }
0xa: {  	[smem:$0x3FA6] =	sst s2  }
0xb: {  	[smem:$0x3FA7] =	sst s3  }
0xc: {  	[smem:$0x3FA8] =	sst s4  }
0xd: {  	[smem:$0x3FA9] =	sst s5  }
0xe: {  	[smem:$0x3FAA] =	sst s6  }
0xf: {  	[smem:$0x3FAB] =	sst s7  }
0x10: {  	[smem:$0x3FAC] =	sst s8  }
0x11: {  	[smem:$0x3FAD] =	sst s9;
	s0 =	simm.s32 @!p0 $0x0  }
0x12: {  	s1 =	sld [smem:$0x3F93];
	s0 =	simm.s32 @p0 $0x1  }
0x13: {  	[smem:$0x3FAE] =	sst s0;
	s0 =	simm.s32 @!p1 $0x0  }
0x14: {  	s2 =	sld [smem:$0x3F92];
	s0 =	simm.s32 @p1 $0x1  }
0x15: {  	[smem:$0x3FAF] =	sst s0;
	s0 =	simm.s32 @!p2 $0x0  }
0x16: {  	s3 =	sld [smem:$0x3FDB];
	s0 =	simm.s32 @p2 $0x1  }
0x17: {  	s4 =	simm.s32 $0x1BF5;
	[smem:$0x3FB1] =	sst s0  }
0x18: {  	s0 =	sld [smem:$0x3F94];
	_ =	swait.ge [sflag:s4], $0x0  }
0x19: {  	s7 =	sld [smem:$0x3F95]  }
0x1a: {  	s8 =	sadd.s32 $0xFFFFE003, lr  }
0x1b: {  	s9 =	sadd.s32 $0xFFFFFEF7, lr;
	s5 =	simm.s32 $0xFFFFFFFF;
	p2 =	slt.u32 s8, $0xFFFFF086  }
0x1c: {  	p1 =	slt.u32 s9, $0xF7A;
	s5 =	simm.s32 @!p2 $0x0  }
0x1d: {  	s5 =	simm.s32 @p1 $0x1;
	p0 =	seq.s32 s7, s2  }
0x1e: {  	s7 =	smul.u32 @!p0 $0xF7A, s2;
	p2 =	seq.s32 @!p0 s5, $0x0  }
0x1f: {  	s9 =	smul.u32 $0xF7A, s1;
	s8 =	simm.s32 @!p0 $0x1BF5;
	p2 =	por !p2, p0  }
0x20: {  	[sflag:s8] =	ssyncset.s32 @!p0 $0xFFFFF086;
	s6 =	sadd.s32 @!p0 s3, s7;
	s7 =	simm.s32 @!p0 $0x108  }
0x21: {  	s3 =	sadd.s32 s3, s9;
	s6 =	sadd.s32 @!p0 $0x88, s6;
	s7 =	simm.s32 @p2 $0x1082  }
0x22: {  	[simem:s7], [sflag:s8] =	dma.local @!p0 [hbm:s6], $0xF7A  }
0x23: {  	s9 =	sor.u32 $0xD0000000, s2;
	s6 =	simm.s32 $0x108;
	_ =	swait.ge @!p0 [sflag:s8], $0x0  }
0x24: {  	s3 =	sadd.s32 $0x88, s3;
	s6 =	simm.s32 @!p1 $0x1082;
	[sflag:s4] =	ssyncset.s32 $0xFFFFF086  }
0x25: {  	[simem:s6], [sflag:s4] =	dma.local [hbm:s3], $0xF7A  }
0x26: {  	[smem:$0x3F95] =	sst s1;
	(tag) =	ssettag s2;
	_ =	strace s9  }
0x27: {  	s1 =	sld [smem:$0x3FA5]  }
0x28: {  	s2 =	sld [smem:$0x3FA6]  }
0x29: {  	s4 =	sld [smem:$0x3FA8]  }
0x2a: {  	p0 =	seq.s32 s5, $0x0;
	s5 =	sld [smem:$0x3FA9]  }
0x2b: {  	s6 =	sld [smem:$0x3FAA]  }
0x2c: {  	s7 =	sld [smem:$0x3FAB]  }
0x2d: {  	s3 =	simm.s32 $0x108;
	s8 =	sld [smem:$0x3FAC]  }
0x2e: {  	s3 =	simm.s32 @!p0 $0x1082;
	s9 =	sld [smem:$0x3FAD]  }
0x2f: {  	lr =	sadd.s32 s0, s3;
	s0 =	sld [smem:$0x3FA4]  }
0x30: {  	s3 =	sld [smem:$0x3FA7]  }
0x31: {  	[smem:$0x3FB0] =	sst s10  }
0x32: {  	s10 =	sld [smem:$0x3FAE];
	_ =	sdelay $0x3  }
0x33: {  	p0 =	seq.s32 s10, $0x1;
	s10 =	sld [smem:$0x3FB0];
	_ =	sdelay $0x3  }
0x34: {  	[smem:$0x3FB0] =	sst s10  }
0x35: {  	s10 =	sld [smem:$0x3FAF];
	_ =	sdelay $0x3  }
0x36: {  	p1 =	seq.s32 s10, $0x1;
	s10 =	sld [smem:$0x3FB0];
	_ =	sdelay $0x3  }
0x37: {  	[smem:$0x3FB0] =	sst s10  }
0x38: {  	s10 =	sld [smem:$0x3FB1]  }
0x39: {  	_ = 	snop;
	(pc) =	sbr.ind lr, $3  }
0x3a: {  	_ = 	snop  }
0x3b: {  	_ = 	snop  }
0x3c: {  	p2 =	seq.s32 s10, $0x1;
	s10 =	sld [smem:$0x3FB0]  }
0x3d: {  	_ =	shalt  }
0x3e: {  	_ =	shalt  }
0x3f: {  	_ =	shalt  }
0x40: {  	_ =	shalt  }
0x41: {  	_ =	shalt  }
0x42: {  	_ =	shalt  }
0x43: {  	_ =	shalt  }
0x44: {  	_ =	shalt  }
0x45: {  	_ =	shalt  }
0x46: {  	_ =	shalt  }
0x47: {  	_ =	shalt  }
0x48: {  	_ =	shalt  }
0x49: {  	_ =	shalt  }
0x4a: {  	_ =	shalt  }
0x4b: {  	_ =	shalt  }
0x4c: {  	_ =	shalt  }
0x4d: {  	_ =	shalt  }
0x4e: {  	_ =	shalt  }
0x4f: {  	_ =	shalt  }
0x50: {  	_ =	shalt  }
0x51: {  	_ =	shalt  }
0x52: {  	_ =	shalt  }
0x53: {  	_ =	shalt  }
0x54: {  	_ =	shalt  }
0x55: {  	_ =	shalt  }
0x56: {  	_ =	shalt  }
0x57: {  	_ =	shalt  }
0x58: {  	_ =	shalt  }
0x59: {  	_ =	shalt  }
0x5a: {  	_ =	shalt  }
0x5b: {  	_ =	shalt  }
0x5c: {  	_ =	shalt  }
0x5d: {  	_ =	shalt  }
0x5e: {  	_ =	shalt  }
0x5f: {  	_ =	shalt  }
0x60: {  	_ =	shalt  }
0x61: {  	_ =	shalt  }
0x62: {  	_ =	shalt  }
0x63: {  	_ =	shalt  }
0x64: {  	_ =	shalt  }
0x65: {  	_ =	shalt  }
0x66: {  	_ =	shalt  }
0x67: {  	_ =	shalt  }
0x68: {  	_ =	shalt  }
0x69: {  	_ =	shalt  }
0x6a: {  	_ =	shalt  }
0x6b: {  	_ =	shalt  }
0x6c: {  	_ =	shalt  }
0x6d: {  	_ =	shalt  }
0x6e: {  	_ =	shalt  }
0x6f: {  	_ =	shalt  }
0x70: {  	_ =	shalt  }
0x71: {  	_ =	shalt  }
0x72: {  	_ =	shalt  }
0x73: {  	_ =	shalt  }
0x74: {  	_ =	shalt  }
0x75: {  	_ =	shalt  }
0x76: {  	_ =	shalt  }
0x77: {  	_ =	shalt  }
0x78: {  	_ =	shalt  }
0x79: {  	_ =	shalt  }
0x7a: {  	_ =	shalt  }
0x7b: {  	_ =	shalt  }
0x7c: {  	_ =	shalt  }
0x7d: {  	_ =	shalt  }
0x7e: {  	_ =	shalt  }
0x7f: {  	_ =	shalt  }
0x80: {  	_ =	shalt  }
0x81: {  	_ =	shalt  }
0x82: {  	_ =	shalt  }
0x83: {  	_ =	shalt  }
0x84: {  	_ =	shalt  }
0x85: {  	_ =	shalt  }
0x86: {  	_ =	shalt  }
0x87: {  	_ =	shalt  }
.Lfunc_end0:
.L_simem_size_0:
called_computation.2_lowered:
.L_overlay_start_0:
0x88: {  	s2 =	sld [smem:$0x3FD9]  }
0x89: {  	s3 =	sld [smem:$0x3FFE];
	_ =	sdelay $0x1  }
0x8a: {  	s1 =	srdreg.scid  }
0x8b: {  	s0 =	sand.u32 $0x1, s1  }
0x8c: {  	s17 =	sshll.u32 s0, $0xA;
	s2 =	sadd.s32 s3, s2  }
0x8d: {  	s2 =	sadd.s32 s2, s17  }
0x8e: {  	[smem:$0x3FBC] =	sst s2  }
0x8f: {  	_ = 	snop  }
0x90: {  	s2 =	sld [smem:$0x3FD0];
	(tm) =	ssettm $0x1  }
0x91: {  	s18 =	sld [smem:$0x3FFB];
	_ =	sdelay $0x3  }
0x92: {  	_ =	strace s18  }
0x93: {  	s3 =	sld [smem:$0x3FFC];
	_ =	sdelay $0x3  }
0x94: {  	_ =	strace s3  }
0x95: {  	s3 =	sld [smem:$0x3FFD];
	_ =	sdelay $0x3  }
0x96: {  	_ =	strace s3  }
0x97: {  	_ =	strace $0x8FFFFFFF  }
0x98: {  	s19 =	sld [smem:$0x3FDB];
	_ =	sdelay $0x1  }
0x99: {  	s4 =	simm.s32 $_scs_section_size  }
0x9a: {  	s5 =	simm.s32 $_size__tile_overlayer_lowered;
	s6 =	simm.s32 $_tile_overlayer_lowered  }
0x9b: {  	s22 =	simm.s32 $0x1BFF;
	s21 =	sshll.u32 s6, $0x1;
	s3 =	sadd.s32 s4, s19  }
0x9c: {  	s7 =	simm.s32 $0x0;
	s20 =	sshll.u32 s5, $0x1;
	s5 =	sadd.s32 s21, s3  }
0x9d: {  	[timem:s7], [sflag:s22] =	dma.local [hbm:s5], s20  }
0x9e: {  	_ =	swait.ge [sflag:s22], s20  }
0x9f: {  	s4 =	ssub.s32 $0x0, s20;
	[sflag:s22] =	ssyncset.done $0x0  }
0xa0: {  	[sflag:s22] =	ssyncadd.s32 s4;
	_ =	sdelay $0x1  }
0xa1: {  	s23 =	simm.s32 $0x1B8B  }
0xa2: {  	_ =	swait.ge [sflag:s23], $0x1  }
0xa3: {  	[sflag:s23] =	ssyncset.done $0x0  }
0xa4: {  	s25 =	simm.s32 $0x1B8E;
	s24 =	sld [smem:$0x3FFE];
	[sflag:s23] =	ssyncadd.s32 $0xFFFFFFFF  }
0xa5: {  	s26 =	simm.s32 $execute0_lowered;
	[smem:$0x3FD2] =	sst s25  }
0xa6: {  	s5 =	sshll.u32 s26, $0x1;
	_ =	strace $0x8000004C;
	[dreg:$0x1] =	wrdreg $0xFFFFFFFF  }
0xa7: {  	s28 =	simm.s32 $_size_execute0_lowered;
	s3 =	sadd.s32 s3, s5;
	[dreg:$0x0] =	wrdreg $0x0  }
0xa8: {  	s5 =	sshll.u32 s28, $0x1;
	[dreg:$0x2] =	wrdreg s3  }
0xa9: {  	[dreg:$0x3] =	wrdreg s5  }
0xaa: {  	[dreg:$0x4] =	wrdreg $0xC0  }
0xab: {  	_ =	task [dreg:s7], $0x5FFFF  }
0xac: {  	[dreg:$0x1] =	wrdreg $0xFFFFFFFF  }
0xad: {  	[dreg:$0x0] =	wrdreg $0x60  }
0xae: {  	[dreg:$0x2] =	wrdreg s2  }
0xaf: {  	[dreg:$0x3] =	wrdreg s24  }
0xb0: {  	[dreg:$0x4] =	wrdreg $0xB8000  }
0xb1: {  	[dreg:$0x5] =	wrdreg $0x9  }
0xb2: {  	_ =	task.clear_ibuf [dreg:s7], $0x6FFFF;
	_ =	strace $0x9000004C  }
0xb3: {  	s29 =	simm.s32 $0x9;
	_ =	strace $0x8000004E  }
0xb4: {  	_ =	swait.ge [sflag:s29], $0x1  }
0xb5: {  	[sflag:s29] =	ssyncadd.s32 $0xFFFFFFFF  }
0xb6: {  	_ =	strace $0x9000004E  }
0xb7: {  	_ =	sfence  }
0xb8: {  	s30 =	sld [smem:$0x0];
	_ =	sdelay $0x2  }
0xb9: {  	s31 =	sshll.u32 s1, $0xD;
	s1 =	sshrl.u32 s1, $0x2  }
0xba: {  	s3 =	sand.u32 $0x4000, s31;
	s1 =	sadd.s32 s1, s30  }
0xbb: {  	s0 =	sor.u32 s3, s0;
	s1 =	sshll.u32 s1, $0x11  }
0xbc: {  	s0 =	sor.u32 s1, s0  }
0xbd: {  	s0 =	sadd.s32 $0x8F2B, s0  }
0xbe: {  	[sflag:s0] =	ssyncadd.remote.s32 $0x1  }
0xbf: {  	_ =	sfence.sel $0xFFFF  }
0xc0: {  	[dreg:$0x0] =	wrdreg $0xFFFFFFFF;
	(pc) =	sbr.abs _section_cstart, $3  }
0xc1: {  	[dreg:$0x1] =	wrdreg $0xFFFFFFFF  }
0xc2: {  	_ =	task.clear_ibuf [dreg:s7], $0x2FFFF;
	_ =	strace $0x9FFFFFFF  }
0xc3: {  	(tm) =	ssettm $0x7FFFFFFF  }
tec
execute0_lowered:
.L_overlay_start_1:
0x0: {  	(tag) =	ssettag $0x1  }
0x1: {  	s1 =	rddreg [dreg:$0x0]  }
0x2: {  	s0 =	rddreg [dreg:$0x1]  }
0x3: {  	s3 =	rddreg [dreg:$0x2];
	s2 =	srdreg.scid  }
0x4: {  	s8 =	stileid.u32;
	s4 =	simm.s32 $0x0;
	s2 =	sand.u32 $0x1, s2  }
0x5: {  	s6 =	smul.u32 $0x14000, s8;
	s7 =	sshll.u32 s8, $0x1;
	[smem:$0x7FF] =	sst s4  }
0x6: {  	s12 =	sadd.s32 $0xE000, s0;
	s8 =	smul.u32 $0x50000, s8;
	s9 =	sadd.s32 $0x4000, s0  }
0x7: {  	s5 =	smul.u32 $0x140000, s2;
	s7 =	sor.u32 s2, s7;
	s2 =	ssub.s32 $0x2, s2  }
0x8: {  	_ =	strace $0x8000004D;
	s11 =	smul.u32 $0x2800, s7;
	s13 =	sshrl.u32 s2, $0x1  }
0x9: {  	s14 =	sshrl.u32 s8, $0x2;
	s7 =	simm.s32 $0x2800;
	s8 =	simm.s32 $0x6800  }
0xa: {  	s5 =	sadd.s32 s6, s5;
	s2 =	ssub.s32 s2, s13;
	s6 =	sadd.s32 s14, s3  }
0xb: {  	s13 =	simm.s32 $0x0;
	s5 =	sshrl.u32 s5, $0x3;
	s17 =	sadd.s32 $0x1000, s6  }
0xc: {  	s10 =	sshrl.u32 s11, $0x3;
	s18 =	sadd.s32 $0x2000, s6;
	[dreg:$0x6] =	wrdreg s17  }
0xd: {  	s19 =	sadd.s32 $0x3000, s6;
	s20 =	sadd.s32 $0x4000, s6;
	[dreg:$0x7] =	wrdreg s18  }
0xe: {  	s21 =	sadd.s32 $0x5000, s6;
	s22 =	sadd.s32 $0x6000, s6;
	[dreg:$0x8] =	wrdreg s19  }
0xf: {  	s23 =	sadd.s32 $0x7000, s6;
	s24 =	sadd.s32 $0x8000, s6;
	[dreg:$0x9] =	wrdreg s20  }
0x10: {  	s25 =	sadd.s32 $0x9000, s6;
	s28 =	sadd.s32 $0x10000, s6;
	[dreg:$0xa] =	wrdreg s21  }
0x11: {  	s29 =	sadd.s32 $0x11000, s6;
	s30 =	sadd.s32 $0x12000, s6;
	[dreg:$0xb] =	wrdreg s22  }
0x12: {  	s31 =	sadd.s32 $0x13000, s6;
	s11 =	simm.s32 $0x2;
	[dreg:$0xc] =	wrdreg s23  }
0x13: {  	s0 =	sadd.s32 s5, s0;
	s15 =	sadd.s32 s12, s10;
	[dreg:$0xd] =	wrdreg s24  }
0x14: {  	s16 =	sadd.s32 s9, s10;
	[dreg:$0xe] =	wrdreg s25;
	s17 =	sadd.s32 $0xA000, s6  }
0x15: {  	s18 =	sadd.s32 $0xB000, s6;
	s19 =	sadd.s32 $0xC000, s6;
	s20 =	sadd.s32 $0xD000, s6  }
0x16: {  	s26 =	sadd.s32 $0x280, s10;
	s23 =	sadd.s32 $0xE000, s6;
	s25 =	smax.u32 s2, $0x1  }
0x17: {  	s2 =	simm.s32 $0x1400;
	s5 =	simm.s32 $0x80;
	[dreg:$0x4] =	wrdreg s15  }
0x18: {  	s10 =	simm.s32 $0x1;
	[dreg:$0x5] =	wrdreg s16;
	s21 =	sadd.s32 s12, s26  }
0x19: {  	s22 =	sadd.s32 s9, s26;
	s24 =	sadd.s32 $0x18000, s0;
	s26 =	sadd.s32 $0xF000, s6  }
0x1a: {  	v0 =	vimm.f32 $0.0e+00;
	s0 =	simm.s32 $0x3;
	s9 =	simm.s32 $0xA800;
	s12 =	simm.s32 $0x2700  }
.LBB2_1:
0x1b: {  	s14 =	rddreg [dreg:$0x4]  }
0x1c: {  	[tilespmem:s4], [sflag:$0x3] =	stream.linear.gather [hbm4b:s14+s4], $0x1400, $0x38;
	[tilespmem:$0x1F800] =	vst v63  }
0x1d: {  	_ =	swait.ge [sflag:s0], $0x1400  }
0x1e: {  	[sflag:s0] =	ssyncset.done $0x0  }
0x1f: {  	s16 =	rddreg [dreg:$0x5];
	[sflag:s0] =	ssyncadd.s32 $0xFFFFEC00  }
0x20: {  	[tilespmem:s2], [sflag:$0x3] =	stream.linear.gather [hbm4b:s16+s4], $0x1400, $0x38;
	[tilespmem:$0x1F800] =	vst v63  }
0x21: {  	_ =	swait.ge [sflag:s0], $0x1400  }
0x22: {  	[sflag:s0] =	ssyncset.done $0x0  }
0x23: {  	[sflag:s0] =	ssyncadd.s32 $0xFFFFEC00  }
0x24: {  	[tilespmem:s7], [sflag:$0x1] =	stream.indirect.gather [hbm4b:s1+s5], $0x80, s4, s5, $0xb8;
	[tilespmem:$0x1F800] =	vst v63  }
0x25: {  	s15 =	simm.s32 $0x200;
	s14 =	simm.s32 $0x0  }
0x26: {  	[tilespmem:s8], [sflag:$0x2] =	stream.indirect.gather [hbm4b:s1+s5], $0x80, s5, s5, $0xb8;
	[tilespmem:$0x1F800] =	vst v63  }
.LBB2_2:
0x27: {  	p0 =	sne.s32 s15, $0x3E00;
	[tilespmem:s14+$0xA870] =	vst v0  }
0x28: {  	[tilespmem:s14+$0xA800] =	vst v0  }
0x29: {  	[tilespmem:s14+$0xA810] =	vst v0  }
.Ltmp0:
0x2a: {  	[tilespmem:s14+$0xA820] =	vst v0;
	(pc) =	sbr.rel @p0 .LBB2_2-.Ltmp0, $4  }
0x2b: {  	[tilespmem:s14+$0xA830] =	vst v0  }
0x2c: {  	[tilespmem:s14+$0xA840] =	vst v0  }
0x2d: {  	[tilespmem:s14+$0xA850] =	vst v0  }
0x2e: {  	[tilespmem:s14+$0xA860] =	vst v0;
	s14 =	sshra.s32 s15, $0x2;
	s15 =	sadd.s32 $0x200, s15  }
0x2f: {  	[tilespmem:s14+$0xA870] =	vst v0  }
0x30: {  	[tilespmem:s14+$0xA800] =	vst v0  }
0x31: {  	[tilespmem:s14+$0xA810] =	vst v0  }
0x32: {  	[tilespmem:s14+$0xA820] =	vst v0  }
0x33: {  	[tilespmem:s14+$0xA830] =	vst v0  }
0x34: {  	[tilespmem:s14+$0xA840] =	vst v0  }
0x35: {  	[tilespmem:s14+$0xA850] =	vst v0  }
0x36: {  	[tilespmem:s14+$0xA860] =	vst v0  }
0x37: {  	[spmem:s6] =	stream.linear.scatter [tilespmem:s9], [sflag:$0x3], $0x1000, $0x38;
	[tilespmem:$0x1F800] =	vst v63  }
0x38: {  	_ =	swait.ge [sflag:s0], $0x1000  }
0x39: {  	[sflag:s0] =	ssyncset.done $0x0  }
0x3a: {  	s15 =	rddreg [dreg:$0x6];
	[sflag:s0] =	ssyncadd.s32 $0xFFFFF000  }
0x3b: {  	[spmem:s15] =	stream.linear.scatter [tilespmem:s9], [sflag:$0x3], $0x1000, $0x38;
	[tilespmem:$0x1F800] =	vst v63  }
0x3c: {  	_ =	swait.ge [sflag:s0], $0x1000  }
0x3d: {  	[sflag:s0] =	ssyncset.done $0x0  }
0x3e: {  	s16 =	rddreg [dreg:$0x7];
	[sflag:s0] =	ssyncadd.s32 $0xFFFFF000  }
0x3f: {  	[spmem:s16] =	stream.linear.scatter [tilespmem:s9], [sflag:$0x3], $0x1000, $0x38;
	[tilespmem:$0x1F800] =	vst v63  }
0x40: {  	_ =	swait.ge [sflag:s0], $0x1000  }
0x41: {  	[sflag:s0] =	ssyncset.done $0x0  }
0x42: {  	s15 =	rddreg [dreg:$0x8];
	[sflag:s0] =	ssyncadd.s32 $0xFFFFF000  }
0x43: {  	[spmem:s15] =	stream.linear.scatter [tilespmem:s9], [sflag:$0x3], $0x1000, $0x38;
	[tilespmem:$0x1F800] =	vst v63  }
0x44: {  	_ =	swait.ge [sflag:s0], $0x1000  }
0x45: {  	[sflag:s0] =	ssyncset.done $0x0  }
0x46: {  	s16 =	rddreg [dreg:$0x9];
	[sflag:s0] =	ssyncadd.s32 $0xFFFFF000  }
0x47: {  	[spmem:s16] =	stream.linear.scatter [tilespmem:s9], [sflag:$0x3], $0x1000, $0x38;
	[tilespmem:$0x1F800] =	vst v63  }
0x48: {  	_ =	swait.ge [sflag:s0], $0x1000  }
0x49: {  	[sflag:s0] =	ssyncset.done $0x0  }
0x4a: {  	s15 =	rddreg [dreg:$0xa];
	[sflag:s0] =	ssyncadd.s32 $0xFFFFF000  }
0x4b: {  	[spmem:s15] =	stream.linear.scatter [tilespmem:s9], [sflag:$0x3], $0x1000, $0x38;
	[tilespmem:$0x1F800] =	vst v63  }
0x4c: {  	_ =	swait.ge [sflag:s0], $0x1000  }
0x4d: {  	[sflag:s0] =	ssyncset.done $0x0  }
0x4e: {  	s16 =	rddreg [dreg:$0xb];
	[sflag:s0] =	ssyncadd.s32 $0xFFFFF000  }
0x4f: {  	[spmem:s16] =	stream.linear.scatter [tilespmem:s9], [sflag:$0x3], $0x1000, $0x38;
	[tilespmem:$0x1F800] =	vst v63  }
0x50: {  	_ =	swait.ge [sflag:s0], $0x1000  }
0x51: {  	[sflag:s0] =	ssyncset.done $0x0  }
0x52: {  	s15 =	rddreg [dreg:$0xc];
	[sflag:s0] =	ssyncadd.s32 $0xFFFFF000  }
0x53: {  	[spmem:s15] =	stream.linear.scatter [tilespmem:s9], [sflag:$0x3], $0x1000, $0x38;
	[tilespmem:$0x1F800] =	vst v63  }
0x54: {  	_ =	swait.ge [sflag:s0], $0x1000  }
0x55: {  	[sflag:s0] =	ssyncset.done $0x0  }
0x56: {  	s16 =	rddreg [dreg:$0xd];
	[sflag:s0] =	ssyncadd.s32 $0xFFFFF000  }
0x57: {  	[spmem:s16] =	stream.linear.scatter [tilespmem:s9], [sflag:$0x3], $0x1000, $0x38;
	[tilespmem:$0x1F800] =	vst v63  }
0x58: {  	_ =	swait.ge [sflag:s0], $0x1000  }
0x59: {  	[sflag:s0] =	ssyncset.done $0x0  }
0x5a: {  	s15 =	rddreg [dreg:$0xe];
	[sflag:s0] =	ssyncadd.s32 $0xFFFFF000  }
0x5b: {  	[spmem:s15] =	stream.linear.scatter [tilespmem:s9], [sflag:$0x3], $0x1000, $0x38;
	[tilespmem:$0x1F800] =	vst v63  }
0x5c: {  	_ =	swait.ge [sflag:s0], $0x1000  }
0x5d: {  	[sflag:s0] =	ssyncset.done $0x0  }
0x5e: {  	[sflag:s0] =	ssyncadd.s32 $0xFFFFF000  }
0x5f: {  	[spmem:s17] =	stream.linear.scatter [tilespmem:s9], [sflag:$0x3], $0x1000, $0x38;
	[tilespmem:$0x1F800] =	vst v63  }
0x60: {  	_ =	swait.ge [sflag:s0], $0x1000  }
0x61: {  	[sflag:s0] =	ssyncset.done $0x0  }
0x62: {  	[sflag:s0] =	ssyncadd.s32 $0xFFFFF000  }
0x63: {  	[spmem:s18] =	stream.linear.scatter [tilespmem:s9], [sflag:$0x3], $0x1000, $0x38;
	[tilespmem:$0x1F800] =	vst v63  }
0x64: {  	_ =	swait.ge [sflag:s0], $0x1000  }
0x65: {  	[sflag:s0] =	ssyncset.done $0x0  }
0x66: {  	[sflag:s0] =	ssyncadd.s32 $0xFFFFF000  }
0x67: {  	[spmem:s19] =	stream.linear.scatter [tilespmem:s9], [sflag:$0x3], $0x1000, $0x38;
	[tilespmem:$0x1F800] =	vst v63  }
0x68: {  	_ =	swait.ge [sflag:s0], $0x1000  }
0x69: {  	[sflag:s0] =	ssyncset.done $0x0  }
0x6a: {  	[sflag:s0] =	ssyncadd.s32 $0xFFFFF000  }
0x6b: {  	[spmem:s20] =	stream.linear.scatter [tilespmem:s9], [sflag:$0x3], $0x1000, $0x38;
	[tilespmem:$0x1F800] =	vst v63  }
0x6c: {  	_ =	swait.ge [sflag:s0], $0x1000  }
0x6d: {  	[sflag:s0] =	ssyncset.done $0x0  }
0x6e: {  	[sflag:s0] =	ssyncadd.s32 $0xFFFFF000  }
0x6f: {  	[spmem:s23] =	stream.linear.scatter [tilespmem:s9], [sflag:$0x3], $0x1000, $0x38;
	[tilespmem:$0x1F800] =	vst v63  }
0x70: {  	_ =	swait.ge [sflag:s0], $0x1000  }
0x71: {  	[sflag:s0] =	ssyncset.done $0x0  }
0x72: {  	[sflag:s0] =	ssyncadd.s32 $0xFFFFF000  }
0x73: {  	[spmem:s26] =	stream.linear.scatter [tilespmem:s9], [sflag:$0x3], $0x1000, $0x38;
	[tilespmem:$0x1F800] =	vst v63  }
0x74: {  	_ =	swait.ge [sflag:s0], $0x1000  }
0x75: {  	[sflag:s0] =	ssyncset.done $0x0  }
0x76: {  	[sflag:s0] =	ssyncadd.s32 $0xFFFFF000  }
0x77: {  	[spmem:s28] =	stream.linear.scatter [tilespmem:s9], [sflag:$0x3], $0x1000, $0x38;
	[tilespmem:$0x1F800] =	vst v63  }
0x78: {  	_ =	swait.ge [sflag:s0], $0x1000  }
0x79: {  	[sflag:s0] =	ssyncset.done $0x0  }
0x7a: {  	[sflag:s0] =	ssyncadd.s32 $0xFFFFF000  }
0x7b: {  	[spmem:s29] =	stream.linear.scatter [tilespmem:s9], [sflag:$0x3], $0x1000, $0x38;
	[tilespmem:$0x1F800] =	vst v63  }
0x7c: {  	_ =	swait.ge [sflag:s0], $0x1000  }
0x7d: {  	[sflag:s0] =	ssyncset.done $0x0  }
0x7e: {  	[sflag:s0] =	ssyncadd.s32 $0xFFFFF000  }
0x7f: {  	[spmem:s30] =	stream.linear.scatter [tilespmem:s9], [sflag:$0x3], $0x1000, $0x38;
	[tilespmem:$0x1F800] =	vst v63  }
0x80: {  	_ =	swait.ge [sflag:s0], $0x1000  }
0x81: {  	[sflag:s0] =	ssyncset.done $0x0  }
0x82: {  	[sflag:s0] =	ssyncadd.s32 $0xFFFFF000  }
0x83: {  	[spmem:s31] =	stream.linear.scatter [tilespmem:s9], [sflag:$0x3], $0x1000, $0x38;
	[tilespmem:$0x1F800] =	vst v63  }
0x84: {  	_ =	swait.ge [sflag:s0], $0x1000  }
0x85: {  	[sflag:s0] =	ssyncset.done $0x0  }
0x86: {  	[sflag:s0] =	ssyncadd.s32 $0xFFFFF000  }
0x87: {  	[bflag:$0x0] =	sbarrier.arrive $0xFFFF  }
0x88: {  	_ =	swait.ge [sflag:s10], $0x4000  }
0x89: {  	[sflag:s10] =	ssyncset.done $0x0  }
0x8a: {  	s16 =	simm.s32 $0x1400;
	[sflag:s10] =	ssyncadd.s32 $0xFFFFC000  }
0x8b: {  	[spmem:s3] =	stream.indirect.scatter.add.f32 [tilespmem:s7], [sflag:$0x3], $0x80, s16, s5, $0xb8;
	[tilespmem:$0x1F800] =	vst v63  }
0x8c: {  	_ =	swait.ge [sflag:s0], $0x4000  }
0x8d: {  	[sflag:s0] =	ssyncset.done $0x0  }
0x8e: {  	s15 =	simm.s32 $0x100;
	[sflag:s0] =	ssyncadd.s32 $0xFFFFC000  }
0x8f: {  	[tilespmem:s7], [sflag:$0x1] =	stream.indirect.gather [hbm4b:s1+s5], $0x80, s15, s5, $0xb8;
	[tilespmem:$0x1F800] =	vst v63  }
0x90: {  	_ =	swait.ge [sflag:s11], $0x4000  }
0x91: {  	[sflag:s11] =	ssyncset.done $0x0  }
0x92: {  	s16 =	simm.s32 $0x1480;
	[sflag:s11] =	ssyncadd.s32 $0xFFFFC000  }
0x93: {  	[spmem:s3] =	stream.indirect.scatter.add.f32 [tilespmem:s8], [sflag:$0x3], $0x80, s16, s5, $0xb8;
	[tilespmem:$0x1F800] =	vst v63  }
0x94: {  	_ =	swait.ge [sflag:s0], $0x4000  }
0x95: {  	[sflag:s0] =	ssyncset.done $0x0  }
0x96: {  	s14 =	simm.s32 $0x400;
	s15 =	simm.s32 $0x180;
	[sflag:s0] =	ssyncadd.s32 $0xFFFFC000  }
.LBB2_4:
0x97: {  	[tilespmem:s8], [sflag:$0x2] =	stream.indirect.gather [hbm4b:s1+s5], $0x80, s15, s5, $0xb8;
	[tilespmem:$0x1F800] =	vst v63  }
0x98: {  	s15 =	smov.u32 s14  }
0x99: {  	p0 =	sne.s32 s14, $0x4800;
	s14 =	sadd.s32 $0x400, s14;
	_ =	swait.ge [sflag:s10], $0x4000  }
0x9a: {  	s15 =	sshra.s32 s15, $0x2;
	[sflag:s10] =	ssyncset.done $0x0  }
0x9b: {  	s16 =	sadd.s32 $0x1400, s15;
	[sflag:s10] =	ssyncadd.s32 $0xFFFFC000  }
0x9c: {  	[spmem:s3] =	stream.indirect.scatter.add.f32 [tilespmem:s7], [sflag:$0x3], $0x80, s16, s5, $0xb8;
	[tilespmem:$0x1F800] =	vst v63  }
0x9d: {  	_ =	swait.ge [sflag:s0], $0x4000  }
0x9e: {  	[sflag:s0] =	ssyncset.done $0x0  }
0x9f: {  	s16 =	sadd.s32 $0x100, s15;
	[sflag:s0] =	ssyncadd.s32 $0xFFFFC000  }
0xa0: {  	[tilespmem:s7], [sflag:$0x1] =	stream.indirect.gather [hbm4b:s1+s5], $0x80, s16, s5, $0xb8;
	[tilespmem:$0x1F800] =	vst v63  }
0xa1: {  	_ =	swait.ge [sflag:s11], $0x4000  }
0xa2: {  	[sflag:s11] =	ssyncset.done $0x0  }
.Ltmp1:
0xa3: {  	s16 =	sadd.s32 $0x1480, s15;
	[sflag:s11] =	ssyncadd.s32 $0xFFFFC000;
	(pc) =	sbr.rel @p0 .LBB2_4-.Ltmp1, $4  }
0xa4: {  	[spmem:s3] =	stream.indirect.scatter.add.f32 [tilespmem:s8], [sflag:$0x3], $0x80, s16, s5, $0xb8;
	[tilespmem:$0x1F800] =	vst v63  }
0xa5: {  	_ =	swait.ge [sflag:s0], $0x4000  }
0xa6: {  	[sflag:s0] =	ssyncset.done $0x0  }
0xa7: {  	s15 =	sadd.s32 $0x180, s15;
	[sflag:s0] =	ssyncadd.s32 $0xFFFFC000  }
0xa8: {  	[tilespmem:s8], [sflag:$0x2] =	stream.indirect.gather [hbm4b:s1+s5], $0x80, s15, s5, $0xb8;
	[tilespmem:$0x1F800] =	vst v63  }
0xa9: {  	_ =	swait.ge [sflag:s10], $0x4000  }
0xaa: {  	[sflag:s10] =	ssyncset.done $0x0  }
0xab: {  	[sflag:s10] =	ssyncadd.s32 $0xFFFFC000  }
0xac: {  	[spmem:s3] =	stream.indirect.scatter.add.f32 [tilespmem:s7], [sflag:$0x3], $0x80, s12, s5, $0xb8;
	[tilespmem:$0x1F800] =	vst v63  }
0xad: {  	_ =	swait.ge [sflag:s0], $0x4000  }
0xae: {  	[sflag:s0] =	ssyncset.done $0x0  }
0xaf: {  	[sflag:s0] =	ssyncadd.s32 $0xFFFFC000  }
0xb0: {  	_ =	swait.ge [sflag:s11], $0x4000  }
0xb1: {  	[sflag:s11] =	ssyncset.done $0x0  }
0xb2: {  	s14 =	simm.s32 $0x2780;
	[sflag:s11] =	ssyncadd.s32 $0xFFFFC000  }
0xb3: {  	[spmem:s3] =	stream.indirect.scatter.add.f32 [tilespmem:s8], [sflag:$0x3], $0x80, s14, s5, $0xb8;
	[tilespmem:$0x1F800] =	vst v63  }
0xb4: {  	_ =	swait.ge [sflag:s0], $0x4000  }
0xb5: {  	[sflag:s0] =	ssyncset.done $0x0  }
0xb6: {  	s15 =	simm.s32 $0x0;
	[sflag:s0] =	ssyncadd.s32 $0xFFFFC000  }
0xb7: {  	[tilespmem:s15], [sflag:$0x3] =	stream.linear.gather [hbm4b:s21+s15], $0x1380, $0x38;
	[tilespmem:$0x1F800] =	vst v63  }
0xb8: {  	_ =	swait.ge [sflag:s0], $0x1380  }
0xb9: {  	[sflag:s0] =	ssyncset.done $0x0  }
0xba: {  	[sflag:s0] =	ssyncadd.s32 $0xFFFFEC80  }
0xbb: {  	[tilespmem:s2], [sflag:$0x3] =	stream.linear.gather [hbm4b:s22+s15], $0x1380, $0x38;
	[tilespmem:$0x1F800] =	vst v63  }
0xbc: {  	_ =	swait.ge [sflag:s0], $0x1380  }
0xbd: {  	[sflag:s0] =	ssyncset.done $0x0  }
0xbe: {  	[sflag:s0] =	ssyncadd.s32 $0xFFFFEC80  }
0xbf: {  	[tilespmem:s7], [sflag:$0x1] =	stream.indirect.gather [hbm4b:s1+s5], $0x80, s15, s5, $0xb8;
	[tilespmem:$0x1F800] =	vst v63  }
0xc0: {  	_ = 	snop  }
0xc1: {  	[tilespmem:s8], [sflag:$0x2] =	stream.indirect.gather [hbm4b:s1+s5], $0x80, s5, s5, $0xb8;
	[tilespmem:$0x1F800] =	vst v63  }
0xc2: {  	_ =	swait.ge [sflag:s10], $0x4000  }
0xc3: {  	[sflag:s10] =	ssyncset.done $0x0  }
0xc4: {  	s16 =	simm.s32 $0x1400;
	[sflag:s10] =	ssyncadd.s32 $0xFFFFC000  }
0xc5: {  	[spmem:s3] =	stream.indirect.scatter.add.f32 [tilespmem:s7], [sflag:$0x3], $0x80, s16, s5, $0xb8;
	[tilespmem:$0x1F800] =	vst v63  }
0xc6: {  	_ =	swait.ge [sflag:s0], $0x4000  }
0xc7: {  	[sflag:s0] =	ssyncset.done $0x0  }
0xc8: {  	s15 =	simm.s32 $0x100;
	[sflag:s0] =	ssyncadd.s32 $0xFFFFC000  }
0xc9: {  	[tilespmem:s7], [sflag:$0x1] =	stream.indirect.gather [hbm4b:s1+s5], $0x80, s15, s5, $0xb8;
	[tilespmem:$0x1F800] =	vst v63  }
0xca: {  	_ =	swait.ge [sflag:s11], $0x4000  }
0xcb: {  	[sflag:s11] =	ssyncset.done $0x0  }
0xcc: {  	s16 =	simm.s32 $0x1480;
	[sflag:s11] =	ssyncadd.s32 $0xFFFFC000  }
0xcd: {  	[spmem:s3] =	stream.indirect.scatter.add.f32 [tilespmem:s8], [sflag:$0x3], $0x80, s16, s5, $0xb8;
	[tilespmem:$0x1F800] =	vst v63  }
0xce: {  	_ =	swait.ge [sflag:s0], $0x4000  }
0xcf: {  	[sflag:s0] =	ssyncset.done $0x0  }
0xd0: {  	s14 =	simm.s32 $0x400;
	s15 =	simm.s32 $0x180;
	[sflag:s0] =	ssyncadd.s32 $0xFFFFC000  }
.LBB2_6:
0xd1: {  	[tilespmem:s8], [sflag:$0x2] =	stream.indirect.gather [hbm4b:s1+s5], $0x80, s15, s5, $0xb8;
	[tilespmem:$0x1F800] =	vst v63  }
0xd2: {  	s15 =	smov.u32 s14  }
0xd3: {  	p0 =	sne.s32 s14, $0x4400;
	s14 =	sadd.s32 $0x400, s14;
	_ =	swait.ge [sflag:s10], $0x4000  }
0xd4: {  	s15 =	sshra.s32 s15, $0x2;
	[sflag:s10] =	ssyncset.done $0x0  }
0xd5: {  	s16 =	sadd.s32 $0x1400, s15;
	[sflag:s10] =	ssyncadd.s32 $0xFFFFC000  }
0xd6: {  	[spmem:s3] =	stream.indirect.scatter.add.f32 [tilespmem:s7], [sflag:$0x3], $0x80, s16, s5, $0xb8;
	[tilespmem:$0x1F800] =	vst v63  }
0xd7: {  	_ =	swait.ge [sflag:s0], $0x4000  }
0xd8: {  	[sflag:s0] =	ssyncset.done $0x0  }
0xd9: {  	s16 =	sadd.s32 $0x100, s15;
	[sflag:s0] =	ssyncadd.s32 $0xFFFFC000  }
0xda: {  	[tilespmem:s7], [sflag:$0x1] =	stream.indirect.gather [hbm4b:s1+s5], $0x80, s16, s5, $0xb8;
	[tilespmem:$0x1F800] =	vst v63  }
0xdb: {  	_ =	swait.ge [sflag:s11], $0x4000  }
0xdc: {  	[sflag:s11] =	ssyncset.done $0x0  }
.Ltmp2:
0xdd: {  	s16 =	sadd.s32 $0x1480, s15;
	[sflag:s11] =	ssyncadd.s32 $0xFFFFC000;
	(pc) =	sbr.rel @p0 .LBB2_6-.Ltmp2, $4  }
0xde: {  	[spmem:s3] =	stream.indirect.scatter.add.f32 [tilespmem:s8], [sflag:$0x3], $0x80, s16, s5, $0xb8;
	[tilespmem:$0x1F800] =	vst v63  }
0xdf: {  	_ =	swait.ge [sflag:s0], $0x4000  }
0xe0: {  	[sflag:s0] =	ssyncset.done $0x0  }
0xe1: {  	s15 =	sadd.s32 $0x180, s15;
	[sflag:s0] =	ssyncadd.s32 $0xFFFFC000  }
0xe2: {  	[tilespmem:s8], [sflag:$0x2] =	stream.indirect.gather [hbm4b:s1+s5], $0x80, s15, s5, $0xb8;
	[tilespmem:$0x1F800] =	vst v63  }
0xe3: {  	_ =	swait.ge [sflag:s10], $0x4000  }
0xe4: {  	[sflag:s10] =	ssyncset.done $0x0  }
0xe5: {  	s14 =	simm.s32 $0x2600;
	[sflag:s10] =	ssyncadd.s32 $0xFFFFC000  }
0xe6: {  	[spmem:s3] =	stream.indirect.scatter.add.f32 [tilespmem:s7], [sflag:$0x3], $0x80, s14, s5, $0xb8;
	[tilespmem:$0x1F800] =	vst v63  }
0xe7: {  	_ =	swait.ge [sflag:s0], $0x4000  }
0xe8: {  	[sflag:s0] =	ssyncset.done $0x0  }
0xe9: {  	s15 =	simm.s32 $0x1300;
	[sflag:s0] =	ssyncadd.s32 $0xFFFFC000  }
0xea: {  	[tilespmem:s7], [sflag:$0x1] =	stream.indirect.gather [hbm4b:s1+s5], $0x80, s15, s5, $0xb8;
	[tilespmem:$0x1F800] =	vst v63  }
0xeb: {  	_ =	swait.ge [sflag:s11], $0x4000  }
0xec: {  	[sflag:s11] =	ssyncset.done $0x0  }
0xed: {  	s16 =	simm.s32 $0x2680;
	[sflag:s11] =	ssyncadd.s32 $0xFFFFC000  }
0xee: {  	[spmem:s3] =	stream.indirect.scatter.add.f32 [tilespmem:s8], [sflag:$0x3], $0x80, s16, s5, $0xb8;
	[tilespmem:$0x1F800] =	vst v63  }
0xef: {  	_ =	swait.ge [sflag:s0], $0x4000  }
0xf0: {  	[sflag:s0] =	ssyncset.done $0x0  }
0xf1: {  	[sflag:s0] =	ssyncadd.s32 $0xFFFFC000  }
0xf2: {  	_ =	swait.ge [sflag:s10], $0x4000  }
0xf3: {  	[sflag:s10] =	ssyncset.done $0x0  }
0xf4: {  	[sflag:s10] =	ssyncadd.s32 $0xFFFFC000  }
0xf5: {  	[spmem:s3] =	stream.indirect.scatter.add.f32 [tilespmem:s7], [sflag:$0x3], $0x80, s12, s5, $0xb8;
	[tilespmem:$0x1F800] =	vst v63  }
0xf6: {  	s15 =	stileid.u32;
	_ =	swait.ge [sflag:s0], $0x4000  }
0xf7: {  	s13 =	sadd.s32 $0x1, s13;
	s14 =	sshll.u32 s15, $0x6;
	[sflag:s0] =	ssyncset.done $0x0  }
0xf8: {  	p0 =	sne.s32 s13, s25;
	s14 =	sor.u32 $0x1C03, s14;
	[sflag:s0] =	ssyncadd.s32 $0xFFFFC000  }
.Ltmp3:
0xf9: {  	s16 =	sshrl.u32 s6, $0x3;
	[bflag:$0x0] =	sbarrier.arrive $0xFFFF;
	(pc) =	sbr.rel @p0 .LBB2_1-.Ltmp3, $4  }
0xfa: {  	[hbm:s24], [sflag:s14] =	dma.local [spmem:s16], $0x2800  }
0xfb: {  	_ =	swait.ge [sflag:s0], $0x2800  }
0xfc: {  	[sflag:s0] =	ssyncset.done $0x0  }
0xfd: {  	[sflag:s0] =	ssyncadd.s32 $0xFFFFD800  }
0xfe: {  	_ =	sfence.sel $0x180000  }
0xff: {  	[bflag:$0x0] =	sbarrier.arrive $0xFFFF  }
0x100: {  	_ =	strace $0x9000004D  }
0x101: {  	s0 =	stileid.u32;
	[bflag:$0x2] =	sbarrier.arrive $0xFFFF  }
0x102: {  	p0 =	sne.s32 s0, $0x0;
	s0 =	rddreg [dreg:$0x3]  }
0x103: {  	s0 =	sadd.s32 @!p0 $0x100000, s0  }
0x104: {  	[sflag:s0] =	ssyncadd.tile.s32 @!p0 $0x1;
	_ =	shalt  }
.Lfunc_end2:
_tile_overlayer_lowered:
.L_overlay_start_2:
0x105: {  	(tag) =	ssettag $0x2  }
0x106: {  	s0 =	rddreg [dreg:$0x0];
	s2 =	stileid.u32  }
0x107: {  	s1 =	rddreg [dreg:$0x1];
	p0 =	sne.s32 s2, $0x0  }
0x108: {  	s3 =	rddreg [dreg:$0x2];
	[bflag:$0x3] =	sbarrier.arrive $0xFFFF;
	s2 =	simm.s32 @!p0 $0x1C03  }
0x109: {  	[timem:s3], [sflag:s2] =	dma.local @!p0 [hbm:s0], s1  }
0x10a: {  	s0 =	simm.s32 @!p0 $0x3  }
0x10b: {  	_ =	swait.ge @!p0 [sflag:s0], s1  }
0x10c: {  	s1 =	ssub.s32 @!p0 $0x0, s1;
	[sflag:s0] =	ssyncset.done @!p0 $0x0  }
0x10d: {  	[sflag:s0] =	ssyncadd.s32 @!p0 s1  }
0x10e: {  	[bflag:$0x3] =	sbarrier.arrive $0xFFFF  }
0x10f: {  	_ =	shalt  }

// kernel: kernel.20.cloned.1.call-start
scs
__scs_entry_jumppad:
0x0: {  	(pc) =	sbr.rel $0x88, $3  }
0x1: {  	(tag) =	ssettag $0x0;
	lr =	simm.s32 $0x1  }
0x2: {  	[smem:$0x3F95] =	sst lr;
	_ =	strace $0xD0000000  }
0x3: {  	_ = 	snop  }
0x4: {  	_ = 	snop  }
0x5: {  	_ = 	snop  }
0x6: {  	_ = 	snop  }
0x7: {  	_ = 	snop  }
__scs_overlays_trampoline_lowered:
0x8: {  	[smem:$0x3FA4] =	sst s0  }
0x9: {  	[smem:$0x3FA5] =	sst s1  }
0xa: {  	[smem:$0x3FA6] =	sst s2  }
0xb: {  	[smem:$0x3FA7] =	sst s3  }
0xc: {  	[smem:$0x3FA8] =	sst s4  }
0xd: {  	[smem:$0x3FA9] =	sst s5  }
0xe: {  	[smem:$0x3FAA] =	sst s6  }
0xf: {  	[smem:$0x3FAB] =	sst s7  }
0x10: {  	[smem:$0x3FAC] =	sst s8  }
0x11: {  	[smem:$0x3FAD] =	sst s9;
	s0 =	simm.s32 @!p0 $0x0  }
0x12: {  	s1 =	sld [smem:$0x3F93];
	s0 =	simm.s32 @p0 $0x1  }
0x13: {  	[smem:$0x3FAE] =	sst s0;
	s0 =	simm.s32 @!p1 $0x0  }
0x14: {  	s2 =	sld [smem:$0x3F92];
	s0 =	simm.s32 @p1 $0x1  }
0x15: {  	[smem:$0x3FAF] =	sst s0;
	s0 =	simm.s32 @!p2 $0x0  }
0x16: {  	s3 =	sld [smem:$0x3FDB];
	s0 =	simm.s32 @p2 $0x1  }
0x17: {  	s4 =	simm.s32 $0x1BF5;
	[smem:$0x3FB1] =	sst s0  }
0x18: {  	s0 =	sld [smem:$0x3F94];
	_ =	swait.ge [sflag:s4], $0x0  }
0x19: {  	s7 =	sld [smem:$0x3F95]  }
0x1a: {  	s8 =	sadd.s32 $0xFFFFE003, lr  }
0x1b: {  	s9 =	sadd.s32 $0xFFFFFEF7, lr;
	s5 =	simm.s32 $0xFFFFFFFF;
	p2 =	slt.u32 s8, $0xFFFFF086  }
0x1c: {  	p1 =	slt.u32 s9, $0xF7A;
	s5 =	simm.s32 @!p2 $0x0  }
0x1d: {  	s5 =	simm.s32 @p1 $0x1;
	p0 =	seq.s32 s7, s2  }
0x1e: {  	s7 =	smul.u32 @!p0 $0xF7A, s2;
	p2 =	seq.s32 @!p0 s5, $0x0  }
0x1f: {  	s9 =	smul.u32 $0xF7A, s1;
	s8 =	simm.s32 @!p0 $0x1BF5;
	p2 =	por !p2, p0  }
0x20: {  	[sflag:s8] =	ssyncset.s32 @!p0 $0xFFFFF086;
	s6 =	sadd.s32 @!p0 s3, s7;
	s7 =	simm.s32 @!p0 $0x108  }
0x21: {  	s3 =	sadd.s32 s3, s9;
	s6 =	sadd.s32 @!p0 $0x88, s6;
	s7 =	simm.s32 @p2 $0x1082  }
0x22: {  	[simem:s7], [sflag:s8] =	dma.local @!p0 [hbm:s6], $0xF7A  }
0x23: {  	s9 =	sor.u32 $0xD0000000, s2;
	s6 =	simm.s32 $0x108;
	_ =	swait.ge @!p0 [sflag:s8], $0x0  }
0x24: {  	s3 =	sadd.s32 $0x88, s3;
	s6 =	simm.s32 @!p1 $0x1082;
	[sflag:s4] =	ssyncset.s32 $0xFFFFF086  }
0x25: {  	[simem:s6], [sflag:s4] =	dma.local [hbm:s3], $0xF7A  }
0x26: {  	[smem:$0x3F95] =	sst s1;
	(tag) =	ssettag s2;
	_ =	strace s9  }
0x27: {  	s1 =	sld [smem:$0x3FA5]  }
0x28: {  	s2 =	sld [smem:$0x3FA6]  }
0x29: {  	s4 =	sld [smem:$0x3FA8]  }
0x2a: {  	p0 =	seq.s32 s5, $0x0;
	s5 =	sld [smem:$0x3FA9]  }
0x2b: {  	s6 =	sld [smem:$0x3FAA]  }
0x2c: {  	s7 =	sld [smem:$0x3FAB]  }
0x2d: {  	s3 =	simm.s32 $0x108;
	s8 =	sld [smem:$0x3FAC]  }
0x2e: {  	s3 =	simm.s32 @!p0 $0x1082;
	s9 =	sld [smem:$0x3FAD]  }
0x2f: {  	lr =	sadd.s32 s0, s3;
	s0 =	sld [smem:$0x3FA4]  }
0x30: {  	s3 =	sld [smem:$0x3FA7]  }
0x31: {  	[smem:$0x3FB0] =	sst s10  }
0x32: {  	s10 =	sld [smem:$0x3FAE];
	_ =	sdelay $0x3  }
0x33: {  	p0 =	seq.s32 s10, $0x1;
	s10 =	sld [smem:$0x3FB0];
	_ =	sdelay $0x3  }
0x34: {  	[smem:$0x3FB0] =	sst s10  }
0x35: {  	s10 =	sld [smem:$0x3FAF];
	_ =	sdelay $0x3  }
0x36: {  	p1 =	seq.s32 s10, $0x1;
	s10 =	sld [smem:$0x3FB0];
	_ =	sdelay $0x3  }
0x37: {  	[smem:$0x3FB0] =	sst s10  }
0x38: {  	s10 =	sld [smem:$0x3FB1]  }
0x39: {  	_ = 	snop;
	(pc) =	sbr.ind lr, $3  }
0x3a: {  	_ = 	snop  }
0x3b: {  	_ = 	snop  }
0x3c: {  	p2 =	seq.s32 s10, $0x1;
	s10 =	sld [smem:$0x3FB0]  }
0x3d: {  	_ =	shalt  }
0x3e: {  	_ =	shalt  }
0x3f: {  	_ =	shalt  }
0x40: {  	_ =	shalt  }
0x41: {  	_ =	shalt  }
0x42: {  	_ =	shalt  }
0x43: {  	_ =	shalt  }
0x44: {  	_ =	shalt  }
0x45: {  	_ =	shalt  }
0x46: {  	_ =	shalt  }
0x47: {  	_ =	shalt  }
0x48: {  	_ =	shalt  }
0x49: {  	_ =	shalt  }
0x4a: {  	_ =	shalt  }
0x4b: {  	_ =	shalt  }
0x4c: {  	_ =	shalt  }
0x4d: {  	_ =	shalt  }
0x4e: {  	_ =	shalt  }
0x4f: {  	_ =	shalt  }
0x50: {  	_ =	shalt  }
0x51: {  	_ =	shalt  }
0x52: {  	_ =	shalt  }
0x53: {  	_ =	shalt  }
0x54: {  	_ =	shalt  }
0x55: {  	_ =	shalt  }
0x56: {  	_ =	shalt  }
0x57: {  	_ =	shalt  }
0x58: {  	_ =	shalt  }
0x59: {  	_ =	shalt  }
0x5a: {  	_ =	shalt  }
0x5b: {  	_ =	shalt  }
0x5c: {  	_ =	shalt  }
0x5d: {  	_ =	shalt  }
0x5e: {  	_ =	shalt  }
0x5f: {  	_ =	shalt  }
0x60: {  	_ =	shalt  }
0x61: {  	_ =	shalt  }
0x62: {  	_ =	shalt  }
0x63: {  	_ =	shalt  }
0x64: {  	_ =	shalt  }
0x65: {  	_ =	shalt  }
0x66: {  	_ =	shalt  }
0x67: {  	_ =	shalt  }
0x68: {  	_ =	shalt  }
0x69: {  	_ =	shalt  }
0x6a: {  	_ =	shalt  }
0x6b: {  	_ =	shalt  }
0x6c: {  	_ =	shalt  }
0x6d: {  	_ =	shalt  }
0x6e: {  	_ =	shalt  }
0x6f: {  	_ =	shalt  }
0x70: {  	_ =	shalt  }
0x71: {  	_ =	shalt  }
0x72: {  	_ =	shalt  }
0x73: {  	_ =	shalt  }
0x74: {  	_ =	shalt  }
0x75: {  	_ =	shalt  }
0x76: {  	_ =	shalt  }
0x77: {  	_ =	shalt  }
0x78: {  	_ =	shalt  }
0x79: {  	_ =	shalt  }
0x7a: {  	_ =	shalt  }
0x7b: {  	_ =	shalt  }
0x7c: {  	_ =	shalt  }
0x7d: {  	_ =	shalt  }
0x7e: {  	_ =	shalt  }
0x7f: {  	_ =	shalt  }
0x80: {  	_ =	shalt  }
0x81: {  	_ =	shalt  }
0x82: {  	_ =	shalt  }
0x83: {  	_ =	shalt  }
0x84: {  	_ =	shalt  }
0x85: {  	_ =	shalt  }
0x86: {  	_ =	shalt  }
0x87: {  	_ =	shalt  }
.Lfunc_end0:
.L_simem_size_0:
called_computation.3_lowered:
.L_overlay_start_0:
0x88: {  	s2 =	sld [smem:$0x3FD9]  }
0x89: {  	s3 =	sld [smem:$0x3FFE];
	_ =	sdelay $0x1  }
0x8a: {  	s1 =	srdreg.scid  }
0x8b: {  	s0 =	sand.u32 $0x1, s1  }
0x8c: {  	s17 =	sshll.u32 s0, $0xA;
	s2 =	sadd.s32 s3, s2  }
0x8d: {  	s2 =	sadd.s32 s2, s17  }
0x8e: {  	[smem:$0x3FBC] =	sst s2  }
0x8f: {  	_ = 	snop  }
0x90: {  	s2 =	sld [smem:$0x3FD0];
	(tm) =	ssettm $0x1  }
0x91: {  	s18 =	sld [smem:$0x3FFB];
	_ =	sdelay $0x3  }
0x92: {  	_ =	strace s18  }
0x93: {  	s3 =	sld [smem:$0x3FFC];
	_ =	sdelay $0x3  }
0x94: {  	_ =	strace s3  }
0x95: {  	s3 =	sld [smem:$0x3FFD];
	_ =	sdelay $0x3  }
0x96: {  	_ =	strace s3  }
0x97: {  	_ =	strace $0x8FFFFFFF  }
0x98: {  	s19 =	sld [smem:$0x3FDB];
	_ =	sdelay $0x1  }
0x99: {  	s4 =	simm.s32 $_scs_section_size  }
0x9a: {  	s5 =	simm.s32 $_size__tile_overlayer_lowered;
	s6 =	simm.s32 $_tile_overlayer_lowered  }
0x9b: {  	s22 =	simm.s32 $0x1BFF;
	s21 =	sshll.u32 s6, $0x1;
	s3 =	sadd.s32 s4, s19  }
0x9c: {  	s7 =	simm.s32 $0x0;
	s20 =	sshll.u32 s5, $0x1;
	s5 =	sadd.s32 s21, s3  }
0x9d: {  	[timem:s7], [sflag:s22] =	dma.local [hbm:s5], s20  }
0x9e: {  	_ =	swait.ge [sflag:s22], s20  }
0x9f: {  	s4 =	ssub.s32 $0x0, s20;
	[sflag:s22] =	ssyncset.done $0x0  }
0xa0: {  	[sflag:s22] =	ssyncadd.s32 s4;
	_ =	sdelay $0x1  }
0xa1: {  	s23 =	simm.s32 $0x1B8B  }
0xa2: {  	_ =	swait.ge [sflag:s23], $0x1  }
0xa3: {  	[sflag:s23] =	ssyncset.done $0x0  }
0xa4: {  	s25 =	simm.s32 $0x1B8E;
	s24 =	sld [smem:$0x3FFE];
	[sflag:s23] =	ssyncadd.s32 $0xFFFFFFFF  }
0xa5: {  	s26 =	simm.s32 $execute0_lowered;
	[smem:$0x3FD2] =	sst s25  }
0xa6: {  	s5 =	sshll.u32 s26, $0x1;
	_ =	strace $0x8000004F;
	[dreg:$0x1] =	wrdreg $0xFFFFFFFF  }
0xa7: {  	s28 =	simm.s32 $_size_execute0_lowered;
	s3 =	sadd.s32 s3, s5;
	[dreg:$0x0] =	wrdreg $0x0  }
0xa8: {  	s5 =	sshll.u32 s28, $0x1;
	[dreg:$0x2] =	wrdreg s3  }
0xa9: {  	[dreg:$0x3] =	wrdreg s5  }
0xaa: {  	[dreg:$0x4] =	wrdreg $0xC0  }
0xab: {  	_ =	task [dreg:s7], $0x5FFFF  }
0xac: {  	[dreg:$0x1] =	wrdreg $0xFFFFFFFF  }
0xad: {  	[dreg:$0x0] =	wrdreg $0x60  }
0xae: {  	[dreg:$0x2] =	wrdreg s2  }
0xaf: {  	[dreg:$0x3] =	wrdreg s24  }
0xb0: {  	[dreg:$0x4] =	wrdreg $0xB8000  }
0xb1: {  	[dreg:$0x5] =	wrdreg $0x9  }
0xb2: {  	_ =	task.clear_ibuf [dreg:s7], $0x6FFFF;
	_ =	strace $0x9000004F  }
0xb3: {  	s29 =	simm.s32 $0x9;
	_ =	strace $0x80000051  }
0xb4: {  	_ =	swait.ge [sflag:s29], $0x1  }
0xb5: {  	[sflag:s29] =	ssyncadd.s32 $0xFFFFFFFF  }
0xb6: {  	_ =	strace $0x90000051  }
0xb7: {  	_ =	sfence  }
0xb8: {  	s30 =	sld [smem:$0x0];
	_ =	sdelay $0x2  }
0xb9: {  	s31 =	sshll.u32 s1, $0xD;
	s1 =	sshrl.u32 s1, $0x2  }
0xba: {  	s3 =	sand.u32 $0x4000, s31;
	s1 =	sadd.s32 s1, s30  }
0xbb: {  	s0 =	sor.u32 s3, s0;
	s1 =	sshll.u32 s1, $0x11  }
0xbc: {  	s0 =	sor.u32 s1, s0  }
0xbd: {  	s0 =	sadd.s32 $0x8F2B, s0  }
0xbe: {  	[sflag:s0] =	ssyncadd.remote.s32 $0x1  }
0xbf: {  	_ =	sfence.sel $0xFFFF  }
0xc0: {  	[dreg:$0x0] =	wrdreg $0xFFFFFFFF;
	(pc) =	sbr.abs _section_cstart, $3  }
0xc1: {  	[dreg:$0x1] =	wrdreg $0xFFFFFFFF  }
0xc2: {  	_ =	task.clear_ibuf [dreg:s7], $0x2FFFF;
	_ =	strace $0x9FFFFFFF  }
0xc3: {  	(tm) =	ssettm $0x7FFFFFFF  }
tec
execute0_lowered:
.L_overlay_start_1:
0x0: {  	(tag) =	ssettag $0x1  }
0x1: {  	s1 =	rddreg [dreg:$0x0]  }
0x2: {  	s0 =	rddreg [dreg:$0x1]  }
0x3: {  	s3 =	rddreg [dreg:$0x2];
	s2 =	srdreg.scid  }
0x4: {  	s8 =	stileid.u32;
	s4 =	simm.s32 $0x0;
	s2 =	sand.u32 $0x1, s2  }
0x5: {  	s6 =	smul.u32 $0x14000, s8;
	s7 =	sshll.u32 s8, $0x1;
	[smem:$0x7FF] =	sst s4  }
0x6: {  	s12 =	sadd.s32 $0xE000, s0;
	s8 =	smul.u32 $0x50000, s8;
	s9 =	sadd.s32 $0x4000, s0  }
0x7: {  	s5 =	smul.u32 $0x140000, s2;
	s7 =	sor.u32 s2, s7;
	s2 =	ssub.s32 $0x2, s2  }
0x8: {  	_ =	strace $0x80000050;
	s11 =	smul.u32 $0x2800, s7;
	s13 =	sshrl.u32 s2, $0x1  }
0x9: {  	s14 =	sshrl.u32 s8, $0x2;
	s7 =	simm.s32 $0x2800;
	s8 =	simm.s32 $0x6800  }
0xa: {  	s5 =	sadd.s32 s6, s5;
	s2 =	ssub.s32 s2, s13;
	s6 =	sadd.s32 s14, s3  }
0xb: {  	s13 =	simm.s32 $0x0;
	s5 =	sshrl.u32 s5, $0x3;
	s17 =	sadd.s32 $0x1000, s6  }
0xc: {  	s10 =	sshrl.u32 s11, $0x3;
	s18 =	sadd.s32 $0x2000, s6;
	[dreg:$0x6] =	wrdreg s17  }
0xd: {  	s19 =	sadd.s32 $0x3000, s6;
	s20 =	sadd.s32 $0x4000, s6;
	[dreg:$0x7] =	wrdreg s18  }
0xe: {  	s21 =	sadd.s32 $0x5000, s6;
	s22 =	sadd.s32 $0x6000, s6;
	[dreg:$0x8] =	wrdreg s19  }
0xf: {  	s23 =	sadd.s32 $0x7000, s6;
	s24 =	sadd.s32 $0x8000, s6;
	[dreg:$0x9] =	wrdreg s20  }
0x10: {  	s25 =	sadd.s32 $0x9000, s6;
	s28 =	sadd.s32 $0x10000, s6;
	[dreg:$0xa] =	wrdreg s21  }
0x11: {  	s29 =	sadd.s32 $0x11000, s6;
	s30 =	sadd.s32 $0x12000, s6;
	[dreg:$0xb] =	wrdreg s22  }
0x12: {  	s31 =	sadd.s32 $0x13000, s6;
	s11 =	simm.s32 $0x2;
	[dreg:$0xc] =	wrdreg s23  }
0x13: {  	s0 =	sadd.s32 s5, s0;
	s15 =	sadd.s32 s12, s10;
	[dreg:$0xd] =	wrdreg s24  }
0x14: {  	s16 =	sadd.s32 s9, s10;
	[dreg:$0xe] =	wrdreg s25;
	s17 =	sadd.s32 $0xA000, s6  }
0x15: {  	s18 =	sadd.s32 $0xB000, s6;
	s19 =	sadd.s32 $0xC000, s6;
	s20 =	sadd.s32 $0xD000, s6  }
0x16: {  	s26 =	sadd.s32 $0x280, s10;
	s23 =	sadd.s32 $0xE000, s6;
	s25 =	smax.u32 s2, $0x1  }
0x17: {  	s2 =	simm.s32 $0x1400;
	s5 =	simm.s32 $0x80;
	[dreg:$0x4] =	wrdreg s15  }
0x18: {  	s10 =	simm.s32 $0x1;
	[dreg:$0x5] =	wrdreg s16;
	s21 =	sadd.s32 s12, s26  }
0x19: {  	s22 =	sadd.s32 s9, s26;
	s24 =	sadd.s32 $0x18000, s0;
	s26 =	sadd.s32 $0xF000, s6  }
0x1a: {  	v0 =	vimm.f32 $0.0e+00;
	s0 =	simm.s32 $0x3;
	s9 =	simm.s32 $0xA800;
	s12 =	simm.s32 $0x2700  }
.LBB2_1:
0x1b: {  	s14 =	rddreg [dreg:$0x4]  }
0x1c: {  	[tilespmem:s4], [sflag:$0x3] =	stream.linear.gather [hbm4b:s14+s4], $0x1400, $0x38;
	[tilespmem:$0x1F800] =	vst v63  }
0x1d: {  	_ =	swait.ge [sflag:s0], $0x1400  }
0x1e: {  	[sflag:s0] =	ssyncset.done $0x0  }
0x1f: {  	s16 =	rddreg [dreg:$0x5];
	[sflag:s0] =	ssyncadd.s32 $0xFFFFEC00  }
0x20: {  	[tilespmem:s2], [sflag:$0x3] =	stream.linear.gather [hbm4b:s16+s4], $0x1400, $0x38;
	[tilespmem:$0x1F800] =	vst v63  }
0x21: {  	_ =	swait.ge [sflag:s0], $0x1400  }
0x22: {  	[sflag:s0] =	ssyncset.done $0x0  }
0x23: {  	[sflag:s0] =	ssyncadd.s32 $0xFFFFEC00  }
0x24: {  	[tilespmem:s7], [sflag:$0x1] =	stream.indirect.gather [hbm4b:s1+s5], $0x80, s4, s5, $0xb8;
	[tilespmem:$0x1F800] =	vst v63  }
0x25: {  	s15 =	simm.s32 $0x200;
	s14 =	simm.s32 $0x0  }
0x26: {  	[tilespmem:s8], [sflag:$0x2] =	stream.indirect.gather [hbm4b:s1+s5], $0x80, s5, s5, $0xb8;
	[tilespmem:$0x1F800] =	vst v63  }
.LBB2_2:
0x27: {  	p0 =	sne.s32 s15, $0x3E00;
	[tilespmem:s14+$0xA870] =	vst v0  }
0x28: {  	[tilespmem:s14+$0xA800] =	vst v0  }
0x29: {  	[tilespmem:s14+$0xA810] =	vst v0  }
.Ltmp0:
0x2a: {  	[tilespmem:s14+$0xA820] =	vst v0;
	(pc) =	sbr.rel @p0 .LBB2_2-.Ltmp0, $4  }
0x2b: {  	[tilespmem:s14+$0xA830] =	vst v0  }
0x2c: {  	[tilespmem:s14+$0xA840] =	vst v0  }
0x2d: {  	[tilespmem:s14+$0xA850] =	vst v0  }
0x2e: {  	[tilespmem:s14+$0xA860] =	vst v0;
	s14 =	sshra.s32 s15, $0x2;
	s15 =	sadd.s32 $0x200, s15  }
0x2f: {  	[tilespmem:s14+$0xA870] =	vst v0  }
0x30: {  	[tilespmem:s14+$0xA800] =	vst v0  }
0x31: {  	[tilespmem:s14+$0xA810] =	vst v0  }
0x32: {  	[tilespmem:s14+$0xA820] =	vst v0  }
0x33: {  	[tilespmem:s14+$0xA830] =	vst v0  }
0x34: {  	[tilespmem:s14+$0xA840] =	vst v0  }
0x35: {  	[tilespmem:s14+$0xA850] =	vst v0  }
0x36: {  	[tilespmem:s14+$0xA860] =	vst v0  }
0x37: {  	[spmem:s6] =	stream.linear.scatter [tilespmem:s9], [sflag:$0x3], $0x1000, $0x38;
	[tilespmem:$0x1F800] =	vst v63  }
0x38: {  	_ =	swait.ge [sflag:s0], $0x1000  }
0x39: {  	[sflag:s0] =	ssyncset.done $0x0  }
0x3a: {  	s15 =	rddreg [dreg:$0x6];
	[sflag:s0] =	ssyncadd.s32 $0xFFFFF000  }
0x3b: {  	[spmem:s15] =	stream.linear.scatter [tilespmem:s9], [sflag:$0x3], $0x1000, $0x38;
	[tilespmem:$0x1F800] =	vst v63  }
0x3c: {  	_ =	swait.ge [sflag:s0], $0x1000  }
0x3d: {  	[sflag:s0] =	ssyncset.done $0x0  }
0x3e: {  	s16 =	rddreg [dreg:$0x7];
	[sflag:s0] =	ssyncadd.s32 $0xFFFFF000  }
0x3f: {  	[spmem:s16] =	stream.linear.scatter [tilespmem:s9], [sflag:$0x3], $0x1000, $0x38;
	[tilespmem:$0x1F800] =	vst v63  }
0x40: {  	_ =	swait.ge [sflag:s0], $0x1000  }
0x41: {  	[sflag:s0] =	ssyncset.done $0x0  }
0x42: {  	s15 =	rddreg [dreg:$0x8];
	[sflag:s0] =	ssyncadd.s32 $0xFFFFF000  }
0x43: {  	[spmem:s15] =	stream.linear.scatter [tilespmem:s9], [sflag:$0x3], $0x1000, $0x38;
	[tilespmem:$0x1F800] =	vst v63  }
0x44: {  	_ =	swait.ge [sflag:s0], $0x1000  }
0x45: {  	[sflag:s0] =	ssyncset.done $0x0  }
0x46: {  	s16 =	rddreg [dreg:$0x9];
	[sflag:s0] =	ssyncadd.s32 $0xFFFFF000  }
0x47: {  	[spmem:s16] =	stream.linear.scatter [tilespmem:s9], [sflag:$0x3], $0x1000, $0x38;
	[tilespmem:$0x1F800] =	vst v63  }
0x48: {  	_ =	swait.ge [sflag:s0], $0x1000  }
0x49: {  	[sflag:s0] =	ssyncset.done $0x0  }
0x4a: {  	s15 =	rddreg [dreg:$0xa];
	[sflag:s0] =	ssyncadd.s32 $0xFFFFF000  }
0x4b: {  	[spmem:s15] =	stream.linear.scatter [tilespmem:s9], [sflag:$0x3], $0x1000, $0x38;
	[tilespmem:$0x1F800] =	vst v63  }
0x4c: {  	_ =	swait.ge [sflag:s0], $0x1000  }
0x4d: {  	[sflag:s0] =	ssyncset.done $0x0  }
0x4e: {  	s16 =	rddreg [dreg:$0xb];
	[sflag:s0] =	ssyncadd.s32 $0xFFFFF000  }
0x4f: {  	[spmem:s16] =	stream.linear.scatter [tilespmem:s9], [sflag:$0x3], $0x1000, $0x38;
	[tilespmem:$0x1F800] =	vst v63  }
0x50: {  	_ =	swait.ge [sflag:s0], $0x1000  }
0x51: {  	[sflag:s0] =	ssyncset.done $0x0  }
0x52: {  	s15 =	rddreg [dreg:$0xc];
	[sflag:s0] =	ssyncadd.s32 $0xFFFFF000  }
0x53: {  	[spmem:s15] =	stream.linear.scatter [tilespmem:s9], [sflag:$0x3], $0x1000, $0x38;
	[tilespmem:$0x1F800] =	vst v63  }
0x54: {  	_ =	swait.ge [sflag:s0], $0x1000  }
0x55: {  	[sflag:s0] =	ssyncset.done $0x0  }
0x56: {  	s16 =	rddreg [dreg:$0xd];
	[sflag:s0] =	ssyncadd.s32 $0xFFFFF000  }
0x57: {  	[spmem:s16] =	stream.linear.scatter [tilespmem:s9], [sflag:$0x3], $0x1000, $0x38;
	[tilespmem:$0x1F800] =	vst v63  }
0x58: {  	_ =	swait.ge [sflag:s0], $0x1000  }
0x59: {  	[sflag:s0] =	ssyncset.done $0x0  }
0x5a: {  	s15 =	rddreg [dreg:$0xe];
	[sflag:s0] =	ssyncadd.s32 $0xFFFFF000  }
0x5b: {  	[spmem:s15] =	stream.linear.scatter [tilespmem:s9], [sflag:$0x3], $0x1000, $0x38;
	[tilespmem:$0x1F800] =	vst v63  }
0x5c: {  	_ =	swait.ge [sflag:s0], $0x1000  }
0x5d: {  	[sflag:s0] =	ssyncset.done $0x0  }
0x5e: {  	[sflag:s0] =	ssyncadd.s32 $0xFFFFF000  }
0x5f: {  	[spmem:s17] =	stream.linear.scatter [tilespmem:s9], [sflag:$0x3], $0x1000, $0x38;
	[tilespmem:$0x1F800] =	vst v63  }
0x60: {  	_ =	swait.ge [sflag:s0], $0x1000  }
0x61: {  	[sflag:s0] =	ssyncset.done $0x0  }
0x62: {  	[sflag:s0] =	ssyncadd.s32 $0xFFFFF000  }
0x63: {  	[spmem:s18] =	stream.linear.scatter [tilespmem:s9], [sflag:$0x3], $0x1000, $0x38;
	[tilespmem:$0x1F800] =	vst v63  }
0x64: {  	_ =	swait.ge [sflag:s0], $0x1000  }
0x65: {  	[sflag:s0] =	ssyncset.done $0x0  }
0x66: {  	[sflag:s0] =	ssyncadd.s32 $0xFFFFF000  }
0x67: {  	[spmem:s19] =	stream.linear.scatter [tilespmem:s9], [sflag:$0x3], $0x1000, $0x38;
	[tilespmem:$0x1F800] =	vst v63  }
0x68: {  	_ =	swait.ge [sflag:s0], $0x1000  }
0x69: {  	[sflag:s0] =	ssyncset.done $0x0  }
0x6a: {  	[sflag:s0] =	ssyncadd.s32 $0xFFFFF000  }
0x6b: {  	[spmem:s20] =	stream.linear.scatter [tilespmem:s9], [sflag:$0x3], $0x1000, $0x38;
	[tilespmem:$0x1F800] =	vst v63  }
0x6c: {  	_ =	swait.ge [sflag:s0], $0x1000  }
0x6d: {  	[sflag:s0] =	ssyncset.done $0x0  }
0x6e: {  	[sflag:s0] =	ssyncadd.s32 $0xFFFFF000  }
0x6f: {  	[spmem:s23] =	stream.linear.scatter [tilespmem:s9], [sflag:$0x3], $0x1000, $0x38;
	[tilespmem:$0x1F800] =	vst v63  }
0x70: {  	_ =	swait.ge [sflag:s0], $0x1000  }
0x71: {  	[sflag:s0] =	ssyncset.done $0x0  }
0x72: {  	[sflag:s0] =	ssyncadd.s32 $0xFFFFF000  }
0x73: {  	[spmem:s26] =	stream.linear.scatter [tilespmem:s9], [sflag:$0x3], $0x1000, $0x38;
	[tilespmem:$0x1F800] =	vst v63  }
0x74: {  	_ =	swait.ge [sflag:s0], $0x1000  }
0x75: {  	[sflag:s0] =	ssyncset.done $0x0  }
0x76: {  	[sflag:s0] =	ssyncadd.s32 $0xFFFFF000  }
0x77: {  	[spmem:s28] =	stream.linear.scatter [tilespmem:s9], [sflag:$0x3], $0x1000, $0x38;
	[tilespmem:$0x1F800] =	vst v63  }
0x78: {  	_ =	swait.ge [sflag:s0], $0x1000  }
0x79: {  	[sflag:s0] =	ssyncset.done $0x0  }
0x7a: {  	[sflag:s0] =	ssyncadd.s32 $0xFFFFF000  }
0x7b: {  	[spmem:s29] =	stream.linear.scatter [tilespmem:s9], [sflag:$0x3], $0x1000, $0x38;
	[tilespmem:$0x1F800] =	vst v63  }
0x7c: {  	_ =	swait.ge [sflag:s0], $0x1000  }
0x7d: {  	[sflag:s0] =	ssyncset.done $0x0  }
0x7e: {  	[sflag:s0] =	ssyncadd.s32 $0xFFFFF000  }
0x7f: {  	[spmem:s30] =	stream.linear.scatter [tilespmem:s9], [sflag:$0x3], $0x1000, $0x38;
	[tilespmem:$0x1F800] =	vst v63  }
0x80: {  	_ =	swait.ge [sflag:s0], $0x1000  }
0x81: {  	[sflag:s0] =	ssyncset.done $0x0  }
0x82: {  	[sflag:s0] =	ssyncadd.s32 $0xFFFFF000  }
0x83: {  	[spmem:s31] =	stream.linear.scatter [tilespmem:s9], [sflag:$0x3], $0x1000, $0x38;
	[tilespmem:$0x1F800] =	vst v63  }
0x84: {  	_ =	swait.ge [sflag:s0], $0x1000  }
0x85: {  	[sflag:s0] =	ssyncset.done $0x0  }
0x86: {  	[sflag:s0] =	ssyncadd.s32 $0xFFFFF000  }
0x87: {  	[bflag:$0x0] =	sbarrier.arrive $0xFFFF  }
0x88: {  	_ =	swait.ge [sflag:s10], $0x4000  }
0x89: {  	[sflag:s10] =	ssyncset.done $0x0  }
0x8a: {  	s16 =	simm.s32 $0x1400;
	[sflag:s10] =	ssyncadd.s32 $0xFFFFC000  }
0x8b: {  	[spmem:s3] =	stream.indirect.scatter.add.f32 [tilespmem:s7], [sflag:$0x3], $0x80, s16, s5, $0xb8;
	[tilespmem:$0x1F800] =	vst v63  }
0x8c: {  	_ =	swait.ge [sflag:s0], $0x4000  }
0x8d: {  	[sflag:s0] =	ssyncset.done $0x0  }
0x8e: {  	s15 =	simm.s32 $0x100;
	[sflag:s0] =	ssyncadd.s32 $0xFFFFC000  }
0x8f: {  	[tilespmem:s7], [sflag:$0x1] =	stream.indirect.gather [hbm4b:s1+s5], $0x80, s15, s5, $0xb8;
	[tilespmem:$0x1F800] =	vst v63  }
0x90: {  	_ =	swait.ge [sflag:s11], $0x4000  }
0x91: {  	[sflag:s11] =	ssyncset.done $0x0  }
0x92: {  	s16 =	simm.s32 $0x1480;
	[sflag:s11] =	ssyncadd.s32 $0xFFFFC000  }
0x93: {  	[spmem:s3] =	stream.indirect.scatter.add.f32 [tilespmem:s8], [sflag:$0x3], $0x80, s16, s5, $0xb8;
	[tilespmem:$0x1F800] =	vst v63  }
0x94: {  	_ =	swait.ge [sflag:s0], $0x4000  }
0x95: {  	[sflag:s0] =	ssyncset.done $0x0  }
0x96: {  	s14 =	simm.s32 $0x400;
	s15 =	simm.s32 $0x180;
	[sflag:s0] =	ssyncadd.s32 $0xFFFFC000  }
.LBB2_4:
0x97: {  	[tilespmem:s8], [sflag:$0x2] =	stream.indirect.gather [hbm4b:s1+s5], $0x80, s15, s5, $0xb8;
	[tilespmem:$0x1F800] =	vst v63  }
0x98: {  	s15 =	smov.u32 s14  }
0x99: {  	p0 =	sne.s32 s14, $0x4800;
	s14 =	sadd.s32 $0x400, s14;
	_ =	swait.ge [sflag:s10], $0x4000  }
0x9a: {  	s15 =	sshra.s32 s15, $0x2;
	[sflag:s10] =	ssyncset.done $0x0  }
0x9b: {  	s16 =	sadd.s32 $0x1400, s15;
	[sflag:s10] =	ssyncadd.s32 $0xFFFFC000  }
0x9c: {  	[spmem:s3] =	stream.indirect.scatter.add.f32 [tilespmem:s7], [sflag:$0x3], $0x80, s16, s5, $0xb8;
	[tilespmem:$0x1F800] =	vst v63  }
0x9d: {  	_ =	swait.ge [sflag:s0], $0x4000  }
0x9e: {  	[sflag:s0] =	ssyncset.done $0x0  }
0x9f: {  	s16 =	sadd.s32 $0x100, s15;
	[sflag:s0] =	ssyncadd.s32 $0xFFFFC000  }
0xa0: {  	[tilespmem:s7], [sflag:$0x1] =	stream.indirect.gather [hbm4b:s1+s5], $0x80, s16, s5, $0xb8;
	[tilespmem:$0x1F800] =	vst v63  }
0xa1: {  	_ =	swait.ge [sflag:s11], $0x4000  }
0xa2: {  	[sflag:s11] =	ssyncset.done $0x0  }
.Ltmp1:
0xa3: {  	s16 =	sadd.s32 $0x1480, s15;
	[sflag:s11] =	ssyncadd.s32 $0xFFFFC000;
	(pc) =	sbr.rel @p0 .LBB2_4-.Ltmp1, $4  }
0xa4: {  	[spmem:s3] =	stream.indirect.scatter.add.f32 [tilespmem:s8], [sflag:$0x3], $0x80, s16, s5, $0xb8;
	[tilespmem:$0x1F800] =	vst v63  }
0xa5: {  	_ =	swait.ge [sflag:s0], $0x4000  }
0xa6: {  	[sflag:s0] =	ssyncset.done $0x0  }
0xa7: {  	s15 =	sadd.s32 $0x180, s15;
	[sflag:s0] =	ssyncadd.s32 $0xFFFFC000  }
0xa8: {  	[tilespmem:s8], [sflag:$0x2] =	stream.indirect.gather [hbm4b:s1+s5], $0x80, s15, s5, $0xb8;
	[tilespmem:$0x1F800] =	vst v63  }
0xa9: {  	_ =	swait.ge [sflag:s10], $0x4000  }
0xaa: {  	[sflag:s10] =	ssyncset.done $0x0  }
0xab: {  	[sflag:s10] =	ssyncadd.s32 $0xFFFFC000  }
0xac: {  	[spmem:s3] =	stream.indirect.scatter.add.f32 [tilespmem:s7], [sflag:$0x3], $0x80, s12, s5, $0xb8;
	[tilespmem:$0x1F800] =	vst v63  }
0xad: {  	_ =	swait.ge [sflag:s0], $0x4000  }
0xae: {  	[sflag:s0] =	ssyncset.done $0x0  }
0xaf: {  	[sflag:s0] =	ssyncadd.s32 $0xFFFFC000  }
0xb0: {  	_ =	swait.ge [sflag:s11], $0x4000  }
0xb1: {  	[sflag:s11] =	ssyncset.done $0x0  }
0xb2: {  	s14 =	simm.s32 $0x2780;
	[sflag:s11] =	ssyncadd.s32 $0xFFFFC000  }
0xb3: {  	[spmem:s3] =	stream.indirect.scatter.add.f32 [tilespmem:s8], [sflag:$0x3], $0x80, s14, s5, $0xb8;
	[tilespmem:$0x1F800] =	vst v63  }
0xb4: {  	_ =	swait.ge [sflag:s0], $0x4000  }
0xb5: {  	[sflag:s0] =	ssyncset.done $0x0  }
0xb6: {  	s15 =	simm.s32 $0x0;
	[sflag:s0] =	ssyncadd.s32 $0xFFFFC000  }
0xb7: {  	[tilespmem:s15], [sflag:$0x3] =	stream.linear.gather [hbm4b:s21+s15], $0x1380, $0x38;
	[tilespmem:$0x1F800] =	vst v63  }
0xb8: {  	_ =	swait.ge [sflag:s0], $0x1380  }
0xb9: {  	[sflag:s0] =	ssyncset.done $0x0  }
0xba: {  	[sflag:s0] =	ssyncadd.s32 $0xFFFFEC80  }
0xbb: {  	[tilespmem:s2], [sflag:$0x3] =	stream.linear.gather [hbm4b:s22+s15], $0x1380, $0x38;
	[tilespmem:$0x1F800] =	vst v63  }
0xbc: {  	_ =	swait.ge [sflag:s0], $0x1380  }
0xbd: {  	[sflag:s0] =	ssyncset.done $0x0  }
0xbe: {  	[sflag:s0] =	ssyncadd.s32 $0xFFFFEC80  }
0xbf: {  	[tilespmem:s7], [sflag:$0x1] =	stream.indirect.gather [hbm4b:s1+s5], $0x80, s15, s5, $0xb8;
	[tilespmem:$0x1F800] =	vst v63  }
0xc0: {  	_ = 	snop  }
0xc1: {  	[tilespmem:s8], [sflag:$0x2] =	stream.indirect.gather [hbm4b:s1+s5], $0x80, s5, s5, $0xb8;
	[tilespmem:$0x1F800] =	vst v63  }
0xc2: {  	_ =	swait.ge [sflag:s10], $0x4000  }
0xc3: {  	[sflag:s10] =	ssyncset.done $0x0  }
0xc4: {  	s16 =	simm.s32 $0x1400;
	[sflag:s10] =	ssyncadd.s32 $0xFFFFC000  }
0xc5: {  	[spmem:s3] =	stream.indirect.scatter.add.f32 [tilespmem:s7], [sflag:$0x3], $0x80, s16, s5, $0xb8;
	[tilespmem:$0x1F800] =	vst v63  }
0xc6: {  	_ =	swait.ge [sflag:s0], $0x4000  }
0xc7: {  	[sflag:s0] =	ssyncset.done $0x0  }
0xc8: {  	s15 =	simm.s32 $0x100;
	[sflag:s0] =	ssyncadd.s32 $0xFFFFC000  }
0xc9: {  	[tilespmem:s7], [sflag:$0x1] =	stream.indirect.gather [hbm4b:s1+s5], $0x80, s15, s5, $0xb8;
	[tilespmem:$0x1F800] =	vst v63  }
0xca: {  	_ =	swait.ge [sflag:s11], $0x4000  }
0xcb: {  	[sflag:s11] =	ssyncset.done $0x0  }
0xcc: {  	s16 =	simm.s32 $0x1480;
	[sflag:s11] =	ssyncadd.s32 $0xFFFFC000  }
0xcd: {  	[spmem:s3] =	stream.indirect.scatter.add.f32 [tilespmem:s8], [sflag:$0x3], $0x80, s16, s5, $0xb8;
	[tilespmem:$0x1F800] =	vst v63  }
0xce: {  	_ =	swait.ge [sflag:s0], $0x4000  }
0xcf: {  	[sflag:s0] =	ssyncset.done $0x0  }
0xd0: {  	s14 =	simm.s32 $0x400;
	s15 =	simm.s32 $0x180;
	[sflag:s0] =	ssyncadd.s32 $0xFFFFC000  }
.LBB2_6:
0xd1: {  	[tilespmem:s8], [sflag:$0x2] =	stream.indirect.gather [hbm4b:s1+s5], $0x80, s15, s5, $0xb8;
	[tilespmem:$0x1F800] =	vst v63  }
0xd2: {  	s15 =	smov.u32 s14  }
0xd3: {  	p0 =	sne.s32 s14, $0x4400;
	s14 =	sadd.s32 $0x400, s14;
	_ =	swait.ge [sflag:s10], $0x4000  }
0xd4: {  	s15 =	sshra.s32 s15, $0x2;
	[sflag:s10] =	ssyncset.done $0x0  }
0xd5: {  	s16 =	sadd.s32 $0x1400, s15;
	[sflag:s10] =	ssyncadd.s32 $0xFFFFC000  }
0xd6: {  	[spmem:s3] =	stream.indirect.scatter.add.f32 [tilespmem:s7], [sflag:$0x3], $0x80, s16, s5, $0xb8;
	[tilespmem:$0x1F800] =	vst v63  }
0xd7: {  	_ =	swait.ge [sflag:s0], $0x4000  }
0xd8: {  	[sflag:s0] =	ssyncset.done $0x0  }
0xd9: {  	s16 =	sadd.s32 $0x100, s15;
	[sflag:s0] =	ssyncadd.s32 $0xFFFFC000  }
0xda: {  	[tilespmem:s7], [sflag:$0x1] =	stream.indirect.gather [hbm4b:s1+s5], $0x80, s16, s5, $0xb8;
	[tilespmem:$0x1F800] =	vst v63  }
0xdb: {  	_ =	swait.ge [sflag:s11], $0x4000  }
0xdc: {  	[sflag:s11] =	ssyncset.done $0x0  }
.Ltmp2:
0xdd: {  	s16 =	sadd.s32 $0x1480, s15;
	[sflag:s11] =	ssyncadd.s32 $0xFFFFC000;
	(pc) =	sbr.rel @p0 .LBB2_6-.Ltmp2, $4  }
0xde: {  	[spmem:s3] =	stream.indirect.scatter.add.f32 [tilespmem:s8], [sflag:$0x3], $0x80, s16, s5, $0xb8;
	[tilespmem:$0x1F800] =	vst v63  }
0xdf: {  	_ =	swait.ge [sflag:s0], $0x4000  }
0xe0: {  	[sflag:s0] =	ssyncset.done $0x0  }
0xe1: {  	s15 =	sadd.s32 $0x180, s15;
	[sflag:s0] =	ssyncadd.s32 $0xFFFFC000  }
0xe2: {  	[tilespmem:s8], [sflag:$0x2] =	stream.indirect.gather [hbm4b:s1+s5], $0x80, s15, s5, $0xb8;
	[tilespmem:$0x1F800] =	vst v63  }
0xe3: {  	_ =	swait.ge [sflag:s10], $0x4000  }
0xe4: {  	[sflag:s10] =	ssyncset.done $0x0  }
0xe5: {  	s14 =	simm.s32 $0x2600;
	[sflag:s10] =	ssyncadd.s32 $0xFFFFC000  }
0xe6: {  	[spmem:s3] =	stream.indirect.scatter.add.f32 [tilespmem:s7], [sflag:$0x3], $0x80, s14, s5, $0xb8;
	[tilespmem:$0x1F800] =	vst v63  }
0xe7: {  	_ =	swait.ge [sflag:s0], $0x4000  }
0xe8: {  	[sflag:s0] =	ssyncset.done $0x0  }
0xe9: {  	s15 =	simm.s32 $0x1300;
	[sflag:s0] =	ssyncadd.s32 $0xFFFFC000  }
0xea: {  	[tilespmem:s7], [sflag:$0x1] =	stream.indirect.gather [hbm4b:s1+s5], $0x80, s15, s5, $0xb8;
	[tilespmem:$0x1F800] =	vst v63  }
0xeb: {  	_ =	swait.ge [sflag:s11], $0x4000  }
0xec: {  	[sflag:s11] =	ssyncset.done $0x0  }
0xed: {  	s16 =	simm.s32 $0x2680;
	[sflag:s11] =	ssyncadd.s32 $0xFFFFC000  }
0xee: {  	[spmem:s3] =	stream.indirect.scatter.add.f32 [tilespmem:s8], [sflag:$0x3], $0x80, s16, s5, $0xb8;
	[tilespmem:$0x1F800] =	vst v63  }
0xef: {  	_ =	swait.ge [sflag:s0], $0x4000  }
0xf0: {  	[sflag:s0] =	ssyncset.done $0x0  }
0xf1: {  	[sflag:s0] =	ssyncadd.s32 $0xFFFFC000  }
0xf2: {  	_ =	swait.ge [sflag:s10], $0x4000  }
0xf3: {  	[sflag:s10] =	ssyncset.done $0x0  }
0xf4: {  	[sflag:s10] =	ssyncadd.s32 $0xFFFFC000  }
0xf5: {  	[spmem:s3] =	stream.indirect.scatter.add.f32 [tilespmem:s7], [sflag:$0x3], $0x80, s12, s5, $0xb8;
	[tilespmem:$0x1F800] =	vst v63  }
0xf6: {  	s15 =	stileid.u32;
	_ =	swait.ge [sflag:s0], $0x4000  }
0xf7: {  	s13 =	sadd.s32 $0x1, s13;
	s14 =	sshll.u32 s15, $0x6;
	[sflag:s0] =	ssyncset.done $0x0  }
0xf8: {  	p0 =	sne.s32 s13, s25;
	s14 =	sor.u32 $0x1C03, s14;
	[sflag:s0] =	ssyncadd.s32 $0xFFFFC000  }
.Ltmp3:
0xf9: {  	s16 =	sshrl.u32 s6, $0x3;
	[bflag:$0x0] =	sbarrier.arrive $0xFFFF;
	(pc) =	sbr.rel @p0 .LBB2_1-.Ltmp3, $4  }
0xfa: {  	[hbm:s24], [sflag:s14] =	dma.local [spmem:s16], $0x2800  }
0xfb: {  	_ =	swait.ge [sflag:s0], $0x2800  }
0xfc: {  	[sflag:s0] =	ssyncset.done $0x0  }
0xfd: {  	[sflag:s0] =	ssyncadd.s32 $0xFFFFD800  }
0xfe: {  	_ =	sfence.sel $0x180000  }
0xff: {  	[bflag:$0x0] =	sbarrier.arrive $0xFFFF  }
0x100: {  	_ =	strace $0x90000050  }
0x101: {  	s0 =	stileid.u32;
	[bflag:$0x2] =	sbarrier.arrive $0xFFFF  }
0x102: {  	p0 =	sne.s32 s0, $0x0;
	s0 =	rddreg [dreg:$0x3]  }
0x103: {  	s0 =	sadd.s32 @!p0 $0x100000, s0  }
0x104: {  	[sflag:s0] =	ssyncadd.tile.s32 @!p0 $0x1;
	_ =	shalt  }
.Lfunc_end2:
_tile_overlayer_lowered:
.L_overlay_start_2:
0x105: {  	(tag) =	ssettag $0x2  }
0x106: {  	s0 =	rddreg [dreg:$0x0];
	s2 =	stileid.u32  }
0x107: {  	s1 =	rddreg [dreg:$0x1];
	p0 =	sne.s32 s2, $0x0  }
0x108: {  	s3 =	rddreg [dreg:$0x2];
	[bflag:$0x3] =	sbarrier.arrive $0xFFFF;
	s2 =	simm.s32 @!p0 $0x1C03  }
0x109: {  	[timem:s3], [sflag:s2] =	dma.local @!p0 [hbm:s0], s1  }
0x10a: {  	s0 =	simm.s32 @!p0 $0x3  }
0x10b: {  	_ =	swait.ge @!p0 [sflag:s0], s1  }
0x10c: {  	s1 =	ssub.s32 @!p0 $0x0, s1;
	[sflag:s0] =	ssyncset.done @!p0 $0x0  }
0x10d: {  	[sflag:s0] =	ssyncadd.s32 @!p0 s1  }
0x10e: {  	[bflag:$0x3] =	sbarrier.arrive $0xFFFF  }
0x10f: {  	_ =	shalt  }

</sc_bundles>
